<compile_context>
chip_gen: v7x
topology: tpu7x:2x2x1
jax: 0.10.2.dev20260603
libtpu: 0.0.44.dev20260713+nightly
codegen_flags: <defaults>
</compile_context>

<pallas_src>
import dataclasses
import functools

import jax
import jax.numpy as jnp
from jax import lax
from jax.experimental import pallas as pl
from jax.experimental.pallas import tpu as pltpu
from jax.experimental.pallas import tpu_sc as plsc

_N = 10000
_E = 320000
_D = 128
_H = 128
_HID = 64
_C = 10
_G = 256

_NP = 10240
_NC = 2
_NS = 16
_NW = _NC * _NS
_RPT = _NP // _NS

_EP = 327680
_KE = 64
_NCHE = (_EP // _NW) // _KE

_KP = 64
_NCHP = 8
_PP = _NW * _NCHP * _KP

_CROWS = 512

_RB = 256


def _segment_rows_sc(t, src2, dst2, zrows, nch, k):
    mesh = plsc.VectorSubcoreMesh(core_axis_name="c", subcore_axis_name="s")
    ib = min(32, nch) if k <= 64 else 16
    nblk = nch // ib
    nbuf = 4

    @functools.partial(
        pl.kernel,
        out_type=jax.ShapeDtypeStruct((_NC * _NP, _H), jnp.float32),
        mesh=mesh,
        scratch_types=(
            [pltpu.VMEM((ib, k), jnp.int32)] * 2
            + [pltpu.VMEM((k, _H), jnp.float32)] * nbuf
            + [pltpu.VMEM_SHARED((_NP, _H), jnp.float32)]
            + [pltpu.SemaphoreType.DMA] * nbuf
        ),
    )
    def body(t_hbm, src_hbm, dst_hbm, z_hbm, out_hbm, src_v, dst_v, *rest):
        bufs = rest[:nbuf]
        acc = rest[nbuf]
        sems = rest[nbuf + 1:]
        cid = lax.axis_index("c")
        sid = lax.axis_index("s")
        wid = cid * _NS + sid

        pltpu.sync_copy(z_hbm, acc.at[pl.ds(sid * _RPT, _RPT)])

        plsc.subcore_barrier()

        @pl.loop(0, nblk)
        def _(blk):
            base = wid * nch + blk * ib
            pltpu.async_copy(src_hbm.at[pl.ds(base, ib)], src_v, sems[0]).wait()
            pltpu.async_copy(dst_hbm.at[pl.ds(base, ib)], dst_v, sems[0]).wait()
            for r in range(nbuf):
                pltpu.async_copy(t_hbm.at[src_v.at[r]], bufs[r], sems[r])

            @pl.loop(0, ib // nbuf)
            def _(g):
                for r in range(nbuf):
                    j = g * nbuf + r
                    pltpu.make_async_copy(
                        t_hbm.at[src_v.at[0]], bufs[r], sems[r]).wait()
                    pltpu.sync_copy(bufs[r], acc.at[dst_v.at[j]], add=True)

                    @pl.when(j + nbuf < ib)
                    def _():
                        pltpu.async_copy(
                            t_hbm.at[src_v.at[j + nbuf]], bufs[r], sems[r])

        plsc.subcore_barrier()
        pltpu.sync_copy(acc.at[pl.ds(sid * _RPT, _RPT)],
                        out_hbm.at[pl.ds(cid * _NP + sid * _RPT, _RPT)])

    return body(t, src2, dst2, zrows)


_DR = _NP // _H
_CR = 8


def _histograms_sc(dst2, bat2, zrows):
    mesh = plsc.VectorSubcoreMesh(core_axis_name="c", subcore_axis_name="s")
    cp = pltpu.CompilerParams()
    if "needs_layout_passes" in pltpu.CompilerParams.__dataclass_fields__:
        cp = dataclasses.replace(cp, needs_layout_passes=False)

    @functools.partial(
        pl.kernel,
        out_type=[jax.ShapeDtypeStruct((_NC * _DR, _H), jnp.float32),
                  jax.ShapeDtypeStruct((_NC * _CR, _H), jnp.float32)],
        mesh=mesh,
        compiler_params=cp,
        scratch_types=[
            pltpu.VMEM((_NCHE, _KE), jnp.int32),
            pltpu.VMEM((_NCHP, _KP), jnp.int32),
            pltpu.VMEM((_DR, _H), jnp.float32),
            pltpu.VMEM((_CR, _H), jnp.float32),
            pltpu.VMEM((_CR, _H), jnp.float32),
            pltpu.VMEM((_CR, _H), jnp.float32),
            pltpu.VMEM_SHARED((_NS * _DR, _H), jnp.float32),
            pltpu.VMEM_SHARED((_NS * _CR, _H), jnp.float32),
            pltpu.SemaphoreType.DMA,
        ],
    )
    def body(dst_hbm, b_hbm, z_hbm, deg_hbm, cnt_hbm,
             dst_v, b_v, deg_t, cnt_t, red_t, red_in, stage, cstage, sem):
        cid = lax.axis_index("c")
        sid = lax.axis_index("s")
        wid = cid * _NS + sid
        ones = jnp.ones((16,), jnp.float32)

        pltpu.sync_copy(z_hbm.at[pl.ds(0, _DR)], deg_t)
        pltpu.sync_copy(z_hbm.at[pl.ds(0, _CR)], cnt_t)
        pltpu.async_copy(dst_hbm.at[pl.ds(wid * _NCHE, _NCHE)], dst_v, sem).wait()
        pltpu.async_copy(b_hbm.at[pl.ds(wid * _NCHP, _NCHP)], b_v, sem).wait()

        @pl.loop(0, _NCHE)
        def _(j):
            for m in range(_KE // 16):
                idx = dst_v[j, pl.ds(m * 16, 16)]
                r = lax.shift_right_logical(idx, 7)
                c = lax.bitwise_and(idx, 127)
                plsc.addupdate_scatter(deg_t, [r, c], ones)

        @pl.loop(0, _NCHP)
        def _(j):
            for m in range(_KP // 16):
                idx = b_v[j, pl.ds(m * 16, 16)]
                r = lax.shift_right_logical(idx, 7)
                c = lax.bitwise_and(idx, 127)
                plsc.addupdate_scatter(cnt_t, [r, c], ones)

        pltpu.sync_copy(deg_t, stage.at[pl.ds(sid * _DR, _DR)])
        pltpu.sync_copy(cnt_t, cstage.at[pl.ds(sid * _CR, _CR)])
        plsc.subcore_barrier()

        @pl.when(sid < 10)
        def _():
            pltpu.sync_copy(z_hbm.at[pl.ds(0, _CR)], red_t)

            @pl.loop(0, _NS)
            def _(p):
                pltpu.sync_copy(stage.at[pl.ds(p * _DR + sid * 8, 8)], red_in)

                @pl.loop(0, _CR)
                def _(rr):
                    for mm in range(_H // 16):
                        sl = pl.ds(mm * 16, 16)
                        red_t[rr, sl] = red_t[rr, sl] + red_in[rr, sl]

            pltpu.sync_copy(red_t, deg_hbm.at[pl.ds(cid * _DR + sid * 8, 8)])

        @pl.when(sid == 10)
        def _():
            pltpu.sync_copy(z_hbm.at[pl.ds(0, _CR)], red_t)

            @pl.loop(0, _NS)
            def _(p):
                pltpu.sync_copy(cstage.at[pl.ds(p * _CR, _CR)], red_in)

                @pl.loop(0, _CR)
                def _(rr):
                    for mm in range(_H // 16):
                        sl = pl.ds(mm * 16, 16)
                        red_t[rr, sl] = red_t[rr, sl] + red_in[rr, sl]

            pltpu.sync_copy(red_t, cnt_hbm.at[pl.ds(cid * _CR, _CR)])

    return body(dst2, bat2, zrows)


def _dinv_of(deg_ref):
    deg = deg_ref[:, 0:1] + deg_ref[:, 1:2] + 1.0
    return lax.rsqrt(deg)


def _prep_body(deg_ref, x_ref, w_ref, t0_ref):
    t0_ref[...] = _dinv_of(deg_ref) * jnp.dot(
        x_ref[...], w_ref[...], preferred_element_type=jnp.float32)


def _prep_tc(deg8, x_pad, w0):
    return pl.pallas_call(
        _prep_body,
        grid=(_NP // _RB,),
        in_specs=[pl.BlockSpec((_RB, 8), lambda i: (i, 0)),
                  pl.BlockSpec((_RB, _D), lambda i: (i, 0)),
                  pl.BlockSpec((_D, _H), lambda i: (0, 0))],
        out_specs=pl.BlockSpec((_RB, _H), lambda i: (i, 0)),
        out_shape=jax.ShapeDtypeStruct((_NP, _H), jnp.float32),
    )(deg8, x_pad, w0)


def _combine_mm_body(p_ref, t_ref, deg_ref, b_ref, w_ref, o_ref):
    dinv = _dinv_of(deg_ref)
    s = p_ref[0] + p_ref[1] + t_ref[...]
    h = jnp.maximum(dinv * s + b_ref[0:1, :], 0.0)
    o_ref[...] = dinv * jnp.dot(h, w_ref[...],
                                preferred_element_type=jnp.float32)


def _combine_mm(p3, t, deg8, b8, w):
    return pl.pallas_call(
        _combine_mm_body,
        grid=(_NP // _RB,),
        in_specs=[pl.BlockSpec((_NC, _RB, _H), lambda i: (0, i, 0)),
                  pl.BlockSpec((_RB, _H), lambda i: (i, 0)),
                  pl.BlockSpec((_RB, 8), lambda i: (i, 0)),
                  pl.BlockSpec((8, _H), lambda i: (0, 0)),
                  pl.BlockSpec((_H, _H), lambda i: (0, 0))],
        out_specs=pl.BlockSpec((_RB, _H), lambda i: (i, 0)),
        out_shape=jax.ShapeDtypeStruct((_NP, _H), jnp.float32),
    )(p3, t, deg8, b8, w)


def _combine_id_body(p_ref, t_ref, deg_ref, b_ref, o_ref):
    s = p_ref[0] + p_ref[1] + t_ref[...]
    o_ref[...] = jnp.maximum(_dinv_of(deg_ref) * s + b_ref[0:1, :], 0.0)


def _combine_id(p3, t, deg8, b8):
    return pl.pallas_call(
        _combine_id_body,
        grid=(_NP // _RB,),
        in_specs=[pl.BlockSpec((_NC, _RB, _H), lambda i: (0, i, 0)),
                  pl.BlockSpec((_RB, _H), lambda i: (i, 0)),
                  pl.BlockSpec((_RB, 8), lambda i: (i, 0)),
                  pl.BlockSpec((8, _H), lambda i: (0, 0))],
        out_specs=pl.BlockSpec((_RB, _H), lambda i: (i, 0)),
        out_shape=jax.ShapeDtypeStruct((_NP, _H), jnp.float32),
    )(p3, t, deg8, b8)


def _final_body(p_ref, c_ref, w0_ref, b0_ref, gam_ref, bet_ref, mu_ref,
                var_ref, w1_ref, b1_ref, o_ref):
    pooled = p_ref[0] + p_ref[1]
    cnt = c_ref[:, 0:1] + c_ref[:, 1:2]
    mean = pooled / jnp.maximum(cnt, 1.0)
    z = jnp.dot(mean, w0_ref[...], preferred_element_type=jnp.float32) + b0_ref[0:1, :]
    z = (z - mu_ref[0:1, :]) * lax.rsqrt(var_ref[0:1, :] + 1e-5) * gam_ref[0:1, :] + bet_ref[0:1, :]
    z = jnp.maximum(z, 0.0)
    out = jnp.dot(z, w1_ref[...], preferred_element_type=jnp.float32) + b1_ref[0:1, :]
    m = jnp.max(out, axis=1, keepdims=True)
    lse = jnp.log(jnp.sum(jnp.exp(out - m), axis=1, keepdims=True)) + m
    o_ref[...] = out - lse


def _final_tc(pp3, cnt3, w0, b0, gam, bet, mu, var, w1, b1):
    return pl.pallas_call(
        _final_body,
        out_shape=jax.ShapeDtypeStruct((_G, _C), jnp.float32),
    )(pp3, cnt3, w0, b0, gam, bet, mu, var, w1, b1)


def kernel(x, edge_index, batch, conv_W0, conv_b0, conv_W1, conv_b1,
           conv_W2, conv_b2, mlp_W0, mlp_b0, bn_gamma, bn_beta, bn_mean,
           bn_var, mlp_W1, mlp_b1):
    src = edge_index[0].astype(jnp.int32)
    dst = edge_index[1].astype(jnp.int32)
    pad_e = _EP - _E
    pad_src = jnp.arange(pad_e, dtype=jnp.int32) % _N
    src_p = jnp.concatenate([src, pad_src]).reshape(_NW * _NCHE, _KE)
    pad_dst = _N + jnp.arange(pad_e, dtype=jnp.int32) % (_NP - _N)
    dst_p = jnp.concatenate([dst, pad_dst]).reshape(_NW * _NCHE, _KE)

    bat = batch.astype(jnp.int32)
    pad_bat = _G + jnp.arange(_PP - _N, dtype=jnp.int32) % (_CROWS - _G)
    bat_p = jnp.concatenate([bat, pad_bat]).reshape(_NW * _NCHP, _KP)
    pool_src = jnp.concatenate(
        [jnp.arange(_N, dtype=jnp.int32),
         jnp.arange(_PP - _N, dtype=jnp.int32) % _N]).reshape(_NW * _NCHP, _KP)

    x_pad = jnp.pad(x, ((0, _NP - _N), (0, 0)))

    zrows = jnp.zeros((_RPT, _H), jnp.float32)

    deg_f, cnt_f = _histograms_sc(dst_p, bat_p, zrows)
    d2 = deg_f.reshape(_NC, _NP)
    deg8 = jnp.concatenate(
        [d2[0][:, None], d2[1][:, None], jnp.zeros((_NP, 6), jnp.float32)],
        axis=1)
    c2 = cnt_f.reshape(_NC, _CR * _H)[:, :_G]
    cnt3 = jnp.concatenate(
        [c2[0][:, None], c2[1][:, None], jnp.zeros((_G, 6), jnp.float32)],
        axis=1)

    t0 = _prep_tc(deg8, x_pad, conv_W0)

    def b8(v):
        return jnp.tile(v[None, :], (8, 1))

    p0 = _segment_rows_sc(t0, src_p, dst_p, zrows, _NCHE, _KE).reshape(_NC, _NP, _H)
    t1 = _combine_mm(p0, t0, deg8, b8(conv_b0), conv_W1)
    p1 = _segment_rows_sc(t1, src_p, dst_p, zrows, _NCHE, _KE).reshape(_NC, _NP, _H)
    t2 = _combine_mm(p1, t1, deg8, b8(conv_b1), conv_W2)
    p2 = _segment_rows_sc(t2, src_p, dst_p, zrows, _NCHE, _KE).reshape(_NC, _NP, _H)
    h3 = _combine_id(p2, t2, deg8, b8(conv_b2))

    pp3 = _segment_rows_sc(h3, pool_src, bat_p, zrows, _NCHP, _KP)
    pp3 = pp3.reshape(_NC, _NP, _H)[:, :_G]

    return _final_tc(pp3, cnt3, mlp_W0, b8(mlp_b0), b8(bn_gamma),
                     b8(bn_beta), b8(bn_mean), b8(bn_var), mlp_W1, b8(mlp_b1))

# --- scband reference (transcript-rebuilt; emitter-appended) ---
"""Pipeline reference for scband-cmuresidual-gnns-simple-80169859548021 (READ-ONLY COPY).

The authoritative reference and input builder live on the scoring server;
editing this copy changes nothing except your own understanding.
"""

import jax, jax.numpy as jnp
import numpy as np

N = 10000      # nodes
E = 320000     # edges
D = 128        # input features
H = 128        # hidden_channels
HID = 64       # mlp hidden
C = 10         # num_classes
G = 256        # num graphs in batch


def setup_inputs(seed: int = 0) -> dict:
    key = jax.random.key(seed)
    ks = jax.random.split(key, 16)
    x = jax.random.normal(ks[0], (N, D), dtype=jnp.float32)
    edge_index = jax.random.randint(ks[1], (2, E), 0, N, dtype=jnp.int64)
    batch = jnp.sort(jax.random.randint(ks[2], (N,), 0, G, dtype=jnp.int64))
    s = 0.05
    inp = {
        'x': x,
        'edge_index': edge_index,
        'batch': batch,
        'conv_W0': jax.random.normal(ks[3], (D, H), jnp.float32) * s,
        'conv_b0': jnp.zeros((H,), jnp.float32),
        'conv_W1': jax.random.normal(ks[4], (H, H), jnp.float32) * s,
        'conv_b1': jnp.zeros((H,), jnp.float32),
        'conv_W2': jax.random.normal(ks[5], (H, H), jnp.float32) * s,
        'conv_b2': jnp.zeros((H,), jnp.float32),
        'mlp_W0': jax.random.normal(ks[6], (H, HID), jnp.float32) * s,
        'mlp_b0': jnp.zeros((HID,), jnp.float32),
        'bn_gamma': jnp.ones((HID,), jnp.float32),
        'bn_beta': jnp.zeros((HID,), jnp.float32),
        'bn_mean': jnp.zeros((HID,), jnp.float32),
        'bn_var': jnp.ones((HID,), jnp.float32),
        'mlp_W1': jax.random.normal(ks[7], (HID, C), jnp.float32) * s,
        'mlp_b1': jnp.zeros((C,), jnp.float32),
    }
    return inp


def reference(x, edge_index, batch, conv_W0, conv_b0, conv_W1, conv_b1, conv_W2, conv_b2,
              mlp_W0, mlp_b0, bn_gamma, bn_beta, bn_mean, bn_var, mlp_W1, mlp_b1):
    # GCNConv with self-loops and symmetric normalization (torch_geometric semantics)
    src = edge_index[0]
    dst = edge_index[1]
    loop = jnp.arange(N, dtype=src.dtype)
    src_f = jnp.concatenate([src, loop])
    dst_f = jnp.concatenate([dst, loop])
    deg = jnp.zeros((N,), jnp.float32).at[dst_f].add(1.0)
    dinv = jnp.where(deg > 0, jax.lax.rsqrt(deg), 0.0)
    norm = dinv[src_f] * dinv[dst_f]

    h = x
    for W, b in ((conv_W0, conv_b0), (conv_W1, conv_b1), (conv_W2, conv_b2)):
        t = h @ W
        msg = jnp.take(t, src_f, axis=0) * norm[:, None]
        h = jax.ops.segment_sum(msg, dst_f, num_segments=N) + b
        h = jax.nn.relu(h)
        # dropout: identity (eval mode)

    # global_mean_pool
    counts = jax.ops.segment_sum(jnp.ones((N,), jnp.float32), batch, num_segments=G)
    pooled = jax.ops.segment_sum(h, batch, num_segments=G) / jnp.maximum(counts, 1.0)[:, None]

    # MLP: Linear -> BatchNorm1d(eval) -> ReLU -> Dropout(eval) -> Linear
    z = pooled @ mlp_W0 + mlp_b0
    z = (z - bn_mean) * jax.lax.rsqrt(bn_var + 1e-5) * bn_gamma + bn_beta
    z = jax.nn.relu(z)
    out = z @ mlp_W1 + mlp_b1
    return jax.nn.log_softmax(out, axis=1)

if __name__ == "__main__":
    import jax
    _d = setup_inputs()
    print(jax.jit(kernel)(*tuple(_d.values())))

</pallas_src>

<mosaic_0001>
#map = affine_map<(d0, d1) -> (0, 0)>
module attributes {stable_mosaic.version = 14 : i64} {
  func.func @body(%arg0: i32, %arg1: i32, %arg2: memref<10240x128xf32, #tpu.memory_space<hbm>>, %arg3: memref<5120x64xi32, #tpu.memory_space<hbm>>, %arg4: memref<5120x64xi32, #tpu.memory_space<hbm>>, %arg5: memref<640x128xf32, #tpu.memory_space<hbm>>, %arg6: memref<20480x128xf32, #tpu.memory_space<hbm>>, %arg7: memref<32x64xi32, #tpu.memory_space<vmem>>, %arg8: memref<32x64xi32, #tpu.memory_space<vmem>>, %arg9: memref<64x128xf32, #tpu.memory_space<vmem>>, %arg10: memref<64x128xf32, #tpu.memory_space<vmem>>, %arg11: memref<64x128xf32, #tpu.memory_space<vmem>>, %arg12: memref<64x128xf32, #tpu.memory_space<vmem>>, %arg13: memref<10240x128xf32, #tpu.memory_space<vmem_shared>>, %arg14: memref<!tpu.dma_semaphore, #tpu.memory_space<semaphore_mem>>, %arg15: memref<!tpu.dma_semaphore, #tpu.memory_space<semaphore_mem>>, %arg16: memref<!tpu.dma_semaphore, #tpu.memory_space<semaphore_mem>>, %arg17: memref<!tpu.dma_semaphore, #tpu.memory_space<semaphore_mem>>) attributes {dimension_semantics = [#tpu.dimension_semantics<core_parallel>, #tpu.dimension_semantics<subcore_parallel>], iteration_bounds = array<i64: 2, 16>, scalar_prefetch = 0 : i64, scratch_operands = 11 : i64, tpu.core_type = #tpu.core_type<sc_vector_subcore>, window_params = [{transform_indices = #map}, {transform_indices = #map}, {transform_indices = #map}, {transform_indices = #map}, {transform_indices = #map}]} {
    %mul3A = arith.constant 16 : i32
    %mul3A_0 = arith.muli %arg0, %mul3A : i32
    %add3A = arith.addi %mul3A_0, %arg1 : i32
    %mul3A_1 = arith.constant 640 : i32
    %mul3A_2 = arith.muli %arg1, %mul3A_1 : i32
    "tpu.region"() ({
      %run_scoped3A = tpu.sem_alloc : memref<!tpu.dma_semaphore, #tpu.memory_space<semaphore_mem>>
      %dma_start3A = arith.constant 0 : i32
      %dma_start3A_15 = tpu.memref_slice %arg13[%mul3A_2, %dma_start3A] : memref<10240x128xf32, #tpu.memory_space<vmem_shared>> -> memref<640x128xf32, #tpu.memory_space<vmem_shared>>
      tpu.enqueue_dma source(%arg5 : memref<640x128xf32, #tpu.memory_space<hbm>>) target(%dma_start3A_15 : memref<640x128xf32, #tpu.memory_space<vmem_shared>>) target_semaphore(%run_scoped3A : memref<!tpu.dma_semaphore, #tpu.memory_space<semaphore_mem>>)
      %dma_wait3A = arith.constant 0 : i32
      %dma_wait3A_16 = tpu.memref_slice %arg13[%mul3A_2, %dma_wait3A] : memref<10240x128xf32, #tpu.memory_space<vmem_shared>> -> memref<640x128xf32, #tpu.memory_space<vmem_shared>>
      tpu.wait_dma2 semaphore(%run_scoped3A : memref<!tpu.dma_semaphore, #tpu.memory_space<semaphore_mem>>) src(%arg5 : memref<640x128xf32, #tpu.memory_space<hbm>>) dst(%dma_wait3A_16 : memref<640x128xf32, #tpu.memory_space<vmem_shared>>)
      tpu.yield
    }) : () -> ()
    %barrier3A = arith.constant 0 : index
    tpu.barrier barrier_id(%barrier3A)
    %scan3A = arith.constant 0 : i32
    %scan3A_3 = arith.constant 5 : i32
    %scan3A_4 = arith.addi %scan3A, %scan3A_3 : i32
    %scan3A_5 = arith.constant 1 : i32
    scf.for %scan3A_15 = %scan3A to %scan3A_4 step %scan3A_5  : i32 {
      %mul3A_16 = arith.constant 1 : i32
      %mul3A_17 = arith.muli %scan3A_15, %mul3A_16 : i32
      %add3A_18 = arith.constant 0 : i32
      %add3A_19 = arith.addi %add3A_18, %mul3A_17 : i32
      %mul3A_20 = arith.constant 160 : i32
      %mul3A_21 = arith.muli %add3A, %mul3A_20 : i32
      %mul3A_22 = arith.constant 32 : i32
      %mul3A_23 = arith.muli %add3A_19, %mul3A_22 : i32
      %add3A_24 = arith.addi %mul3A_21, %mul3A_23 : i32
      %dma_start3A = arith.constant 0 : i32
      %dma_start3A_25 = tpu.memref_slice %arg3[%add3A_24, %dma_start3A] : memref<5120x64xi32, #tpu.memory_space<hbm>> -> memref<32x64xi32, #tpu.memory_space<hbm>>
      %dma_start3A_26 = arith.constant 0 : i32
      %dma_start3A_27 = tpu.memref_slice %arg3[%add3A_24, %dma_start3A_26] : memref<5120x64xi32, #tpu.memory_space<hbm>> -> memref<32x64xi32, #tpu.memory_space<hbm>>
      tpu.enqueue_dma source(%dma_start3A_27 : memref<32x64xi32, #tpu.memory_space<hbm>>) target(%arg7 : memref<32x64xi32, #tpu.memory_space<vmem>>) target_semaphore(%arg14 : memref<!tpu.dma_semaphore, #tpu.memory_space<semaphore_mem>>)
      %dma_wait3A = arith.constant 0 : i32
      %dma_wait3A_28 = tpu.memref_slice %arg3[%add3A_24, %dma_wait3A] : memref<5120x64xi32, #tpu.memory_space<hbm>> -> memref<32x64xi32, #tpu.memory_space<hbm>>
      %dma_wait3A_29 = arith.constant 0 : i32
      %dma_wait3A_30 = tpu.memref_slice %arg3[%add3A_24, %dma_wait3A_29] : memref<5120x64xi32, #tpu.memory_space<hbm>> -> memref<32x64xi32, #tpu.memory_space<hbm>>
      tpu.wait_dma2 semaphore(%arg14 : memref<!tpu.dma_semaphore, #tpu.memory_space<semaphore_mem>>) src(%dma_wait3A_30 : memref<32x64xi32, #tpu.memory_space<hbm>>) dst(%arg7 : memref<32x64xi32, #tpu.memory_space<vmem>>)
      %dma_start3A_31 = arith.constant 0 : i32
      %dma_start3A_32 = tpu.memref_slice %arg4[%add3A_24, %dma_start3A_31] : memref<5120x64xi32, #tpu.memory_space<hbm>> -> memref<32x64xi32, #tpu.memory_space<hbm>>
      %dma_start3A_33 = arith.constant 0 : i32
      %dma_start3A_34 = tpu.memref_slice %arg4[%add3A_24, %dma_start3A_33] : memref<5120x64xi32, #tpu.memory_space<hbm>> -> memref<32x64xi32, #tpu.memory_space<hbm>>
      tpu.enqueue_dma source(%dma_start3A_34 : memref<32x64xi32, #tpu.memory_space<hbm>>) target(%arg8 : memref<32x64xi32, #tpu.memory_space<vmem>>) target_semaphore(%arg14 : memref<!tpu.dma_semaphore, #tpu.memory_space<semaphore_mem>>)
      %dma_wait3A_35 = arith.constant 0 : i32
      %dma_wait3A_36 = tpu.memref_slice %arg4[%add3A_24, %dma_wait3A_35] : memref<5120x64xi32, #tpu.memory_space<hbm>> -> memref<32x64xi32, #tpu.memory_space<hbm>>
      %dma_wait3A_37 = arith.constant 0 : i32
      %dma_wait3A_38 = tpu.memref_slice %arg4[%add3A_24, %dma_wait3A_37] : memref<5120x64xi32, #tpu.memory_space<hbm>> -> memref<32x64xi32, #tpu.memory_space<hbm>>
      tpu.wait_dma2 semaphore(%arg14 : memref<!tpu.dma_semaphore, #tpu.memory_space<semaphore_mem>>) src(%dma_wait3A_38 : memref<32x64xi32, #tpu.memory_space<hbm>>) dst(%arg8 : memref<32x64xi32, #tpu.memory_space<vmem>>)
      %dma_start3A_39 = arith.constant 0 : i32
      %dma_start3A_40 = arith.constant 0 : i32
      %dma_start3A_41 = tpu.memref_slice %arg7[%dma_start3A_39, %dma_start3A_40] : memref<32x64xi32, #tpu.memory_space<vmem>> -> memref<1x64xi32, #tpu.memory_space<vmem>>
      %dma_start3A_42 = tpu.memref_squeeze %dma_start3A_41 : memref<1x64xi32, #tpu.memory_space<vmem>> -> memref<64xi32, #tpu.memory_space<vmem>>
      %dma_start3A_43 = arith.constant 0 : i32
      %dma_start3A_44 = arith.constant 0 : i32
      %dma_start3A_45 = tpu.memref_slice %arg2[%dma_start3A_43, %dma_start3A_44] : memref<10240x128xf32, #tpu.memory_space<hbm>> -> memref<10240x128xf32, #tpu.memory_space<hbm>>
      tpu.enqueue_indirect_dma source(%dma_start3A_45 : memref<10240x128xf32, #tpu.memory_space<hbm>>) target(%arg9 : memref<64x128xf32, #tpu.memory_space<vmem>>) offsets(%dma_start3A_42 : memref<64xi32, #tpu.memory_space<vmem>>) semaphore(%arg14 : memref<!tpu.dma_semaphore, #tpu.memory_space<semaphore_mem>>)
      %dma_start3A_46 = arith.constant 1 : i32
      %dma_start3A_47 = arith.constant 0 : i32
      %dma_start3A_48 = tpu.memref_slice %arg7[%dma_start3A_46, %dma_start3A_47] : memref<32x64xi32, #tpu.memory_space<vmem>> -> memref<1x64xi32, #tpu.memory_space<vmem>>
      %dma_start3A_49 = tpu.memref_squeeze %dma_start3A_48 : memref<1x64xi32, #tpu.memory_space<vmem>> -> memref<64xi32, #tpu.memory_space<vmem>>
      %dma_start3A_50 = arith.constant 0 : i32
      %dma_start3A_51 = arith.constant 0 : i32
      %dma_start3A_52 = tpu.memref_slice %arg2[%dma_start3A_50, %dma_start3A_51] : memref<10240x128xf32, #tpu.memory_space<hbm>> -> memref<10240x128xf32, #tpu.memory_space<hbm>>
      tpu.enqueue_indirect_dma source(%dma_start3A_52 : memref<10240x128xf32, #tpu.memory_space<hbm>>) target(%arg10 : memref<64x128xf32, #tpu.memory_space<vmem>>) offsets(%dma_start3A_49 : memref<64xi32, #tpu.memory_space<vmem>>) semaphore(%arg15 : memref<!tpu.dma_semaphore, #tpu.memory_space<semaphore_mem>>)
      %dma_start3A_53 = arith.constant 2 : i32
      %dma_start3A_54 = arith.constant 0 : i32
      %dma_start3A_55 = tpu.memref_slice %arg7[%dma_start3A_53, %dma_start3A_54] : memref<32x64xi32, #tpu.memory_space<vmem>> -> memref<1x64xi32, #tpu.memory_space<vmem>>
      %dma_start3A_56 = tpu.memref_squeeze %dma_start3A_55 : memref<1x64xi32, #tpu.memory_space<vmem>> -> memref<64xi32, #tpu.memory_space<vmem>>
      %dma_start3A_57 = arith.constant 0 : i32
      %dma_start3A_58 = arith.constant 0 : i32
      %dma_start3A_59 = tpu.memref_slice %arg2[%dma_start3A_57, %dma_start3A_58] : memref<10240x128xf32, #tpu.memory_space<hbm>> -> memref<10240x128xf32, #tpu.memory_space<hbm>>
      tpu.enqueue_indirect_dma source(%dma_start3A_59 : memref<10240x128xf32, #tpu.memory_space<hbm>>) target(%arg11 : memref<64x128xf32, #tpu.memory_space<vmem>>) offsets(%dma_start3A_56 : memref<64xi32, #tpu.memory_space<vmem>>) semaphore(%arg16 : memref<!tpu.dma_semaphore, #tpu.memory_space<semaphore_mem>>)
      %dma_start3A_60 = arith.constant 3 : i32
      %dma_start3A_61 = arith.constant 0 : i32
      %dma_start3A_62 = tpu.memref_slice %arg7[%dma_start3A_60, %dma_start3A_61] : memref<32x64xi32, #tpu.memory_space<vmem>> -> memref<1x64xi32, #tpu.memory_space<vmem>>
      %dma_start3A_63 = tpu.memref_squeeze %dma_start3A_62 : memref<1x64xi32, #tpu.memory_space<vmem>> -> memref<64xi32, #tpu.memory_space<vmem>>
      %dma_start3A_64 = arith.constant 0 : i32
      %dma_start3A_65 = arith.constant 0 : i32
      %dma_start3A_66 = tpu.memref_slice %arg2[%dma_start3A_64, %dma_start3A_65] : memref<10240x128xf32, #tpu.memory_space<hbm>> -> memref<10240x128xf32, #tpu.memory_space<hbm>>
      tpu.enqueue_indirect_dma source(%dma_start3A_66 : memref<10240x128xf32, #tpu.memory_space<hbm>>) target(%arg12 : memref<64x128xf32, #tpu.memory_space<vmem>>) offsets(%dma_start3A_63 : memref<64xi32, #tpu.memory_space<vmem>>) semaphore(%arg17 : memref<!tpu.dma_semaphore, #tpu.memory_space<semaphore_mem>>)
      %scan3A_67 = arith.constant 0 : i32
      %scan3A_68 = arith.constant 8 : i32
      %scan3A_69 = arith.addi %scan3A_67, %scan3A_68 : i32
      %scan3A_70 = arith.constant 1 : i32
      scf.for %scan3A_72 = %scan3A_67 to %scan3A_69 step %scan3A_70  : i32 {
        %mul3A_73 = arith.constant 1 : i32
        %mul3A_74 = arith.muli %scan3A_72, %mul3A_73 : i32
        %add3A_75 = arith.constant 0 : i32
        %add3A_76 = arith.addi %add3A_75, %mul3A_74 : i32
        %mul3A_77 = arith.constant 4 : i32
        %mul3A_78 = arith.muli %add3A_76, %mul3A_77 : i32
        %add3A_79 = arith.constant 0 : i32
        %add3A_80 = arith.addi %mul3A_78, %add3A_79 : i32
        %dma_wait3A_81 = arith.constant 0 : i32
        %dma_wait3A_82 = arith.constant 0 : i32
        %dma_wait3A_83 = tpu.memref_slice %arg7[%dma_wait3A_81, %dma_wait3A_82] : memref<32x64xi32, #tpu.memory_space<vmem>> -> memref<1x64xi32, #tpu.memory_space<vmem>>
        %dma_wait3A_84 = tpu.memref_squeeze %dma_wait3A_83 : memref<1x64xi32, #tpu.memory_space<vmem>> -> memref<64xi32, #tpu.memory_space<vmem>>
        %dma_wait3A_85 = arith.constant 0 : i32
        %dma_wait3A_86 = arith.constant 0 : i32
        %dma_wait3A_87 = tpu.memref_slice %arg2[%dma_wait3A_85, %dma_wait3A_86] : memref<10240x128xf32, #tpu.memory_space<hbm>> -> memref<10240x128xf32, #tpu.memory_space<hbm>>
        tpu.wait_indirect_dma semaphore(%arg14 : memref<!tpu.dma_semaphore, #tpu.memory_space<semaphore_mem>>) src(%dma_wait3A_87 : memref<10240x128xf32, #tpu.memory_space<hbm>>) dst(%arg9 : memref<64x128xf32, #tpu.memory_space<vmem>>)
        "tpu.region"() ({
          %run_scoped3A = tpu.sem_alloc : memref<!tpu.dma_semaphore, #tpu.memory_space<semaphore_mem>>
          %dma_start3A_146 = arith.constant 0 : i32
          %dma_start3A_147 = tpu.memref_slice %arg8[%add3A_80, %dma_start3A_146] : memref<32x64xi32, #tpu.memory_space<vmem>> -> memref<1x64xi32, #tpu.memory_space<vmem>>
          %dma_start3A_148 = tpu.memref_squeeze %dma_start3A_147 : memref<1x64xi32, #tpu.memory_space<vmem>> -> memref<64xi32, #tpu.memory_space<vmem>>
          %dma_start3A_149 = arith.constant 0 : i32
          %dma_start3A_150 = arith.constant 0 : i32
          %dma_start3A_151 = tpu.memref_slice %arg13[%dma_start3A_149, %dma_start3A_150] : memref<10240x128xf32, #tpu.memory_space<vmem_shared>> -> memref<10240x128xf32, #tpu.memory_space<vmem_shared>>
          tpu.enqueue_indirect_dma source(%arg9 : memref<64x128xf32, #tpu.memory_space<vmem>>) target(%dma_start3A_151 : memref<10240x128xf32, #tpu.memory_space<vmem_shared>>) offsets(%dma_start3A_148 : memref<64xi32, #tpu.memory_space<vmem>>) semaphore(%run_scoped3A : memref<!tpu.dma_semaphore, #tpu.memory_space<semaphore_mem>>) {add = true}
          %dma_wait3A_152 = arith.constant 0 : i32
          %dma_wait3A_153 = tpu.memref_slice %arg8[%add3A_80, %dma_wait3A_152] : memref<32x64xi32, #tpu.memory_space<vmem>> -> memref<1x64xi32, #tpu.memory_space<vmem>>
          %dma_wait3A_154 = tpu.memref_squeeze %dma_wait3A_153 : memref<1x64xi32, #tpu.memory_space<vmem>> -> memref<64xi32, #tpu.memory_space<vmem>>
          %dma_wait3A_155 = arith.constant 0 : i32
          %dma_wait3A_156 = arith.constant 0 : i32
          %dma_wait3A_157 = tpu.memref_slice %arg13[%dma_wait3A_155, %dma_wait3A_156] : memref<10240x128xf32, #tpu.memory_space<vmem_shared>> -> memref<10240x128xf32, #tpu.memory_space<vmem_shared>>
          tpu.wait_indirect_dma semaphore(%run_scoped3A : memref<!tpu.dma_semaphore, #tpu.memory_space<semaphore_mem>>) src(%arg9 : memref<64x128xf32, #tpu.memory_space<vmem>>) dst(%dma_wait3A_157 : memref<10240x128xf32, #tpu.memory_space<vmem_shared>>)
          tpu.yield
        }) : () -> ()
        %add3A_88 = arith.constant 4 : i32
        %add3A_89 = arith.addi %add3A_80, %add3A_88 : i32
        %lt3A = arith.constant 32 : i32
        %lt3A_90 = arith.cmpi slt, %add3A_89, %lt3A : i32
        %convert_element_type3A = arith.extui %lt3A_90 : i1 to i32
        %cond3A = arith.constant 0 : i32
        %cond3A_91 = arith.cmpi ne, %convert_element_type3A, %cond3A : i32
        scf.if %cond3A_91 {
          %add3A_146 = arith.constant 4 : i32
          %add3A_147 = arith.addi %add3A_80, %add3A_146 : i32
          %dma_start3A_148 = arith.constant 0 : i32
          %dma_start3A_149 = tpu.memref_slice %arg7[%add3A_147, %dma_start3A_148] : memref<32x64xi32, #tpu.memory_space<vmem>> -> memref<1x64xi32, #tpu.memory_space<vmem>>
          %dma_start3A_150 = tpu.memref_squeeze %dma_start3A_149 : memref<1x64xi32, #tpu.memory_space<vmem>> -> memref<64xi32, #tpu.memory_space<vmem>>
          %dma_start3A_151 = arith.constant 0 : i32
          %dma_start3A_152 = arith.constant 0 : i32
          %dma_start3A_153 = tpu.memref_slice %arg2[%dma_start3A_151, %dma_start3A_152] : memref<10240x128xf32, #tpu.memory_space<hbm>> -> memref<10240x128xf32, #tpu.memory_space<hbm>>
          tpu.enqueue_indirect_dma source(%dma_start3A_153 : memref<10240x128xf32, #tpu.memory_space<hbm>>) target(%arg9 : memref<64x128xf32, #tpu.memory_space<vmem>>) offsets(%dma_start3A_150 : memref<64xi32, #tpu.memory_space<vmem>>) semaphore(%arg14 : memref<!tpu.dma_semaphore, #tpu.memory_space<semaphore_mem>>)
        } else {
        }
        %mul3A_92 = arith.constant 4 : i32
        %mul3A_93 = arith.muli %add3A_76, %mul3A_92 : i32
        %add3A_94 = arith.constant 1 : i32
        %add3A_95 = arith.addi %mul3A_93, %add3A_94 : i32
        %dma_wait3A_96 = arith.constant 0 : i32
        %dma_wait3A_97 = arith.constant 0 : i32
        %dma_wait3A_98 = tpu.memref_slice %arg7[%dma_wait3A_96, %dma_wait3A_97] : memref<32x64xi32, #tpu.memory_space<vmem>> -> memref<1x64xi32, #tpu.memory_space<vmem>>
        %dma_wait3A_99 = tpu.memref_squeeze %dma_wait3A_98 : memref<1x64xi32, #tpu.memory_space<vmem>> -> memref<64xi32, #tpu.memory_space<vmem>>
        %dma_wait3A_100 = arith.constant 0 : i32
        %dma_wait3A_101 = arith.constant 0 : i32
        %dma_wait3A_102 = tpu.memref_slice %arg2[%dma_wait3A_100, %dma_wait3A_101] : memref<10240x128xf32, #tpu.memory_space<hbm>> -> memref<10240x128xf32, #tpu.memory_space<hbm>>
        tpu.wait_indirect_dma semaphore(%arg15 : memref<!tpu.dma_semaphore, #tpu.memory_space<semaphore_mem>>) src(%dma_wait3A_102 : memref<10240x128xf32, #tpu.memory_space<hbm>>) dst(%arg10 : memref<64x128xf32, #tpu.memory_space<vmem>>)
        "tpu.region"() ({
          %run_scoped3A = tpu.sem_alloc : memref<!tpu.dma_semaphore, #tpu.memory_space<semaphore_mem>>
          %dma_start3A_146 = arith.constant 0 : i32
          %dma_start3A_147 = tpu.memref_slice %arg8[%add3A_95, %dma_start3A_146] : memref<32x64xi32, #tpu.memory_space<vmem>> -> memref<1x64xi32, #tpu.memory_space<vmem>>
          %dma_start3A_148 = tpu.memref_squeeze %dma_start3A_147 : memref<1x64xi32, #tpu.memory_space<vmem>> -> memref<64xi32, #tpu.memory_space<vmem>>
          %dma_start3A_149 = arith.constant 0 : i32
          %dma_start3A_150 = arith.constant 0 : i32
          %dma_start3A_151 = tpu.memref_slice %arg13[%dma_start3A_149, %dma_start3A_150] : memref<10240x128xf32, #tpu.memory_space<vmem_shared>> -> memref<10240x128xf32, #tpu.memory_space<vmem_shared>>
          tpu.enqueue_indirect_dma source(%arg10 : memref<64x128xf32, #tpu.memory_space<vmem>>) target(%dma_start3A_151 : memref<10240x128xf32, #tpu.memory_space<vmem_shared>>) offsets(%dma_start3A_148 : memref<64xi32, #tpu.memory_space<vmem>>) semaphore(%run_scoped3A : memref<!tpu.dma_semaphore, #tpu.memory_space<semaphore_mem>>) {add = true}
          %dma_wait3A_152 = arith.constant 0 : i32
          %dma_wait3A_153 = tpu.memref_slice %arg8[%add3A_95, %dma_wait3A_152] : memref<32x64xi32, #tpu.memory_space<vmem>> -> memref<1x64xi32, #tpu.memory_space<vmem>>
          %dma_wait3A_154 = tpu.memref_squeeze %dma_wait3A_153 : memref<1x64xi32, #tpu.memory_space<vmem>> -> memref<64xi32, #tpu.memory_space<vmem>>
          %dma_wait3A_155 = arith.constant 0 : i32
          %dma_wait3A_156 = arith.constant 0 : i32
          %dma_wait3A_157 = tpu.memref_slice %arg13[%dma_wait3A_155, %dma_wait3A_156] : memref<10240x128xf32, #tpu.memory_space<vmem_shared>> -> memref<10240x128xf32, #tpu.memory_space<vmem_shared>>
          tpu.wait_indirect_dma semaphore(%run_scoped3A : memref<!tpu.dma_semaphore, #tpu.memory_space<semaphore_mem>>) src(%arg10 : memref<64x128xf32, #tpu.memory_space<vmem>>) dst(%dma_wait3A_157 : memref<10240x128xf32, #tpu.memory_space<vmem_shared>>)
          tpu.yield
        }) : () -> ()
        %add3A_103 = arith.constant 4 : i32
        %add3A_104 = arith.addi %add3A_95, %add3A_103 : i32
        %lt3A_105 = arith.constant 32 : i32
        %lt3A_106 = arith.cmpi slt, %add3A_104, %lt3A_105 : i32
        %convert_element_type3A_107 = arith.extui %lt3A_106 : i1 to i32
        %cond3A_108 = arith.constant 0 : i32
        %cond3A_109 = arith.cmpi ne, %convert_element_type3A_107, %cond3A_108 : i32
        scf.if %cond3A_109 {
          %add3A_146 = arith.constant 4 : i32
          %add3A_147 = arith.addi %add3A_95, %add3A_146 : i32
          %dma_start3A_148 = arith.constant 0 : i32
          %dma_start3A_149 = tpu.memref_slice %arg7[%add3A_147, %dma_start3A_148] : memref<32x64xi32, #tpu.memory_space<vmem>> -> memref<1x64xi32, #tpu.memory_space<vmem>>
          %dma_start3A_150 = tpu.memref_squeeze %dma_start3A_149 : memref<1x64xi32, #tpu.memory_space<vmem>> -> memref<64xi32, #tpu.memory_space<vmem>>
          %dma_start3A_151 = arith.constant 0 : i32
          %dma_start3A_152 = arith.constant 0 : i32
          %dma_start3A_153 = tpu.memref_slice %arg2[%dma_start3A_151, %dma_start3A_152] : memref<10240x128xf32, #tpu.memory_space<hbm>> -> memref<10240x128xf32, #tpu.memory_space<hbm>>
          tpu.enqueue_indirect_dma source(%dma_start3A_153 : memref<10240x128xf32, #tpu.memory_space<hbm>>) target(%arg10 : memref<64x128xf32, #tpu.memory_space<vmem>>) offsets(%dma_start3A_150 : memref<64xi32, #tpu.memory_space<vmem>>) semaphore(%arg15 : memref<!tpu.dma_semaphore, #tpu.memory_space<semaphore_mem>>)
        } else {
        }
        %mul3A_110 = arith.constant 4 : i32
        %mul3A_111 = arith.muli %add3A_76, %mul3A_110 : i32
        %add3A_112 = arith.constant 2 : i32
        %add3A_113 = arith.addi %mul3A_111, %add3A_112 : i32
        %dma_wait3A_114 = arith.constant 0 : i32
        %dma_wait3A_115 = arith.constant 0 : i32
        %dma_wait3A_116 = tpu.memref_slice %arg7[%dma_wait3A_114, %dma_wait3A_115] : memref<32x64xi32, #tpu.memory_space<vmem>> -> memref<1x64xi32, #tpu.memory_space<vmem>>
        %dma_wait3A_117 = tpu.memref_squeeze %dma_wait3A_116 : memref<1x64xi32, #tpu.memory_space<vmem>> -> memref<64xi32, #tpu.memory_space<vmem>>
        %dma_wait3A_118 = arith.constant 0 : i32
        %dma_wait3A_119 = arith.constant 0 : i32
        %dma_wait3A_120 = tpu.memref_slice %arg2[%dma_wait3A_118, %dma_wait3A_119] : memref<10240x128xf32, #tpu.memory_space<hbm>> -> memref<10240x128xf32, #tpu.memory_space<hbm>>
        tpu.wait_indirect_dma semaphore(%arg16 : memref<!tpu.dma_semaphore, #tpu.memory_space<semaphore_mem>>) src(%dma_wait3A_120 : memref<10240x128xf32, #tpu.memory_space<hbm>>) dst(%arg11 : memref<64x128xf32, #tpu.memory_space<vmem>>)
        "tpu.region"() ({
          %run_scoped3A = tpu.sem_alloc : memref<!tpu.dma_semaphore, #tpu.memory_space<semaphore_mem>>
          %dma_start3A_146 = arith.constant 0 : i32
          %dma_start3A_147 = tpu.memref_slice %arg8[%add3A_113, %dma_start3A_146] : memref<32x64xi32, #tpu.memory_space<vmem>> -> memref<1x64xi32, #tpu.memory_space<vmem>>
          %dma_start3A_148 = tpu.memref_squeeze %dma_start3A_147 : memref<1x64xi32, #tpu.memory_space<vmem>> -> memref<64xi32, #tpu.memory_space<vmem>>
          %dma_start3A_149 = arith.constant 0 : i32
          %dma_start3A_150 = arith.constant 0 : i32
          %dma_start3A_151 = tpu.memref_slice %arg13[%dma_start3A_149, %dma_start3A_150] : memref<10240x128xf32, #tpu.memory_space<vmem_shared>> -> memref<10240x128xf32, #tpu.memory_space<vmem_shared>>
          tpu.enqueue_indirect_dma source(%arg11 : memref<64x128xf32, #tpu.memory_space<vmem>>) target(%dma_start3A_151 : memref<10240x128xf32, #tpu.memory_space<vmem_shared>>) offsets(%dma_start3A_148 : memref<64xi32, #tpu.memory_space<vmem>>) semaphore(%run_scoped3A : memref<!tpu.dma_semaphore, #tpu.memory_space<semaphore_mem>>) {add = true}
          %dma_wait3A_152 = arith.constant 0 : i32
          %dma_wait3A_153 = tpu.memref_slice %arg8[%add3A_113, %dma_wait3A_152] : memref<32x64xi32, #tpu.memory_space<vmem>> -> memref<1x64xi32, #tpu.memory_space<vmem>>
          %dma_wait3A_154 = tpu.memref_squeeze %dma_wait3A_153 : memref<1x64xi32, #tpu.memory_space<vmem>> -> memref<64xi32, #tpu.memory_space<vmem>>
          %dma_wait3A_155 = arith.constant 0 : i32
          %dma_wait3A_156 = arith.constant 0 : i32
          %dma_wait3A_157 = tpu.memref_slice %arg13[%dma_wait3A_155, %dma_wait3A_156] : memref<10240x128xf32, #tpu.memory_space<vmem_shared>> -> memref<10240x128xf32, #tpu.memory_space<vmem_shared>>
          tpu.wait_indirect_dma semaphore(%run_scoped3A : memref<!tpu.dma_semaphore, #tpu.memory_space<semaphore_mem>>) src(%arg11 : memref<64x128xf32, #tpu.memory_space<vmem>>) dst(%dma_wait3A_157 : memref<10240x128xf32, #tpu.memory_space<vmem_shared>>)
          tpu.yield
        }) : () -> ()
        %add3A_121 = arith.constant 4 : i32
        %add3A_122 = arith.addi %add3A_113, %add3A_121 : i32
        %lt3A_123 = arith.constant 32 : i32
        %lt3A_124 = arith.cmpi slt, %add3A_122, %lt3A_123 : i32
        %convert_element_type3A_125 = arith.extui %lt3A_124 : i1 to i32
        %cond3A_126 = arith.constant 0 : i32
        %cond3A_127 = arith.cmpi ne, %convert_element_type3A_125, %cond3A_126 : i32
        scf.if %cond3A_127 {
          %add3A_146 = arith.constant 4 : i32
          %add3A_147 = arith.addi %add3A_113, %add3A_146 : i32
          %dma_start3A_148 = arith.constant 0 : i32
          %dma_start3A_149 = tpu.memref_slice %arg7[%add3A_147, %dma_start3A_148] : memref<32x64xi32, #tpu.memory_space<vmem>> -> memref<1x64xi32, #tpu.memory_space<vmem>>
          %dma_start3A_150 = tpu.memref_squeeze %dma_start3A_149 : memref<1x64xi32, #tpu.memory_space<vmem>> -> memref<64xi32, #tpu.memory_space<vmem>>
          %dma_start3A_151 = arith.constant 0 : i32
          %dma_start3A_152 = arith.constant 0 : i32
          %dma_start3A_153 = tpu.memref_slice %arg2[%dma_start3A_151, %dma_start3A_152] : memref<10240x128xf32, #tpu.memory_space<hbm>> -> memref<10240x128xf32, #tpu.memory_space<hbm>>
          tpu.enqueue_indirect_dma source(%dma_start3A_153 : memref<10240x128xf32, #tpu.memory_space<hbm>>) target(%arg11 : memref<64x128xf32, #tpu.memory_space<vmem>>) offsets(%dma_start3A_150 : memref<64xi32, #tpu.memory_space<vmem>>) semaphore(%arg16 : memref<!tpu.dma_semaphore, #tpu.memory_space<semaphore_mem>>)
        } else {
        }
        %mul3A_128 = arith.constant 4 : i32
        %mul3A_129 = arith.muli %add3A_76, %mul3A_128 : i32
        %add3A_130 = arith.constant 3 : i32
        %add3A_131 = arith.addi %mul3A_129, %add3A_130 : i32
        %dma_wait3A_132 = arith.constant 0 : i32
        %dma_wait3A_133 = arith.constant 0 : i32
        %dma_wait3A_134 = tpu.memref_slice %arg7[%dma_wait3A_132, %dma_wait3A_133] : memref<32x64xi32, #tpu.memory_space<vmem>> -> memref<1x64xi32, #tpu.memory_space<vmem>>
        %dma_wait3A_135 = tpu.memref_squeeze %dma_wait3A_134 : memref<1x64xi32, #tpu.memory_space<vmem>> -> memref<64xi32, #tpu.memory_space<vmem>>
        %dma_wait3A_136 = arith.constant 0 : i32
        %dma_wait3A_137 = arith.constant 0 : i32
        %dma_wait3A_138 = tpu.memref_slice %arg2[%dma_wait3A_136, %dma_wait3A_137] : memref<10240x128xf32, #tpu.memory_space<hbm>> -> memref<10240x128xf32, #tpu.memory_space<hbm>>
        tpu.wait_indirect_dma semaphore(%arg17 : memref<!tpu.dma_semaphore, #tpu.memory_space<semaphore_mem>>) src(%dma_wait3A_138 : memref<10240x128xf32, #tpu.memory_space<hbm>>) dst(%arg12 : memref<64x128xf32, #tpu.memory_space<vmem>>)
        "tpu.region"() ({
          %run_scoped3A = tpu.sem_alloc : memref<!tpu.dma_semaphore, #tpu.memory_space<semaphore_mem>>
          %dma_start3A_146 = arith.constant 0 : i32
          %dma_start3A_147 = tpu.memref_slice %arg8[%add3A_131, %dma_start3A_146] : memref<32x64xi32, #tpu.memory_space<vmem>> -> memref<1x64xi32, #tpu.memory_space<vmem>>
          %dma_start3A_148 = tpu.memref_squeeze %dma_start3A_147 : memref<1x64xi32, #tpu.memory_space<vmem>> -> memref<64xi32, #tpu.memory_space<vmem>>
          %dma_start3A_149 = arith.constant 0 : i32
          %dma_start3A_150 = arith.constant 0 : i32
          %dma_start3A_151 = tpu.memref_slice %arg13[%dma_start3A_149, %dma_start3A_150] : memref<10240x128xf32, #tpu.memory_space<vmem_shared>> -> memref<10240x128xf32, #tpu.memory_space<vmem_shared>>
          tpu.enqueue_indirect_dma source(%arg12 : memref<64x128xf32, #tpu.memory_space<vmem>>) target(%dma_start3A_151 : memref<10240x128xf32, #tpu.memory_space<vmem_shared>>) offsets(%dma_start3A_148 : memref<64xi32, #tpu.memory_space<vmem>>) semaphore(%run_scoped3A : memref<!tpu.dma_semaphore, #tpu.memory_space<semaphore_mem>>) {add = true}
          %dma_wait3A_152 = arith.constant 0 : i32
          %dma_wait3A_153 = tpu.memref_slice %arg8[%add3A_131, %dma_wait3A_152] : memref<32x64xi32, #tpu.memory_space<vmem>> -> memref<1x64xi32, #tpu.memory_space<vmem>>
          %dma_wait3A_154 = tpu.memref_squeeze %dma_wait3A_153 : memref<1x64xi32, #tpu.memory_space<vmem>> -> memref<64xi32, #tpu.memory_space<vmem>>
          %dma_wait3A_155 = arith.constant 0 : i32
          %dma_wait3A_156 = arith.constant 0 : i32
          %dma_wait3A_157 = tpu.memref_slice %arg13[%dma_wait3A_155, %dma_wait3A_156] : memref<10240x128xf32, #tpu.memory_space<vmem_shared>> -> memref<10240x128xf32, #tpu.memory_space<vmem_shared>>
          tpu.wait_indirect_dma semaphore(%run_scoped3A : memref<!tpu.dma_semaphore, #tpu.memory_space<semaphore_mem>>) src(%arg12 : memref<64x128xf32, #tpu.memory_space<vmem>>) dst(%dma_wait3A_157 : memref<10240x128xf32, #tpu.memory_space<vmem_shared>>)
          tpu.yield
        }) : () -> ()
        %add3A_139 = arith.constant 4 : i32
        %add3A_140 = arith.addi %add3A_131, %add3A_139 : i32
        %lt3A_141 = arith.constant 32 : i32
        %lt3A_142 = arith.cmpi slt, %add3A_140, %lt3A_141 : i32
        %convert_element_type3A_143 = arith.extui %lt3A_142 : i1 to i32
        %cond3A_144 = arith.constant 0 : i32
        %cond3A_145 = arith.cmpi ne, %convert_element_type3A_143, %cond3A_144 : i32
        scf.if %cond3A_145 {
          %add3A_146 = arith.constant 4 : i32
          %add3A_147 = arith.addi %add3A_131, %add3A_146 : i32
          %dma_start3A_148 = arith.constant 0 : i32
          %dma_start3A_149 = tpu.memref_slice %arg7[%add3A_147, %dma_start3A_148] : memref<32x64xi32, #tpu.memory_space<vmem>> -> memref<1x64xi32, #tpu.memory_space<vmem>>
          %dma_start3A_150 = tpu.memref_squeeze %dma_start3A_149 : memref<1x64xi32, #tpu.memory_space<vmem>> -> memref<64xi32, #tpu.memory_space<vmem>>
          %dma_start3A_151 = arith.constant 0 : i32
          %dma_start3A_152 = arith.constant 0 : i32
          %dma_start3A_153 = tpu.memref_slice %arg2[%dma_start3A_151, %dma_start3A_152] : memref<10240x128xf32, #tpu.memory_space<hbm>> -> memref<10240x128xf32, #tpu.memory_space<hbm>>
          tpu.enqueue_indirect_dma source(%dma_start3A_153 : memref<10240x128xf32, #tpu.memory_space<hbm>>) target(%arg12 : memref<64x128xf32, #tpu.memory_space<vmem>>) offsets(%dma_start3A_150 : memref<64xi32, #tpu.memory_space<vmem>>) semaphore(%arg17 : memref<!tpu.dma_semaphore, #tpu.memory_space<semaphore_mem>>)
        } else {
        }
      }
      %scan3A_71 = arith.constant 8 : i32
    }
    %scan3A_6 = arith.constant 5 : i32
    %barrier3A_7 = arith.constant 0 : index
    tpu.barrier barrier_id(%barrier3A_7)
    %mul3A_8 = arith.constant 640 : i32
    %mul3A_9 = arith.muli %arg1, %mul3A_8 : i32
    %mul3A_10 = arith.constant 10240 : i32
    %mul3A_11 = arith.muli %arg0, %mul3A_10 : i32
    %mul3A_12 = arith.constant 640 : i32
    %mul3A_13 = arith.muli %arg1, %mul3A_12 : i32
    %add3A_14 = arith.addi %mul3A_11, %mul3A_13 : i32
    "tpu.region"() ({
      %run_scoped3A = tpu.sem_alloc : memref<!tpu.dma_semaphore, #tpu.memory_space<semaphore_mem>>
      %dma_start3A = arith.constant 0 : i32
      %dma_start3A_15 = tpu.memref_slice %arg6[%add3A_14, %dma_start3A] : memref<20480x128xf32, #tpu.memory_space<hbm>> -> memref<640x128xf32, #tpu.memory_space<hbm>>
      %dma_start3A_16 = arith.constant 0 : i32
      %dma_start3A_17 = tpu.memref_slice %arg13[%mul3A_9, %dma_start3A_16] : memref<10240x128xf32, #tpu.memory_space<vmem_shared>> -> memref<640x128xf32, #tpu.memory_space<vmem_shared>>
      tpu.enqueue_dma source(%dma_start3A_17 : memref<640x128xf32, #tpu.memory_space<vmem_shared>>) target(%dma_start3A_15 : memref<640x128xf32, #tpu.memory_space<hbm>>) target_semaphore(%run_scoped3A : memref<!tpu.dma_semaphore, #tpu.memory_space<semaphore_mem>>)
      %dma_wait3A = arith.constant 0 : i32
      %dma_wait3A_18 = tpu.memref_slice %arg6[%add3A_14, %dma_wait3A] : memref<20480x128xf32, #tpu.memory_space<hbm>> -> memref<640x128xf32, #tpu.memory_space<hbm>>
      %dma_wait3A_19 = arith.constant 0 : i32
      %dma_wait3A_20 = tpu.memref_slice %arg13[%mul3A_9, %dma_wait3A_19] : memref<10240x128xf32, #tpu.memory_space<vmem_shared>> -> memref<640x128xf32, #tpu.memory_space<vmem_shared>>
      tpu.wait_dma2 semaphore(%run_scoped3A : memref<!tpu.dma_semaphore, #tpu.memory_space<semaphore_mem>>) src(%dma_wait3A_20 : memref<640x128xf32, #tpu.memory_space<vmem_shared>>) dst(%dma_wait3A_18 : memref<640x128xf32, #tpu.memory_space<hbm>>)
      tpu.yield
    }) : () -> ()
    return
  }
}

#map = affine_map<(d0, d1) -> (0, 0)>
module attributes {stable_mosaic.version = 14 : i64} {
  func.func @body(%arg0: i32, %arg1: i32, %arg2: memref<5120x64xi32, #tpu.memory_space<hbm>>, %arg3: memref<256x64xi32, #tpu.memory_space<hbm>>, %arg4: memref<640x128xf32, #tpu.memory_space<hbm>>, %arg5: memref<160x128xf32, #tpu.memory_space<hbm>>, %arg6: memref<16x128xf32, #tpu.memory_space<hbm>>, %arg7: memref<160x64xi32, #tpu.memory_space<vmem>>, %arg8: memref<8x64xi32, #tpu.memory_space<vmem>>, %arg9: memref<80x128xf32, #tpu.memory_space<vmem>>, %arg10: memref<8x128xf32, #tpu.memory_space<vmem>>, %arg11: memref<8x128xf32, #tpu.memory_space<vmem>>, %arg12: memref<8x128xf32, #tpu.memory_space<vmem>>, %arg13: memref<1280x128xf32, #tpu.memory_space<vmem_shared>>, %arg14: memref<128x128xf32, #tpu.memory_space<vmem_shared>>, %arg15: memref<!tpu.dma_semaphore, #tpu.memory_space<semaphore_mem>>) attributes {dimension_semantics = [#tpu.dimension_semantics<core_parallel>, #tpu.dimension_semantics<subcore_parallel>], iteration_bounds = array<i64: 2, 16>, scalar_prefetch = 0 : i64, scratch_operands = 9 : i64, tpu.core_type = #tpu.core_type<sc_vector_subcore>, window_params = [{transform_indices = #map}, {transform_indices = #map}, {transform_indices = #map}, {transform_indices = #map}, {transform_indices = #map}]} {
    %mul3A = arith.constant 16 : i32
    %mul3A_0 = arith.muli %arg0, %mul3A : i32
    %add3A = arith.addi %mul3A_0, %arg1 : i32
    %broadcast_in_dim3A = arith.constant 1.000000e+00 : f32
    %broadcast_in_dim3A_1 = vector.broadcast %broadcast_in_dim3A : f32 to vector<16xf32>
    "tpu.region"() ({
      %run_scoped3A = tpu.sem_alloc : memref<!tpu.dma_semaphore, #tpu.memory_space<semaphore_mem>>
      %dma_start3A_39 = arith.constant 0 : i32
      %dma_start3A_40 = arith.constant 0 : i32
      %dma_start3A_41 = tpu.memref_slice %arg4[%dma_start3A_39, %dma_start3A_40] : memref<640x128xf32, #tpu.memory_space<hbm>> -> memref<80x128xf32, #tpu.memory_space<hbm>>
      %dma_start3A_42 = arith.constant 0 : i32
      %dma_start3A_43 = arith.constant 0 : i32
      %dma_start3A_44 = tpu.memref_slice %arg4[%dma_start3A_42, %dma_start3A_43] : memref<640x128xf32, #tpu.memory_space<hbm>> -> memref<80x128xf32, #tpu.memory_space<hbm>>
      tpu.enqueue_dma source(%dma_start3A_44 : memref<80x128xf32, #tpu.memory_space<hbm>>) target(%arg9 : memref<80x128xf32, #tpu.memory_space<vmem>>) target_semaphore(%run_scoped3A : memref<!tpu.dma_semaphore, #tpu.memory_space<semaphore_mem>>)
      %dma_wait3A_45 = arith.constant 0 : i32
      %dma_wait3A_46 = arith.constant 0 : i32
      %dma_wait3A_47 = tpu.memref_slice %arg4[%dma_wait3A_45, %dma_wait3A_46] : memref<640x128xf32, #tpu.memory_space<hbm>> -> memref<80x128xf32, #tpu.memory_space<hbm>>
      %dma_wait3A_48 = arith.constant 0 : i32
      %dma_wait3A_49 = arith.constant 0 : i32
      %dma_wait3A_50 = tpu.memref_slice %arg4[%dma_wait3A_48, %dma_wait3A_49] : memref<640x128xf32, #tpu.memory_space<hbm>> -> memref<80x128xf32, #tpu.memory_space<hbm>>
      tpu.wait_dma2 semaphore(%run_scoped3A : memref<!tpu.dma_semaphore, #tpu.memory_space<semaphore_mem>>) src(%dma_wait3A_50 : memref<80x128xf32, #tpu.memory_space<hbm>>) dst(%arg9 : memref<80x128xf32, #tpu.memory_space<vmem>>)
      tpu.yield
    }) : () -> ()
    "tpu.region"() ({
      %run_scoped3A = tpu.sem_alloc : memref<!tpu.dma_semaphore, #tpu.memory_space<semaphore_mem>>
      %dma_start3A_39 = arith.constant 0 : i32
      %dma_start3A_40 = arith.constant 0 : i32
      %dma_start3A_41 = tpu.memref_slice %arg4[%dma_start3A_39, %dma_start3A_40] : memref<640x128xf32, #tpu.memory_space<hbm>> -> memref<8x128xf32, #tpu.memory_space<hbm>>
      %dma_start3A_42 = arith.constant 0 : i32
      %dma_start3A_43 = arith.constant 0 : i32
      %dma_start3A_44 = tpu.memref_slice %arg4[%dma_start3A_42, %dma_start3A_43] : memref<640x128xf32, #tpu.memory_space<hbm>> -> memref<8x128xf32, #tpu.memory_space<hbm>>
      tpu.enqueue_dma source(%dma_start3A_44 : memref<8x128xf32, #tpu.memory_space<hbm>>) target(%arg10 : memref<8x128xf32, #tpu.memory_space<vmem>>) target_semaphore(%run_scoped3A : memref<!tpu.dma_semaphore, #tpu.memory_space<semaphore_mem>>)
      %dma_wait3A_45 = arith.constant 0 : i32
      %dma_wait3A_46 = arith.constant 0 : i32
      %dma_wait3A_47 = tpu.memref_slice %arg4[%dma_wait3A_45, %dma_wait3A_46] : memref<640x128xf32, #tpu.memory_space<hbm>> -> memref<8x128xf32, #tpu.memory_space<hbm>>
      %dma_wait3A_48 = arith.constant 0 : i32
      %dma_wait3A_49 = arith.constant 0 : i32
      %dma_wait3A_50 = tpu.memref_slice %arg4[%dma_wait3A_48, %dma_wait3A_49] : memref<640x128xf32, #tpu.memory_space<hbm>> -> memref<8x128xf32, #tpu.memory_space<hbm>>
      tpu.wait_dma2 semaphore(%run_scoped3A : memref<!tpu.dma_semaphore, #tpu.memory_space<semaphore_mem>>) src(%dma_wait3A_50 : memref<8x128xf32, #tpu.memory_space<hbm>>) dst(%arg10 : memref<8x128xf32, #tpu.memory_space<vmem>>)
      tpu.yield
    }) : () -> ()
    %mul3A_2 = arith.constant 160 : i32
    %mul3A_3 = arith.muli %add3A, %mul3A_2 : i32
    %dma_start3A = arith.constant 0 : i32
    %dma_start3A_4 = tpu.memref_slice %arg2[%mul3A_3, %dma_start3A] : memref<5120x64xi32, #tpu.memory_space<hbm>> -> memref<160x64xi32, #tpu.memory_space<hbm>>
    %dma_start3A_5 = arith.constant 0 : i32
    %dma_start3A_6 = tpu.memref_slice %arg2[%mul3A_3, %dma_start3A_5] : memref<5120x64xi32, #tpu.memory_space<hbm>> -> memref<160x64xi32, #tpu.memory_space<hbm>>
    tpu.enqueue_dma source(%dma_start3A_6 : memref<160x64xi32, #tpu.memory_space<hbm>>) target(%arg7 : memref<160x64xi32, #tpu.memory_space<vmem>>) target_semaphore(%arg15 : memref<!tpu.dma_semaphore, #tpu.memory_space<semaphore_mem>>)
    %dma_wait3A = arith.constant 0 : i32
    %dma_wait3A_7 = tpu.memref_slice %arg2[%mul3A_3, %dma_wait3A] : memref<5120x64xi32, #tpu.memory_space<hbm>> -> memref<160x64xi32, #tpu.memory_space<hbm>>
    %dma_wait3A_8 = arith.constant 0 : i32
    %dma_wait3A_9 = tpu.memref_slice %arg2[%mul3A_3, %dma_wait3A_8] : memref<5120x64xi32, #tpu.memory_space<hbm>> -> memref<160x64xi32, #tpu.memory_space<hbm>>
    tpu.wait_dma2 semaphore(%arg15 : memref<!tpu.dma_semaphore, #tpu.memory_space<semaphore_mem>>) src(%dma_wait3A_9 : memref<160x64xi32, #tpu.memory_space<hbm>>) dst(%arg7 : memref<160x64xi32, #tpu.memory_space<vmem>>)
    %mul3A_10 = arith.constant 8 : i32
    %mul3A_11 = arith.muli %add3A, %mul3A_10 : i32
    %dma_start3A_12 = arith.constant 0 : i32
    %dma_start3A_13 = tpu.memref_slice %arg3[%mul3A_11, %dma_start3A_12] : memref<256x64xi32, #tpu.memory_space<hbm>> -> memref<8x64xi32, #tpu.memory_space<hbm>>
    %dma_start3A_14 = arith.constant 0 : i32
    %dma_start3A_15 = tpu.memref_slice %arg3[%mul3A_11, %dma_start3A_14] : memref<256x64xi32, #tpu.memory_space<hbm>> -> memref<8x64xi32, #tpu.memory_space<hbm>>
    tpu.enqueue_dma source(%dma_start3A_15 : memref<8x64xi32, #tpu.memory_space<hbm>>) target(%arg8 : memref<8x64xi32, #tpu.memory_space<vmem>>) target_semaphore(%arg15 : memref<!tpu.dma_semaphore, #tpu.memory_space<semaphore_mem>>)
    %dma_wait3A_16 = arith.constant 0 : i32
    %dma_wait3A_17 = tpu.memref_slice %arg3[%mul3A_11, %dma_wait3A_16] : memref<256x64xi32, #tpu.memory_space<hbm>> -> memref<8x64xi32, #tpu.memory_space<hbm>>
    %dma_wait3A_18 = arith.constant 0 : i32
    %dma_wait3A_19 = tpu.memref_slice %arg3[%mul3A_11, %dma_wait3A_18] : memref<256x64xi32, #tpu.memory_space<hbm>> -> memref<8x64xi32, #tpu.memory_space<hbm>>
    tpu.wait_dma2 semaphore(%arg15 : memref<!tpu.dma_semaphore, #tpu.memory_space<semaphore_mem>>) src(%dma_wait3A_19 : memref<8x64xi32, #tpu.memory_space<hbm>>) dst(%arg8 : memref<8x64xi32, #tpu.memory_space<vmem>>)
    %scan3A = arith.constant 0 : i32
    %scan3A_20 = arith.constant 160 : i32
    %scan3A_21 = arith.addi %scan3A, %scan3A_20 : i32
    %scan3A_22 = arith.constant 1 : i32
    scf.for %scan3A_39 = %scan3A to %scan3A_21 step %scan3A_22  : i32 {
      %mul3A_40 = arith.constant 1 : i32
      %mul3A_41 = arith.muli %scan3A_39, %mul3A_40 : i32
      %add3A_42 = arith.constant 0 : i32
      %add3A_43 = arith.addi %add3A_42, %mul3A_41 : i32
      %get3A = arith.index_cast %add3A_43 : i32 to index
      %get3A_44 = arith.constant 0 : index
      %get3A_45 = tpu.vector_load %arg7[%get3A, %get3A_44] {strides = array<i32>} : memref<160x64xi32, #tpu.memory_space<vmem>>, vector<16xi32>,
      %shift_right_logical3A = arith.constant 7 : i32
      %shift_right_logical3A_46 = vector.broadcast %shift_right_logical3A : i32 to vector<16xi32>
      %shift_right_logical3A_47 = arith.shrui %get3A_45, %shift_right_logical3A_46 : vector<16xi32>
      %and3A = arith.constant 127 : i32
      %and3A_48 = vector.broadcast %and3A : i32 to vector<16xi32>
      %and3A_49 = arith.andi %get3A_45, %and3A_48 : vector<16xi32>
      tpu.vector_store_idx %arg9[%shift_right_logical3A_47, %and3A_49], %broadcast_in_dim3A_1 {add = true} : memref<80x128xf32, #tpu.memory_space<vmem>>[vector<16xi32>, vector<16xi32>], vector<16xf32>,
      %get3A_50 = arith.index_cast %add3A_43 : i32 to index
      %get3A_51 = arith.constant 16 : index
      %get3A_52 = tpu.vector_load %arg7[%get3A_50, %get3A_51] {strides = array<i32>} : memref<160x64xi32, #tpu.memory_space<vmem>>, vector<16xi32>,
      %shift_right_logical3A_53 = arith.constant 7 : i32
      %shift_right_logical3A_54 = vector.broadcast %shift_right_logical3A_53 : i32 to vector<16xi32>
      %shift_right_logical3A_55 = arith.shrui %get3A_52, %shift_right_logical3A_54 : vector<16xi32>
      %and3A_56 = arith.constant 127 : i32
      %and3A_57 = vector.broadcast %and3A_56 : i32 to vector<16xi32>
      %and3A_58 = arith.andi %get3A_52, %and3A_57 : vector<16xi32>
      tpu.vector_store_idx %arg9[%shift_right_logical3A_55, %and3A_58], %broadcast_in_dim3A_1 {add = true} : memref<80x128xf32, #tpu.memory_space<vmem>>[vector<16xi32>, vector<16xi32>], vector<16xf32>,
      %get3A_59 = arith.index_cast %add3A_43 : i32 to index
      %get3A_60 = arith.constant 32 : index
      %get3A_61 = tpu.vector_load %arg7[%get3A_59, %get3A_60] {strides = array<i32>} : memref<160x64xi32, #tpu.memory_space<vmem>>, vector<16xi32>,
      %shift_right_logical3A_62 = arith.constant 7 : i32
      %shift_right_logical3A_63 = vector.broadcast %shift_right_logical3A_62 : i32 to vector<16xi32>
      %shift_right_logical3A_64 = arith.shrui %get3A_61, %shift_right_logical3A_63 : vector<16xi32>
      %and3A_65 = arith.constant 127 : i32
      %and3A_66 = vector.broadcast %and3A_65 : i32 to vector<16xi32>
      %and3A_67 = arith.andi %get3A_61, %and3A_66 : vector<16xi32>
      tpu.vector_store_idx %arg9[%shift_right_logical3A_64, %and3A_67], %broadcast_in_dim3A_1 {add = true} : memref<80x128xf32, #tpu.memory_space<vmem>>[vector<16xi32>, vector<16xi32>], vector<16xf32>,
      %get3A_68 = arith.index_cast %add3A_43 : i32 to index
      %get3A_69 = arith.constant 48 : index
      %get3A_70 = tpu.vector_load %arg7[%get3A_68, %get3A_69] {strides = array<i32>} : memref<160x64xi32, #tpu.memory_space<vmem>>, vector<16xi32>,
      %shift_right_logical3A_71 = arith.constant 7 : i32
      %shift_right_logical3A_72 = vector.broadcast %shift_right_logical3A_71 : i32 to vector<16xi32>
      %shift_right_logical3A_73 = arith.shrui %get3A_70, %shift_right_logical3A_72 : vector<16xi32>
      %and3A_74 = arith.constant 127 : i32
      %and3A_75 = vector.broadcast %and3A_74 : i32 to vector<16xi32>
      %and3A_76 = arith.andi %get3A_70, %and3A_75 : vector<16xi32>
      tpu.vector_store_idx %arg9[%shift_right_logical3A_73, %and3A_76], %broadcast_in_dim3A_1 {add = true} : memref<80x128xf32, #tpu.memory_space<vmem>>[vector<16xi32>, vector<16xi32>], vector<16xf32>,
    }
    %scan3A_23 = arith.constant 160 : i32
    %scan3A_24 = arith.constant 0 : i32
    %scan3A_25 = arith.constant 8 : i32
    %scan3A_26 = arith.addi %scan3A_24, %scan3A_25 : i32
    %scan3A_27 = arith.constant 1 : i32
    scf.for %scan3A_39 = %scan3A_24 to %scan3A_26 step %scan3A_27  : i32 {
      %mul3A_40 = arith.constant 1 : i32
      %mul3A_41 = arith.muli %scan3A_39, %mul3A_40 : i32
      %add3A_42 = arith.constant 0 : i32
      %add3A_43 = arith.addi %add3A_42, %mul3A_41 : i32
      %get3A = arith.index_cast %add3A_43 : i32 to index
      %get3A_44 = arith.constant 0 : index
      %get3A_45 = tpu.vector_load %arg8[%get3A, %get3A_44] {strides = array<i32>} : memref<8x64xi32, #tpu.memory_space<vmem>>, vector<16xi32>,
      %shift_right_logical3A = arith.constant 7 : i32
      %shift_right_logical3A_46 = vector.broadcast %shift_right_logical3A : i32 to vector<16xi32>
      %shift_right_logical3A_47 = arith.shrui %get3A_45, %shift_right_logical3A_46 : vector<16xi32>
      %and3A = arith.constant 127 : i32
      %and3A_48 = vector.broadcast %and3A : i32 to vector<16xi32>
      %and3A_49 = arith.andi %get3A_45, %and3A_48 : vector<16xi32>
      tpu.vector_store_idx %arg10[%shift_right_logical3A_47, %and3A_49], %broadcast_in_dim3A_1 {add = true} : memref<8x128xf32, #tpu.memory_space<vmem>>[vector<16xi32>, vector<16xi32>], vector<16xf32>,
      %get3A_50 = arith.index_cast %add3A_43 : i32 to index
      %get3A_51 = arith.constant 16 : index
      %get3A_52 = tpu.vector_load %arg8[%get3A_50, %get3A_51] {strides = array<i32>} : memref<8x64xi32, #tpu.memory_space<vmem>>, vector<16xi32>,
      %shift_right_logical3A_53 = arith.constant 7 : i32
      %shift_right_logical3A_54 = vector.broadcast %shift_right_logical3A_53 : i32 to vector<16xi32>
      %shift_right_logical3A_55 = arith.shrui %get3A_52, %shift_right_logical3A_54 : vector<16xi32>
      %and3A_56 = arith.constant 127 : i32
      %and3A_57 = vector.broadcast %and3A_56 : i32 to vector<16xi32>
      %and3A_58 = arith.andi %get3A_52, %and3A_57 : vector<16xi32>
      tpu.vector_store_idx %arg10[%shift_right_logical3A_55, %and3A_58], %broadcast_in_dim3A_1 {add = true} : memref<8x128xf32, #tpu.memory_space<vmem>>[vector<16xi32>, vector<16xi32>], vector<16xf32>,
      %get3A_59 = arith.index_cast %add3A_43 : i32 to index
      %get3A_60 = arith.constant 32 : index
      %get3A_61 = tpu.vector_load %arg8[%get3A_59, %get3A_60] {strides = array<i32>} : memref<8x64xi32, #tpu.memory_space<vmem>>, vector<16xi32>,
      %shift_right_logical3A_62 = arith.constant 7 : i32
      %shift_right_logical3A_63 = vector.broadcast %shift_right_logical3A_62 : i32 to vector<16xi32>
      %shift_right_logical3A_64 = arith.shrui %get3A_61, %shift_right_logical3A_63 : vector<16xi32>
      %and3A_65 = arith.constant 127 : i32
      %and3A_66 = vector.broadcast %and3A_65 : i32 to vector<16xi32>
      %and3A_67 = arith.andi %get3A_61, %and3A_66 : vector<16xi32>
      tpu.vector_store_idx %arg10[%shift_right_logical3A_64, %and3A_67], %broadcast_in_dim3A_1 {add = true} : memref<8x128xf32, #tpu.memory_space<vmem>>[vector<16xi32>, vector<16xi32>], vector<16xf32>,
      %get3A_68 = arith.index_cast %add3A_43 : i32 to index
      %get3A_69 = arith.constant 48 : index
      %get3A_70 = tpu.vector_load %arg8[%get3A_68, %get3A_69] {strides = array<i32>} : memref<8x64xi32, #tpu.memory_space<vmem>>, vector<16xi32>,
      %shift_right_logical3A_71 = arith.constant 7 : i32
      %shift_right_logical3A_72 = vector.broadcast %shift_right_logical3A_71 : i32 to vector<16xi32>
      %shift_right_logical3A_73 = arith.shrui %get3A_70, %shift_right_logical3A_72 : vector<16xi32>
      %and3A_74 = arith.constant 127 : i32
      %and3A_75 = vector.broadcast %and3A_74 : i32 to vector<16xi32>
      %and3A_76 = arith.andi %get3A_70, %and3A_75 : vector<16xi32>
      tpu.vector_store_idx %arg10[%shift_right_logical3A_73, %and3A_76], %broadcast_in_dim3A_1 {add = true} : memref<8x128xf32, #tpu.memory_space<vmem>>[vector<16xi32>, vector<16xi32>], vector<16xf32>,
    }
    %scan3A_28 = arith.constant 8 : i32
    %mul3A_29 = arith.constant 80 : i32
    %mul3A_30 = arith.muli %arg1, %mul3A_29 : i32
    "tpu.region"() ({
      %run_scoped3A = tpu.sem_alloc : memref<!tpu.dma_semaphore, #tpu.memory_space<semaphore_mem>>
      %dma_start3A_39 = arith.constant 0 : i32
      %dma_start3A_40 = tpu.memref_slice %arg13[%mul3A_30, %dma_start3A_39] : memref<1280x128xf32, #tpu.memory_space<vmem_shared>> -> memref<80x128xf32, #tpu.memory_space<vmem_shared>>
      %dma_start3A_41 = arith.constant 0 : i32
      %dma_start3A_42 = tpu.memref_slice %arg13[%mul3A_30, %dma_start3A_41] : memref<1280x128xf32, #tpu.memory_space<vmem_shared>> -> memref<80x128xf32, #tpu.memory_space<vmem_shared>>
      tpu.enqueue_dma source(%arg9 : memref<80x128xf32, #tpu.memory_space<vmem>>) target(%dma_start3A_42 : memref<80x128xf32, #tpu.memory_space<vmem_shared>>) target_semaphore(%run_scoped3A : memref<!tpu.dma_semaphore, #tpu.memory_space<semaphore_mem>>)
      %dma_wait3A_43 = arith.constant 0 : i32
      %dma_wait3A_44 = tpu.memref_slice %arg13[%mul3A_30, %dma_wait3A_43] : memref<1280x128xf32, #tpu.memory_space<vmem_shared>> -> memref<80x128xf32, #tpu.memory_space<vmem_shared>>
      %dma_wait3A_45 = arith.constant 0 : i32
      %dma_wait3A_46 = tpu.memref_slice %arg13[%mul3A_30, %dma_wait3A_45] : memref<1280x128xf32, #tpu.memory_space<vmem_shared>> -> memref<80x128xf32, #tpu.memory_space<vmem_shared>>
      tpu.wait_dma2 semaphore(%run_scoped3A : memref<!tpu.dma_semaphore, #tpu.memory_space<semaphore_mem>>) src(%arg9 : memref<80x128xf32, #tpu.memory_space<vmem>>) dst(%dma_wait3A_46 : memref<80x128xf32, #tpu.memory_space<vmem_shared>>)
      tpu.yield
    }) : () -> ()
    %mul3A_31 = arith.constant 8 : i32
    %mul3A_32 = arith.muli %arg1, %mul3A_31 : i32
    "tpu.region"() ({
      %run_scoped3A = tpu.sem_alloc : memref<!tpu.dma_semaphore, #tpu.memory_space<semaphore_mem>>
      %dma_start3A_39 = arith.constant 0 : i32
      %dma_start3A_40 = tpu.memref_slice %arg14[%mul3A_32, %dma_start3A_39] : memref<128x128xf32, #tpu.memory_space<vmem_shared>> -> memref<8x128xf32, #tpu.memory_space<vmem_shared>>
      %dma_start3A_41 = arith.constant 0 : i32
      %dma_start3A_42 = tpu.memref_slice %arg14[%mul3A_32, %dma_start3A_41] : memref<128x128xf32, #tpu.memory_space<vmem_shared>> -> memref<8x128xf32, #tpu.memory_space<vmem_shared>>
      tpu.enqueue_dma source(%arg10 : memref<8x128xf32, #tpu.memory_space<vmem>>) target(%dma_start3A_42 : memref<8x128xf32, #tpu.memory_space<vmem_shared>>) target_semaphore(%run_scoped3A : memref<!tpu.dma_semaphore, #tpu.memory_space<semaphore_mem>>)
      %dma_wait3A_43 = arith.constant 0 : i32
      %dma_wait3A_44 = tpu.memref_slice %arg14[%mul3A_32, %dma_wait3A_43] : memref<128x128xf32, #tpu.memory_space<vmem_shared>> -> memref<8x128xf32, #tpu.memory_space<vmem_shared>>
      %dma_wait3A_45 = arith.constant 0 : i32
      %dma_wait3A_46 = tpu.memref_slice %arg14[%mul3A_32, %dma_wait3A_45] : memref<128x128xf32, #tpu.memory_space<vmem_shared>> -> memref<8x128xf32, #tpu.memory_space<vmem_shared>>
      tpu.wait_dma2 semaphore(%run_scoped3A : memref<!tpu.dma_semaphore, #tpu.memory_space<semaphore_mem>>) src(%arg10 : memref<8x128xf32, #tpu.memory_space<vmem>>) dst(%dma_wait3A_46 : memref<8x128xf32, #tpu.memory_space<vmem_shared>>)
      tpu.yield
    }) : () -> ()
    %barrier3A = arith.constant 0 : index
    tpu.barrier barrier_id(%barrier3A)
    %lt3A = arith.constant 10 : i32
    %lt3A_33 = arith.cmpi slt, %arg1, %lt3A : i32
    %convert_element_type3A = arith.extui %lt3A_33 : i1 to i32
    %cond3A = arith.constant 0 : i32
    %cond3A_34 = arith.cmpi ne, %convert_element_type3A, %cond3A : i32
    scf.if %cond3A_34 {
      "tpu.region"() ({
        %run_scoped3A = tpu.sem_alloc : memref<!tpu.dma_semaphore, #tpu.memory_space<semaphore_mem>>
        %dma_start3A_49 = arith.constant 0 : i32
        %dma_start3A_50 = arith.constant 0 : i32
        %dma_start3A_51 = tpu.memref_slice %arg4[%dma_start3A_49, %dma_start3A_50] : memref<640x128xf32, #tpu.memory_space<hbm>> -> memref<8x128xf32, #tpu.memory_space<hbm>>
        %dma_start3A_52 = arith.constant 0 : i32
        %dma_start3A_53 = arith.constant 0 : i32
        %dma_start3A_54 = tpu.memref_slice %arg4[%dma_start3A_52, %dma_start3A_53] : memref<640x128xf32, #tpu.memory_space<hbm>> -> memref<8x128xf32, #tpu.memory_space<hbm>>
        tpu.enqueue_dma source(%dma_start3A_54 : memref<8x128xf32, #tpu.memory_space<hbm>>) target(%arg11 : memref<8x128xf32, #tpu.memory_space<vmem>>) target_semaphore(%run_scoped3A : memref<!tpu.dma_semaphore, #tpu.memory_space<semaphore_mem>>)
        %dma_wait3A_55 = arith.constant 0 : i32
        %dma_wait3A_56 = arith.constant 0 : i32
        %dma_wait3A_57 = tpu.memref_slice %arg4[%dma_wait3A_55, %dma_wait3A_56] : memref<640x128xf32, #tpu.memory_space<hbm>> -> memref<8x128xf32, #tpu.memory_space<hbm>>
        %dma_wait3A_58 = arith.constant 0 : i32
        %dma_wait3A_59 = arith.constant 0 : i32
        %dma_wait3A_60 = tpu.memref_slice %arg4[%dma_wait3A_58, %dma_wait3A_59] : memref<640x128xf32, #tpu.memory_space<hbm>> -> memref<8x128xf32, #tpu.memory_space<hbm>>
        tpu.wait_dma2 semaphore(%run_scoped3A : memref<!tpu.dma_semaphore, #tpu.memory_space<semaphore_mem>>) src(%dma_wait3A_60 : memref<8x128xf32, #tpu.memory_space<hbm>>) dst(%arg11 : memref<8x128xf32, #tpu.memory_space<vmem>>)
        tpu.yield
      }) : () -> ()
      %scan3A_39 = arith.constant 0 : i32
      %scan3A_40 = arith.constant 16 : i32
      %scan3A_41 = arith.addi %scan3A_39, %scan3A_40 : i32
      %scan3A_42 = arith.constant 1 : i32
      scf.for %scan3A_49 = %scan3A_39 to %scan3A_41 step %scan3A_42  : i32 {
        %mul3A_50 = arith.constant 1 : i32
        %mul3A_51 = arith.muli %scan3A_49, %mul3A_50 : i32
        %add3A_52 = arith.constant 0 : i32
        %add3A_53 = arith.addi %add3A_52, %mul3A_51 : i32
        %mul3A_54 = arith.constant 80 : i32
        %mul3A_55 = arith.muli %add3A_53, %mul3A_54 : i32
        %mul3A_56 = arith.constant 8 : i32
        %mul3A_57 = arith.muli %arg1, %mul3A_56 : i32
        %add3A_58 = arith.addi %mul3A_55, %mul3A_57 : i32
        "tpu.region"() ({
          %run_scoped3A = tpu.sem_alloc : memref<!tpu.dma_semaphore, #tpu.memory_space<semaphore_mem>>
          %dma_start3A_64 = arith.constant 0 : i32
          %dma_start3A_65 = tpu.memref_slice %arg13[%add3A_58, %dma_start3A_64] : memref<1280x128xf32, #tpu.memory_space<vmem_shared>> -> memref<8x128xf32, #tpu.memory_space<vmem_shared>>
          %dma_start3A_66 = arith.constant 0 : i32
          %dma_start3A_67 = tpu.memref_slice %arg13[%add3A_58, %dma_start3A_66] : memref<1280x128xf32, #tpu.memory_space<vmem_shared>> -> memref<8x128xf32, #tpu.memory_space<vmem_shared>>
          tpu.enqueue_dma source(%dma_start3A_67 : memref<8x128xf32, #tpu.memory_space<vmem_shared>>) target(%arg12 : memref<8x128xf32, #tpu.memory_space<vmem>>) target_semaphore(%run_scoped3A : memref<!tpu.dma_semaphore, #tpu.memory_space<semaphore_mem>>)
          %dma_wait3A_68 = arith.constant 0 : i32
          %dma_wait3A_69 = tpu.memref_slice %arg13[%add3A_58, %dma_wait3A_68] : memref<1280x128xf32, #tpu.memory_space<vmem_shared>> -> memref<8x128xf32, #tpu.memory_space<vmem_shared>>
          %dma_wait3A_70 = arith.constant 0 : i32
          %dma_wait3A_71 = tpu.memref_slice %arg13[%add3A_58, %dma_wait3A_70] : memref<1280x128xf32, #tpu.memory_space<vmem_shared>> -> memref<8x128xf32, #tpu.memory_space<vmem_shared>>
          tpu.wait_dma2 semaphore(%run_scoped3A : memref<!tpu.dma_semaphore, #tpu.memory_space<semaphore_mem>>) src(%dma_wait3A_71 : memref<8x128xf32, #tpu.memory_space<vmem_shared>>) dst(%arg12 : memref<8x128xf32, #tpu.memory_space<vmem>>)
          tpu.yield
        }) : () -> ()
        %scan3A_59 = arith.constant 0 : i32
        %scan3A_60 = arith.constant 8 : i32
        %scan3A_61 = arith.addi %scan3A_59, %scan3A_60 : i32
        %scan3A_62 = arith.constant 1 : i32
        scf.for %scan3A_64 = %scan3A_59 to %scan3A_61 step %scan3A_62  : i32 {
          %mul3A_65 = arith.constant 1 : i32
          %mul3A_66 = arith.muli %scan3A_64, %mul3A_65 : i32
          %add3A_67 = arith.constant 0 : i32
          %add3A_68 = arith.addi %add3A_67, %mul3A_66 : i32
          %get3A = arith.index_cast %add3A_68 : i32 to index
          %get3A_69 = arith.constant 0 : index
          %get3A_70 = tpu.vector_load %arg11[%get3A, %get3A_69] {strides = array<i32>} : memref<8x128xf32, #tpu.memory_space<vmem>>, vector<16xf32>,
          %get3A_71 = arith.index_cast %add3A_68 : i32 to index
          %get3A_72 = arith.constant 0 : index
          %get3A_73 = tpu.vector_load %arg12[%get3A_71, %get3A_72] {strides = array<i32>} : memref<8x128xf32, #tpu.memory_space<vmem>>, vector<16xf32>,
          %add3A_74 = arith.addf %get3A_70, %get3A_73 : vector<16xf32>
          %swap3A = arith.index_cast %add3A_68 : i32 to index
          %swap3A_75 = arith.constant 0 : index
          %swap3A_76 = tpu.vector_load %arg11[%swap3A, %swap3A_75] {strides = array<i32>} : memref<8x128xf32, #tpu.memory_space<vmem>>, vector<16xf32>,
          tpu.vector_store %arg11[%swap3A, %swap3A_75], %add3A_74 {strides = array<i32>} : memref<8x128xf32, #tpu.memory_space<vmem>>, vector<16xf32>,
          %get3A_77 = arith.index_cast %add3A_68 : i32 to index
          %get3A_78 = arith.constant 16 : index
          %get3A_79 = tpu.vector_load %arg11[%get3A_77, %get3A_78] {strides = array<i32>} : memref<8x128xf32, #tpu.memory_space<vmem>>, vector<16xf32>,
          %get3A_80 = arith.index_cast %add3A_68 : i32 to index
          %get3A_81 = arith.constant 16 : index
          %get3A_82 = tpu.vector_load %arg12[%get3A_80, %get3A_81] {strides = array<i32>} : memref<8x128xf32, #tpu.memory_space<vmem>>, vector<16xf32>,
          %add3A_83 = arith.addf %get3A_79, %get3A_82 : vector<16xf32>
          %swap3A_84 = arith.index_cast %add3A_68 : i32 to index
          %swap3A_85 = arith.constant 16 : index
          %swap3A_86 = tpu.vector_load %arg11[%swap3A_84, %swap3A_85] {strides = array<i32>} : memref<8x128xf32, #tpu.memory_space<vmem>>, vector<16xf32>,
          tpu.vector_store %arg11[%swap3A_84, %swap3A_85], %add3A_83 {strides = array<i32>} : memref<8x128xf32, #tpu.memory_space<vmem>>, vector<16xf32>,
          %get3A_87 = arith.index_cast %add3A_68 : i32 to index
          %get3A_88 = arith.constant 32 : index
          %get3A_89 = tpu.vector_load %arg11[%get3A_87, %get3A_88] {strides = array<i32>} : memref<8x128xf32, #tpu.memory_space<vmem>>, vector<16xf32>,
          %get3A_90 = arith.index_cast %add3A_68 : i32 to index
          %get3A_91 = arith.constant 32 : index
          %get3A_92 = tpu.vector_load %arg12[%get3A_90, %get3A_91] {strides = array<i32>} : memref<8x128xf32, #tpu.memory_space<vmem>>, vector<16xf32>,
          %add3A_93 = arith.addf %get3A_89, %get3A_92 : vector<16xf32>
          %swap3A_94 = arith.index_cast %add3A_68 : i32 to index
          %swap3A_95 = arith.constant 32 : index
          %swap3A_96 = tpu.vector_load %arg11[%swap3A_94, %swap3A_95] {strides = array<i32>} : memref<8x128xf32, #tpu.memory_space<vmem>>, vector<16xf32>,
          tpu.vector_store %arg11[%swap3A_94, %swap3A_95], %add3A_93 {strides = array<i32>} : memref<8x128xf32, #tpu.memory_space<vmem>>, vector<16xf32>,
          %get3A_97 = arith.index_cast %add3A_68 : i32 to index
          %get3A_98 = arith.constant 48 : index
          %get3A_99 = tpu.vector_load %arg11[%get3A_97, %get3A_98] {strides = array<i32>} : memref<8x128xf32, #tpu.memory_space<vmem>>, vector<16xf32>,
          %get3A_100 = arith.index_cast %add3A_68 : i32 to index
          %get3A_101 = arith.constant 48 : index
          %get3A_102 = tpu.vector_load %arg12[%get3A_100, %get3A_101] {strides = array<i32>} : memref<8x128xf32, #tpu.memory_space<vmem>>, vector<16xf32>,
          %add3A_103 = arith.addf %get3A_99, %get3A_102 : vector<16xf32>
          %swap3A_104 = arith.index_cast %add3A_68 : i32 to index
          %swap3A_105 = arith.constant 48 : index
          %swap3A_106 = tpu.vector_load %arg11[%swap3A_104, %swap3A_105] {strides = array<i32>} : memref<8x128xf32, #tpu.memory_space<vmem>>, vector<16xf32>,
          tpu.vector_store %arg11[%swap3A_104, %swap3A_105], %add3A_103 {strides = array<i32>} : memref<8x128xf32, #tpu.memory_space<vmem>>, vector<16xf32>,
          %get3A_107 = arith.index_cast %add3A_68 : i32 to index
          %get3A_108 = arith.constant 64 : index
          %get3A_109 = tpu.vector_load %arg11[%get3A_107, %get3A_108] {strides = array<i32>} : memref<8x128xf32, #tpu.memory_space<vmem>>, vector<16xf32>,
          %get3A_110 = arith.index_cast %add3A_68 : i32 to index
          %get3A_111 = arith.constant 64 : index
          %get3A_112 = tpu.vector_load %arg12[%get3A_110, %get3A_111] {strides = array<i32>} : memref<8x128xf32, #tpu.memory_space<vmem>>, vector<16xf32>,
          %add3A_113 = arith.addf %get3A_109, %get3A_112 : vector<16xf32>
          %swap3A_114 = arith.index_cast %add3A_68 : i32 to index
          %swap3A_115 = arith.constant 64 : index
          %swap3A_116 = tpu.vector_load %arg11[%swap3A_114, %swap3A_115] {strides = array<i32>} : memref<8x128xf32, #tpu.memory_space<vmem>>, vector<16xf32>,
          tpu.vector_store %arg11[%swap3A_114, %swap3A_115], %add3A_113 {strides = array<i32>} : memref<8x128xf32, #tpu.memory_space<vmem>>, vector<16xf32>,
          %get3A_117 = arith.index_cast %add3A_68 : i32 to index
          %get3A_118 = arith.constant 80 : index
          %get3A_119 = tpu.vector_load %arg11[%get3A_117, %get3A_118] {strides = array<i32>} : memref<8x128xf32, #tpu.memory_space<vmem>>, vector<16xf32>,
          %get3A_120 = arith.index_cast %add3A_68 : i32 to index
          %get3A_121 = arith.constant 80 : index
          %get3A_122 = tpu.vector_load %arg12[%get3A_120, %get3A_121] {strides = array<i32>} : memref<8x128xf32, #tpu.memory_space<vmem>>, vector<16xf32>,
          %add3A_123 = arith.addf %get3A_119, %get3A_122 : vector<16xf32>
          %swap3A_124 = arith.index_cast %add3A_68 : i32 to index
          %swap3A_125 = arith.constant 80 : index
          %swap3A_126 = tpu.vector_load %arg11[%swap3A_124, %swap3A_125] {strides = array<i32>} : memref<8x128xf32, #tpu.memory_space<vmem>>, vector<16xf32>,
          tpu.vector_store %arg11[%swap3A_124, %swap3A_125], %add3A_123 {strides = array<i32>} : memref<8x128xf32, #tpu.memory_space<vmem>>, vector<16xf32>,
          %get3A_127 = arith.index_cast %add3A_68 : i32 to index
          %get3A_128 = arith.constant 96 : index
          %get3A_129 = tpu.vector_load %arg11[%get3A_127, %get3A_128] {strides = array<i32>} : memref<8x128xf32, #tpu.memory_space<vmem>>, vector<16xf32>,
          %get3A_130 = arith.index_cast %add3A_68 : i32 to index
          %get3A_131 = arith.constant 96 : index
          %get3A_132 = tpu.vector_load %arg12[%get3A_130, %get3A_131] {strides = array<i32>} : memref<8x128xf32, #tpu.memory_space<vmem>>, vector<16xf32>,
          %add3A_133 = arith.addf %get3A_129, %get3A_132 : vector<16xf32>
          %swap3A_134 = arith.index_cast %add3A_68 : i32 to index
          %swap3A_135 = arith.constant 96 : index
          %swap3A_136 = tpu.vector_load %arg11[%swap3A_134, %swap3A_135] {strides = array<i32>} : memref<8x128xf32, #tpu.memory_space<vmem>>, vector<16xf32>,
          tpu.vector_store %arg11[%swap3A_134, %swap3A_135], %add3A_133 {strides = array<i32>} : memref<8x128xf32, #tpu.memory_space<vmem>>, vector<16xf32>,
          %get3A_137 = arith.index_cast %add3A_68 : i32 to index
          %get3A_138 = arith.constant 112 : index
          %get3A_139 = tpu.vector_load %arg11[%get3A_137, %get3A_138] {strides = array<i32>} : memref<8x128xf32, #tpu.memory_space<vmem>>, vector<16xf32>,
          %get3A_140 = arith.index_cast %add3A_68 : i32 to index
          %get3A_141 = arith.constant 112 : index
          %get3A_142 = tpu.vector_load %arg12[%get3A_140, %get3A_141] {strides = array<i32>} : memref<8x128xf32, #tpu.memory_space<vmem>>, vector<16xf32>,
          %add3A_143 = arith.addf %get3A_139, %get3A_142 : vector<16xf32>
          %swap3A_144 = arith.index_cast %add3A_68 : i32 to index
          %swap3A_145 = arith.constant 112 : index
          %swap3A_146 = tpu.vector_load %arg11[%swap3A_144, %swap3A_145] {strides = array<i32>} : memref<8x128xf32, #tpu.memory_space<vmem>>, vector<16xf32>,
          tpu.vector_store %arg11[%swap3A_144, %swap3A_145], %add3A_143 {strides = array<i32>} : memref<8x128xf32, #tpu.memory_space<vmem>>, vector<16xf32>,
        }
        %scan3A_63 = arith.constant 8 : i32
      }
      %scan3A_43 = arith.constant 16 : i32
      %mul3A_44 = arith.constant 80 : i32
      %mul3A_45 = arith.muli %arg0, %mul3A_44 : i32
      %mul3A_46 = arith.constant 8 : i32
      %mul3A_47 = arith.muli %arg1, %mul3A_46 : i32
      %add3A_48 = arith.addi %mul3A_45, %mul3A_47 : i32
      "tpu.region"() ({
        %run_scoped3A = tpu.sem_alloc : memref<!tpu.dma_semaphore, #tpu.memory_space<semaphore_mem>>
        %dma_start3A_49 = arith.constant 0 : i32
        %dma_start3A_50 = tpu.memref_slice %arg5[%add3A_48, %dma_start3A_49] : memref<160x128xf32, #tpu.memory_space<hbm>> -> memref<8x128xf32, #tpu.memory_space<hbm>>
        %dma_start3A_51 = arith.constant 0 : i32
        %dma_start3A_52 = tpu.memref_slice %arg5[%add3A_48, %dma_start3A_51] : memref<160x128xf32, #tpu.memory_space<hbm>> -> memref<8x128xf32, #tpu.memory_space<hbm>>
        tpu.enqueue_dma source(%arg11 : memref<8x128xf32, #tpu.memory_space<vmem>>) target(%dma_start3A_52 : memref<8x128xf32, #tpu.memory_space<hbm>>) target_semaphore(%run_scoped3A : memref<!tpu.dma_semaphore, #tpu.memory_space<semaphore_mem>>)
        %dma_wait3A_53 = arith.constant 0 : i32
        %dma_wait3A_54 = tpu.memref_slice %arg5[%add3A_48, %dma_wait3A_53] : memref<160x128xf32, #tpu.memory_space<hbm>> -> memref<8x128xf32, #tpu.memory_space<hbm>>
        %dma_wait3A_55 = arith.constant 0 : i32
        %dma_wait3A_56 = tpu.memref_slice %arg5[%add3A_48, %dma_wait3A_55] : memref<160x128xf32, #tpu.memory_space<hbm>> -> memref<8x128xf32, #tpu.memory_space<hbm>>
        tpu.wait_dma2 semaphore(%run_scoped3A : memref<!tpu.dma_semaphore, #tpu.memory_space<semaphore_mem>>) src(%arg11 : memref<8x128xf32, #tpu.memory_space<vmem>>) dst(%dma_wait3A_56 : memref<8x128xf32, #tpu.memory_space<hbm>>)
        tpu.yield
      }) : () -> ()
    } else {
    }
    %eq3A = arith.constant 10 : i32
    %eq3A_35 = arith.cmpi eq, %arg1, %eq3A : i32
    %convert_element_type3A_36 = arith.extui %eq3A_35 : i1 to i32
    %cond3A_37 = arith.constant 0 : i32
    %cond3A_38 = arith.cmpi ne, %convert_element_type3A_36, %cond3A_37 : i32
    scf.if %cond3A_38 {
      "tpu.region"() ({
        %run_scoped3A = tpu.sem_alloc : memref<!tpu.dma_semaphore, #tpu.memory_space<semaphore_mem>>
        %dma_start3A_46 = arith.constant 0 : i32
        %dma_start3A_47 = arith.constant 0 : i32
        %dma_start3A_48 = tpu.memref_slice %arg4[%dma_start3A_46, %dma_start3A_47] : memref<640x128xf32, #tpu.memory_space<hbm>> -> memref<8x128xf32, #tpu.memory_space<hbm>>
        %dma_start3A_49 = arith.constant 0 : i32
        %dma_start3A_50 = arith.constant 0 : i32
        %dma_start3A_51 = tpu.memref_slice %arg4[%dma_start3A_49, %dma_start3A_50] : memref<640x128xf32, #tpu.memory_space<hbm>> -> memref<8x128xf32, #tpu.memory_space<hbm>>
        tpu.enqueue_dma source(%dma_start3A_51 : memref<8x128xf32, #tpu.memory_space<hbm>>) target(%arg11 : memref<8x128xf32, #tpu.memory_space<vmem>>) target_semaphore(%run_scoped3A : memref<!tpu.dma_semaphore, #tpu.memory_space<semaphore_mem>>)
        %dma_wait3A_52 = arith.constant 0 : i32
        %dma_wait3A_53 = arith.constant 0 : i32
        %dma_wait3A_54 = tpu.memref_slice %arg4[%dma_wait3A_52, %dma_wait3A_53] : memref<640x128xf32, #tpu.memory_space<hbm>> -> memref<8x128xf32, #tpu.memory_space<hbm>>
        %dma_wait3A_55 = arith.constant 0 : i32
        %dma_wait3A_56 = arith.constant 0 : i32
        %dma_wait3A_57 = tpu.memref_slice %arg4[%dma_wait3A_55, %dma_wait3A_56] : memref<640x128xf32, #tpu.memory_space<hbm>> -> memref<8x128xf32, #tpu.memory_space<hbm>>
        tpu.wait_dma2 semaphore(%run_scoped3A : memref<!tpu.dma_semaphore, #tpu.memory_space<semaphore_mem>>) src(%dma_wait3A_57 : memref<8x128xf32, #tpu.memory_space<hbm>>) dst(%arg11 : memref<8x128xf32, #tpu.memory_space<vmem>>)
        tpu.yield
      }) : () -> ()
      %scan3A_39 = arith.constant 0 : i32
      %scan3A_40 = arith.constant 16 : i32
      %scan3A_41 = arith.addi %scan3A_39, %scan3A_40 : i32
      %scan3A_42 = arith.constant 1 : i32
      scf.for %scan3A_46 = %scan3A_39 to %scan3A_41 step %scan3A_42  : i32 {
        %mul3A_47 = arith.constant 1 : i32
        %mul3A_48 = arith.muli %scan3A_46, %mul3A_47 : i32
        %add3A_49 = arith.constant 0 : i32
        %add3A_50 = arith.addi %add3A_49, %mul3A_48 : i32
        %mul3A_51 = arith.constant 8 : i32
        %mul3A_52 = arith.muli %add3A_50, %mul3A_51 : i32
        "tpu.region"() ({
          %run_scoped3A = tpu.sem_alloc : memref<!tpu.dma_semaphore, #tpu.memory_space<semaphore_mem>>
          %dma_start3A_58 = arith.constant 0 : i32
          %dma_start3A_59 = tpu.memref_slice %arg14[%mul3A_52, %dma_start3A_58] : memref<128x128xf32, #tpu.memory_space<vmem_shared>> -> memref<8x128xf32, #tpu.memory_space<vmem_shared>>
          %dma_start3A_60 = arith.constant 0 : i32
          %dma_start3A_61 = tpu.memref_slice %arg14[%mul3A_52, %dma_start3A_60] : memref<128x128xf32, #tpu.memory_space<vmem_shared>> -> memref<8x128xf32, #tpu.memory_space<vmem_shared>>
          tpu.enqueue_dma source(%dma_start3A_61 : memref<8x128xf32, #tpu.memory_space<vmem_shared>>) target(%arg12 : memref<8x128xf32, #tpu.memory_space<vmem>>) target_semaphore(%run_scoped3A : memref<!tpu.dma_semaphore, #tpu.memory_space<semaphore_mem>>)
          %dma_wait3A_62 = arith.constant 0 : i32
          %dma_wait3A_63 = tpu.memref_slice %arg14[%mul3A_52, %dma_wait3A_62] : memref<128x128xf32, #tpu.memory_space<vmem_shared>> -> memref<8x128xf32, #tpu.memory_space<vmem_shared>>
          %dma_wait3A_64 = arith.constant 0 : i32
          %dma_wait3A_65 = tpu.memref_slice %arg14[%mul3A_52, %dma_wait3A_64] : memref<128x128xf32, #tpu.memory_space<vmem_shared>> -> memref<8x128xf32, #tpu.memory_space<vmem_shared>>
          tpu.wait_dma2 semaphore(%run_scoped3A : memref<!tpu.dma_semaphore, #tpu.memory_space<semaphore_mem>>) src(%dma_wait3A_65 : memref<8x128xf32, #tpu.memory_space<vmem_shared>>) dst(%arg12 : memref<8x128xf32, #tpu.memory_space<vmem>>)
          tpu.yield
        }) : () -> ()
        %scan3A_53 = arith.constant 0 : i32
        %scan3A_54 = arith.constant 8 : i32
        %scan3A_55 = arith.addi %scan3A_53, %scan3A_54 : i32
        %scan3A_56 = arith.constant 1 : i32
        scf.for %scan3A_58 = %scan3A_53 to %scan3A_55 step %scan3A_56  : i32 {
          %mul3A_59 = arith.constant 1 : i32
          %mul3A_60 = arith.muli %scan3A_58, %mul3A_59 : i32
          %add3A_61 = arith.constant 0 : i32
          %add3A_62 = arith.addi %add3A_61, %mul3A_60 : i32
          %get3A = arith.index_cast %add3A_62 : i32 to index
          %get3A_63 = arith.constant 0 : index
          %get3A_64 = tpu.vector_load %arg11[%get3A, %get3A_63] {strides = array<i32>} : memref<8x128xf32, #tpu.memory_space<vmem>>, vector<16xf32>,
          %get3A_65 = arith.index_cast %add3A_62 : i32 to index
          %get3A_66 = arith.constant 0 : index
          %get3A_67 = tpu.vector_load %arg12[%get3A_65, %get3A_66] {strides = array<i32>} : memref<8x128xf32, #tpu.memory_space<vmem>>, vector<16xf32>,
          %add3A_68 = arith.addf %get3A_64, %get3A_67 : vector<16xf32>
          %swap3A = arith.index_cast %add3A_62 : i32 to index
          %swap3A_69 = arith.constant 0 : index
          %swap3A_70 = tpu.vector_load %arg11[%swap3A, %swap3A_69] {strides = array<i32>} : memref<8x128xf32, #tpu.memory_space<vmem>>, vector<16xf32>,
          tpu.vector_store %arg11[%swap3A, %swap3A_69], %add3A_68 {strides = array<i32>} : memref<8x128xf32, #tpu.memory_space<vmem>>, vector<16xf32>,
          %get3A_71 = arith.index_cast %add3A_62 : i32 to index
          %get3A_72 = arith.constant 16 : index
          %get3A_73 = tpu.vector_load %arg11[%get3A_71, %get3A_72] {strides = array<i32>} : memref<8x128xf32, #tpu.memory_space<vmem>>, vector<16xf32>,
          %get3A_74 = arith.index_cast %add3A_62 : i32 to index
          %get3A_75 = arith.constant 16 : index
          %get3A_76 = tpu.vector_load %arg12[%get3A_74, %get3A_75] {strides = array<i32>} : memref<8x128xf32, #tpu.memory_space<vmem>>, vector<16xf32>,
          %add3A_77 = arith.addf %get3A_73, %get3A_76 : vector<16xf32>
          %swap3A_78 = arith.index_cast %add3A_62 : i32 to index
          %swap3A_79 = arith.constant 16 : index
          %swap3A_80 = tpu.vector_load %arg11[%swap3A_78, %swap3A_79] {strides = array<i32>} : memref<8x128xf32, #tpu.memory_space<vmem>>, vector<16xf32>,
          tpu.vector_store %arg11[%swap3A_78, %swap3A_79], %add3A_77 {strides = array<i32>} : memref<8x128xf32, #tpu.memory_space<vmem>>, vector<16xf32>,
          %get3A_81 = arith.index_cast %add3A_62 : i32 to index
          %get3A_82 = arith.constant 32 : index
          %get3A_83 = tpu.vector_load %arg11[%get3A_81, %get3A_82] {strides = array<i32>} : memref<8x128xf32, #tpu.memory_space<vmem>>, vector<16xf32>,
          %get3A_84 = arith.index_cast %add3A_62 : i32 to index
          %get3A_85 = arith.constant 32 : index
          %get3A_86 = tpu.vector_load %arg12[%get3A_84, %get3A_85] {strides = array<i32>} : memref<8x128xf32, #tpu.memory_space<vmem>>, vector<16xf32>,
          %add3A_87 = arith.addf %get3A_83, %get3A_86 : vector<16xf32>
          %swap3A_88 = arith.index_cast %add3A_62 : i32 to index
          %swap3A_89 = arith.constant 32 : index
          %swap3A_90 = tpu.vector_load %arg11[%swap3A_88, %swap3A_89] {strides = array<i32>} : memref<8x128xf32, #tpu.memory_space<vmem>>, vector<16xf32>,
          tpu.vector_store %arg11[%swap3A_88, %swap3A_89], %add3A_87 {strides = array<i32>} : memref<8x128xf32, #tpu.memory_space<vmem>>, vector<16xf32>,
          %get3A_91 = arith.index_cast %add3A_62 : i32 to index
          %get3A_92 = arith.constant 48 : index
          %get3A_93 = tpu.vector_load %arg11[%get3A_91, %get3A_92] {strides = array<i32>} : memref<8x128xf32, #tpu.memory_space<vmem>>, vector<16xf32>,
          %get3A_94 = arith.index_cast %add3A_62 : i32 to index
          %get3A_95 = arith.constant 48 : index
          %get3A_96 = tpu.vector_load %arg12[%get3A_94, %get3A_95] {strides = array<i32>} : memref<8x128xf32, #tpu.memory_space<vmem>>, vector<16xf32>,
          %add3A_97 = arith.addf %get3A_93, %get3A_96 : vector<16xf32>
          %swap3A_98 = arith.index_cast %add3A_62 : i32 to index
          %swap3A_99 = arith.constant 48 : index
          %swap3A_100 = tpu.vector_load %arg11[%swap3A_98, %swap3A_99] {strides = array<i32>} : memref<8x128xf32, #tpu.memory_space<vmem>>, vector<16xf32>,
          tpu.vector_store %arg11[%swap3A_98, %swap3A_99], %add3A_97 {strides = array<i32>} : memref<8x128xf32, #tpu.memory_space<vmem>>, vector<16xf32>,
          %get3A_101 = arith.index_cast %add3A_62 : i32 to index
          %get3A_102 = arith.constant 64 : index
          %get3A_103 = tpu.vector_load %arg11[%get3A_101, %get3A_102] {strides = array<i32>} : memref<8x128xf32, #tpu.memory_space<vmem>>, vector<16xf32>,
          %get3A_104 = arith.index_cast %add3A_62 : i32 to index
          %get3A_105 = arith.constant 64 : index
          %get3A_106 = tpu.vector_load %arg12[%get3A_104, %get3A_105] {strides = array<i32>} : memref<8x128xf32, #tpu.memory_space<vmem>>, vector<16xf32>,
          %add3A_107 = arith.addf %get3A_103, %get3A_106 : vector<16xf32>
          %swap3A_108 = arith.index_cast %add3A_62 : i32 to index
          %swap3A_109 = arith.constant 64 : index
          %swap3A_110 = tpu.vector_load %arg11[%swap3A_108, %swap3A_109] {strides = array<i32>} : memref<8x128xf32, #tpu.memory_space<vmem>>, vector<16xf32>,
          tpu.vector_store %arg11[%swap3A_108, %swap3A_109], %add3A_107 {strides = array<i32>} : memref<8x128xf32, #tpu.memory_space<vmem>>, vector<16xf32>,
          %get3A_111 = arith.index_cast %add3A_62 : i32 to index
          %get3A_112 = arith.constant 80 : index
          %get3A_113 = tpu.vector_load %arg11[%get3A_111, %get3A_112] {strides = array<i32>} : memref<8x128xf32, #tpu.memory_space<vmem>>, vector<16xf32>,
          %get3A_114 = arith.index_cast %add3A_62 : i32 to index
          %get3A_115 = arith.constant 80 : index
          %get3A_116 = tpu.vector_load %arg12[%get3A_114, %get3A_115] {strides = array<i32>} : memref<8x128xf32, #tpu.memory_space<vmem>>, vector<16xf32>,
          %add3A_117 = arith.addf %get3A_113, %get3A_116 : vector<16xf32>
          %swap3A_118 = arith.index_cast %add3A_62 : i32 to index
          %swap3A_119 = arith.constant 80 : index
          %swap3A_120 = tpu.vector_load %arg11[%swap3A_118, %swap3A_119] {strides = array<i32>} : memref<8x128xf32, #tpu.memory_space<vmem>>, vector<16xf32>,
          tpu.vector_store %arg11[%swap3A_118, %swap3A_119], %add3A_117 {strides = array<i32>} : memref<8x128xf32, #tpu.memory_space<vmem>>, vector<16xf32>,
          %get3A_121 = arith.index_cast %add3A_62 : i32 to index
          %get3A_122 = arith.constant 96 : index
          %get3A_123 = tpu.vector_load %arg11[%get3A_121, %get3A_122] {strides = array<i32>} : memref<8x128xf32, #tpu.memory_space<vmem>>, vector<16xf32>,
          %get3A_124 = arith.index_cast %add3A_62 : i32 to index
          %get3A_125 = arith.constant 96 : index
          %get3A_126 = tpu.vector_load %arg12[%get3A_124, %get3A_125] {strides = array<i32>} : memref<8x128xf32, #tpu.memory_space<vmem>>, vector<16xf32>,
          %add3A_127 = arith.addf %get3A_123, %get3A_126 : vector<16xf32>
          %swap3A_128 = arith.index_cast %add3A_62 : i32 to index
          %swap3A_129 = arith.constant 96 : index
          %swap3A_130 = tpu.vector_load %arg11[%swap3A_128, %swap3A_129] {strides = array<i32>} : memref<8x128xf32, #tpu.memory_space<vmem>>, vector<16xf32>,
          tpu.vector_store %arg11[%swap3A_128, %swap3A_129], %add3A_127 {strides = array<i32>} : memref<8x128xf32, #tpu.memory_space<vmem>>, vector<16xf32>,
          %get3A_131 = arith.index_cast %add3A_62 : i32 to index
          %get3A_132 = arith.constant 112 : index
          %get3A_133 = tpu.vector_load %arg11[%get3A_131, %get3A_132] {strides = array<i32>} : memref<8x128xf32, #tpu.memory_space<vmem>>, vector<16xf32>,
          %get3A_134 = arith.index_cast %add3A_62 : i32 to index
          %get3A_135 = arith.constant 112 : index
          %get3A_136 = tpu.vector_load %arg12[%get3A_134, %get3A_135] {strides = array<i32>} : memref<8x128xf32, #tpu.memory_space<vmem>>, vector<16xf32>,
          %add3A_137 = arith.addf %get3A_133, %get3A_136 : vector<16xf32>
          %swap3A_138 = arith.index_cast %add3A_62 : i32 to index
          %swap3A_139 = arith.constant 112 : index
          %swap3A_140 = tpu.vector_load %arg11[%swap3A_138, %swap3A_139] {strides = array<i32>} : memref<8x128xf32, #tpu.memory_space<vmem>>, vector<16xf32>,
          tpu.vector_store %arg11[%swap3A_138, %swap3A_139], %add3A_137 {strides = array<i32>} : memref<8x128xf32, #tpu.memory_space<vmem>>, vector<16xf32>,
        }
        %scan3A_57 = arith.constant 8 : i32
      }
      %scan3A_43 = arith.constant 16 : i32
      %mul3A_44 = arith.constant 8 : i32
      %mul3A_45 = arith.muli %arg0, %mul3A_44 : i32
      "tpu.region"() ({
        %run_scoped3A = tpu.sem_alloc : memref<!tpu.dma_semaphore, #tpu.memory_space<semaphore_mem>>
        %dma_start3A_46 = arith.constant 0 : i32
        %dma_start3A_47 = tpu.memref_slice %arg6[%mul3A_45, %dma_start3A_46] : memref<16x128xf32, #tpu.memory_space<hbm>> -> memref<8x128xf32, #tpu.memory_space<hbm>>
        %dma_start3A_48 = arith.constant 0 : i32
        %dma_start3A_49 = tpu.memref_slice %arg6[%mul3A_45, %dma_start3A_48] : memref<16x128xf32, #tpu.memory_space<hbm>> -> memref<8x128xf32, #tpu.memory_space<hbm>>
        tpu.enqueue_dma source(%arg11 : memref<8x128xf32, #tpu.memory_space<vmem>>) target(%dma_start3A_49 : memref<8x128xf32, #tpu.memory_space<hbm>>) target_semaphore(%run_scoped3A : memref<!tpu.dma_semaphore, #tpu.memory_space<semaphore_mem>>)
        %dma_wait3A_50 = arith.constant 0 : i32
        %dma_wait3A_51 = tpu.memref_slice %arg6[%mul3A_45, %dma_wait3A_50] : memref<16x128xf32, #tpu.memory_space<hbm>> -> memref<8x128xf32, #tpu.memory_space<hbm>>
        %dma_wait3A_52 = arith.constant 0 : i32
        %dma_wait3A_53 = tpu.memref_slice %arg6[%mul3A_45, %dma_wait3A_52] : memref<16x128xf32, #tpu.memory_space<hbm>> -> memref<8x128xf32, #tpu.memory_space<hbm>>
        tpu.wait_dma2 semaphore(%run_scoped3A : memref<!tpu.dma_semaphore, #tpu.memory_space<semaphore_mem>>) src(%arg11 : memref<8x128xf32, #tpu.memory_space<vmem>>) dst(%dma_wait3A_53 : memref<8x128xf32, #tpu.memory_space<hbm>>)
        tpu.yield
      }) : () -> ()
    } else {
    }
    return
  }
}

#map = affine_map<(d0, d1) -> (0, 0)>
module attributes {stable_mosaic.version = 14 : i64} {
  func.func @body(%arg0: i32, %arg1: i32, %arg2: memref<10240x128xf32, #tpu.memory_space<hbm>>, %arg3: memref<5120x64xi32, #tpu.memory_space<hbm>>, %arg4: memref<5120x64xi32, #tpu.memory_space<hbm>>, %arg5: memref<640x128xf32, #tpu.memory_space<hbm>>, %arg6: memref<20480x128xf32, #tpu.memory_space<hbm>>, %arg7: memref<32x64xi32, #tpu.memory_space<vmem>>, %arg8: memref<32x64xi32, #tpu.memory_space<vmem>>, %arg9: memref<64x128xf32, #tpu.memory_space<vmem>>, %arg10: memref<64x128xf32, #tpu.memory_space<vmem>>, %arg11: memref<64x128xf32, #tpu.memory_space<vmem>>, %arg12: memref<64x128xf32, #tpu.memory_space<vmem>>, %arg13: memref<10240x128xf32, #tpu.memory_space<vmem_shared>>, %arg14: memref<!tpu.dma_semaphore, #tpu.memory_space<semaphore_mem>>, %arg15: memref<!tpu.dma_semaphore, #tpu.memory_space<semaphore_mem>>, %arg16: memref<!tpu.dma_semaphore, #tpu.memory_space<semaphore_mem>>, %arg17: memref<!tpu.dma_semaphore, #tpu.memory_space<semaphore_mem>>) attributes {dimension_semantics = [#tpu.dimension_semantics<core_parallel>, #tpu.dimension_semantics<subcore_parallel>], iteration_bounds = array<i64: 2, 16>, scalar_prefetch = 0 : i64, scratch_operands = 11 : i64, tpu.core_type = #tpu.core_type<sc_vector_subcore>, window_params = [{transform_indices = #map}, {transform_indices = #map}, {transform_indices = #map}, {transform_indices = #map}, {transform_indices = #map}]} {
    %mul3A = arith.constant 16 : i32
    %mul3A_0 = arith.muli %arg0, %mul3A : i32
    %add3A = arith.addi %mul3A_0, %arg1 : i32
    %mul3A_1 = arith.constant 640 : i32
    %mul3A_2 = arith.muli %arg1, %mul3A_1 : i32
    "tpu.region"() ({
      %run_scoped3A = tpu.sem_alloc : memref<!tpu.dma_semaphore, #tpu.memory_space<semaphore_mem>>
      %dma_start3A = arith.constant 0 : i32
      %dma_start3A_15 = tpu.memref_slice %arg13[%mul3A_2, %dma_start3A] : memref<10240x128xf32, #tpu.memory_space<vmem_shared>> -> memref<640x128xf32, #tpu.memory_space<vmem_shared>>
      tpu.enqueue_dma source(%arg5 : memref<640x128xf32, #tpu.memory_space<hbm>>) target(%dma_start3A_15 : memref<640x128xf32, #tpu.memory_space<vmem_shared>>) target_semaphore(%run_scoped3A : memref<!tpu.dma_semaphore, #tpu.memory_space<semaphore_mem>>)
      %dma_wait3A = arith.constant 0 : i32
      %dma_wait3A_16 = tpu.memref_slice %arg13[%mul3A_2, %dma_wait3A] : memref<10240x128xf32, #tpu.memory_space<vmem_shared>> -> memref<640x128xf32, #tpu.memory_space<vmem_shared>>
      tpu.wait_dma2 semaphore(%run_scoped3A : memref<!tpu.dma_semaphore, #tpu.memory_space<semaphore_mem>>) src(%arg5 : memref<640x128xf32, #tpu.memory_space<hbm>>) dst(%dma_wait3A_16 : memref<640x128xf32, #tpu.memory_space<vmem_shared>>)
      tpu.yield
    }) : () -> ()
    %barrier3A = arith.constant 0 : index
    tpu.barrier barrier_id(%barrier3A)
    %scan3A = arith.constant 0 : i32
    %scan3A_3 = arith.constant 5 : i32
    %scan3A_4 = arith.addi %scan3A, %scan3A_3 : i32
    %scan3A_5 = arith.constant 1 : i32
    scf.for %scan3A_15 = %scan3A to %scan3A_4 step %scan3A_5  : i32 {
      %mul3A_16 = arith.constant 1 : i32
      %mul3A_17 = arith.muli %scan3A_15, %mul3A_16 : i32
      %add3A_18 = arith.constant 0 : i32
      %add3A_19 = arith.addi %add3A_18, %mul3A_17 : i32
      %mul3A_20 = arith.constant 160 : i32
      %mul3A_21 = arith.muli %add3A, %mul3A_20 : i32
      %mul3A_22 = arith.constant 32 : i32
      %mul3A_23 = arith.muli %add3A_19, %mul3A_22 : i32
      %add3A_24 = arith.addi %mul3A_21, %mul3A_23 : i32
      %dma_start3A = arith.constant 0 : i32
      %dma_start3A_25 = tpu.memref_slice %arg3[%add3A_24, %dma_start3A] : memref<5120x64xi32, #tpu.memory_space<hbm>> -> memref<32x64xi32, #tpu.memory_space<hbm>>
      %dma_start3A_26 = arith.constant 0 : i32
      %dma_start3A_27 = tpu.memref_slice %arg3[%add3A_24, %dma_start3A_26] : memref<5120x64xi32, #tpu.memory_space<hbm>> -> memref<32x64xi32, #tpu.memory_space<hbm>>
      tpu.enqueue_dma source(%dma_start3A_27 : memref<32x64xi32, #tpu.memory_space<hbm>>) target(%arg7 : memref<32x64xi32, #tpu.memory_space<vmem>>) target_semaphore(%arg14 : memref<!tpu.dma_semaphore, #tpu.memory_space<semaphore_mem>>)
      %dma_wait3A = arith.constant 0 : i32
      %dma_wait3A_28 = tpu.memref_slice %arg3[%add3A_24, %dma_wait3A] : memref<5120x64xi32, #tpu.memory_space<hbm>> -> memref<32x64xi32, #tpu.memory_space<hbm>>
      %dma_wait3A_29 = arith.constant 0 : i32
      %dma_wait3A_30 = tpu.memref_slice %arg3[%add3A_24, %dma_wait3A_29] : memref<5120x64xi32, #tpu.memory_space<hbm>> -> memref<32x64xi32, #tpu.memory_space<hbm>>
      tpu.wait_dma2 semaphore(%arg14 : memref<!tpu.dma_semaphore, #tpu.memory_space<semaphore_mem>>) src(%dma_wait3A_30 : memref<32x64xi32, #tpu.memory_space<hbm>>) dst(%arg7 : memref<32x64xi32, #tpu.memory_space<vmem>>)
      %dma_start3A_31 = arith.constant 0 : i32
      %dma_start3A_32 = tpu.memref_slice %arg4[%add3A_24, %dma_start3A_31] : memref<5120x64xi32, #tpu.memory_space<hbm>> -> memref<32x64xi32, #tpu.memory_space<hbm>>
      %dma_start3A_33 = arith.constant 0 : i32
      %dma_start3A_34 = tpu.memref_slice %arg4[%add3A_24, %dma_start3A_33] : memref<5120x64xi32, #tpu.memory_space<hbm>> -> memref<32x64xi32, #tpu.memory_space<hbm>>
      tpu.enqueue_dma source(%dma_start3A_34 : memref<32x64xi32, #tpu.memory_space<hbm>>) target(%arg8 : memref<32x64xi32, #tpu.memory_space<vmem>>) target_semaphore(%arg14 : memref<!tpu.dma_semaphore, #tpu.memory_space<semaphore_mem>>)
      %dma_wait3A_35 = arith.constant 0 : i32
      %dma_wait3A_36 = tpu.memref_slice %arg4[%add3A_24, %dma_wait3A_35] : memref<5120x64xi32, #tpu.memory_space<hbm>> -> memref<32x64xi32, #tpu.memory_space<hbm>>
      %dma_wait3A_37 = arith.constant 0 : i32
      %dma_wait3A_38 = tpu.memref_slice %arg4[%add3A_24, %dma_wait3A_37] : memref<5120x64xi32, #tpu.memory_space<hbm>> -> memref<32x64xi32, #tpu.memory_space<hbm>>
      tpu.wait_dma2 semaphore(%arg14 : memref<!tpu.dma_semaphore, #tpu.memory_space<semaphore_mem>>) src(%dma_wait3A_38 : memref<32x64xi32, #tpu.memory_space<hbm>>) dst(%arg8 : memref<32x64xi32, #tpu.memory_space<vmem>>)
      %dma_start3A_39 = arith.constant 0 : i32
      %dma_start3A_40 = arith.constant 0 : i32
      %dma_start3A_41 = tpu.memref_slice %arg7[%dma_start3A_39, %dma_start3A_40] : memref<32x64xi32, #tpu.memory_space<vmem>> -> memref<1x64xi32, #tpu.memory_space<vmem>>
      %dma_start3A_42 = tpu.memref_squeeze %dma_start3A_41 : memref<1x64xi32, #tpu.memory_space<vmem>> -> memref<64xi32, #tpu.memory_space<vmem>>
      %dma_start3A_43 = arith.constant 0 : i32
      %dma_start3A_44 = arith.constant 0 : i32
      %dma_start3A_45 = tpu.memref_slice %arg2[%dma_start3A_43, %dma_start3A_44] : memref<10240x128xf32, #tpu.memory_space<hbm>> -> memref<10240x128xf32, #tpu.memory_space<hbm>>
      tpu.enqueue_indirect_dma source(%dma_start3A_45 : memref<10240x128xf32, #tpu.memory_space<hbm>>) target(%arg9 : memref<64x128xf32, #tpu.memory_space<vmem>>) offsets(%dma_start3A_42 : memref<64xi32, #tpu.memory_space<vmem>>) semaphore(%arg14 : memref<!tpu.dma_semaphore, #tpu.memory_space<semaphore_mem>>)
      %dma_start3A_46 = arith.constant 1 : i32
      %dma_start3A_47 = arith.constant 0 : i32
      %dma_start3A_48 = tpu.memref_slice %arg7[%dma_start3A_46, %dma_start3A_47] : memref<32x64xi32, #tpu.memory_space<vmem>> -> memref<1x64xi32, #tpu.memory_space<vmem>>
      %dma_start3A_49 = tpu.memref_squeeze %dma_start3A_48 : memref<1x64xi32, #tpu.memory_space<vmem>> -> memref<64xi32, #tpu.memory_space<vmem>>
      %dma_start3A_50 = arith.constant 0 : i32
      %dma_start3A_51 = arith.constant 0 : i32
      %dma_start3A_52 = tpu.memref_slice %arg2[%dma_start3A_50, %dma_start3A_51] : memref<10240x128xf32, #tpu.memory_space<hbm>> -> memref<10240x128xf32, #tpu.memory_space<hbm>>
      tpu.enqueue_indirect_dma source(%dma_start3A_52 : memref<10240x128xf32, #tpu.memory_space<hbm>>) target(%arg10 : memref<64x128xf32, #tpu.memory_space<vmem>>) offsets(%dma_start3A_49 : memref<64xi32, #tpu.memory_space<vmem>>) semaphore(%arg15 : memref<!tpu.dma_semaphore, #tpu.memory_space<semaphore_mem>>)
      %dma_start3A_53 = arith.constant 2 : i32
      %dma_start3A_54 = arith.constant 0 : i32
      %dma_start3A_55 = tpu.memref_slice %arg7[%dma_start3A_53, %dma_start3A_54] : memref<32x64xi32, #tpu.memory_space<vmem>> -> memref<1x64xi32, #tpu.memory_space<vmem>>
      %dma_start3A_56 = tpu.memref_squeeze %dma_start3A_55 : memref<1x64xi32, #tpu.memory_space<vmem>> -> memref<64xi32, #tpu.memory_space<vmem>>
      %dma_start3A_57 = arith.constant 0 : i32
      %dma_start3A_58 = arith.constant 0 : i32
      %dma_start3A_59 = tpu.memref_slice %arg2[%dma_start3A_57, %dma_start3A_58] : memref<10240x128xf32, #tpu.memory_space<hbm>> -> memref<10240x128xf32, #tpu.memory_space<hbm>>
      tpu.enqueue_indirect_dma source(%dma_start3A_59 : memref<10240x128xf32, #tpu.memory_space<hbm>>) target(%arg11 : memref<64x128xf32, #tpu.memory_space<vmem>>) offsets(%dma_start3A_56 : memref<64xi32, #tpu.memory_space<vmem>>) semaphore(%arg16 : memref<!tpu.dma_semaphore, #tpu.memory_space<semaphore_mem>>)
      %dma_start3A_60 = arith.constant 3 : i32
      %dma_start3A_61 = arith.constant 0 : i32
      %dma_start3A_62 = tpu.memref_slice %arg7[%dma_start3A_60, %dma_start3A_61] : memref<32x64xi32, #tpu.memory_space<vmem>> -> memref<1x64xi32, #tpu.memory_space<vmem>>
      %dma_start3A_63 = tpu.memref_squeeze %dma_start3A_62 : memref<1x64xi32, #tpu.memory_space<vmem>> -> memref<64xi32, #tpu.memory_space<vmem>>
      %dma_start3A_64 = arith.constant 0 : i32
      %dma_start3A_65 = arith.constant 0 : i32
      %dma_start3A_66 = tpu.memref_slice %arg2[%dma_start3A_64, %dma_start3A_65] : memref<10240x128xf32, #tpu.memory_space<hbm>> -> memref<10240x128xf32, #tpu.memory_space<hbm>>
      tpu.enqueue_indirect_dma source(%dma_start3A_66 : memref<10240x128xf32, #tpu.memory_space<hbm>>) target(%arg12 : memref<64x128xf32, #tpu.memory_space<vmem>>) offsets(%dma_start3A_63 : memref<64xi32, #tpu.memory_space<vmem>>) semaphore(%arg17 : memref<!tpu.dma_semaphore, #tpu.memory_space<semaphore_mem>>)
      %scan3A_67 = arith.constant 0 : i32
      %scan3A_68 = arith.constant 8 : i32
      %scan3A_69 = arith.addi %scan3A_67, %scan3A_68 : i32
      %scan3A_70 = arith.constant 1 : i32
      scf.for %scan3A_72 = %scan3A_67 to %scan3A_69 step %scan3A_70  : i32 {
        %mul3A_73 = arith.constant 1 : i32
        %mul3A_74 = arith.muli %scan3A_72, %mul3A_73 : i32
        %add3A_75 = arith.constant 0 : i32
        %add3A_76 = arith.addi %add3A_75, %mul3A_74 : i32
        %mul3A_77 = arith.constant 4 : i32
        %mul3A_78 = arith.muli %add3A_76, %mul3A_77 : i32
        %add3A_79 = arith.constant 0 : i32
        %add3A_80 = arith.addi %mul3A_78, %add3A_79 : i32
        %dma_wait3A_81 = arith.constant 0 : i32
        %dma_wait3A_82 = arith.constant 0 : i32
        %dma_wait3A_83 = tpu.memref_slice %arg7[%dma_wait3A_81, %dma_wait3A_82] : memref<32x64xi32, #tpu.memory_space<vmem>> -> memref<1x64xi32, #tpu.memory_space<vmem>>
        %dma_wait3A_84 = tpu.memref_squeeze %dma_wait3A_83 : memref<1x64xi32, #tpu.memory_space<vmem>> -> memref<64xi32, #tpu.memory_space<vmem>>
        %dma_wait3A_85 = arith.constant 0 : i32
        %dma_wait3A_86 = arith.constant 0 : i32
        %dma_wait3A_87 = tpu.memref_slice %arg2[%dma_wait3A_85, %dma_wait3A_86] : memref<10240x128xf32, #tpu.memory_space<hbm>> -> memref<10240x128xf32, #tpu.memory_space<hbm>>
        tpu.wait_indirect_dma semaphore(%arg14 : memref<!tpu.dma_semaphore, #tpu.memory_space<semaphore_mem>>) src(%dma_wait3A_87 : memref<10240x128xf32, #tpu.memory_space<hbm>>) dst(%arg9 : memref<64x128xf32, #tpu.memory_space<vmem>>)
        "tpu.region"() ({
          %run_scoped3A = tpu.sem_alloc : memref<!tpu.dma_semaphore, #tpu.memory_space<semaphore_mem>>
          %dma_start3A_146 = arith.constant 0 : i32
          %dma_start3A_147 = tpu.memref_slice %arg8[%add3A_80, %dma_start3A_146] : memref<32x64xi32, #tpu.memory_space<vmem>> -> memref<1x64xi32, #tpu.memory_space<vmem>>
          %dma_start3A_148 = tpu.memref_squeeze %dma_start3A_147 : memref<1x64xi32, #tpu.memory_space<vmem>> -> memref<64xi32, #tpu.memory_space<vmem>>
          %dma_start3A_149 = arith.constant 0 : i32
          %dma_start3A_150 = arith.constant 0 : i32
          %dma_start3A_151 = tpu.memref_slice %arg13[%dma_start3A_149, %dma_start3A_150] : memref<10240x128xf32, #tpu.memory_space<vmem_shared>> -> memref<10240x128xf32, #tpu.memory_space<vmem_shared>>
          tpu.enqueue_indirect_dma source(%arg9 : memref<64x128xf32, #tpu.memory_space<vmem>>) target(%dma_start3A_151 : memref<10240x128xf32, #tpu.memory_space<vmem_shared>>) offsets(%dma_start3A_148 : memref<64xi32, #tpu.memory_space<vmem>>) semaphore(%run_scoped3A : memref<!tpu.dma_semaphore, #tpu.memory_space<semaphore_mem>>) {add = true}
          %dma_wait3A_152 = arith.constant 0 : i32
          %dma_wait3A_153 = tpu.memref_slice %arg8[%add3A_80, %dma_wait3A_152] : memref<32x64xi32, #tpu.memory_space<vmem>> -> memref<1x64xi32, #tpu.memory_space<vmem>>
          %dma_wait3A_154 = tpu.memref_squeeze %dma_wait3A_153 : memref<1x64xi32, #tpu.memory_space<vmem>> -> memref<64xi32, #tpu.memory_space<vmem>>
          %dma_wait3A_155 = arith.constant 0 : i32
          %dma_wait3A_156 = arith.constant 0 : i32
          %dma_wait3A_157 = tpu.memref_slice %arg13[%dma_wait3A_155, %dma_wait3A_156] : memref<10240x128xf32, #tpu.memory_space<vmem_shared>> -> memref<10240x128xf32, #tpu.memory_space<vmem_shared>>
          tpu.wait_indirect_dma semaphore(%run_scoped3A : memref<!tpu.dma_semaphore, #tpu.memory_space<semaphore_mem>>) src(%arg9 : memref<64x128xf32, #tpu.memory_space<vmem>>) dst(%dma_wait3A_157 : memref<10240x128xf32, #tpu.memory_space<vmem_shared>>)
          tpu.yield
        }) : () -> ()
        %add3A_88 = arith.constant 4 : i32
        %add3A_89 = arith.addi %add3A_80, %add3A_88 : i32
        %lt3A = arith.constant 32 : i32
        %lt3A_90 = arith.cmpi slt, %add3A_89, %lt3A : i32
        %convert_element_type3A = arith.extui %lt3A_90 : i1 to i32
        %cond3A = arith.constant 0 : i32
        %cond3A_91 = arith.cmpi ne, %convert_element_type3A, %cond3A : i32
        scf.if %cond3A_91 {
          %add3A_146 = arith.constant 4 : i32
          %add3A_147 = arith.addi %add3A_80, %add3A_146 : i32
          %dma_start3A_148 = arith.constant 0 : i32
          %dma_start3A_149 = tpu.memref_slice %arg7[%add3A_147, %dma_start3A_148] : memref<32x64xi32, #tpu.memory_space<vmem>> -> memref<1x64xi32, #tpu.memory_space<vmem>>
          %dma_start3A_150 = tpu.memref_squeeze %dma_start3A_149 : memref<1x64xi32, #tpu.memory_space<vmem>> -> memref<64xi32, #tpu.memory_space<vmem>>
          %dma_start3A_151 = arith.constant 0 : i32
          %dma_start3A_152 = arith.constant 0 : i32
          %dma_start3A_153 = tpu.memref_slice %arg2[%dma_start3A_151, %dma_start3A_152] : memref<10240x128xf32, #tpu.memory_space<hbm>> -> memref<10240x128xf32, #tpu.memory_space<hbm>>
          tpu.enqueue_indirect_dma source(%dma_start3A_153 : memref<10240x128xf32, #tpu.memory_space<hbm>>) target(%arg9 : memref<64x128xf32, #tpu.memory_space<vmem>>) offsets(%dma_start3A_150 : memref<64xi32, #tpu.memory_space<vmem>>) semaphore(%arg14 : memref<!tpu.dma_semaphore, #tpu.memory_space<semaphore_mem>>)
        } else {
        }
        %mul3A_92 = arith.constant 4 : i32
        %mul3A_93 = arith.muli %add3A_76, %mul3A_92 : i32
        %add3A_94 = arith.constant 1 : i32
        %add3A_95 = arith.addi %mul3A_93, %add3A_94 : i32
        %dma_wait3A_96 = arith.constant 0 : i32
        %dma_wait3A_97 = arith.constant 0 : i32
        %dma_wait3A_98 = tpu.memref_slice %arg7[%dma_wait3A_96, %dma_wait3A_97] : memref<32x64xi32, #tpu.memory_space<vmem>> -> memref<1x64xi32, #tpu.memory_space<vmem>>
        %dma_wait3A_99 = tpu.memref_squeeze %dma_wait3A_98 : memref<1x64xi32, #tpu.memory_space<vmem>> -> memref<64xi32, #tpu.memory_space<vmem>>
        %dma_wait3A_100 = arith.constant 0 : i32
        %dma_wait3A_101 = arith.constant 0 : i32
        %dma_wait3A_102 = tpu.memref_slice %arg2[%dma_wait3A_100, %dma_wait3A_101] : memref<10240x128xf32, #tpu.memory_space<hbm>> -> memref<10240x128xf32, #tpu.memory_space<hbm>>
        tpu.wait_indirect_dma semaphore(%arg15 : memref<!tpu.dma_semaphore, #tpu.memory_space<semaphore_mem>>) src(%dma_wait3A_102 : memref<10240x128xf32, #tpu.memory_space<hbm>>) dst(%arg10 : memref<64x128xf32, #tpu.memory_space<vmem>>)
        "tpu.region"() ({
          %run_scoped3A = tpu.sem_alloc : memref<!tpu.dma_semaphore, #tpu.memory_space<semaphore_mem>>
          %dma_start3A_146 = arith.constant 0 : i32
          %dma_start3A_147 = tpu.memref_slice %arg8[%add3A_95, %dma_start3A_146] : memref<32x64xi32, #tpu.memory_space<vmem>> -> memref<1x64xi32, #tpu.memory_space<vmem>>
          %dma_start3A_148 = tpu.memref_squeeze %dma_start3A_147 : memref<1x64xi32, #tpu.memory_space<vmem>> -> memref<64xi32, #tpu.memory_space<vmem>>
          %dma_start3A_149 = arith.constant 0 : i32
          %dma_start3A_150 = arith.constant 0 : i32
          %dma_start3A_151 = tpu.memref_slice %arg13[%dma_start3A_149, %dma_start3A_150] : memref<10240x128xf32, #tpu.memory_space<vmem_shared>> -> memref<10240x128xf32, #tpu.memory_space<vmem_shared>>
          tpu.enqueue_indirect_dma source(%arg10 : memref<64x128xf32, #tpu.memory_space<vmem>>) target(%dma_start3A_151 : memref<10240x128xf32, #tpu.memory_space<vmem_shared>>) offsets(%dma_start3A_148 : memref<64xi32, #tpu.memory_space<vmem>>) semaphore(%run_scoped3A : memref<!tpu.dma_semaphore, #tpu.memory_space<semaphore_mem>>) {add = true}
          %dma_wait3A_152 = arith.constant 0 : i32
          %dma_wait3A_153 = tpu.memref_slice %arg8[%add3A_95, %dma_wait3A_152] : memref<32x64xi32, #tpu.memory_space<vmem>> -> memref<1x64xi32, #tpu.memory_space<vmem>>
          %dma_wait3A_154 = tpu.memref_squeeze %dma_wait3A_153 : memref<1x64xi32, #tpu.memory_space<vmem>> -> memref<64xi32, #tpu.memory_space<vmem>>
          %dma_wait3A_155 = arith.constant 0 : i32
          %dma_wait3A_156 = arith.constant 0 : i32
          %dma_wait3A_157 = tpu.memref_slice %arg13[%dma_wait3A_155, %dma_wait3A_156] : memref<10240x128xf32, #tpu.memory_space<vmem_shared>> -> memref<10240x128xf32, #tpu.memory_space<vmem_shared>>
          tpu.wait_indirect_dma semaphore(%run_scoped3A : memref<!tpu.dma_semaphore, #tpu.memory_space<semaphore_mem>>) src(%arg10 : memref<64x128xf32, #tpu.memory_space<vmem>>) dst(%dma_wait3A_157 : memref<10240x128xf32, #tpu.memory_space<vmem_shared>>)
          tpu.yield
        }) : () -> ()
        %add3A_103 = arith.constant 4 : i32
        %add3A_104 = arith.addi %add3A_95, %add3A_103 : i32
        %lt3A_105 = arith.constant 32 : i32
        %lt3A_106 = arith.cmpi slt, %add3A_104, %lt3A_105 : i32
        %convert_element_type3A_107 = arith.extui %lt3A_106 : i1 to i32
        %cond3A_108 = arith.constant 0 : i32
        %cond3A_109 = arith.cmpi ne, %convert_element_type3A_107, %cond3A_108 : i32
        scf.if %cond3A_109 {
          %add3A_146 = arith.constant 4 : i32
          %add3A_147 = arith.addi %add3A_95, %add3A_146 : i32
          %dma_start3A_148 = arith.constant 0 : i32
          %dma_start3A_149 = tpu.memref_slice %arg7[%add3A_147, %dma_start3A_148] : memref<32x64xi32, #tpu.memory_space<vmem>> -> memref<1x64xi32, #tpu.memory_space<vmem>>
          %dma_start3A_150 = tpu.memref_squeeze %dma_start3A_149 : memref<1x64xi32, #tpu.memory_space<vmem>> -> memref<64xi32, #tpu.memory_space<vmem>>
          %dma_start3A_151 = arith.constant 0 : i32
          %dma_start3A_152 = arith.constant 0 : i32
          %dma_start3A_153 = tpu.memref_slice %arg2[%dma_start3A_151, %dma_start3A_152] : memref<10240x128xf32, #tpu.memory_space<hbm>> -> memref<10240x128xf32, #tpu.memory_space<hbm>>
          tpu.enqueue_indirect_dma source(%dma_start3A_153 : memref<10240x128xf32, #tpu.memory_space<hbm>>) target(%arg10 : memref<64x128xf32, #tpu.memory_space<vmem>>) offsets(%dma_start3A_150 : memref<64xi32, #tpu.memory_space<vmem>>) semaphore(%arg15 : memref<!tpu.dma_semaphore, #tpu.memory_space<semaphore_mem>>)
        } else {
        }
        %mul3A_110 = arith.constant 4 : i32
        %mul3A_111 = arith.muli %add3A_76, %mul3A_110 : i32
        %add3A_112 = arith.constant 2 : i32
        %add3A_113 = arith.addi %mul3A_111, %add3A_112 : i32
        %dma_wait3A_114 = arith.constant 0 : i32
        %dma_wait3A_115 = arith.constant 0 : i32
        %dma_wait3A_116 = tpu.memref_slice %arg7[%dma_wait3A_114, %dma_wait3A_115] : memref<32x64xi32, #tpu.memory_space<vmem>> -> memref<1x64xi32, #tpu.memory_space<vmem>>
        %dma_wait3A_117 = tpu.memref_squeeze %dma_wait3A_116 : memref<1x64xi32, #tpu.memory_space<vmem>> -> memref<64xi32, #tpu.memory_space<vmem>>
        %dma_wait3A_118 = arith.constant 0 : i32
        %dma_wait3A_119 = arith.constant 0 : i32
        %dma_wait3A_120 = tpu.memref_slice %arg2[%dma_wait3A_118, %dma_wait3A_119] : memref<10240x128xf32, #tpu.memory_space<hbm>> -> memref<10240x128xf32, #tpu.memory_space<hbm>>
        tpu.wait_indirect_dma semaphore(%arg16 : memref<!tpu.dma_semaphore, #tpu.memory_space<semaphore_mem>>) src(%dma_wait3A_120 : memref<10240x128xf32, #tpu.memory_space<hbm>>) dst(%arg11 : memref<64x128xf32, #tpu.memory_space<vmem>>)
        "tpu.region"() ({
          %run_scoped3A = tpu.sem_alloc : memref<!tpu.dma_semaphore, #tpu.memory_space<semaphore_mem>>
          %dma_start3A_146 = arith.constant 0 : i32
          %dma_start3A_147 = tpu.memref_slice %arg8[%add3A_113, %dma_start3A_146] : memref<32x64xi32, #tpu.memory_space<vmem>> -> memref<1x64xi32, #tpu.memory_space<vmem>>
          %dma_start3A_148 = tpu.memref_squeeze %dma_start3A_147 : memref<1x64xi32, #tpu.memory_space<vmem>> -> memref<64xi32, #tpu.memory_space<vmem>>
          %dma_start3A_149 = arith.constant 0 : i32
          %dma_start3A_150 = arith.constant 0 : i32
          %dma_start3A_151 = tpu.memref_slice %arg13[%dma_start3A_149, %dma_start3A_150] : memref<10240x128xf32, #tpu.memory_space<vmem_shared>> -> memref<10240x128xf32, #tpu.memory_space<vmem_shared>>
          tpu.enqueue_indirect_dma source(%arg11 : memref<64x128xf32, #tpu.memory_space<vmem>>) target(%dma_start3A_151 : memref<10240x128xf32, #tpu.memory_space<vmem_shared>>) offsets(%dma_start3A_148 : memref<64xi32, #tpu.memory_space<vmem>>) semaphore(%run_scoped3A : memref<!tpu.dma_semaphore, #tpu.memory_space<semaphore_mem>>) {add = true}
          %dma_wait3A_152 = arith.constant 0 : i32
          %dma_wait3A_153 = tpu.memref_slice %arg8[%add3A_113, %dma_wait3A_152] : memref<32x64xi32, #tpu.memory_space<vmem>> -> memref<1x64xi32, #tpu.memory_space<vmem>>
          %dma_wait3A_154 = tpu.memref_squeeze %dma_wait3A_153 : memref<1x64xi32, #tpu.memory_space<vmem>> -> memref<64xi32, #tpu.memory_space<vmem>>
          %dma_wait3A_155 = arith.constant 0 : i32
          %dma_wait3A_156 = arith.constant 0 : i32
          %dma_wait3A_157 = tpu.memref_slice %arg13[%dma_wait3A_155, %dma_wait3A_156] : memref<10240x128xf32, #tpu.memory_space<vmem_shared>> -> memref<10240x128xf32, #tpu.memory_space<vmem_shared>>
          tpu.wait_indirect_dma semaphore(%run_scoped3A : memref<!tpu.dma_semaphore, #tpu.memory_space<semaphore_mem>>) src(%arg11 : memref<64x128xf32, #tpu.memory_space<vmem>>) dst(%dma_wait3A_157 : memref<10240x128xf32, #tpu.memory_space<vmem_shared>>)
          tpu.yield
        }) : () -> ()
        %add3A_121 = arith.constant 4 : i32
        %add3A_122 = arith.addi %add3A_113, %add3A_121 : i32
        %lt3A_123 = arith.constant 32 : i32
        %lt3A_124 = arith.cmpi slt, %add3A_122, %lt3A_123 : i32
        %convert_element_type3A_125 = arith.extui %lt3A_124 : i1 to i32
        %cond3A_126 = arith.constant 0 : i32
        %cond3A_127 = arith.cmpi ne, %convert_element_type3A_125, %cond3A_126 : i32
        scf.if %cond3A_127 {
          %add3A_146 = arith.constant 4 : i32
          %add3A_147 = arith.addi %add3A_113, %add3A_146 : i32
          %dma_start3A_148 = arith.constant 0 : i32
          %dma_start3A_149 = tpu.memref_slice %arg7[%add3A_147, %dma_start3A_148] : memref<32x64xi32, #tpu.memory_space<vmem>> -> memref<1x64xi32, #tpu.memory_space<vmem>>
          %dma_start3A_150 = tpu.memref_squeeze %dma_start3A_149 : memref<1x64xi32, #tpu.memory_space<vmem>> -> memref<64xi32, #tpu.memory_space<vmem>>
          %dma_start3A_151 = arith.constant 0 : i32
          %dma_start3A_152 = arith.constant 0 : i32
          %dma_start3A_153 = tpu.memref_slice %arg2[%dma_start3A_151, %dma_start3A_152] : memref<10240x128xf32, #tpu.memory_space<hbm>> -> memref<10240x128xf32, #tpu.memory_space<hbm>>
          tpu.enqueue_indirect_dma source(%dma_start3A_153 : memref<10240x128xf32, #tpu.memory_space<hbm>>) target(%arg11 : memref<64x128xf32, #tpu.memory_space<vmem>>) offsets(%dma_start3A_150 : memref<64xi32, #tpu.memory_space<vmem>>) semaphore(%arg16 : memref<!tpu.dma_semaphore, #tpu.memory_space<semaphore_mem>>)
        } else {
        }
        %mul3A_128 = arith.constant 4 : i32
        %mul3A_129 = arith.muli %add3A_76, %mul3A_128 : i32
        %add3A_130 = arith.constant 3 : i32
        %add3A_131 = arith.addi %mul3A_129, %add3A_130 : i32
        %dma_wait3A_132 = arith.constant 0 : i32
        %dma_wait3A_133 = arith.constant 0 : i32
        %dma_wait3A_134 = tpu.memref_slice %arg7[%dma_wait3A_132, %dma_wait3A_133] : memref<32x64xi32, #tpu.memory_space<vmem>> -> memref<1x64xi32, #tpu.memory_space<vmem>>
        %dma_wait3A_135 = tpu.memref_squeeze %dma_wait3A_134 : memref<1x64xi32, #tpu.memory_space<vmem>> -> memref<64xi32, #tpu.memory_space<vmem>>
        %dma_wait3A_136 = arith.constant 0 : i32
        %dma_wait3A_137 = arith.constant 0 : i32
        %dma_wait3A_138 = tpu.memref_slice %arg2[%dma_wait3A_136, %dma_wait3A_137] : memref<10240x128xf32, #tpu.memory_space<hbm>> -> memref<10240x128xf32, #tpu.memory_space<hbm>>
        tpu.wait_indirect_dma semaphore(%arg17 : memref<!tpu.dma_semaphore, #tpu.memory_space<semaphore_mem>>) src(%dma_wait3A_138 : memref<10240x128xf32, #tpu.memory_space<hbm>>) dst(%arg12 : memref<64x128xf32, #tpu.memory_space<vmem>>)
        "tpu.region"() ({
          %run_scoped3A = tpu.sem_alloc : memref<!tpu.dma_semaphore, #tpu.memory_space<semaphore_mem>>
          %dma_start3A_146 = arith.constant 0 : i32
          %dma_start3A_147 = tpu.memref_slice %arg8[%add3A_131, %dma_start3A_146] : memref<32x64xi32, #tpu.memory_space<vmem>> -> memref<1x64xi32, #tpu.memory_space<vmem>>
          %dma_start3A_148 = tpu.memref_squeeze %dma_start3A_147 : memref<1x64xi32, #tpu.memory_space<vmem>> -> memref<64xi32, #tpu.memory_space<vmem>>
          %dma_start3A_149 = arith.constant 0 : i32
          %dma_start3A_150 = arith.constant 0 : i32
          %dma_start3A_151 = tpu.memref_slice %arg13[%dma_start3A_149, %dma_start3A_150] : memref<10240x128xf32, #tpu.memory_space<vmem_shared>> -> memref<10240x128xf32, #tpu.memory_space<vmem_shared>>
          tpu.enqueue_indirect_dma source(%arg12 : memref<64x128xf32, #tpu.memory_space<vmem>>) target(%dma_start3A_151 : memref<10240x128xf32, #tpu.memory_space<vmem_shared>>) offsets(%dma_start3A_148 : memref<64xi32, #tpu.memory_space<vmem>>) semaphore(%run_scoped3A : memref<!tpu.dma_semaphore, #tpu.memory_space<semaphore_mem>>) {add = true}
          %dma_wait3A_152 = arith.constant 0 : i32
          %dma_wait3A_153 = tpu.memref_slice %arg8[%add3A_131, %dma_wait3A_152] : memref<32x64xi32, #tpu.memory_space<vmem>> -> memref<1x64xi32, #tpu.memory_space<vmem>>
          %dma_wait3A_154 = tpu.memref_squeeze %dma_wait3A_153 : memref<1x64xi32, #tpu.memory_space<vmem>> -> memref<64xi32, #tpu.memory_space<vmem>>
          %dma_wait3A_155 = arith.constant 0 : i32
          %dma_wait3A_156 = arith.constant 0 : i32
          %dma_wait3A_157 = tpu.memref_slice %arg13[%dma_wait3A_155, %dma_wait3A_156] : memref<10240x128xf32, #tpu.memory_space<vmem_shared>> -> memref<10240x128xf32, #tpu.memory_space<vmem_shared>>
          tpu.wait_indirect_dma semaphore(%run_scoped3A : memref<!tpu.dma_semaphore, #tpu.memory_space<semaphore_mem>>) src(%arg12 : memref<64x128xf32, #tpu.memory_space<vmem>>) dst(%dma_wait3A_157 : memref<10240x128xf32, #tpu.memory_space<vmem_shared>>)
          tpu.yield
        }) : () -> ()
        %add3A_139 = arith.constant 4 : i32
        %add3A_140 = arith.addi %add3A_131, %add3A_139 : i32
        %lt3A_141 = arith.constant 32 : i32
        %lt3A_142 = arith.cmpi slt, %add3A_140, %lt3A_141 : i32
        %convert_element_type3A_143 = arith.extui %lt3A_142 : i1 to i32
        %cond3A_144 = arith.constant 0 : i32
        %cond3A_145 = arith.cmpi ne, %convert_element_type3A_143, %cond3A_144 : i32
        scf.if %cond3A_145 {
          %add3A_146 = arith.constant 4 : i32
          %add3A_147 = arith.addi %add3A_131, %add3A_146 : i32
          %dma_start3A_148 = arith.constant 0 : i32
          %dma_start3A_149 = tpu.memref_slice %arg7[%add3A_147, %dma_start3A_148] : memref<32x64xi32, #tpu.memory_space<vmem>> -> memref<1x64xi32, #tpu.memory_space<vmem>>
          %dma_start3A_150 = tpu.memref_squeeze %dma_start3A_149 : memref<1x64xi32, #tpu.memory_space<vmem>> -> memref<64xi32, #tpu.memory_space<vmem>>
          %dma_start3A_151 = arith.constant 0 : i32
          %dma_start3A_152 = arith.constant 0 : i32
          %dma_start3A_153 = tpu.memref_slice %arg2[%dma_start3A_151, %dma_start3A_152] : memref<10240x128xf32, #tpu.memory_space<hbm>> -> memref<10240x128xf32, #tpu.memory_space<hbm>>
          tpu.enqueue_indirect_dma source(%dma_start3A_153 : memref<10240x128xf32, #tpu.memory_space<hbm>>) target(%arg12 : memref<64x128xf32, #tpu.memory_space<vmem>>) offsets(%dma_start3A_150 : memref<64xi32, #tpu.memory_space<vmem>>) semaphore(%arg17 : memref<!tpu.dma_semaphore, #tpu.memory_space<semaphore_mem>>)
        } else {
        }
      }
      %scan3A_71 = arith.constant 8 : i32
    }
    %scan3A_6 = arith.constant 5 : i32
    %barrier3A_7 = arith.constant 0 : index
    tpu.barrier barrier_id(%barrier3A_7)
    %mul3A_8 = arith.constant 640 : i32
    %mul3A_9 = arith.muli %arg1, %mul3A_8 : i32
    %mul3A_10 = arith.constant 10240 : i32
    %mul3A_11 = arith.muli %arg0, %mul3A_10 : i32
    %mul3A_12 = arith.constant 640 : i32
    %mul3A_13 = arith.muli %arg1, %mul3A_12 : i32
    %add3A_14 = arith.addi %mul3A_11, %mul3A_13 : i32
    "tpu.region"() ({
      %run_scoped3A = tpu.sem_alloc : memref<!tpu.dma_semaphore, #tpu.memory_space<semaphore_mem>>
      %dma_start3A = arith.constant 0 : i32
      %dma_start3A_15 = tpu.memref_slice %arg6[%add3A_14, %dma_start3A] : memref<20480x128xf32, #tpu.memory_space<hbm>> -> memref<640x128xf32, #tpu.memory_space<hbm>>
      %dma_start3A_16 = arith.constant 0 : i32
      %dma_start3A_17 = tpu.memref_slice %arg13[%mul3A_9, %dma_start3A_16] : memref<10240x128xf32, #tpu.memory_space<vmem_shared>> -> memref<640x128xf32, #tpu.memory_space<vmem_shared>>
      tpu.enqueue_dma source(%dma_start3A_17 : memref<640x128xf32, #tpu.memory_space<vmem_shared>>) target(%dma_start3A_15 : memref<640x128xf32, #tpu.memory_space<hbm>>) target_semaphore(%run_scoped3A : memref<!tpu.dma_semaphore, #tpu.memory_space<semaphore_mem>>)
      %dma_wait3A = arith.constant 0 : i32
      %dma_wait3A_18 = tpu.memref_slice %arg6[%add3A_14, %dma_wait3A] : memref<20480x128xf32, #tpu.memory_space<hbm>> -> memref<640x128xf32, #tpu.memory_space<hbm>>
      %dma_wait3A_19 = arith.constant 0 : i32
      %dma_wait3A_20 = tpu.memref_slice %arg13[%mul3A_9, %dma_wait3A_19] : memref<10240x128xf32, #tpu.memory_space<vmem_shared>> -> memref<640x128xf32, #tpu.memory_space<vmem_shared>>
      tpu.wait_dma2 semaphore(%run_scoped3A : memref<!tpu.dma_semaphore, #tpu.memory_space<semaphore_mem>>) src(%dma_wait3A_20 : memref<640x128xf32, #tpu.memory_space<vmem_shared>>) dst(%dma_wait3A_18 : memref<640x128xf32, #tpu.memory_space<hbm>>)
      tpu.yield
    }) : () -> ()
    return
  }
}

#map = affine_map<(d0, d1) -> (0, 0)>
module attributes {stable_mosaic.version = 14 : i64} {
  func.func @body(%arg0: i32, %arg1: i32, %arg2: memref<10240x128xf32, #tpu.memory_space<hbm>>, %arg3: memref<5120x64xi32, #tpu.memory_space<hbm>>, %arg4: memref<5120x64xi32, #tpu.memory_space<hbm>>, %arg5: memref<640x128xf32, #tpu.memory_space<hbm>>, %arg6: memref<20480x128xf32, #tpu.memory_space<hbm>>, %arg7: memref<32x64xi32, #tpu.memory_space<vmem>>, %arg8: memref<32x64xi32, #tpu.memory_space<vmem>>, %arg9: memref<64x128xf32, #tpu.memory_space<vmem>>, %arg10: memref<64x128xf32, #tpu.memory_space<vmem>>, %arg11: memref<64x128xf32, #tpu.memory_space<vmem>>, %arg12: memref<64x128xf32, #tpu.memory_space<vmem>>, %arg13: memref<10240x128xf32, #tpu.memory_space<vmem_shared>>, %arg14: memref<!tpu.dma_semaphore, #tpu.memory_space<semaphore_mem>>, %arg15: memref<!tpu.dma_semaphore, #tpu.memory_space<semaphore_mem>>, %arg16: memref<!tpu.dma_semaphore, #tpu.memory_space<semaphore_mem>>, %arg17: memref<!tpu.dma_semaphore, #tpu.memory_space<semaphore_mem>>) attributes {dimension_semantics = [#tpu.dimension_semantics<core_parallel>, #tpu.dimension_semantics<subcore_parallel>], iteration_bounds = array<i64: 2, 16>, scalar_prefetch = 0 : i64, scratch_operands = 11 : i64, tpu.core_type = #tpu.core_type<sc_vector_subcore>, window_params = [{transform_indices = #map}, {transform_indices = #map}, {transform_indices = #map}, {transform_indices = #map}, {transform_indices = #map}]} {
    %mul3A = arith.constant 16 : i32
    %mul3A_0 = arith.muli %arg0, %mul3A : i32
    %add3A = arith.addi %mul3A_0, %arg1 : i32
    %mul3A_1 = arith.constant 640 : i32
    %mul3A_2 = arith.muli %arg1, %mul3A_1 : i32
    "tpu.region"() ({
      %run_scoped3A = tpu.sem_alloc : memref<!tpu.dma_semaphore, #tpu.memory_space<semaphore_mem>>
      %dma_start3A = arith.constant 0 : i32
      %dma_start3A_15 = tpu.memref_slice %arg13[%mul3A_2, %dma_start3A] : memref<10240x128xf32, #tpu.memory_space<vmem_shared>> -> memref<640x128xf32, #tpu.memory_space<vmem_shared>>
      tpu.enqueue_dma source(%arg5 : memref<640x128xf32, #tpu.memory_space<hbm>>) target(%dma_start3A_15 : memref<640x128xf32, #tpu.memory_space<vmem_shared>>) target_semaphore(%run_scoped3A : memref<!tpu.dma_semaphore, #tpu.memory_space<semaphore_mem>>)
      %dma_wait3A = arith.constant 0 : i32
      %dma_wait3A_16 = tpu.memref_slice %arg13[%mul3A_2, %dma_wait3A] : memref<10240x128xf32, #tpu.memory_space<vmem_shared>> -> memref<640x128xf32, #tpu.memory_space<vmem_shared>>
      tpu.wait_dma2 semaphore(%run_scoped3A : memref<!tpu.dma_semaphore, #tpu.memory_space<semaphore_mem>>) src(%arg5 : memref<640x128xf32, #tpu.memory_space<hbm>>) dst(%dma_wait3A_16 : memref<640x128xf32, #tpu.memory_space<vmem_shared>>)
      tpu.yield
    }) : () -> ()
    %barrier3A = arith.constant 0 : index
    tpu.barrier barrier_id(%barrier3A)
    %scan3A = arith.constant 0 : i32
    %scan3A_3 = arith.constant 5 : i32
    %scan3A_4 = arith.addi %scan3A, %scan3A_3 : i32
    %scan3A_5 = arith.constant 1 : i32
    scf.for %scan3A_15 = %scan3A to %scan3A_4 step %scan3A_5  : i32 {
      %mul3A_16 = arith.constant 1 : i32
      %mul3A_17 = arith.muli %scan3A_15, %mul3A_16 : i32
      %add3A_18 = arith.constant 0 : i32
      %add3A_19 = arith.addi %add3A_18, %mul3A_17 : i32
      %mul3A_20 = arith.constant 160 : i32
      %mul3A_21 = arith.muli %add3A, %mul3A_20 : i32
      %mul3A_22 = arith.constant 32 : i32
      %mul3A_23 = arith.muli %add3A_19, %mul3A_22 : i32
      %add3A_24 = arith.addi %mul3A_21, %mul3A_23 : i32
      %dma_start3A = arith.constant 0 : i32
      %dma_start3A_25 = tpu.memref_slice %arg3[%add3A_24, %dma_start3A] : memref<5120x64xi32, #tpu.memory_space<hbm>> -> memref<32x64xi32, #tpu.memory_space<hbm>>
      %dma_start3A_26 = arith.constant 0 : i32
      %dma_start3A_27 = tpu.memref_slice %arg3[%add3A_24, %dma_start3A_26] : memref<5120x64xi32, #tpu.memory_space<hbm>> -> memref<32x64xi32, #tpu.memory_space<hbm>>
      tpu.enqueue_dma source(%dma_start3A_27 : memref<32x64xi32, #tpu.memory_space<hbm>>) target(%arg7 : memref<32x64xi32, #tpu.memory_space<vmem>>) target_semaphore(%arg14 : memref<!tpu.dma_semaphore, #tpu.memory_space<semaphore_mem>>)
      %dma_wait3A = arith.constant 0 : i32
      %dma_wait3A_28 = tpu.memref_slice %arg3[%add3A_24, %dma_wait3A] : memref<5120x64xi32, #tpu.memory_space<hbm>> -> memref<32x64xi32, #tpu.memory_space<hbm>>
      %dma_wait3A_29 = arith.constant 0 : i32
      %dma_wait3A_30 = tpu.memref_slice %arg3[%add3A_24, %dma_wait3A_29] : memref<5120x64xi32, #tpu.memory_space<hbm>> -> memref<32x64xi32, #tpu.memory_space<hbm>>
      tpu.wait_dma2 semaphore(%arg14 : memref<!tpu.dma_semaphore, #tpu.memory_space<semaphore_mem>>) src(%dma_wait3A_30 : memref<32x64xi32, #tpu.memory_space<hbm>>) dst(%arg7 : memref<32x64xi32, #tpu.memory_space<vmem>>)
      %dma_start3A_31 = arith.constant 0 : i32
      %dma_start3A_32 = tpu.memref_slice %arg4[%add3A_24, %dma_start3A_31] : memref<5120x64xi32, #tpu.memory_space<hbm>> -> memref<32x64xi32, #tpu.memory_space<hbm>>
      %dma_start3A_33 = arith.constant 0 : i32
      %dma_start3A_34 = tpu.memref_slice %arg4[%add3A_24, %dma_start3A_33] : memref<5120x64xi32, #tpu.memory_space<hbm>> -> memref<32x64xi32, #tpu.memory_space<hbm>>
      tpu.enqueue_dma source(%dma_start3A_34 : memref<32x64xi32, #tpu.memory_space<hbm>>) target(%arg8 : memref<32x64xi32, #tpu.memory_space<vmem>>) target_semaphore(%arg14 : memref<!tpu.dma_semaphore, #tpu.memory_space<semaphore_mem>>)
      %dma_wait3A_35 = arith.constant 0 : i32
      %dma_wait3A_36 = tpu.memref_slice %arg4[%add3A_24, %dma_wait3A_35] : memref<5120x64xi32, #tpu.memory_space<hbm>> -> memref<32x64xi32, #tpu.memory_space<hbm>>
      %dma_wait3A_37 = arith.constant 0 : i32
      %dma_wait3A_38 = tpu.memref_slice %arg4[%add3A_24, %dma_wait3A_37] : memref<5120x64xi32, #tpu.memory_space<hbm>> -> memref<32x64xi32, #tpu.memory_space<hbm>>
      tpu.wait_dma2 semaphore(%arg14 : memref<!tpu.dma_semaphore, #tpu.memory_space<semaphore_mem>>) src(%dma_wait3A_38 : memref<32x64xi32, #tpu.memory_space<hbm>>) dst(%arg8 : memref<32x64xi32, #tpu.memory_space<vmem>>)
      %dma_start3A_39 = arith.constant 0 : i32
      %dma_start3A_40 = arith.constant 0 : i32
      %dma_start3A_41 = tpu.memref_slice %arg7[%dma_start3A_39, %dma_start3A_40] : memref<32x64xi32, #tpu.memory_space<vmem>> -> memref<1x64xi32, #tpu.memory_space<vmem>>
      %dma_start3A_42 = tpu.memref_squeeze %dma_start3A_41 : memref<1x64xi32, #tpu.memory_space<vmem>> -> memref<64xi32, #tpu.memory_space<vmem>>
      %dma_start3A_43 = arith.constant 0 : i32
      %dma_start3A_44 = arith.constant 0 : i32
      %dma_start3A_45 = tpu.memref_slice %arg2[%dma_start3A_43, %dma_start3A_44] : memref<10240x128xf32, #tpu.memory_space<hbm>> -> memref<10240x128xf32, #tpu.memory_space<hbm>>
      tpu.enqueue_indirect_dma source(%dma_start3A_45 : memref<10240x128xf32, #tpu.memory_space<hbm>>) target(%arg9 : memref<64x128xf32, #tpu.memory_space<vmem>>) offsets(%dma_start3A_42 : memref<64xi32, #tpu.memory_space<vmem>>) semaphore(%arg14 : memref<!tpu.dma_semaphore, #tpu.memory_space<semaphore_mem>>)
      %dma_start3A_46 = arith.constant 1 : i32
      %dma_start3A_47 = arith.constant 0 : i32
      %dma_start3A_48 = tpu.memref_slice %arg7[%dma_start3A_46, %dma_start3A_47] : memref<32x64xi32, #tpu.memory_space<vmem>> -> memref<1x64xi32, #tpu.memory_space<vmem>>
      %dma_start3A_49 = tpu.memref_squeeze %dma_start3A_48 : memref<1x64xi32, #tpu.memory_space<vmem>> -> memref<64xi32, #tpu.memory_space<vmem>>
      %dma_start3A_50 = arith.constant 0 : i32
      %dma_start3A_51 = arith.constant 0 : i32
      %dma_start3A_52 = tpu.memref_slice %arg2[%dma_start3A_50, %dma_start3A_51] : memref<10240x128xf32, #tpu.memory_space<hbm>> -> memref<10240x128xf32, #tpu.memory_space<hbm>>
      tpu.enqueue_indirect_dma source(%dma_start3A_52 : memref<10240x128xf32, #tpu.memory_space<hbm>>) target(%arg10 : memref<64x128xf32, #tpu.memory_space<vmem>>) offsets(%dma_start3A_49 : memref<64xi32, #tpu.memory_space<vmem>>) semaphore(%arg15 : memref<!tpu.dma_semaphore, #tpu.memory_space<semaphore_mem>>)
      %dma_start3A_53 = arith.constant 2 : i32
      %dma_start3A_54 = arith.constant 0 : i32
      %dma_start3A_55 = tpu.memref_slice %arg7[%dma_start3A_53, %dma_start3A_54] : memref<32x64xi32, #tpu.memory_space<vmem>> -> memref<1x64xi32, #tpu.memory_space<vmem>>
      %dma_start3A_56 = tpu.memref_squeeze %dma_start3A_55 : memref<1x64xi32, #tpu.memory_space<vmem>> -> memref<64xi32, #tpu.memory_space<vmem>>
      %dma_start3A_57 = arith.constant 0 : i32
      %dma_start3A_58 = arith.constant 0 : i32
      %dma_start3A_59 = tpu.memref_slice %arg2[%dma_start3A_57, %dma_start3A_58] : memref<10240x128xf32, #tpu.memory_space<hbm>> -> memref<10240x128xf32, #tpu.memory_space<hbm>>
      tpu.enqueue_indirect_dma source(%dma_start3A_59 : memref<10240x128xf32, #tpu.memory_space<hbm>>) target(%arg11 : memref<64x128xf32, #tpu.memory_space<vmem>>) offsets(%dma_start3A_56 : memref<64xi32, #tpu.memory_space<vmem>>) semaphore(%arg16 : memref<!tpu.dma_semaphore, #tpu.memory_space<semaphore_mem>>)
      %dma_start3A_60 = arith.constant 3 : i32
      %dma_start3A_61 = arith.constant 0 : i32
      %dma_start3A_62 = tpu.memref_slice %arg7[%dma_start3A_60, %dma_start3A_61] : memref<32x64xi32, #tpu.memory_space<vmem>> -> memref<1x64xi32, #tpu.memory_space<vmem>>
      %dma_start3A_63 = tpu.memref_squeeze %dma_start3A_62 : memref<1x64xi32, #tpu.memory_space<vmem>> -> memref<64xi32, #tpu.memory_space<vmem>>
      %dma_start3A_64 = arith.constant 0 : i32
      %dma_start3A_65 = arith.constant 0 : i32
      %dma_start3A_66 = tpu.memref_slice %arg2[%dma_start3A_64, %dma_start3A_65] : memref<10240x128xf32, #tpu.memory_space<hbm>> -> memref<10240x128xf32, #tpu.memory_space<hbm>>
      tpu.enqueue_indirect_dma source(%dma_start3A_66 : memref<10240x128xf32, #tpu.memory_space<hbm>>) target(%arg12 : memref<64x128xf32, #tpu.memory_space<vmem>>) offsets(%dma_start3A_63 : memref<64xi32, #tpu.memory_space<vmem>>) semaphore(%arg17 : memref<!tpu.dma_semaphore, #tpu.memory_space<semaphore_mem>>)
      %scan3A_67 = arith.constant 0 : i32
      %scan3A_68 = arith.constant 8 : i32
      %scan3A_69 = arith.addi %scan3A_67, %scan3A_68 : i32
      %scan3A_70 = arith.constant 1 : i32
      scf.for %scan3A_72 = %scan3A_67 to %scan3A_69 step %scan3A_70  : i32 {
        %mul3A_73 = arith.constant 1 : i32
        %mul3A_74 = arith.muli %scan3A_72, %mul3A_73 : i32
        %add3A_75 = arith.constant 0 : i32
        %add3A_76 = arith.addi %add3A_75, %mul3A_74 : i32
        %mul3A_77 = arith.constant 4 : i32
        %mul3A_78 = arith.muli %add3A_76, %mul3A_77 : i32
        %add3A_79 = arith.constant 0 : i32
        %add3A_80 = arith.addi %mul3A_78, %add3A_79 : i32
        %dma_wait3A_81 = arith.constant 0 : i32
        %dma_wait3A_82 = arith.constant 0 : i32
        %dma_wait3A_83 = tpu.memref_slice %arg7[%dma_wait3A_81, %dma_wait3A_82] : memref<32x64xi32, #tpu.memory_space<vmem>> -> memref<1x64xi32, #tpu.memory_space<vmem>>
        %dma_wait3A_84 = tpu.memref_squeeze %dma_wait3A_83 : memref<1x64xi32, #tpu.memory_space<vmem>> -> memref<64xi32, #tpu.memory_space<vmem>>
        %dma_wait3A_85 = arith.constant 0 : i32
        %dma_wait3A_86 = arith.constant 0 : i32
        %dma_wait3A_87 = tpu.memref_slice %arg2[%dma_wait3A_85, %dma_wait3A_86] : memref<10240x128xf32, #tpu.memory_space<hbm>> -> memref<10240x128xf32, #tpu.memory_space<hbm>>
        tpu.wait_indirect_dma semaphore(%arg14 : memref<!tpu.dma_semaphore, #tpu.memory_space<semaphore_mem>>) src(%dma_wait3A_87 : memref<10240x128xf32, #tpu.memory_space<hbm>>) dst(%arg9 : memref<64x128xf32, #tpu.memory_space<vmem>>)
        "tpu.region"() ({
          %run_scoped3A = tpu.sem_alloc : memref<!tpu.dma_semaphore, #tpu.memory_space<semaphore_mem>>
          %dma_start3A_146 = arith.constant 0 : i32
          %dma_start3A_147 = tpu.memref_slice %arg8[%add3A_80, %dma_start3A_146] : memref<32x64xi32, #tpu.memory_space<vmem>> -> memref<1x64xi32, #tpu.memory_space<vmem>>
          %dma_start3A_148 = tpu.memref_squeeze %dma_start3A_147 : memref<1x64xi32, #tpu.memory_space<vmem>> -> memref<64xi32, #tpu.memory_space<vmem>>
          %dma_start3A_149 = arith.constant 0 : i32
          %dma_start3A_150 = arith.constant 0 : i32
          %dma_start3A_151 = tpu.memref_slice %arg13[%dma_start3A_149, %dma_start3A_150] : memref<10240x128xf32, #tpu.memory_space<vmem_shared>> -> memref<10240x128xf32, #tpu.memory_space<vmem_shared>>
          tpu.enqueue_indirect_dma source(%arg9 : memref<64x128xf32, #tpu.memory_space<vmem>>) target(%dma_start3A_151 : memref<10240x128xf32, #tpu.memory_space<vmem_shared>>) offsets(%dma_start3A_148 : memref<64xi32, #tpu.memory_space<vmem>>) semaphore(%run_scoped3A : memref<!tpu.dma_semaphore, #tpu.memory_space<semaphore_mem>>) {add = true}
          %dma_wait3A_152 = arith.constant 0 : i32
          %dma_wait3A_153 = tpu.memref_slice %arg8[%add3A_80, %dma_wait3A_152] : memref<32x64xi32, #tpu.memory_space<vmem>> -> memref<1x64xi32, #tpu.memory_space<vmem>>
          %dma_wait3A_154 = tpu.memref_squeeze %dma_wait3A_153 : memref<1x64xi32, #tpu.memory_space<vmem>> -> memref<64xi32, #tpu.memory_space<vmem>>
          %dma_wait3A_155 = arith.constant 0 : i32
          %dma_wait3A_156 = arith.constant 0 : i32
          %dma_wait3A_157 = tpu.memref_slice %arg13[%dma_wait3A_155, %dma_wait3A_156] : memref<10240x128xf32, #tpu.memory_space<vmem_shared>> -> memref<10240x128xf32, #tpu.memory_space<vmem_shared>>
          tpu.wait_indirect_dma semaphore(%run_scoped3A : memref<!tpu.dma_semaphore, #tpu.memory_space<semaphore_mem>>) src(%arg9 : memref<64x128xf32, #tpu.memory_space<vmem>>) dst(%dma_wait3A_157 : memref<10240x128xf32, #tpu.memory_space<vmem_shared>>)
          tpu.yield
        }) : () -> ()
        %add3A_88 = arith.constant 4 : i32
        %add3A_89 = arith.addi %add3A_80, %add3A_88 : i32
        %lt3A = arith.constant 32 : i32
        %lt3A_90 = arith.cmpi slt, %add3A_89, %lt3A : i32
        %convert_element_type3A = arith.extui %lt3A_90 : i1 to i32
        %cond3A = arith.constant 0 : i32
        %cond3A_91 = arith.cmpi ne, %convert_element_type3A, %cond3A : i32
        scf.if %cond3A_91 {
          %add3A_146 = arith.constant 4 : i32
          %add3A_147 = arith.addi %add3A_80, %add3A_146 : i32
          %dma_start3A_148 = arith.constant 0 : i32
          %dma_start3A_149 = tpu.memref_slice %arg7[%add3A_147, %dma_start3A_148] : memref<32x64xi32, #tpu.memory_space<vmem>> -> memref<1x64xi32, #tpu.memory_space<vmem>>
          %dma_start3A_150 = tpu.memref_squeeze %dma_start3A_149 : memref<1x64xi32, #tpu.memory_space<vmem>> -> memref<64xi32, #tpu.memory_space<vmem>>
          %dma_start3A_151 = arith.constant 0 : i32
          %dma_start3A_152 = arith.constant 0 : i32
          %dma_start3A_153 = tpu.memref_slice %arg2[%dma_start3A_151, %dma_start3A_152] : memref<10240x128xf32, #tpu.memory_space<hbm>> -> memref<10240x128xf32, #tpu.memory_space<hbm>>
          tpu.enqueue_indirect_dma source(%dma_start3A_153 : memref<10240x128xf32, #tpu.memory_space<hbm>>) target(%arg9 : memref<64x128xf32, #tpu.memory_space<vmem>>) offsets(%dma_start3A_150 : memref<64xi32, #tpu.memory_space<vmem>>) semaphore(%arg14 : memref<!tpu.dma_semaphore, #tpu.memory_space<semaphore_mem>>)
        } else {
        }
        %mul3A_92 = arith.constant 4 : i32
        %mul3A_93 = arith.muli %add3A_76, %mul3A_92 : i32
        %add3A_94 = arith.constant 1 : i32
        %add3A_95 = arith.addi %mul3A_93, %add3A_94 : i32
        %dma_wait3A_96 = arith.constant 0 : i32
        %dma_wait3A_97 = arith.constant 0 : i32
        %dma_wait3A_98 = tpu.memref_slice %arg7[%dma_wait3A_96, %dma_wait3A_97] : memref<32x64xi32, #tpu.memory_space<vmem>> -> memref<1x64xi32, #tpu.memory_space<vmem>>
        %dma_wait3A_99 = tpu.memref_squeeze %dma_wait3A_98 : memref<1x64xi32, #tpu.memory_space<vmem>> -> memref<64xi32, #tpu.memory_space<vmem>>
        %dma_wait3A_100 = arith.constant 0 : i32
        %dma_wait3A_101 = arith.constant 0 : i32
        %dma_wait3A_102 = tpu.memref_slice %arg2[%dma_wait3A_100, %dma_wait3A_101] : memref<10240x128xf32, #tpu.memory_space<hbm>> -> memref<10240x128xf32, #tpu.memory_space<hbm>>
        tpu.wait_indirect_dma semaphore(%arg15 : memref<!tpu.dma_semaphore, #tpu.memory_space<semaphore_mem>>) src(%dma_wait3A_102 : memref<10240x128xf32, #tpu.memory_space<hbm>>) dst(%arg10 : memref<64x128xf32, #tpu.memory_space<vmem>>)
        "tpu.region"() ({
          %run_scoped3A = tpu.sem_alloc : memref<!tpu.dma_semaphore, #tpu.memory_space<semaphore_mem>>
          %dma_start3A_146 = arith.constant 0 : i32
          %dma_start3A_147 = tpu.memref_slice %arg8[%add3A_95, %dma_start3A_146] : memref<32x64xi32, #tpu.memory_space<vmem>> -> memref<1x64xi32, #tpu.memory_space<vmem>>
          %dma_start3A_148 = tpu.memref_squeeze %dma_start3A_147 : memref<1x64xi32, #tpu.memory_space<vmem>> -> memref<64xi32, #tpu.memory_space<vmem>>
          %dma_start3A_149 = arith.constant 0 : i32
          %dma_start3A_150 = arith.constant 0 : i32
          %dma_start3A_151 = tpu.memref_slice %arg13[%dma_start3A_149, %dma_start3A_150] : memref<10240x128xf32, #tpu.memory_space<vmem_shared>> -> memref<10240x128xf32, #tpu.memory_space<vmem_shared>>
          tpu.enqueue_indirect_dma source(%arg10 : memref<64x128xf32, #tpu.memory_space<vmem>>) target(%dma_start3A_151 : memref<10240x128xf32, #tpu.memory_space<vmem_shared>>) offsets(%dma_start3A_148 : memref<64xi32, #tpu.memory_space<vmem>>) semaphore(%run_scoped3A : memref<!tpu.dma_semaphore, #tpu.memory_space<semaphore_mem>>) {add = true}
          %dma_wait3A_152 = arith.constant 0 : i32
          %dma_wait3A_153 = tpu.memref_slice %arg8[%add3A_95, %dma_wait3A_152] : memref<32x64xi32, #tpu.memory_space<vmem>> -> memref<1x64xi32, #tpu.memory_space<vmem>>
          %dma_wait3A_154 = tpu.memref_squeeze %dma_wait3A_153 : memref<1x64xi32, #tpu.memory_space<vmem>> -> memref<64xi32, #tpu.memory_space<vmem>>
          %dma_wait3A_155 = arith.constant 0 : i32
          %dma_wait3A_156 = arith.constant 0 : i32
          %dma_wait3A_157 = tpu.memref_slice %arg13[%dma_wait3A_155, %dma_wait3A_156] : memref<10240x128xf32, #tpu.memory_space<vmem_shared>> -> memref<10240x128xf32, #tpu.memory_space<vmem_shared>>
          tpu.wait_indirect_dma semaphore(%run_scoped3A : memref<!tpu.dma_semaphore, #tpu.memory_space<semaphore_mem>>) src(%arg10 : memref<64x128xf32, #tpu.memory_space<vmem>>) dst(%dma_wait3A_157 : memref<10240x128xf32, #tpu.memory_space<vmem_shared>>)
          tpu.yield
        }) : () -> ()
        %add3A_103 = arith.constant 4 : i32
        %add3A_104 = arith.addi %add3A_95, %add3A_103 : i32
        %lt3A_105 = arith.constant 32 : i32
        %lt3A_106 = arith.cmpi slt, %add3A_104, %lt3A_105 : i32
        %convert_element_type3A_107 = arith.extui %lt3A_106 : i1 to i32
        %cond3A_108 = arith.constant 0 : i32
        %cond3A_109 = arith.cmpi ne, %convert_element_type3A_107, %cond3A_108 : i32
        scf.if %cond3A_109 {
          %add3A_146 = arith.constant 4 : i32
          %add3A_147 = arith.addi %add3A_95, %add3A_146 : i32
          %dma_start3A_148 = arith.constant 0 : i32
          %dma_start3A_149 = tpu.memref_slice %arg7[%add3A_147, %dma_start3A_148] : memref<32x64xi32, #tpu.memory_space<vmem>> -> memref<1x64xi32, #tpu.memory_space<vmem>>
          %dma_start3A_150 = tpu.memref_squeeze %dma_start3A_149 : memref<1x64xi32, #tpu.memory_space<vmem>> -> memref<64xi32, #tpu.memory_space<vmem>>
          %dma_start3A_151 = arith.constant 0 : i32
          %dma_start3A_152 = arith.constant 0 : i32
          %dma_start3A_153 = tpu.memref_slice %arg2[%dma_start3A_151, %dma_start3A_152] : memref<10240x128xf32, #tpu.memory_space<hbm>> -> memref<10240x128xf32, #tpu.memory_space<hbm>>
          tpu.enqueue_indirect_dma source(%dma_start3A_153 : memref<10240x128xf32, #tpu.memory_space<hbm>>) target(%arg10 : memref<64x128xf32, #tpu.memory_space<vmem>>) offsets(%dma_start3A_150 : memref<64xi32, #tpu.memory_space<vmem>>) semaphore(%arg15 : memref<!tpu.dma_semaphore, #tpu.memory_space<semaphore_mem>>)
        } else {
        }
        %mul3A_110 = arith.constant 4 : i32
        %mul3A_111 = arith.muli %add3A_76, %mul3A_110 : i32
        %add3A_112 = arith.constant 2 : i32
        %add3A_113 = arith.addi %mul3A_111, %add3A_112 : i32
        %dma_wait3A_114 = arith.constant 0 : i32
        %dma_wait3A_115 = arith.constant 0 : i32
        %dma_wait3A_116 = tpu.memref_slice %arg7[%dma_wait3A_114, %dma_wait3A_115] : memref<32x64xi32, #tpu.memory_space<vmem>> -> memref<1x64xi32, #tpu.memory_space<vmem>>
        %dma_wait3A_117 = tpu.memref_squeeze %dma_wait3A_116 : memref<1x64xi32, #tpu.memory_space<vmem>> -> memref<64xi32, #tpu.memory_space<vmem>>
        %dma_wait3A_118 = arith.constant 0 : i32
        %dma_wait3A_119 = arith.constant 0 : i32
        %dma_wait3A_120 = tpu.memref_slice %arg2[%dma_wait3A_118, %dma_wait3A_119] : memref<10240x128xf32, #tpu.memory_space<hbm>> -> memref<10240x128xf32, #tpu.memory_space<hbm>>
        tpu.wait_indirect_dma semaphore(%arg16 : memref<!tpu.dma_semaphore, #tpu.memory_space<semaphore_mem>>) src(%dma_wait3A_120 : memref<10240x128xf32, #tpu.memory_space<hbm>>) dst(%arg11 : memref<64x128xf32, #tpu.memory_space<vmem>>)
        "tpu.region"() ({
          %run_scoped3A = tpu.sem_alloc : memref<!tpu.dma_semaphore, #tpu.memory_space<semaphore_mem>>
          %dma_start3A_146 = arith.constant 0 : i32
          %dma_start3A_147 = tpu.memref_slice %arg8[%add3A_113, %dma_start3A_146] : memref<32x64xi32, #tpu.memory_space<vmem>> -> memref<1x64xi32, #tpu.memory_space<vmem>>
          %dma_start3A_148 = tpu.memref_squeeze %dma_start3A_147 : memref<1x64xi32, #tpu.memory_space<vmem>> -> memref<64xi32, #tpu.memory_space<vmem>>
          %dma_start3A_149 = arith.constant 0 : i32
          %dma_start3A_150 = arith.constant 0 : i32
          %dma_start3A_151 = tpu.memref_slice %arg13[%dma_start3A_149, %dma_start3A_150] : memref<10240x128xf32, #tpu.memory_space<vmem_shared>> -> memref<10240x128xf32, #tpu.memory_space<vmem_shared>>
          tpu.enqueue_indirect_dma source(%arg11 : memref<64x128xf32, #tpu.memory_space<vmem>>) target(%dma_start3A_151 : memref<10240x128xf32, #tpu.memory_space<vmem_shared>>) offsets(%dma_start3A_148 : memref<64xi32, #tpu.memory_space<vmem>>) semaphore(%run_scoped3A : memref<!tpu.dma_semaphore, #tpu.memory_space<semaphore_mem>>) {add = true}
          %dma_wait3A_152 = arith.constant 0 : i32
          %dma_wait3A_153 = tpu.memref_slice %arg8[%add3A_113, %dma_wait3A_152] : memref<32x64xi32, #tpu.memory_space<vmem>> -> memref<1x64xi32, #tpu.memory_space<vmem>>
          %dma_wait3A_154 = tpu.memref_squeeze %dma_wait3A_153 : memref<1x64xi32, #tpu.memory_space<vmem>> -> memref<64xi32, #tpu.memory_space<vmem>>
          %dma_wait3A_155 = arith.constant 0 : i32
          %dma_wait3A_156 = arith.constant 0 : i32
          %dma_wait3A_157 = tpu.memref_slice %arg13[%dma_wait3A_155, %dma_wait3A_156] : memref<10240x128xf32, #tpu.memory_space<vmem_shared>> -> memref<10240x128xf32, #tpu.memory_space<vmem_shared>>
          tpu.wait_indirect_dma semaphore(%run_scoped3A : memref<!tpu.dma_semaphore, #tpu.memory_space<semaphore_mem>>) src(%arg11 : memref<64x128xf32, #tpu.memory_space<vmem>>) dst(%dma_wait3A_157 : memref<10240x128xf32, #tpu.memory_space<vmem_shared>>)
          tpu.yield
        }) : () -> ()
        %add3A_121 = arith.constant 4 : i32
        %add3A_122 = arith.addi %add3A_113, %add3A_121 : i32
        %lt3A_123 = arith.constant 32 : i32
        %lt3A_124 = arith.cmpi slt, %add3A_122, %lt3A_123 : i32
        %convert_element_type3A_125 = arith.extui %lt3A_124 : i1 to i32
        %cond3A_126 = arith.constant 0 : i32
        %cond3A_127 = arith.cmpi ne, %convert_element_type3A_125, %cond3A_126 : i32
        scf.if %cond3A_127 {
          %add3A_146 = arith.constant 4 : i32
          %add3A_147 = arith.addi %add3A_113, %add3A_146 : i32
          %dma_start3A_148 = arith.constant 0 : i32
          %dma_start3A_149 = tpu.memref_slice %arg7[%add3A_147, %dma_start3A_148] : memref<32x64xi32, #tpu.memory_space<vmem>> -> memref<1x64xi32, #tpu.memory_space<vmem>>
          %dma_start3A_150 = tpu.memref_squeeze %dma_start3A_149 : memref<1x64xi32, #tpu.memory_space<vmem>> -> memref<64xi32, #tpu.memory_space<vmem>>
          %dma_start3A_151 = arith.constant 0 : i32
          %dma_start3A_152 = arith.constant 0 : i32
          %dma_start3A_153 = tpu.memref_slice %arg2[%dma_start3A_151, %dma_start3A_152] : memref<10240x128xf32, #tpu.memory_space<hbm>> -> memref<10240x128xf32, #tpu.memory_space<hbm>>
          tpu.enqueue_indirect_dma source(%dma_start3A_153 : memref<10240x128xf32, #tpu.memory_space<hbm>>) target(%arg11 : memref<64x128xf32, #tpu.memory_space<vmem>>) offsets(%dma_start3A_150 : memref<64xi32, #tpu.memory_space<vmem>>) semaphore(%arg16 : memref<!tpu.dma_semaphore, #tpu.memory_space<semaphore_mem>>)
        } else {
        }
        %mul3A_128 = arith.constant 4 : i32
        %mul3A_129 = arith.muli %add3A_76, %mul3A_128 : i32
        %add3A_130 = arith.constant 3 : i32
        %add3A_131 = arith.addi %mul3A_129, %add3A_130 : i32
        %dma_wait3A_132 = arith.constant 0 : i32
        %dma_wait3A_133 = arith.constant 0 : i32
        %dma_wait3A_134 = tpu.memref_slice %arg7[%dma_wait3A_132, %dma_wait3A_133] : memref<32x64xi32, #tpu.memory_space<vmem>> -> memref<1x64xi32, #tpu.memory_space<vmem>>
        %dma_wait3A_135 = tpu.memref_squeeze %dma_wait3A_134 : memref<1x64xi32, #tpu.memory_space<vmem>> -> memref<64xi32, #tpu.memory_space<vmem>>
        %dma_wait3A_136 = arith.constant 0 : i32
        %dma_wait3A_137 = arith.constant 0 : i32
        %dma_wait3A_138 = tpu.memref_slice %arg2[%dma_wait3A_136, %dma_wait3A_137] : memref<10240x128xf32, #tpu.memory_space<hbm>> -> memref<10240x128xf32, #tpu.memory_space<hbm>>
        tpu.wait_indirect_dma semaphore(%arg17 : memref<!tpu.dma_semaphore, #tpu.memory_space<semaphore_mem>>) src(%dma_wait3A_138 : memref<10240x128xf32, #tpu.memory_space<hbm>>) dst(%arg12 : memref<64x128xf32, #tpu.memory_space<vmem>>)
        "tpu.region"() ({
          %run_scoped3A = tpu.sem_alloc : memref<!tpu.dma_semaphore, #tpu.memory_space<semaphore_mem>>
          %dma_start3A_146 = arith.constant 0 : i32
          %dma_start3A_147 = tpu.memref_slice %arg8[%add3A_131, %dma_start3A_146] : memref<32x64xi32, #tpu.memory_space<vmem>> -> memref<1x64xi32, #tpu.memory_space<vmem>>
          %dma_start3A_148 = tpu.memref_squeeze %dma_start3A_147 : memref<1x64xi32, #tpu.memory_space<vmem>> -> memref<64xi32, #tpu.memory_space<vmem>>
          %dma_start3A_149 = arith.constant 0 : i32
          %dma_start3A_150 = arith.constant 0 : i32
          %dma_start3A_151 = tpu.memref_slice %arg13[%dma_start3A_149, %dma_start3A_150] : memref<10240x128xf32, #tpu.memory_space<vmem_shared>> -> memref<10240x128xf32, #tpu.memory_space<vmem_shared>>
          tpu.enqueue_indirect_dma source(%arg12 : memref<64x128xf32, #tpu.memory_space<vmem>>) target(%dma_start3A_151 : memref<10240x128xf32, #tpu.memory_space<vmem_shared>>) offsets(%dma_start3A_148 : memref<64xi32, #tpu.memory_space<vmem>>) semaphore(%run_scoped3A : memref<!tpu.dma_semaphore, #tpu.memory_space<semaphore_mem>>) {add = true}
          %dma_wait3A_152 = arith.constant 0 : i32
          %dma_wait3A_153 = tpu.memref_slice %arg8[%add3A_131, %dma_wait3A_152] : memref<32x64xi32, #tpu.memory_space<vmem>> -> memref<1x64xi32, #tpu.memory_space<vmem>>
          %dma_wait3A_154 = tpu.memref_squeeze %dma_wait3A_153 : memref<1x64xi32, #tpu.memory_space<vmem>> -> memref<64xi32, #tpu.memory_space<vmem>>
          %dma_wait3A_155 = arith.constant 0 : i32
          %dma_wait3A_156 = arith.constant 0 : i32
          %dma_wait3A_157 = tpu.memref_slice %arg13[%dma_wait3A_155, %dma_wait3A_156] : memref<10240x128xf32, #tpu.memory_space<vmem_shared>> -> memref<10240x128xf32, #tpu.memory_space<vmem_shared>>
          tpu.wait_indirect_dma semaphore(%run_scoped3A : memref<!tpu.dma_semaphore, #tpu.memory_space<semaphore_mem>>) src(%arg12 : memref<64x128xf32, #tpu.memory_space<vmem>>) dst(%dma_wait3A_157 : memref<10240x128xf32, #tpu.memory_space<vmem_shared>>)
          tpu.yield
        }) : () -> ()
        %add3A_139 = arith.constant 4 : i32
        %add3A_140 = arith.addi %add3A_131, %add3A_139 : i32
        %lt3A_141 = arith.constant 32 : i32
        %lt3A_142 = arith.cmpi slt, %add3A_140, %lt3A_141 : i32
        %convert_element_type3A_143 = arith.extui %lt3A_142 : i1 to i32
        %cond3A_144 = arith.constant 0 : i32
        %cond3A_145 = arith.cmpi ne, %convert_element_type3A_143, %cond3A_144 : i32
        scf.if %cond3A_145 {
          %add3A_146 = arith.constant 4 : i32
          %add3A_147 = arith.addi %add3A_131, %add3A_146 : i32
          %dma_start3A_148 = arith.constant 0 : i32
          %dma_start3A_149 = tpu.memref_slice %arg7[%add3A_147, %dma_start3A_148] : memref<32x64xi32, #tpu.memory_space<vmem>> -> memref<1x64xi32, #tpu.memory_space<vmem>>
          %dma_start3A_150 = tpu.memref_squeeze %dma_start3A_149 : memref<1x64xi32, #tpu.memory_space<vmem>> -> memref<64xi32, #tpu.memory_space<vmem>>
          %dma_start3A_151 = arith.constant 0 : i32
          %dma_start3A_152 = arith.constant 0 : i32
          %dma_start3A_153 = tpu.memref_slice %arg2[%dma_start3A_151, %dma_start3A_152] : memref<10240x128xf32, #tpu.memory_space<hbm>> -> memref<10240x128xf32, #tpu.memory_space<hbm>>
          tpu.enqueue_indirect_dma source(%dma_start3A_153 : memref<10240x128xf32, #tpu.memory_space<hbm>>) target(%arg12 : memref<64x128xf32, #tpu.memory_space<vmem>>) offsets(%dma_start3A_150 : memref<64xi32, #tpu.memory_space<vmem>>) semaphore(%arg17 : memref<!tpu.dma_semaphore, #tpu.memory_space<semaphore_mem>>)
        } else {
        }
      }
      %scan3A_71 = arith.constant 8 : i32
    }
    %scan3A_6 = arith.constant 5 : i32
    %barrier3A_7 = arith.constant 0 : index
    tpu.barrier barrier_id(%barrier3A_7)
    %mul3A_8 = arith.constant 640 : i32
    %mul3A_9 = arith.muli %arg1, %mul3A_8 : i32
    %mul3A_10 = arith.constant 10240 : i32
    %mul3A_11 = arith.muli %arg0, %mul3A_10 : i32
    %mul3A_12 = arith.constant 640 : i32
    %mul3A_13 = arith.muli %arg1, %mul3A_12 : i32
    %add3A_14 = arith.addi %mul3A_11, %mul3A_13 : i32
    "tpu.region"() ({
      %run_scoped3A = tpu.sem_alloc : memref<!tpu.dma_semaphore, #tpu.memory_space<semaphore_mem>>
      %dma_start3A = arith.constant 0 : i32
      %dma_start3A_15 = tpu.memref_slice %arg6[%add3A_14, %dma_start3A] : memref<20480x128xf32, #tpu.memory_space<hbm>> -> memref<640x128xf32, #tpu.memory_space<hbm>>
      %dma_start3A_16 = arith.constant 0 : i32
      %dma_start3A_17 = tpu.memref_slice %arg13[%mul3A_9, %dma_start3A_16] : memref<10240x128xf32, #tpu.memory_space<vmem_shared>> -> memref<640x128xf32, #tpu.memory_space<vmem_shared>>
      tpu.enqueue_dma source(%dma_start3A_17 : memref<640x128xf32, #tpu.memory_space<vmem_shared>>) target(%dma_start3A_15 : memref<640x128xf32, #tpu.memory_space<hbm>>) target_semaphore(%run_scoped3A : memref<!tpu.dma_semaphore, #tpu.memory_space<semaphore_mem>>)
      %dma_wait3A = arith.constant 0 : i32
      %dma_wait3A_18 = tpu.memref_slice %arg6[%add3A_14, %dma_wait3A] : memref<20480x128xf32, #tpu.memory_space<hbm>> -> memref<640x128xf32, #tpu.memory_space<hbm>>
      %dma_wait3A_19 = arith.constant 0 : i32
      %dma_wait3A_20 = tpu.memref_slice %arg13[%mul3A_9, %dma_wait3A_19] : memref<10240x128xf32, #tpu.memory_space<vmem_shared>> -> memref<640x128xf32, #tpu.memory_space<vmem_shared>>
      tpu.wait_dma2 semaphore(%run_scoped3A : memref<!tpu.dma_semaphore, #tpu.memory_space<semaphore_mem>>) src(%dma_wait3A_20 : memref<640x128xf32, #tpu.memory_space<vmem_shared>>) dst(%dma_wait3A_18 : memref<640x128xf32, #tpu.memory_space<hbm>>)
      tpu.yield
    }) : () -> ()
    return
  }
}

#map = affine_map<(d0, d1) -> (0, 0)>
module attributes {stable_mosaic.version = 14 : i64} {
  func.func @body(%arg0: i32, %arg1: i32, %arg2: memref<10240x128xf32, #tpu.memory_space<hbm>>, %arg3: memref<256x64xi32, #tpu.memory_space<hbm>>, %arg4: memref<256x64xi32, #tpu.memory_space<hbm>>, %arg5: memref<640x128xf32, #tpu.memory_space<hbm>>, %arg6: memref<20480x128xf32, #tpu.memory_space<hbm>>, %arg7: memref<8x64xi32, #tpu.memory_space<vmem>>, %arg8: memref<8x64xi32, #tpu.memory_space<vmem>>, %arg9: memref<64x128xf32, #tpu.memory_space<vmem>>, %arg10: memref<64x128xf32, #tpu.memory_space<vmem>>, %arg11: memref<64x128xf32, #tpu.memory_space<vmem>>, %arg12: memref<64x128xf32, #tpu.memory_space<vmem>>, %arg13: memref<10240x128xf32, #tpu.memory_space<vmem_shared>>, %arg14: memref<!tpu.dma_semaphore, #tpu.memory_space<semaphore_mem>>, %arg15: memref<!tpu.dma_semaphore, #tpu.memory_space<semaphore_mem>>, %arg16: memref<!tpu.dma_semaphore, #tpu.memory_space<semaphore_mem>>, %arg17: memref<!tpu.dma_semaphore, #tpu.memory_space<semaphore_mem>>) attributes {dimension_semantics = [#tpu.dimension_semantics<core_parallel>, #tpu.dimension_semantics<subcore_parallel>], iteration_bounds = array<i64: 2, 16>, scalar_prefetch = 0 : i64, scratch_operands = 11 : i64, tpu.core_type = #tpu.core_type<sc_vector_subcore>, window_params = [{transform_indices = #map}, {transform_indices = #map}, {transform_indices = #map}, {transform_indices = #map}, {transform_indices = #map}]} {
    %mul3A = arith.constant 16 : i32
    %mul3A_0 = arith.muli %arg0, %mul3A : i32
    %add3A = arith.addi %mul3A_0, %arg1 : i32
    %mul3A_1 = arith.constant 640 : i32
    %mul3A_2 = arith.muli %arg1, %mul3A_1 : i32
    "tpu.region"() ({
      %run_scoped3A = tpu.sem_alloc : memref<!tpu.dma_semaphore, #tpu.memory_space<semaphore_mem>>
      %dma_start3A_68 = arith.constant 0 : i32
      %dma_start3A_69 = tpu.memref_slice %arg13[%mul3A_2, %dma_start3A_68] : memref<10240x128xf32, #tpu.memory_space<vmem_shared>> -> memref<640x128xf32, #tpu.memory_space<vmem_shared>>
      tpu.enqueue_dma source(%arg5 : memref<640x128xf32, #tpu.memory_space<hbm>>) target(%dma_start3A_69 : memref<640x128xf32, #tpu.memory_space<vmem_shared>>) target_semaphore(%run_scoped3A : memref<!tpu.dma_semaphore, #tpu.memory_space<semaphore_mem>>)
      %dma_wait3A_70 = arith.constant 0 : i32
      %dma_wait3A_71 = tpu.memref_slice %arg13[%mul3A_2, %dma_wait3A_70] : memref<10240x128xf32, #tpu.memory_space<vmem_shared>> -> memref<640x128xf32, #tpu.memory_space<vmem_shared>>
      tpu.wait_dma2 semaphore(%run_scoped3A : memref<!tpu.dma_semaphore, #tpu.memory_space<semaphore_mem>>) src(%arg5 : memref<640x128xf32, #tpu.memory_space<hbm>>) dst(%dma_wait3A_71 : memref<640x128xf32, #tpu.memory_space<vmem_shared>>)
      tpu.yield
    }) : () -> ()
    %barrier3A = arith.constant 0 : index
    tpu.barrier barrier_id(%barrier3A)
    %scan3A = arith.constant 0 : i32
    %mul3A_3 = arith.constant 1 : i32
    %mul3A_4 = arith.muli %scan3A, %mul3A_3 : i32
    %add3A_5 = arith.constant 0 : i32
    %add3A_6 = arith.addi %add3A_5, %mul3A_4 : i32
    %mul3A_7 = arith.constant 8 : i32
    %mul3A_8 = arith.muli %add3A, %mul3A_7 : i32
    %mul3A_9 = arith.constant 8 : i32
    %mul3A_10 = arith.muli %add3A_6, %mul3A_9 : i32
    %add3A_11 = arith.addi %mul3A_8, %mul3A_10 : i32
    %dma_start3A = arith.constant 0 : i32
    %dma_start3A_12 = tpu.memref_slice %arg3[%add3A_11, %dma_start3A] : memref<256x64xi32, #tpu.memory_space<hbm>> -> memref<8x64xi32, #tpu.memory_space<hbm>>
    %dma_start3A_13 = arith.constant 0 : i32
    %dma_start3A_14 = tpu.memref_slice %arg3[%add3A_11, %dma_start3A_13] : memref<256x64xi32, #tpu.memory_space<hbm>> -> memref<8x64xi32, #tpu.memory_space<hbm>>
    tpu.enqueue_dma source(%dma_start3A_14 : memref<8x64xi32, #tpu.memory_space<hbm>>) target(%arg7 : memref<8x64xi32, #tpu.memory_space<vmem>>) target_semaphore(%arg14 : memref<!tpu.dma_semaphore, #tpu.memory_space<semaphore_mem>>)
    %dma_wait3A = arith.constant 0 : i32
    %dma_wait3A_15 = tpu.memref_slice %arg3[%add3A_11, %dma_wait3A] : memref<256x64xi32, #tpu.memory_space<hbm>> -> memref<8x64xi32, #tpu.memory_space<hbm>>
    %dma_wait3A_16 = arith.constant 0 : i32
    %dma_wait3A_17 = tpu.memref_slice %arg3[%add3A_11, %dma_wait3A_16] : memref<256x64xi32, #tpu.memory_space<hbm>> -> memref<8x64xi32, #tpu.memory_space<hbm>>
    tpu.wait_dma2 semaphore(%arg14 : memref<!tpu.dma_semaphore, #tpu.memory_space<semaphore_mem>>) src(%dma_wait3A_17 : memref<8x64xi32, #tpu.memory_space<hbm>>) dst(%arg7 : memref<8x64xi32, #tpu.memory_space<vmem>>)
    %dma_start3A_18 = arith.constant 0 : i32
    %dma_start3A_19 = tpu.memref_slice %arg4[%add3A_11, %dma_start3A_18] : memref<256x64xi32, #tpu.memory_space<hbm>> -> memref<8x64xi32, #tpu.memory_space<hbm>>
    %dma_start3A_20 = arith.constant 0 : i32
    %dma_start3A_21 = tpu.memref_slice %arg4[%add3A_11, %dma_start3A_20] : memref<256x64xi32, #tpu.memory_space<hbm>> -> memref<8x64xi32, #tpu.memory_space<hbm>>
    tpu.enqueue_dma source(%dma_start3A_21 : memref<8x64xi32, #tpu.memory_space<hbm>>) target(%arg8 : memref<8x64xi32, #tpu.memory_space<vmem>>) target_semaphore(%arg14 : memref<!tpu.dma_semaphore, #tpu.memory_space<semaphore_mem>>)
    %dma_wait3A_22 = arith.constant 0 : i32
    %dma_wait3A_23 = tpu.memref_slice %arg4[%add3A_11, %dma_wait3A_22] : memref<256x64xi32, #tpu.memory_space<hbm>> -> memref<8x64xi32, #tpu.memory_space<hbm>>
    %dma_wait3A_24 = arith.constant 0 : i32
    %dma_wait3A_25 = tpu.memref_slice %arg4[%add3A_11, %dma_wait3A_24] : memref<256x64xi32, #tpu.memory_space<hbm>> -> memref<8x64xi32, #tpu.memory_space<hbm>>
    tpu.wait_dma2 semaphore(%arg14 : memref<!tpu.dma_semaphore, #tpu.memory_space<semaphore_mem>>) src(%dma_wait3A_25 : memref<8x64xi32, #tpu.memory_space<hbm>>) dst(%arg8 : memref<8x64xi32, #tpu.memory_space<vmem>>)
    %dma_start3A_26 = arith.constant 0 : i32
    %dma_start3A_27 = arith.constant 0 : i32
    %dma_start3A_28 = tpu.memref_slice %arg7[%dma_start3A_26, %dma_start3A_27] : memref<8x64xi32, #tpu.memory_space<vmem>> -> memref<1x64xi32, #tpu.memory_space<vmem>>
    %dma_start3A_29 = tpu.memref_squeeze %dma_start3A_28 : memref<1x64xi32, #tpu.memory_space<vmem>> -> memref<64xi32, #tpu.memory_space<vmem>>
    %dma_start3A_30 = arith.constant 0 : i32
    %dma_start3A_31 = arith.constant 0 : i32
    %dma_start3A_32 = tpu.memref_slice %arg2[%dma_start3A_30, %dma_start3A_31] : memref<10240x128xf32, #tpu.memory_space<hbm>> -> memref<10240x128xf32, #tpu.memory_space<hbm>>
    tpu.enqueue_indirect_dma source(%dma_start3A_32 : memref<10240x128xf32, #tpu.memory_space<hbm>>) target(%arg9 : memref<64x128xf32, #tpu.memory_space<vmem>>) offsets(%dma_start3A_29 : memref<64xi32, #tpu.memory_space<vmem>>) semaphore(%arg14 : memref<!tpu.dma_semaphore, #tpu.memory_space<semaphore_mem>>)
    %dma_start3A_33 = arith.constant 1 : i32
    %dma_start3A_34 = arith.constant 0 : i32
    %dma_start3A_35 = tpu.memref_slice %arg7[%dma_start3A_33, %dma_start3A_34] : memref<8x64xi32, #tpu.memory_space<vmem>> -> memref<1x64xi32, #tpu.memory_space<vmem>>
    %dma_start3A_36 = tpu.memref_squeeze %dma_start3A_35 : memref<1x64xi32, #tpu.memory_space<vmem>> -> memref<64xi32, #tpu.memory_space<vmem>>
    %dma_start3A_37 = arith.constant 0 : i32
    %dma_start3A_38 = arith.constant 0 : i32
    %dma_start3A_39 = tpu.memref_slice %arg2[%dma_start3A_37, %dma_start3A_38] : memref<10240x128xf32, #tpu.memory_space<hbm>> -> memref<10240x128xf32, #tpu.memory_space<hbm>>
    tpu.enqueue_indirect_dma source(%dma_start3A_39 : memref<10240x128xf32, #tpu.memory_space<hbm>>) target(%arg10 : memref<64x128xf32, #tpu.memory_space<vmem>>) offsets(%dma_start3A_36 : memref<64xi32, #tpu.memory_space<vmem>>) semaphore(%arg15 : memref<!tpu.dma_semaphore, #tpu.memory_space<semaphore_mem>>)
    %dma_start3A_40 = arith.constant 2 : i32
    %dma_start3A_41 = arith.constant 0 : i32
    %dma_start3A_42 = tpu.memref_slice %arg7[%dma_start3A_40, %dma_start3A_41] : memref<8x64xi32, #tpu.memory_space<vmem>> -> memref<1x64xi32, #tpu.memory_space<vmem>>
    %dma_start3A_43 = tpu.memref_squeeze %dma_start3A_42 : memref<1x64xi32, #tpu.memory_space<vmem>> -> memref<64xi32, #tpu.memory_space<vmem>>
    %dma_start3A_44 = arith.constant 0 : i32
    %dma_start3A_45 = arith.constant 0 : i32
    %dma_start3A_46 = tpu.memref_slice %arg2[%dma_start3A_44, %dma_start3A_45] : memref<10240x128xf32, #tpu.memory_space<hbm>> -> memref<10240x128xf32, #tpu.memory_space<hbm>>
    tpu.enqueue_indirect_dma source(%dma_start3A_46 : memref<10240x128xf32, #tpu.memory_space<hbm>>) target(%arg11 : memref<64x128xf32, #tpu.memory_space<vmem>>) offsets(%dma_start3A_43 : memref<64xi32, #tpu.memory_space<vmem>>) semaphore(%arg16 : memref<!tpu.dma_semaphore, #tpu.memory_space<semaphore_mem>>)
    %dma_start3A_47 = arith.constant 3 : i32
    %dma_start3A_48 = arith.constant 0 : i32
    %dma_start3A_49 = tpu.memref_slice %arg7[%dma_start3A_47, %dma_start3A_48] : memref<8x64xi32, #tpu.memory_space<vmem>> -> memref<1x64xi32, #tpu.memory_space<vmem>>
    %dma_start3A_50 = tpu.memref_squeeze %dma_start3A_49 : memref<1x64xi32, #tpu.memory_space<vmem>> -> memref<64xi32, #tpu.memory_space<vmem>>
    %dma_start3A_51 = arith.constant 0 : i32
    %dma_start3A_52 = arith.constant 0 : i32
    %dma_start3A_53 = tpu.memref_slice %arg2[%dma_start3A_51, %dma_start3A_52] : memref<10240x128xf32, #tpu.memory_space<hbm>> -> memref<10240x128xf32, #tpu.memory_space<hbm>>
    tpu.enqueue_indirect_dma source(%dma_start3A_53 : memref<10240x128xf32, #tpu.memory_space<hbm>>) target(%arg12 : memref<64x128xf32, #tpu.memory_space<vmem>>) offsets(%dma_start3A_50 : memref<64xi32, #tpu.memory_space<vmem>>) semaphore(%arg17 : memref<!tpu.dma_semaphore, #tpu.memory_space<semaphore_mem>>)
    %scan3A_54 = arith.constant 0 : i32
    %scan3A_55 = arith.constant 2 : i32
    %scan3A_56 = arith.addi %scan3A_54, %scan3A_55 : i32
    %scan3A_57 = arith.constant 1 : i32
    scf.for %scan3A_68 = %scan3A_54 to %scan3A_56 step %scan3A_57  : i32 {
      %mul3A_69 = arith.constant 1 : i32
      %mul3A_70 = arith.muli %scan3A_68, %mul3A_69 : i32
      %add3A_71 = arith.constant 0 : i32
      %add3A_72 = arith.addi %add3A_71, %mul3A_70 : i32
      %mul3A_73 = arith.constant 4 : i32
      %mul3A_74 = arith.muli %add3A_72, %mul3A_73 : i32
      %add3A_75 = arith.constant 0 : i32
      %add3A_76 = arith.addi %mul3A_74, %add3A_75 : i32
      %dma_wait3A_77 = arith.constant 0 : i32
      %dma_wait3A_78 = arith.constant 0 : i32
      %dma_wait3A_79 = tpu.memref_slice %arg7[%dma_wait3A_77, %dma_wait3A_78] : memref<8x64xi32, #tpu.memory_space<vmem>> -> memref<1x64xi32, #tpu.memory_space<vmem>>
      %dma_wait3A_80 = tpu.memref_squeeze %dma_wait3A_79 : memref<1x64xi32, #tpu.memory_space<vmem>> -> memref<64xi32, #tpu.memory_space<vmem>>
      %dma_wait3A_81 = arith.constant 0 : i32
      %dma_wait3A_82 = arith.constant 0 : i32
      %dma_wait3A_83 = tpu.memref_slice %arg2[%dma_wait3A_81, %dma_wait3A_82] : memref<10240x128xf32, #tpu.memory_space<hbm>> -> memref<10240x128xf32, #tpu.memory_space<hbm>>
      tpu.wait_indirect_dma semaphore(%arg14 : memref<!tpu.dma_semaphore, #tpu.memory_space<semaphore_mem>>) src(%dma_wait3A_83 : memref<10240x128xf32, #tpu.memory_space<hbm>>) dst(%arg9 : memref<64x128xf32, #tpu.memory_space<vmem>>)
      "tpu.region"() ({
        %run_scoped3A = tpu.sem_alloc : memref<!tpu.dma_semaphore, #tpu.memory_space<semaphore_mem>>
        %dma_start3A_142 = arith.constant 0 : i32
        %dma_start3A_143 = tpu.memref_slice %arg8[%add3A_76, %dma_start3A_142] : memref<8x64xi32, #tpu.memory_space<vmem>> -> memref<1x64xi32, #tpu.memory_space<vmem>>
        %dma_start3A_144 = tpu.memref_squeeze %dma_start3A_143 : memref<1x64xi32, #tpu.memory_space<vmem>> -> memref<64xi32, #tpu.memory_space<vmem>>
        %dma_start3A_145 = arith.constant 0 : i32
        %dma_start3A_146 = arith.constant 0 : i32
        %dma_start3A_147 = tpu.memref_slice %arg13[%dma_start3A_145, %dma_start3A_146] : memref<10240x128xf32, #tpu.memory_space<vmem_shared>> -> memref<10240x128xf32, #tpu.memory_space<vmem_shared>>
        tpu.enqueue_indirect_dma source(%arg9 : memref<64x128xf32, #tpu.memory_space<vmem>>) target(%dma_start3A_147 : memref<10240x128xf32, #tpu.memory_space<vmem_shared>>) offsets(%dma_start3A_144 : memref<64xi32, #tpu.memory_space<vmem>>) semaphore(%run_scoped3A : memref<!tpu.dma_semaphore, #tpu.memory_space<semaphore_mem>>) {add = true}
        %dma_wait3A_148 = arith.constant 0 : i32
        %dma_wait3A_149 = tpu.memref_slice %arg8[%add3A_76, %dma_wait3A_148] : memref<8x64xi32, #tpu.memory_space<vmem>> -> memref<1x64xi32, #tpu.memory_space<vmem>>
        %dma_wait3A_150 = tpu.memref_squeeze %dma_wait3A_149 : memref<1x64xi32, #tpu.memory_space<vmem>> -> memref<64xi32, #tpu.memory_space<vmem>>
        %dma_wait3A_151 = arith.constant 0 : i32
        %dma_wait3A_152 = arith.constant 0 : i32
        %dma_wait3A_153 = tpu.memref_slice %arg13[%dma_wait3A_151, %dma_wait3A_152] : memref<10240x128xf32, #tpu.memory_space<vmem_shared>> -> memref<10240x128xf32, #tpu.memory_space<vmem_shared>>
        tpu.wait_indirect_dma semaphore(%run_scoped3A : memref<!tpu.dma_semaphore, #tpu.memory_space<semaphore_mem>>) src(%arg9 : memref<64x128xf32, #tpu.memory_space<vmem>>) dst(%dma_wait3A_153 : memref<10240x128xf32, #tpu.memory_space<vmem_shared>>)
        tpu.yield
      }) : () -> ()
      %add3A_84 = arith.constant 4 : i32
      %add3A_85 = arith.addi %add3A_76, %add3A_84 : i32
      %lt3A = arith.constant 8 : i32
      %lt3A_86 = arith.cmpi slt, %add3A_85, %lt3A : i32
      %convert_element_type3A = arith.extui %lt3A_86 : i1 to i32
      %cond3A = arith.constant 0 : i32
      %cond3A_87 = arith.cmpi ne, %convert_element_type3A, %cond3A : i32
      scf.if %cond3A_87 {
        %add3A_142 = arith.constant 4 : i32
        %add3A_143 = arith.addi %add3A_76, %add3A_142 : i32
        %dma_start3A_144 = arith.constant 0 : i32
        %dma_start3A_145 = tpu.memref_slice %arg7[%add3A_143, %dma_start3A_144] : memref<8x64xi32, #tpu.memory_space<vmem>> -> memref<1x64xi32, #tpu.memory_space<vmem>>
        %dma_start3A_146 = tpu.memref_squeeze %dma_start3A_145 : memref<1x64xi32, #tpu.memory_space<vmem>> -> memref<64xi32, #tpu.memory_space<vmem>>
        %dma_start3A_147 = arith.constant 0 : i32
        %dma_start3A_148 = arith.constant 0 : i32
        %dma_start3A_149 = tpu.memref_slice %arg2[%dma_start3A_147, %dma_start3A_148] : memref<10240x128xf32, #tpu.memory_space<hbm>> -> memref<10240x128xf32, #tpu.memory_space<hbm>>
        tpu.enqueue_indirect_dma source(%dma_start3A_149 : memref<10240x128xf32, #tpu.memory_space<hbm>>) target(%arg9 : memref<64x128xf32, #tpu.memory_space<vmem>>) offsets(%dma_start3A_146 : memref<64xi32, #tpu.memory_space<vmem>>) semaphore(%arg14 : memref<!tpu.dma_semaphore, #tpu.memory_space<semaphore_mem>>)
      } else {
      }
      %mul3A_88 = arith.constant 4 : i32
      %mul3A_89 = arith.muli %add3A_72, %mul3A_88 : i32
      %add3A_90 = arith.constant 1 : i32
      %add3A_91 = arith.addi %mul3A_89, %add3A_90 : i32
      %dma_wait3A_92 = arith.constant 0 : i32
      %dma_wait3A_93 = arith.constant 0 : i32
      %dma_wait3A_94 = tpu.memref_slice %arg7[%dma_wait3A_92, %dma_wait3A_93] : memref<8x64xi32, #tpu.memory_space<vmem>> -> memref<1x64xi32, #tpu.memory_space<vmem>>
      %dma_wait3A_95 = tpu.memref_squeeze %dma_wait3A_94 : memref<1x64xi32, #tpu.memory_space<vmem>> -> memref<64xi32, #tpu.memory_space<vmem>>
      %dma_wait3A_96 = arith.constant 0 : i32
      %dma_wait3A_97 = arith.constant 0 : i32
      %dma_wait3A_98 = tpu.memref_slice %arg2[%dma_wait3A_96, %dma_wait3A_97] : memref<10240x128xf32, #tpu.memory_space<hbm>> -> memref<10240x128xf32, #tpu.memory_space<hbm>>
      tpu.wait_indirect_dma semaphore(%arg15 : memref<!tpu.dma_semaphore, #tpu.memory_space<semaphore_mem>>) src(%dma_wait3A_98 : memref<10240x128xf32, #tpu.memory_space<hbm>>) dst(%arg10 : memref<64x128xf32, #tpu.memory_space<vmem>>)
      "tpu.region"() ({
        %run_scoped3A = tpu.sem_alloc : memref<!tpu.dma_semaphore, #tpu.memory_space<semaphore_mem>>
        %dma_start3A_142 = arith.constant 0 : i32
        %dma_start3A_143 = tpu.memref_slice %arg8[%add3A_91, %dma_start3A_142] : memref<8x64xi32, #tpu.memory_space<vmem>> -> memref<1x64xi32, #tpu.memory_space<vmem>>
        %dma_start3A_144 = tpu.memref_squeeze %dma_start3A_143 : memref<1x64xi32, #tpu.memory_space<vmem>> -> memref<64xi32, #tpu.memory_space<vmem>>
        %dma_start3A_145 = arith.constant 0 : i32
        %dma_start3A_146 = arith.constant 0 : i32
        %dma_start3A_147 = tpu.memref_slice %arg13[%dma_start3A_145, %dma_start3A_146] : memref<10240x128xf32, #tpu.memory_space<vmem_shared>> -> memref<10240x128xf32, #tpu.memory_space<vmem_shared>>
        tpu.enqueue_indirect_dma source(%arg10 : memref<64x128xf32, #tpu.memory_space<vmem>>) target(%dma_start3A_147 : memref<10240x128xf32, #tpu.memory_space<vmem_shared>>) offsets(%dma_start3A_144 : memref<64xi32, #tpu.memory_space<vmem>>) semaphore(%run_scoped3A : memref<!tpu.dma_semaphore, #tpu.memory_space<semaphore_mem>>) {add = true}
        %dma_wait3A_148 = arith.constant 0 : i32
        %dma_wait3A_149 = tpu.memref_slice %arg8[%add3A_91, %dma_wait3A_148] : memref<8x64xi32, #tpu.memory_space<vmem>> -> memref<1x64xi32, #tpu.memory_space<vmem>>
        %dma_wait3A_150 = tpu.memref_squeeze %dma_wait3A_149 : memref<1x64xi32, #tpu.memory_space<vmem>> -> memref<64xi32, #tpu.memory_space<vmem>>
        %dma_wait3A_151 = arith.constant 0 : i32
        %dma_wait3A_152 = arith.constant 0 : i32
        %dma_wait3A_153 = tpu.memref_slice %arg13[%dma_wait3A_151, %dma_wait3A_152] : memref<10240x128xf32, #tpu.memory_space<vmem_shared>> -> memref<10240x128xf32, #tpu.memory_space<vmem_shared>>
        tpu.wait_indirect_dma semaphore(%run_scoped3A : memref<!tpu.dma_semaphore, #tpu.memory_space<semaphore_mem>>) src(%arg10 : memref<64x128xf32, #tpu.memory_space<vmem>>) dst(%dma_wait3A_153 : memref<10240x128xf32, #tpu.memory_space<vmem_shared>>)
        tpu.yield
      }) : () -> ()
      %add3A_99 = arith.constant 4 : i32
      %add3A_100 = arith.addi %add3A_91, %add3A_99 : i32
      %lt3A_101 = arith.constant 8 : i32
      %lt3A_102 = arith.cmpi slt, %add3A_100, %lt3A_101 : i32
      %convert_element_type3A_103 = arith.extui %lt3A_102 : i1 to i32
      %cond3A_104 = arith.constant 0 : i32
      %cond3A_105 = arith.cmpi ne, %convert_element_type3A_103, %cond3A_104 : i32
      scf.if %cond3A_105 {
        %add3A_142 = arith.constant 4 : i32
        %add3A_143 = arith.addi %add3A_91, %add3A_142 : i32
        %dma_start3A_144 = arith.constant 0 : i32
        %dma_start3A_145 = tpu.memref_slice %arg7[%add3A_143, %dma_start3A_144] : memref<8x64xi32, #tpu.memory_space<vmem>> -> memref<1x64xi32, #tpu.memory_space<vmem>>
        %dma_start3A_146 = tpu.memref_squeeze %dma_start3A_145 : memref<1x64xi32, #tpu.memory_space<vmem>> -> memref<64xi32, #tpu.memory_space<vmem>>
        %dma_start3A_147 = arith.constant 0 : i32
        %dma_start3A_148 = arith.constant 0 : i32
        %dma_start3A_149 = tpu.memref_slice %arg2[%dma_start3A_147, %dma_start3A_148] : memref<10240x128xf32, #tpu.memory_space<hbm>> -> memref<10240x128xf32, #tpu.memory_space<hbm>>
        tpu.enqueue_indirect_dma source(%dma_start3A_149 : memref<10240x128xf32, #tpu.memory_space<hbm>>) target(%arg10 : memref<64x128xf32, #tpu.memory_space<vmem>>) offsets(%dma_start3A_146 : memref<64xi32, #tpu.memory_space<vmem>>) semaphore(%arg15 : memref<!tpu.dma_semaphore, #tpu.memory_space<semaphore_mem>>)
      } else {
      }
      %mul3A_106 = arith.constant 4 : i32
      %mul3A_107 = arith.muli %add3A_72, %mul3A_106 : i32
      %add3A_108 = arith.constant 2 : i32
      %add3A_109 = arith.addi %mul3A_107, %add3A_108 : i32
      %dma_wait3A_110 = arith.constant 0 : i32
      %dma_wait3A_111 = arith.constant 0 : i32
      %dma_wait3A_112 = tpu.memref_slice %arg7[%dma_wait3A_110, %dma_wait3A_111] : memref<8x64xi32, #tpu.memory_space<vmem>> -> memref<1x64xi32, #tpu.memory_space<vmem>>
      %dma_wait3A_113 = tpu.memref_squeeze %dma_wait3A_112 : memref<1x64xi32, #tpu.memory_space<vmem>> -> memref<64xi32, #tpu.memory_space<vmem>>
      %dma_wait3A_114 = arith.constant 0 : i32
      %dma_wait3A_115 = arith.constant 0 : i32
      %dma_wait3A_116 = tpu.memref_slice %arg2[%dma_wait3A_114, %dma_wait3A_115] : memref<10240x128xf32, #tpu.memory_space<hbm>> -> memref<10240x128xf32, #tpu.memory_space<hbm>>
      tpu.wait_indirect_dma semaphore(%arg16 : memref<!tpu.dma_semaphore, #tpu.memory_space<semaphore_mem>>) src(%dma_wait3A_116 : memref<10240x128xf32, #tpu.memory_space<hbm>>) dst(%arg11 : memref<64x128xf32, #tpu.memory_space<vmem>>)
      "tpu.region"() ({
        %run_scoped3A = tpu.sem_alloc : memref<!tpu.dma_semaphore, #tpu.memory_space<semaphore_mem>>
        %dma_start3A_142 = arith.constant 0 : i32
        %dma_start3A_143 = tpu.memref_slice %arg8[%add3A_109, %dma_start3A_142] : memref<8x64xi32, #tpu.memory_space<vmem>> -> memref<1x64xi32, #tpu.memory_space<vmem>>
        %dma_start3A_144 = tpu.memref_squeeze %dma_start3A_143 : memref<1x64xi32, #tpu.memory_space<vmem>> -> memref<64xi32, #tpu.memory_space<vmem>>
        %dma_start3A_145 = arith.constant 0 : i32
        %dma_start3A_146 = arith.constant 0 : i32
        %dma_start3A_147 = tpu.memref_slice %arg13[%dma_start3A_145, %dma_start3A_146] : memref<10240x128xf32, #tpu.memory_space<vmem_shared>> -> memref<10240x128xf32, #tpu.memory_space<vmem_shared>>
        tpu.enqueue_indirect_dma source(%arg11 : memref<64x128xf32, #tpu.memory_space<vmem>>) target(%dma_start3A_147 : memref<10240x128xf32, #tpu.memory_space<vmem_shared>>) offsets(%dma_start3A_144 : memref<64xi32, #tpu.memory_space<vmem>>) semaphore(%run_scoped3A : memref<!tpu.dma_semaphore, #tpu.memory_space<semaphore_mem>>) {add = true}
        %dma_wait3A_148 = arith.constant 0 : i32
        %dma_wait3A_149 = tpu.memref_slice %arg8[%add3A_109, %dma_wait3A_148] : memref<8x64xi32, #tpu.memory_space<vmem>> -> memref<1x64xi32, #tpu.memory_space<vmem>>
        %dma_wait3A_150 = tpu.memref_squeeze %dma_wait3A_149 : memref<1x64xi32, #tpu.memory_space<vmem>> -> memref<64xi32, #tpu.memory_space<vmem>>
        %dma_wait3A_151 = arith.constant 0 : i32
        %dma_wait3A_152 = arith.constant 0 : i32
        %dma_wait3A_153 = tpu.memref_slice %arg13[%dma_wait3A_151, %dma_wait3A_152] : memref<10240x128xf32, #tpu.memory_space<vmem_shared>> -> memref<10240x128xf32, #tpu.memory_space<vmem_shared>>
        tpu.wait_indirect_dma semaphore(%run_scoped3A : memref<!tpu.dma_semaphore, #tpu.memory_space<semaphore_mem>>) src(%arg11 : memref<64x128xf32, #tpu.memory_space<vmem>>) dst(%dma_wait3A_153 : memref<10240x128xf32, #tpu.memory_space<vmem_shared>>)
        tpu.yield
      }) : () -> ()
      %add3A_117 = arith.constant 4 : i32
      %add3A_118 = arith.addi %add3A_109, %add3A_117 : i32
      %lt3A_119 = arith.constant 8 : i32
      %lt3A_120 = arith.cmpi slt, %add3A_118, %lt3A_119 : i32
      %convert_element_type3A_121 = arith.extui %lt3A_120 : i1 to i32
      %cond3A_122 = arith.constant 0 : i32
      %cond3A_123 = arith.cmpi ne, %convert_element_type3A_121, %cond3A_122 : i32
      scf.if %cond3A_123 {
        %add3A_142 = arith.constant 4 : i32
        %add3A_143 = arith.addi %add3A_109, %add3A_142 : i32
        %dma_start3A_144 = arith.constant 0 : i32
        %dma_start3A_145 = tpu.memref_slice %arg7[%add3A_143, %dma_start3A_144] : memref<8x64xi32, #tpu.memory_space<vmem>> -> memref<1x64xi32, #tpu.memory_space<vmem>>
        %dma_start3A_146 = tpu.memref_squeeze %dma_start3A_145 : memref<1x64xi32, #tpu.memory_space<vmem>> -> memref<64xi32, #tpu.memory_space<vmem>>
        %dma_start3A_147 = arith.constant 0 : i32
        %dma_start3A_148 = arith.constant 0 : i32
        %dma_start3A_149 = tpu.memref_slice %arg2[%dma_start3A_147, %dma_start3A_148] : memref<10240x128xf32, #tpu.memory_space<hbm>> -> memref<10240x128xf32, #tpu.memory_space<hbm>>
        tpu.enqueue_indirect_dma source(%dma_start3A_149 : memref<10240x128xf32, #tpu.memory_space<hbm>>) target(%arg11 : memref<64x128xf32, #tpu.memory_space<vmem>>) offsets(%dma_start3A_146 : memref<64xi32, #tpu.memory_space<vmem>>) semaphore(%arg16 : memref<!tpu.dma_semaphore, #tpu.memory_space<semaphore_mem>>)
      } else {
      }
      %mul3A_124 = arith.constant 4 : i32
      %mul3A_125 = arith.muli %add3A_72, %mul3A_124 : i32
      %add3A_126 = arith.constant 3 : i32
      %add3A_127 = arith.addi %mul3A_125, %add3A_126 : i32
      %dma_wait3A_128 = arith.constant 0 : i32
      %dma_wait3A_129 = arith.constant 0 : i32
      %dma_wait3A_130 = tpu.memref_slice %arg7[%dma_wait3A_128, %dma_wait3A_129] : memref<8x64xi32, #tpu.memory_space<vmem>> -> memref<1x64xi32, #tpu.memory_space<vmem>>
      %dma_wait3A_131 = tpu.memref_squeeze %dma_wait3A_130 : memref<1x64xi32, #tpu.memory_space<vmem>> -> memref<64xi32, #tpu.memory_space<vmem>>
      %dma_wait3A_132 = arith.constant 0 : i32
      %dma_wait3A_133 = arith.constant 0 : i32
      %dma_wait3A_134 = tpu.memref_slice %arg2[%dma_wait3A_132, %dma_wait3A_133] : memref<10240x128xf32, #tpu.memory_space<hbm>> -> memref<10240x128xf32, #tpu.memory_space<hbm>>
      tpu.wait_indirect_dma semaphore(%arg17 : memref<!tpu.dma_semaphore, #tpu.memory_space<semaphore_mem>>) src(%dma_wait3A_134 : memref<10240x128xf32, #tpu.memory_space<hbm>>) dst(%arg12 : memref<64x128xf32, #tpu.memory_space<vmem>>)
      "tpu.region"() ({
        %run_scoped3A = tpu.sem_alloc : memref<!tpu.dma_semaphore, #tpu.memory_space<semaphore_mem>>
        %dma_start3A_142 = arith.constant 0 : i32
        %dma_start3A_143 = tpu.memref_slice %arg8[%add3A_127, %dma_start3A_142] : memref<8x64xi32, #tpu.memory_space<vmem>> -> memref<1x64xi32, #tpu.memory_space<vmem>>
        %dma_start3A_144 = tpu.memref_squeeze %dma_start3A_143 : memref<1x64xi32, #tpu.memory_space<vmem>> -> memref<64xi32, #tpu.memory_space<vmem>>
        %dma_start3A_145 = arith.constant 0 : i32
        %dma_start3A_146 = arith.constant 0 : i32
        %dma_start3A_147 = tpu.memref_slice %arg13[%dma_start3A_145, %dma_start3A_146] : memref<10240x128xf32, #tpu.memory_space<vmem_shared>> -> memref<10240x128xf32, #tpu.memory_space<vmem_shared>>
        tpu.enqueue_indirect_dma source(%arg12 : memref<64x128xf32, #tpu.memory_space<vmem>>) target(%dma_start3A_147 : memref<10240x128xf32, #tpu.memory_space<vmem_shared>>) offsets(%dma_start3A_144 : memref<64xi32, #tpu.memory_space<vmem>>) semaphore(%run_scoped3A : memref<!tpu.dma_semaphore, #tpu.memory_space<semaphore_mem>>) {add = true}
        %dma_wait3A_148 = arith.constant 0 : i32
        %dma_wait3A_149 = tpu.memref_slice %arg8[%add3A_127, %dma_wait3A_148] : memref<8x64xi32, #tpu.memory_space<vmem>> -> memref<1x64xi32, #tpu.memory_space<vmem>>
        %dma_wait3A_150 = tpu.memref_squeeze %dma_wait3A_149 : memref<1x64xi32, #tpu.memory_space<vmem>> -> memref<64xi32, #tpu.memory_space<vmem>>
        %dma_wait3A_151 = arith.constant 0 : i32
        %dma_wait3A_152 = arith.constant 0 : i32
        %dma_wait3A_153 = tpu.memref_slice %arg13[%dma_wait3A_151, %dma_wait3A_152] : memref<10240x128xf32, #tpu.memory_space<vmem_shared>> -> memref<10240x128xf32, #tpu.memory_space<vmem_shared>>
        tpu.wait_indirect_dma semaphore(%run_scoped3A : memref<!tpu.dma_semaphore, #tpu.memory_space<semaphore_mem>>) src(%arg12 : memref<64x128xf32, #tpu.memory_space<vmem>>) dst(%dma_wait3A_153 : memref<10240x128xf32, #tpu.memory_space<vmem_shared>>)
        tpu.yield
      }) : () -> ()
      %add3A_135 = arith.constant 4 : i32
      %add3A_136 = arith.addi %add3A_127, %add3A_135 : i32
      %lt3A_137 = arith.constant 8 : i32
      %lt3A_138 = arith.cmpi slt, %add3A_136, %lt3A_137 : i32
      %convert_element_type3A_139 = arith.extui %lt3A_138 : i1 to i32
      %cond3A_140 = arith.constant 0 : i32
      %cond3A_141 = arith.cmpi ne, %convert_element_type3A_139, %cond3A_140 : i32
      scf.if %cond3A_141 {
        %add3A_142 = arith.constant 4 : i32
        %add3A_143 = arith.addi %add3A_127, %add3A_142 : i32
        %dma_start3A_144 = arith.constant 0 : i32
        %dma_start3A_145 = tpu.memref_slice %arg7[%add3A_143, %dma_start3A_144] : memref<8x64xi32, #tpu.memory_space<vmem>> -> memref<1x64xi32, #tpu.memory_space<vmem>>
        %dma_start3A_146 = tpu.memref_squeeze %dma_start3A_145 : memref<1x64xi32, #tpu.memory_space<vmem>> -> memref<64xi32, #tpu.memory_space<vmem>>
        %dma_start3A_147 = arith.constant 0 : i32
        %dma_start3A_148 = arith.constant 0 : i32
        %dma_start3A_149 = tpu.memref_slice %arg2[%dma_start3A_147, %dma_start3A_148] : memref<10240x128xf32, #tpu.memory_space<hbm>> -> memref<10240x128xf32, #tpu.memory_space<hbm>>
        tpu.enqueue_indirect_dma source(%dma_start3A_149 : memref<10240x128xf32, #tpu.memory_space<hbm>>) target(%arg12 : memref<64x128xf32, #tpu.memory_space<vmem>>) offsets(%dma_start3A_146 : memref<64xi32, #tpu.memory_space<vmem>>) semaphore(%arg17 : memref<!tpu.dma_semaphore, #tpu.memory_space<semaphore_mem>>)
      } else {
      }
    }
    %scan3A_58 = arith.constant 2 : i32
    %scan3A_59 = arith.constant 1 : i32
    %barrier3A_60 = arith.constant 0 : index
    tpu.barrier barrier_id(%barrier3A_60)
    %mul3A_61 = arith.constant 640 : i32
    %mul3A_62 = arith.muli %arg1, %mul3A_61 : i32
    %mul3A_63 = arith.constant 10240 : i32
    %mul3A_64 = arith.muli %arg0, %mul3A_63 : i32
    %mul3A_65 = arith.constant 640 : i32
    %mul3A_66 = arith.muli %arg1, %mul3A_65 : i32
    %add3A_67 = arith.addi %mul3A_64, %mul3A_66 : i32
    "tpu.region"() ({
      %run_scoped3A = tpu.sem_alloc : memref<!tpu.dma_semaphore, #tpu.memory_space<semaphore_mem>>
      %dma_start3A_68 = arith.constant 0 : i32
      %dma_start3A_69 = tpu.memref_slice %arg6[%add3A_67, %dma_start3A_68] : memref<20480x128xf32, #tpu.memory_space<hbm>> -> memref<640x128xf32, #tpu.memory_space<hbm>>
      %dma_start3A_70 = arith.constant 0 : i32
      %dma_start3A_71 = tpu.memref_slice %arg13[%mul3A_62, %dma_start3A_70] : memref<10240x128xf32, #tpu.memory_space<vmem_shared>> -> memref<640x128xf32, #tpu.memory_space<vmem_shared>>
      tpu.enqueue_dma source(%dma_start3A_71 : memref<640x128xf32, #tpu.memory_space<vmem_shared>>) target(%dma_start3A_69 : memref<640x128xf32, #tpu.memory_space<hbm>>) target_semaphore(%run_scoped3A : memref<!tpu.dma_semaphore, #tpu.memory_space<semaphore_mem>>)
      %dma_wait3A_72 = arith.constant 0 : i32
      %dma_wait3A_73 = tpu.memref_slice %arg6[%add3A_67, %dma_wait3A_72] : memref<20480x128xf32, #tpu.memory_space<hbm>> -> memref<640x128xf32, #tpu.memory_space<hbm>>
      %dma_wait3A_74 = arith.constant 0 : i32
      %dma_wait3A_75 = tpu.memref_slice %arg13[%mul3A_62, %dma_wait3A_74] : memref<10240x128xf32, #tpu.memory_space<vmem_shared>> -> memref<640x128xf32, #tpu.memory_space<vmem_shared>>
      tpu.wait_dma2 semaphore(%run_scoped3A : memref<!tpu.dma_semaphore, #tpu.memory_space<semaphore_mem>>) src(%dma_wait3A_75 : memref<640x128xf32, #tpu.memory_space<vmem_shared>>) dst(%dma_wait3A_73 : memref<640x128xf32, #tpu.memory_space<hbm>>)
      tpu.yield
    }) : () -> ()
    return
  }
}

module attributes {stable_mosaic.version = 14 : i64} {
  func.func @_prep_body(%arg0: i32, %arg1: memref<256x8xf32, #tpu.memory_space<vmem>>, %arg2: memref<256x128xf32, #tpu.memory_space<vmem>>, %arg3: memref<128x128xf32, #tpu.memory_space<vmem>>, %arg4: memref<256x128xf32, #tpu.memory_space<vmem>>) attributes {dimension_semantics = [#tpu.dimension_semantics<arbitrary>], iteration_bounds = array<i64: 40>, scalar_prefetch = 0 : i64, scratch_operands = 0 : i64, tpu.core_type = #tpu.core_type<tc>, window_params = [{transform_indices = @transform_0, window_bounds = array<i64: 256, 8>}, {transform_indices = @transform_1, window_bounds = array<i64: 256, 128>}, {pipeline_mode = #tpu.pipeline_mode<synchronous>, transform_indices = @transform_2, window_bounds = array<i64: 128, 128>}, {transform_indices = @transform_3, window_bounds = array<i64: 256, 128>}]} {
    %get3A = arith.constant 0 : index
    %get3A_0 = arith.constant 0 : index
    %get3A_1 = vector.load %arg1[%get3A, %get3A_0] : memref<256x8xf32, #tpu.memory_space<vmem>>, vector<256x1xf32>
    %get3A_2 = arith.constant 0 : index
    %get3A_3 = arith.constant 1 : index
    %get3A_4 = vector.load %arg1[%get3A_2, %get3A_3] : memref<256x8xf32, #tpu.memory_space<vmem>>, vector<256x1xf32>
    %add3A = arith.addf %get3A_1, %get3A_4 : vector<256x1xf32>
    %add3A_5 = arith.constant 1.000000e+00 : f32
    %add3A_6 = vector.broadcast %add3A_5 : f32 to vector<256x1xf32>
    %add3A_7 = arith.addf %add3A, %add3A_6 : vector<256x1xf32>
    %rsqrt3A = math.rsqrt %add3A_7 : vector<256x1xf32>
    %get3A_8 = arith.constant 0 : index
    %get3A_9 = arith.constant 0 : index
    %get3A_10 = vector.load %arg2[%get3A_8, %get3A_9] : memref<256x128xf32, #tpu.memory_space<vmem>>, vector<256x128xf32>
    %get3A_11 = arith.constant 0 : index
    %get3A_12 = arith.constant 0 : index
    %get3A_13 = vector.load %arg3[%get3A_11, %get3A_12] : memref<128x128xf32, #tpu.memory_space<vmem>>, vector<128x128xf32>
    %dot_general3A = arith.constant dense<0.000000e+00> : vector<256x128xf32>
    %dot_general3A_14 = tpu.matmul %get3A_10, %get3A_13, %dot_general3A {dimension_numbers = #tpu.dot_dimension_numbers<[1], [0], [0], [1], [0, 0, 1, 1], [], []>, transpose_lhs_hint = false} : vector<256x128xf32>, vector<128x128xf32>, vector<256x128xf32> -> vector<256x128xf32>
    %mul3A = vector.broadcast %rsqrt3A : vector<256x1xf32> to vector<256x128xf32>
    %mul3A_15 = arith.mulf %mul3A, %dot_general3A_14 : vector<256x128xf32>
    %swap3A = arith.constant 0 : index
    %swap3A_16 = arith.constant 0 : index
    %swap3A_17 = vector.load %arg4[%swap3A, %swap3A_16] : memref<256x128xf32, #tpu.memory_space<vmem>>, vector<256x128xf32>
    tpu.vector_store %arg4[%swap3A, %swap3A_16], %mul3A_15 {strides = array<i32>} : memref<256x128xf32, #tpu.memory_space<vmem>>, vector<256x128xf32>,
    return
  }
  func.func @transform_0(%arg0: i32) -> (i32, i32) {
    %c0_i32 = arith.constant 0 : i32
    %c0_i32_0 = arith.constant 0 : i32
    return %arg0, %c0_i32 : i32, i32
  }
  func.func @transform_1(%arg0: i32) -> (i32, i32) {
    %c0_i32 = arith.constant 0 : i32
    %c0_i32_0 = arith.constant 0 : i32
    return %arg0, %c0_i32 : i32, i32
  }
  func.func @transform_2(%arg0: i32) -> (i32, i32) {
    %c0_i32 = arith.constant 0 : i32
    %c0_i32_0 = arith.constant 0 : i32
    %c0_i32_1 = arith.constant 0 : i32
    return %c0_i32, %c0_i32_0 : i32, i32
  }
  func.func @transform_3(%arg0: i32) -> (i32, i32) {
    %c0_i32 = arith.constant 0 : i32
    %c0_i32_0 = arith.constant 0 : i32
    return %arg0, %c0_i32 : i32, i32
  }
}

module attributes {stable_mosaic.version = 14 : i64} {
  func.func @_combine_mm_body(%arg0: i32, %arg1: memref<2x256x128xf32, #tpu.memory_space<vmem>>, %arg2: memref<256x128xf32, #tpu.memory_space<vmem>>, %arg3: memref<256x8xf32, #tpu.memory_space<vmem>>, %arg4: memref<8x128xf32, #tpu.memory_space<vmem>>, %arg5: memref<128x128xf32, #tpu.memory_space<vmem>>, %arg6: memref<256x128xf32, #tpu.memory_space<vmem>>) attributes {dimension_semantics = [#tpu.dimension_semantics<arbitrary>], iteration_bounds = array<i64: 40>, scalar_prefetch = 0 : i64, scratch_operands = 0 : i64, tpu.core_type = #tpu.core_type<tc>, window_params = [{transform_indices = @transform_0, window_bounds = array<i64: 2, 256, 128>}, {transform_indices = @transform_1, window_bounds = array<i64: 256, 128>}, {transform_indices = @transform_2, window_bounds = array<i64: 256, 8>}, {pipeline_mode = #tpu.pipeline_mode<synchronous>, transform_indices = @transform_3, window_bounds = array<i64: 8, 128>}, {pipeline_mode = #tpu.pipeline_mode<synchronous>, transform_indices = @transform_4, window_bounds = array<i64: 128, 128>}, {transform_indices = @transform_5, window_bounds = array<i64: 256, 128>}]} {
    %get3A = arith.constant 0 : index
    %get3A_0 = arith.constant 0 : index
    %get3A_1 = vector.load %arg3[%get3A, %get3A_0] : memref<256x8xf32, #tpu.memory_space<vmem>>, vector<256x1xf32>
    %get3A_2 = arith.constant 0 : index
    %get3A_3 = arith.constant 1 : index
    %get3A_4 = vector.load %arg3[%get3A_2, %get3A_3] : memref<256x8xf32, #tpu.memory_space<vmem>>, vector<256x1xf32>
    %add3A = arith.addf %get3A_1, %get3A_4 : vector<256x1xf32>
    %add3A_5 = arith.constant 1.000000e+00 : f32
    %add3A_6 = vector.broadcast %add3A_5 : f32 to vector<256x1xf32>
    %add3A_7 = arith.addf %add3A, %add3A_6 : vector<256x1xf32>
    %rsqrt3A = math.rsqrt %add3A_7 : vector<256x1xf32>
    %get3A_8 = arith.constant 0 : index
    %get3A_9 = arith.constant 0 : index
    %get3A_10 = arith.constant 0 : index
    %get3A_11 = vector.load %arg1[%get3A_8, %get3A_9, %get3A_10] : memref<2x256x128xf32, #tpu.memory_space<vmem>>, vector<1x256x128xf32>
    %get3A_12 = vector.shape_cast %get3A_11 : vector<1x256x128xf32> to vector<256x128xf32>
    %get3A_13 = arith.constant 1 : index
    %get3A_14 = arith.constant 0 : index
    %get3A_15 = arith.constant 0 : index
    %get3A_16 = vector.load %arg1[%get3A_13, %get3A_14, %get3A_15] : memref<2x256x128xf32, #tpu.memory_space<vmem>>, vector<1x256x128xf32>
    %get3A_17 = vector.shape_cast %get3A_16 : vector<1x256x128xf32> to vector<256x128xf32>
    %add3A_18 = arith.addf %get3A_12, %get3A_17 : vector<256x128xf32>
    %get3A_19 = arith.constant 0 : index
    %get3A_20 = arith.constant 0 : index
    %get3A_21 = vector.load %arg2[%get3A_19, %get3A_20] : memref<256x128xf32, #tpu.memory_space<vmem>>, vector<256x128xf32>
    %add3A_22 = arith.addf %add3A_18, %get3A_21 : vector<256x128xf32>
    %mul3A = vector.broadcast %rsqrt3A : vector<256x1xf32> to vector<256x128xf32>
    %mul3A_23 = arith.mulf %mul3A, %add3A_22 : vector<256x128xf32>
    %get3A_24 = arith.constant 0 : index
    %get3A_25 = arith.constant 0 : index
    %get3A_26 = vector.load %arg4[%get3A_24, %get3A_25] : memref<8x128xf32, #tpu.memory_space<vmem>>, vector<1x128xf32>
    %add3A_27 = vector.broadcast %get3A_26 : vector<1x128xf32> to vector<256x128xf32>
    %add3A_28 = arith.addf %mul3A_23, %add3A_27 : vector<256x128xf32>
    %max3A = arith.constant 0.000000e+00 : f32
    %max3A_29 = vector.broadcast %max3A : f32 to vector<256x128xf32>
    %max3A_30 = arith.maximumf %add3A_28, %max3A_29 : vector<256x128xf32>
    %get3A_31 = arith.constant 0 : index
    %get3A_32 = arith.constant 0 : index
    %get3A_33 = vector.load %arg5[%get3A_31, %get3A_32] : memref<128x128xf32, #tpu.memory_space<vmem>>, vector<128x128xf32>
    %dot_general3A = arith.constant dense<0.000000e+00> : vector<256x128xf32>
    %dot_general3A_34 = tpu.matmul %max3A_30, %get3A_33, %dot_general3A {dimension_numbers = #tpu.dot_dimension_numbers<[1], [0], [0], [1], [0, 0, 1, 1], [], []>, transpose_lhs_hint = false} : vector<256x128xf32>, vector<128x128xf32>, vector<256x128xf32> -> vector<256x128xf32>
    %mul3A_35 = vector.broadcast %rsqrt3A : vector<256x1xf32> to vector<256x128xf32>
    %mul3A_36 = arith.mulf %mul3A_35, %dot_general3A_34 : vector<256x128xf32>
    %swap3A = arith.constant 0 : index
    %swap3A_37 = arith.constant 0 : index
    %swap3A_38 = vector.load %arg6[%swap3A, %swap3A_37] : memref<256x128xf32, #tpu.memory_space<vmem>>, vector<256x128xf32>
    tpu.vector_store %arg6[%swap3A, %swap3A_37], %mul3A_36 {strides = array<i32>} : memref<256x128xf32, #tpu.memory_space<vmem>>, vector<256x128xf32>,
    return
  }
  func.func @transform_0(%arg0: i32) -> (i32, i32, i32) {
    %c0_i32 = arith.constant 0 : i32
    %c0_i32_0 = arith.constant 0 : i32
    %c0_i32_1 = arith.constant 0 : i32
    return %c0_i32, %arg0, %c0_i32_0 : i32, i32, i32
  }
  func.func @transform_1(%arg0: i32) -> (i32, i32) {
    %c0_i32 = arith.constant 0 : i32
    %c0_i32_0 = arith.constant 0 : i32
    return %arg0, %c0_i32 : i32, i32
  }
  func.func @transform_2(%arg0: i32) -> (i32, i32) {
    %c0_i32 = arith.constant 0 : i32
    %c0_i32_0 = arith.constant 0 : i32
    return %arg0, %c0_i32 : i32, i32
  }
  func.func @transform_3(%arg0: i32) -> (i32, i32) {
    %c0_i32 = arith.constant 0 : i32
    %c0_i32_0 = arith.constant 0 : i32
    %c0_i32_1 = arith.constant 0 : i32
    return %c0_i32, %c0_i32_0 : i32, i32
  }
  func.func @transform_4(%arg0: i32) -> (i32, i32) {
    %c0_i32 = arith.constant 0 : i32
    %c0_i32_0 = arith.constant 0 : i32
    %c0_i32_1 = arith.constant 0 : i32
    return %c0_i32, %c0_i32_0 : i32, i32
  }
  func.func @transform_5(%arg0: i32) -> (i32, i32) {
    %c0_i32 = arith.constant 0 : i32
    %c0_i32_0 = arith.constant 0 : i32
    return %arg0, %c0_i32 : i32, i32
  }
}

module attributes {stable_mosaic.version = 14 : i64} {
  func.func @_combine_id_body(%arg0: i32, %arg1: memref<2x256x128xf32, #tpu.memory_space<vmem>>, %arg2: memref<256x128xf32, #tpu.memory_space<vmem>>, %arg3: memref<256x8xf32, #tpu.memory_space<vmem>>, %arg4: memref<8x128xf32, #tpu.memory_space<vmem>>, %arg5: memref<256x128xf32, #tpu.memory_space<vmem>>) attributes {dimension_semantics = [#tpu.dimension_semantics<arbitrary>], iteration_bounds = array<i64: 40>, scalar_prefetch = 0 : i64, scratch_operands = 0 : i64, tpu.core_type = #tpu.core_type<tc>, window_params = [{transform_indices = @transform_0, window_bounds = array<i64: 2, 256, 128>}, {transform_indices = @transform_1, window_bounds = array<i64: 256, 128>}, {transform_indices = @transform_2, window_bounds = array<i64: 256, 8>}, {pipeline_mode = #tpu.pipeline_mode<synchronous>, transform_indices = @transform_3, window_bounds = array<i64: 8, 128>}, {transform_indices = @transform_4, window_bounds = array<i64: 256, 128>}]} {
    %get3A = arith.constant 0 : index
    %get3A_0 = arith.constant 0 : index
    %get3A_1 = arith.constant 0 : index
    %get3A_2 = vector.load %arg1[%get3A, %get3A_0, %get3A_1] : memref<2x256x128xf32, #tpu.memory_space<vmem>>, vector<1x256x128xf32>
    %get3A_3 = vector.shape_cast %get3A_2 : vector<1x256x128xf32> to vector<256x128xf32>
    %get3A_4 = arith.constant 1 : index
    %get3A_5 = arith.constant 0 : index
    %get3A_6 = arith.constant 0 : index
    %get3A_7 = vector.load %arg1[%get3A_4, %get3A_5, %get3A_6] : memref<2x256x128xf32, #tpu.memory_space<vmem>>, vector<1x256x128xf32>
    %get3A_8 = vector.shape_cast %get3A_7 : vector<1x256x128xf32> to vector<256x128xf32>
    %add3A = arith.addf %get3A_3, %get3A_8 : vector<256x128xf32>
    %get3A_9 = arith.constant 0 : index
    %get3A_10 = arith.constant 0 : index
    %get3A_11 = vector.load %arg2[%get3A_9, %get3A_10] : memref<256x128xf32, #tpu.memory_space<vmem>>, vector<256x128xf32>
    %add3A_12 = arith.addf %add3A, %get3A_11 : vector<256x128xf32>
    %get3A_13 = arith.constant 0 : index
    %get3A_14 = arith.constant 0 : index
    %get3A_15 = vector.load %arg3[%get3A_13, %get3A_14] : memref<256x8xf32, #tpu.memory_space<vmem>>, vector<256x1xf32>
    %get3A_16 = arith.constant 0 : index
    %get3A_17 = arith.constant 1 : index
    %get3A_18 = vector.load %arg3[%get3A_16, %get3A_17] : memref<256x8xf32, #tpu.memory_space<vmem>>, vector<256x1xf32>
    %add3A_19 = arith.addf %get3A_15, %get3A_18 : vector<256x1xf32>
    %add3A_20 = arith.constant 1.000000e+00 : f32
    %add3A_21 = vector.broadcast %add3A_20 : f32 to vector<256x1xf32>
    %add3A_22 = arith.addf %add3A_19, %add3A_21 : vector<256x1xf32>
    %rsqrt3A = math.rsqrt %add3A_22 : vector<256x1xf32>
    %mul3A = vector.broadcast %rsqrt3A : vector<256x1xf32> to vector<256x128xf32>
    %mul3A_23 = arith.mulf %mul3A, %add3A_12 : vector<256x128xf32>
    %get3A_24 = arith.constant 0 : index
    %get3A_25 = arith.constant 0 : index
    %get3A_26 = vector.load %arg4[%get3A_24, %get3A_25] : memref<8x128xf32, #tpu.memory_space<vmem>>, vector<1x128xf32>
    %add3A_27 = vector.broadcast %get3A_26 : vector<1x128xf32> to vector<256x128xf32>
    %add3A_28 = arith.addf %mul3A_23, %add3A_27 : vector<256x128xf32>
    %max3A = arith.constant 0.000000e+00 : f32
    %max3A_29 = vector.broadcast %max3A : f32 to vector<256x128xf32>
    %max3A_30 = arith.maximumf %add3A_28, %max3A_29 : vector<256x128xf32>
    %swap3A = arith.constant 0 : index
    %swap3A_31 = arith.constant 0 : index
    %swap3A_32 = vector.load %arg5[%swap3A, %swap3A_31] : memref<256x128xf32, #tpu.memory_space<vmem>>, vector<256x128xf32>
    tpu.vector_store %arg5[%swap3A, %swap3A_31], %max3A_30 {strides = array<i32>} : memref<256x128xf32, #tpu.memory_space<vmem>>, vector<256x128xf32>,
    return
  }
  func.func @transform_0(%arg0: i32) -> (i32, i32, i32) {
    %c0_i32 = arith.constant 0 : i32
    %c0_i32_0 = arith.constant 0 : i32
    %c0_i32_1 = arith.constant 0 : i32
    return %c0_i32, %arg0, %c0_i32_0 : i32, i32, i32
  }
  func.func @transform_1(%arg0: i32) -> (i32, i32) {
    %c0_i32 = arith.constant 0 : i32
    %c0_i32_0 = arith.constant 0 : i32
    return %arg0, %c0_i32 : i32, i32
  }
  func.func @transform_2(%arg0: i32) -> (i32, i32) {
    %c0_i32 = arith.constant 0 : i32
    %c0_i32_0 = arith.constant 0 : i32
    return %arg0, %c0_i32 : i32, i32
  }
  func.func @transform_3(%arg0: i32) -> (i32, i32) {
    %c0_i32 = arith.constant 0 : i32
    %c0_i32_0 = arith.constant 0 : i32
    %c0_i32_1 = arith.constant 0 : i32
    return %c0_i32, %c0_i32_0 : i32, i32
  }
  func.func @transform_4(%arg0: i32) -> (i32, i32) {
    %c0_i32 = arith.constant 0 : i32
    %c0_i32_0 = arith.constant 0 : i32
    return %arg0, %c0_i32 : i32, i32
  }
}

module attributes {stable_mosaic.version = 14 : i64} {
  func.func @_final_body(%arg0: memref<2x256x128xf32, #tpu.memory_space<vmem>>, %arg1: memref<256x8xf32, #tpu.memory_space<vmem>>, %arg2: memref<128x64xf32, #tpu.memory_space<vmem>>, %arg3: memref<8x64xf32, #tpu.memory_space<vmem>>, %arg4: memref<8x64xf32, #tpu.memory_space<vmem>>, %arg5: memref<8x64xf32, #tpu.memory_space<vmem>>, %arg6: memref<8x64xf32, #tpu.memory_space<vmem>>, %arg7: memref<8x64xf32, #tpu.memory_space<vmem>>, %arg8: memref<64x10xf32, #tpu.memory_space<vmem>>, %arg9: memref<8x10xf32, #tpu.memory_space<vmem>>, %arg10: memref<256x10xf32, #tpu.memory_space<vmem>>) attributes {dimension_semantics = [], scalar_prefetch = 0 : i64, scratch_operands = 0 : i64, tpu.core_type = #tpu.core_type<tc>} {
    %get3A = arith.constant 0 : index
    %get3A_0 = arith.constant 0 : index
    %get3A_1 = arith.constant 0 : index
    %get3A_2 = vector.load %arg0[%get3A, %get3A_0, %get3A_1] : memref<2x256x128xf32, #tpu.memory_space<vmem>>, vector<1x256x128xf32>
    %get3A_3 = vector.shape_cast %get3A_2 : vector<1x256x128xf32> to vector<256x128xf32>
    %get3A_4 = arith.constant 1 : index
    %get3A_5 = arith.constant 0 : index
    %get3A_6 = arith.constant 0 : index
    %get3A_7 = vector.load %arg0[%get3A_4, %get3A_5, %get3A_6] : memref<2x256x128xf32, #tpu.memory_space<vmem>>, vector<1x256x128xf32>
    %get3A_8 = vector.shape_cast %get3A_7 : vector<1x256x128xf32> to vector<256x128xf32>
    %add3A = arith.addf %get3A_3, %get3A_8 : vector<256x128xf32>
    %get3A_9 = arith.constant 0 : index
    %get3A_10 = arith.constant 0 : index
    %get3A_11 = vector.load %arg1[%get3A_9, %get3A_10] : memref<256x8xf32, #tpu.memory_space<vmem>>, vector<256x1xf32>
    %get3A_12 = arith.constant 0 : index
    %get3A_13 = arith.constant 1 : index
    %get3A_14 = vector.load %arg1[%get3A_12, %get3A_13] : memref<256x8xf32, #tpu.memory_space<vmem>>, vector<256x1xf32>
    %add3A_15 = arith.addf %get3A_11, %get3A_14 : vector<256x1xf32>
    %max3A = arith.constant 1.000000e+00 : f32
    %max3A_16 = vector.broadcast %max3A : f32 to vector<256x1xf32>
    %max3A_17 = arith.maximumf %add3A_15, %max3A_16 : vector<256x1xf32>
    %div3A = vector.broadcast %max3A_17 : vector<256x1xf32> to vector<256x128xf32>
    %div3A_18 = arith.divf %add3A, %div3A : vector<256x128xf32>
    %get3A_19 = arith.constant 0 : index
    %get3A_20 = arith.constant 0 : index
    %get3A_21 = vector.load %arg2[%get3A_19, %get3A_20] : memref<128x64xf32, #tpu.memory_space<vmem>>, vector<128x64xf32>
    %dot_general3A = arith.constant dense<0.000000e+00> : vector<256x64xf32>
    %dot_general3A_22 = tpu.matmul %div3A_18, %get3A_21, %dot_general3A {dimension_numbers = #tpu.dot_dimension_numbers<[1], [0], [0], [1], [0, 0, 1, 1], [], []>, transpose_lhs_hint = false} : vector<256x128xf32>, vector<128x64xf32>, vector<256x64xf32> -> vector<256x64xf32>
    %get3A_23 = arith.constant 0 : index
    %get3A_24 = arith.constant 0 : index
    %get3A_25 = vector.load %arg3[%get3A_23, %get3A_24] : memref<8x64xf32, #tpu.memory_space<vmem>>, vector<1x64xf32>
    %add3A_26 = vector.broadcast %get3A_25 : vector<1x64xf32> to vector<256x64xf32>
    %add3A_27 = arith.addf %dot_general3A_22, %add3A_26 : vector<256x64xf32>
    %get3A_28 = arith.constant 0 : index
    %get3A_29 = arith.constant 0 : index
    %get3A_30 = vector.load %arg6[%get3A_28, %get3A_29] : memref<8x64xf32, #tpu.memory_space<vmem>>, vector<1x64xf32>
    %sub3A = vector.broadcast %get3A_30 : vector<1x64xf32> to vector<256x64xf32>
    %sub3A_31 = arith.subf %add3A_27, %sub3A : vector<256x64xf32>
    %get3A_32 = arith.constant 0 : index
    %get3A_33 = arith.constant 0 : index
    %get3A_34 = vector.load %arg7[%get3A_32, %get3A_33] : memref<8x64xf32, #tpu.memory_space<vmem>>, vector<1x64xf32>
    %add3A_35 = arith.constant 9.99999974E-6 : f32
    %add3A_36 = vector.broadcast %add3A_35 : f32 to vector<1x64xf32>
    %add3A_37 = arith.addf %get3A_34, %add3A_36 : vector<1x64xf32>
    %rsqrt3A = math.rsqrt %add3A_37 : vector<1x64xf32>
    %mul3A = vector.broadcast %rsqrt3A : vector<1x64xf32> to vector<256x64xf32>
    %mul3A_38 = arith.mulf %sub3A_31, %mul3A : vector<256x64xf32>
    %get3A_39 = arith.constant 0 : index
    %get3A_40 = arith.constant 0 : index
    %get3A_41 = vector.load %arg4[%get3A_39, %get3A_40] : memref<8x64xf32, #tpu.memory_space<vmem>>, vector<1x64xf32>
    %mul3A_42 = vector.broadcast %get3A_41 : vector<1x64xf32> to vector<256x64xf32>
    %mul3A_43 = arith.mulf %mul3A_38, %mul3A_42 : vector<256x64xf32>
    %get3A_44 = arith.constant 0 : index
    %get3A_45 = arith.constant 0 : index
    %get3A_46 = vector.load %arg5[%get3A_44, %get3A_45] : memref<8x64xf32, #tpu.memory_space<vmem>>, vector<1x64xf32>
    %add3A_47 = vector.broadcast %get3A_46 : vector<1x64xf32> to vector<256x64xf32>
    %add3A_48 = arith.addf %mul3A_43, %add3A_47 : vector<256x64xf32>
    %max3A_49 = arith.constant 0.000000e+00 : f32
    %max3A_50 = vector.broadcast %max3A_49 : f32 to vector<256x64xf32>
    %max3A_51 = arith.maximumf %add3A_48, %max3A_50 : vector<256x64xf32>
    %get3A_52 = arith.constant 0 : index
    %get3A_53 = arith.constant 0 : index
    %get3A_54 = vector.load %arg8[%get3A_52, %get3A_53] : memref<64x10xf32, #tpu.memory_space<vmem>>, vector<64x10xf32>
    %dot_general3A_55 = arith.constant dense<0.000000e+00> : vector<256x10xf32>
    %dot_general3A_56 = tpu.matmul %max3A_51, %get3A_54, %dot_general3A_55 {dimension_numbers = #tpu.dot_dimension_numbers<[1], [0], [0], [1], [0, 0, 1, 1], [], []>, transpose_lhs_hint = false} : vector<256x64xf32>, vector<64x10xf32>, vector<256x10xf32> -> vector<256x10xf32>
    %get3A_57 = arith.constant 0 : index
    %get3A_58 = arith.constant 0 : index
    %get3A_59 = vector.load %arg9[%get3A_57, %get3A_58] : memref<8x10xf32, #tpu.memory_space<vmem>>, vector<1x10xf32>
    %add3A_60 = vector.broadcast %get3A_59 : vector<1x10xf32> to vector<256x10xf32>
    %add3A_61 = arith.addf %dot_general3A_56, %add3A_60 : vector<256x10xf32>
    %reduce_max3A = arith.constant dense<0xFF800000> : vector<256xf32>
    %reduce_max3A_62 = vector.multi_reduction <maximumf>, %add3A_61, %reduce_max3A [1] : vector<256x10xf32> to vector<256xf32>
    %broadcast_in_dim3A = vector.shape_cast %reduce_max3A_62 : vector<256xf32> to vector<256x1xf32>
    %sub3A_63 = vector.broadcast %broadcast_in_dim3A : vector<256x1xf32> to vector<256x10xf32>
    %sub3A_64 = arith.subf %add3A_61, %sub3A_63 : vector<256x10xf32>
    %exp3A = math.exp %sub3A_64 : vector<256x10xf32>
    %reduce_sum3A = arith.constant dense<0.000000e+00> : vector<256xf32>
    %reduce_sum3A_65 = vector.multi_reduction <add>, %exp3A, %reduce_sum3A [1] : vector<256x10xf32> to vector<256xf32>
    %broadcast_in_dim3A_66 = vector.shape_cast %reduce_sum3A_65 : vector<256xf32> to vector<256x1xf32>
    %log3A = math.log %broadcast_in_dim3A_66 : vector<256x1xf32>
    %add3A_67 = arith.addf %log3A, %broadcast_in_dim3A : vector<256x1xf32>
    %sub3A_68 = vector.broadcast %add3A_67 : vector<256x1xf32> to vector<256x10xf32>
    %sub3A_69 = arith.subf %add3A_61, %sub3A_68 : vector<256x10xf32>
    %swap3A = arith.constant 0 : index
    %swap3A_70 = arith.constant 0 : index
    %swap3A_71 = vector.load %arg10[%swap3A, %swap3A_70] : memref<256x10xf32, #tpu.memory_space<vmem>>, vector<256x10xf32>
    tpu.vector_store %arg10[%swap3A, %swap3A_70], %sub3A_69 {strides = array<i32>} : memref<256x10xf32, #tpu.memory_space<vmem>>, vector<256x10xf32>,
    return
  }
}

</mosaic_0001>

<sc_bundles>
// kernel: kernel.12.cloned.1.call-start
scs
__scs_entry_jumppad:
0x0: {  	(pc) =	sbr.rel $0x88, $3  }
0x1: {  	(tag) =	ssettag $0x0;
	lr =	simm.s32 $0x1  }
0x2: {  	[smem:$0x3F90] =	sst lr;
	_ =	strace $0xD0000000  }
0x3: {  	_ = 	snop  }
0x4: {  	_ = 	snop  }
0x5: {  	_ = 	snop  }
0x6: {  	_ = 	snop  }
0x7: {  	_ = 	snop  }
__scs_overlays_trampoline_lowered:
0x8: {  	[smem:$0x3F9F] =	sst s0  }
0x9: {  	[smem:$0x3FA0] =	sst s1  }
0xa: {  	[smem:$0x3FA1] =	sst s2  }
0xb: {  	[smem:$0x3FA2] =	sst s3  }
0xc: {  	[smem:$0x3FA3] =	sst s4  }
0xd: {  	[smem:$0x3FA4] =	sst s5  }
0xe: {  	[smem:$0x3FA5] =	sst s6  }
0xf: {  	[smem:$0x3FA6] =	sst s7  }
0x10: {  	[smem:$0x3FA7] =	sst s8  }
0x11: {  	[smem:$0x3FA8] =	sst s9;
	s0 =	simm.s32 @!p0 $0x0  }
0x12: {  	s1 =	sld [smem:$0x3F8E];
	s0 =	simm.s32 @p0 $0x1  }
0x13: {  	[smem:$0x3FA9] =	sst s0;
	s0 =	simm.s32 @!p1 $0x0  }
0x14: {  	s2 =	sld [smem:$0x3F8D];
	s0 =	simm.s32 @p1 $0x1  }
0x15: {  	[smem:$0x3FAA] =	sst s0;
	s0 =	simm.s32 @!p2 $0x0  }
0x16: {  	s3 =	sld [smem:$0x3FDB];
	s0 =	simm.s32 @p2 $0x1  }
0x17: {  	s4 =	simm.s32 $0x1BF5;
	[smem:$0x3FAC] =	sst s0  }
0x18: {  	s0 =	sld [smem:$0x3F8F];
	_ =	swait.ge [sflag:s4], $0x0  }
0x19: {  	s7 =	sld [smem:$0x3F90]  }
0x1a: {  	s8 =	sadd.s32 $0xFFFFE003, lr  }
0x1b: {  	s9 =	sadd.s32 $0xFFFFFEF7, lr;
	s5 =	simm.s32 $0xFFFFFFFF;
	p2 =	slt.u32 s8, $0xFFFFF086  }
0x1c: {  	p1 =	slt.u32 s9, $0xF7A;
	s5 =	simm.s32 @!p2 $0x0  }
0x1d: {  	s5 =	simm.s32 @p1 $0x1;
	p0 =	seq.s32 s7, s2  }
0x1e: {  	s7 =	smul.u32 @!p0 $0xF7A, s2;
	p2 =	seq.s32 @!p0 s5, $0x0  }
0x1f: {  	s9 =	smul.u32 $0xF7A, s1;
	s8 =	simm.s32 @!p0 $0x1BF5;
	p2 =	por !p2, p0  }
0x20: {  	[sflag:s8] =	ssyncset.s32 @!p0 $0xFFFFF086;
	s6 =	sadd.s32 @!p0 s3, s7;
	s7 =	simm.s32 @!p0 $0x108  }
0x21: {  	s3 =	sadd.s32 s3, s9;
	s6 =	sadd.s32 @!p0 $0x88, s6;
	s7 =	simm.s32 @p2 $0x1082  }
0x22: {  	[simem:s7], [sflag:s8] =	dma.local @!p0 [hbm:s6], $0xF7A  }
0x23: {  	s9 =	sor.u32 $0xD0000000, s2;
	s6 =	simm.s32 $0x108;
	_ =	swait.ge @!p0 [sflag:s8], $0x0  }
0x24: {  	s3 =	sadd.s32 $0x88, s3;
	s6 =	simm.s32 @!p1 $0x1082;
	[sflag:s4] =	ssyncset.s32 $0xFFFFF086  }
0x25: {  	[simem:s6], [sflag:s4] =	dma.local [hbm:s3], $0xF7A  }
0x26: {  	[smem:$0x3F90] =	sst s1;
	(tag) =	ssettag s2;
	_ =	strace s9  }
0x27: {  	s1 =	sld [smem:$0x3FA0]  }
0x28: {  	s2 =	sld [smem:$0x3FA1]  }
0x29: {  	s4 =	sld [smem:$0x3FA3]  }
0x2a: {  	p0 =	seq.s32 s5, $0x0;
	s5 =	sld [smem:$0x3FA4]  }
0x2b: {  	s6 =	sld [smem:$0x3FA5]  }
0x2c: {  	s7 =	sld [smem:$0x3FA6]  }
0x2d: {  	s3 =	simm.s32 $0x108;
	s8 =	sld [smem:$0x3FA7]  }
0x2e: {  	s3 =	simm.s32 @!p0 $0x1082;
	s9 =	sld [smem:$0x3FA8]  }
0x2f: {  	lr =	sadd.s32 s0, s3;
	s0 =	sld [smem:$0x3F9F]  }
0x30: {  	s3 =	sld [smem:$0x3FA2]  }
0x31: {  	[smem:$0x3FAB] =	sst s10  }
0x32: {  	s10 =	sld [smem:$0x3FA9];
	_ =	sdelay $0x3  }
0x33: {  	p0 =	seq.s32 s10, $0x1;
	s10 =	sld [smem:$0x3FAB];
	_ =	sdelay $0x3  }
0x34: {  	[smem:$0x3FAB] =	sst s10  }
0x35: {  	s10 =	sld [smem:$0x3FAA];
	_ =	sdelay $0x3  }
0x36: {  	p1 =	seq.s32 s10, $0x1;
	s10 =	sld [smem:$0x3FAB];
	_ =	sdelay $0x3  }
0x37: {  	[smem:$0x3FAB] =	sst s10  }
0x38: {  	s10 =	sld [smem:$0x3FAC]  }
0x39: {  	_ = 	snop;
	(pc) =	sbr.ind lr, $3  }
0x3a: {  	_ = 	snop  }
0x3b: {  	_ = 	snop  }
0x3c: {  	p2 =	seq.s32 s10, $0x1;
	s10 =	sld [smem:$0x3FAB]  }
0x3d: {  	_ =	shalt  }
0x3e: {  	_ =	shalt  }
0x3f: {  	_ =	shalt  }
0x40: {  	_ =	shalt  }
0x41: {  	_ =	shalt  }
0x42: {  	_ =	shalt  }
0x43: {  	_ =	shalt  }
0x44: {  	_ =	shalt  }
0x45: {  	_ =	shalt  }
0x46: {  	_ =	shalt  }
0x47: {  	_ =	shalt  }
0x48: {  	_ =	shalt  }
0x49: {  	_ =	shalt  }
0x4a: {  	_ =	shalt  }
0x4b: {  	_ =	shalt  }
0x4c: {  	_ =	shalt  }
0x4d: {  	_ =	shalt  }
0x4e: {  	_ =	shalt  }
0x4f: {  	_ =	shalt  }
0x50: {  	_ =	shalt  }
0x51: {  	_ =	shalt  }
0x52: {  	_ =	shalt  }
0x53: {  	_ =	shalt  }
0x54: {  	_ =	shalt  }
0x55: {  	_ =	shalt  }
0x56: {  	_ =	shalt  }
0x57: {  	_ =	shalt  }
0x58: {  	_ =	shalt  }
0x59: {  	_ =	shalt  }
0x5a: {  	_ =	shalt  }
0x5b: {  	_ =	shalt  }
0x5c: {  	_ =	shalt  }
0x5d: {  	_ =	shalt  }
0x5e: {  	_ =	shalt  }
0x5f: {  	_ =	shalt  }
0x60: {  	_ =	shalt  }
0x61: {  	_ =	shalt  }
0x62: {  	_ =	shalt  }
0x63: {  	_ =	shalt  }
0x64: {  	_ =	shalt  }
0x65: {  	_ =	shalt  }
0x66: {  	_ =	shalt  }
0x67: {  	_ =	shalt  }
0x68: {  	_ =	shalt  }
0x69: {  	_ =	shalt  }
0x6a: {  	_ =	shalt  }
0x6b: {  	_ =	shalt  }
0x6c: {  	_ =	shalt  }
0x6d: {  	_ =	shalt  }
0x6e: {  	_ =	shalt  }
0x6f: {  	_ =	shalt  }
0x70: {  	_ =	shalt  }
0x71: {  	_ =	shalt  }
0x72: {  	_ =	shalt  }
0x73: {  	_ =	shalt  }
0x74: {  	_ =	shalt  }
0x75: {  	_ =	shalt  }
0x76: {  	_ =	shalt  }
0x77: {  	_ =	shalt  }
0x78: {  	_ =	shalt  }
0x79: {  	_ =	shalt  }
0x7a: {  	_ =	shalt  }
0x7b: {  	_ =	shalt  }
0x7c: {  	_ =	shalt  }
0x7d: {  	_ =	shalt  }
0x7e: {  	_ =	shalt  }
0x7f: {  	_ =	shalt  }
0x80: {  	_ =	shalt  }
0x81: {  	_ =	shalt  }
0x82: {  	_ =	shalt  }
0x83: {  	_ =	shalt  }
0x84: {  	_ =	shalt  }
0x85: {  	_ =	shalt  }
0x86: {  	_ =	shalt  }
0x87: {  	_ =	shalt  }
.Lfunc_end0:
.L_simem_size_0:
called_computation_lowered:
.L_overlay_start_0:
0x88: {  	s2 =	sld [smem:$0x3FD9]  }
0x89: {  	s3 =	sld [smem:$0x3FFE];
	_ =	sdelay $0x1  }
0x8a: {  	s1 =	srdreg.scid  }
0x8b: {  	s0 =	sand.u32 $0x1, s1  }
0x8c: {  	s17 =	sshll.u32 s0, $0xA;
	s2 =	sadd.s32 s3, s2  }
0x8d: {  	s2 =	sadd.s32 s2, s17  }
0x8e: {  	[smem:$0x3FB7] =	sst s2  }
0x8f: {  	_ = 	snop  }
0x90: {  	s2 =	sld [smem:$0x3FD0];
	(tm) =	ssettm $0x1  }
0x91: {  	s18 =	sld [smem:$0x3FFB];
	_ =	sdelay $0x3  }
0x92: {  	_ =	strace s18  }
0x93: {  	s3 =	sld [smem:$0x3FFC];
	_ =	sdelay $0x3  }
0x94: {  	_ =	strace s3  }
0x95: {  	s3 =	sld [smem:$0x3FFD];
	_ =	sdelay $0x3  }
0x96: {  	_ =	strace s3  }
0x97: {  	_ =	strace $0x8FFFFFFF  }
0x98: {  	s19 =	sld [smem:$0x3FDB];
	_ =	sdelay $0x1  }
0x99: {  	s4 =	simm.s32 $_scs_section_size  }
0x9a: {  	s5 =	simm.s32 $_size__tile_overlayer_lowered;
	s6 =	simm.s32 $_tile_overlayer_lowered  }
0x9b: {  	s22 =	simm.s32 $0x1BFF;
	s21 =	sshll.u32 s6, $0x1;
	s3 =	sadd.s32 s4, s19  }
0x9c: {  	s7 =	simm.s32 $0x0;
	s20 =	sshll.u32 s5, $0x1;
	s5 =	sadd.s32 s21, s3  }
0x9d: {  	[timem:s7], [sflag:s22] =	dma.local [hbm:s5], s20  }
0x9e: {  	_ =	swait.ge [sflag:s22], s20  }
0x9f: {  	s4 =	ssub.s32 $0x0, s20;
	[sflag:s22] =	ssyncset.done $0x0  }
0xa0: {  	[sflag:s22] =	ssyncadd.s32 s4;
	_ =	sdelay $0x1  }
0xa1: {  	s23 =	simm.s32 $0x1B8B  }
0xa2: {  	_ =	swait.ge [sflag:s23], $0x1  }
0xa3: {  	[sflag:s23] =	ssyncset.done $0x0  }
0xa4: {  	s25 =	simm.s32 $0x1B8E;
	s24 =	sld [smem:$0x3FFE];
	[sflag:s23] =	ssyncadd.s32 $0xFFFFFFFF  }
0xa5: {  	s26 =	simm.s32 $execute0_lowered;
	[smem:$0x3FD2] =	sst s25  }
0xa6: {  	s5 =	sshll.u32 s26, $0x1;
	_ =	strace $0x80000046;
	[dreg:$0x1] =	wrdreg $0xFFFFFFFF  }
0xa7: {  	s28 =	simm.s32 $_size_execute0_lowered;
	s3 =	sadd.s32 s3, s5;
	[dreg:$0x0] =	wrdreg $0x0  }
0xa8: {  	s5 =	sshll.u32 s28, $0x1;
	[dreg:$0x2] =	wrdreg s3  }
0xa9: {  	[dreg:$0x3] =	wrdreg s5  }
0xaa: {  	[dreg:$0x4] =	wrdreg $0xC0  }
0xab: {  	_ =	task [dreg:s7], $0x5FFFF  }
0xac: {  	[dreg:$0x1] =	wrdreg $0xFFFFFFFF  }
0xad: {  	[dreg:$0x0] =	wrdreg $0x60  }
0xae: {  	[dreg:$0x2] =	wrdreg s24  }
0xaf: {  	[dreg:$0x3] =	wrdreg s2  }
0xb0: {  	[dreg:$0x4] =	wrdreg $0x88000  }
0xb1: {  	[dreg:$0x5] =	wrdreg $0xB0000  }
0xb2: {  	[dreg:$0x6] =	wrdreg $0x9  }
0xb3: {  	_ =	task.clear_ibuf [dreg:s7], $0x7FFFF;
	_ =	strace $0x90000046  }
0xb4: {  	s29 =	simm.s32 $0x9;
	_ =	strace $0x80000048  }
0xb5: {  	_ =	swait.ge [sflag:s29], $0x1  }
0xb6: {  	[sflag:s29] =	ssyncadd.s32 $0xFFFFFFFF  }
0xb7: {  	_ =	strace $0x90000048  }
0xb8: {  	_ =	sfence  }
0xb9: {  	s30 =	sld [smem:$0x0];
	_ =	sdelay $0x2  }
0xba: {  	s31 =	sshll.u32 s1, $0xD;
	s1 =	sshrl.u32 s1, $0x2  }
0xbb: {  	s3 =	sand.u32 $0x4000, s31;
	s1 =	sadd.s32 s1, s30  }
0xbc: {  	s0 =	sor.u32 s3, s0;
	s1 =	sshll.u32 s1, $0x11  }
0xbd: {  	s0 =	sor.u32 s1, s0  }
0xbe: {  	s0 =	sadd.s32 $0x8F2B, s0  }
0xbf: {  	[sflag:s0] =	ssyncadd.remote.s32 $0x1  }
0xc0: {  	_ =	sfence.sel $0xFFFF  }
0xc1: {  	[dreg:$0x0] =	wrdreg $0xFFFFFFFF;
	(pc) =	sbr.abs _section_cstart, $3  }
0xc2: {  	[dreg:$0x1] =	wrdreg $0xFFFFFFFF  }
0xc3: {  	_ =	task.clear_ibuf [dreg:s7], $0x2FFFF;
	_ =	strace $0x9FFFFFFF  }
0xc4: {  	(tm) =	ssettm $0x7FFFFFFF  }
0xc5: {  	_ =	shalt  }
tec
execute0_lowered:
.L_overlay_start_1:
0x0: {  	(tag) =	ssettag $0x1  }
0x1: {  	s5 =	rddreg [dreg:$0x0]  }
0x2: {  	s10 =	rddreg [dreg:$0x1]  }
0x3: {  	s0 =	srdreg.scid;
	s12 =	rddreg [dreg:$0x2]  }
0x4: {  	s2 =	rddreg [dreg:$0x3];
	s1 =	stileid.u32;
	s3 =	simm.s32 $0x0  }
0x5: {  	s15 =	simm.s32 $0x7C00;
	s16 =	simm.s32 $0x1;
	s17 =	simm.s32 $0x5000  }
0x6: {  	s18 =	simm.s32 $0x8000;
	s8 =	sand.u32 $0x1, s0;
	s0 =	rddreg [dreg:$0x4]  }
0x7: {  	s19 =	simm.s32 $0x8400;
	s20 =	simm.s32 $0x0;
	[smem:$0x7FF] =	sst s3  }
0x8: {  	s9 =	sshll.u32 s1, $0x3;
	s14 =	smul.u32 $0xA000, s1;
	s30 =	sshll.u32 s1, $0xA  }
0x9: {  	p0 =	sgt.u32 s1, $0x9;
	p1 =	sne.s32 s1, $0xA;
	s4 =	sshll.u32 s8, $0x4  }
0xa: {  	_ =	strace $0x80000047;
	s7 =	smul.u32 $0x50, s8;
	s28 =	ssub.s32 $0x2, s8  }
0xb: {  	s31 =	sshll.u32 s8, $0x7;
	s8 =	sadd.s32 s30, s2;
	s4 =	sor.u32 s1, s4  }
0xc: {  	s13 =	sshrl.u32 s28, $0x1;
	s29 =	sshrl.u32 s14, $0x2;
	s10 =	sadd.s32 s10, s31  }
0xd: {  	s14 =	simm.s32 $0x2;
	s6 =	smul.u32 $0xA00, s4;
	s4 =	sshll.u32 s4, $0x7  }
.Ltmp0:
0xe: {  	s26 =	sadd.s32 s9, s7;
	s13 =	ssub.s32 s28, s13;
	(pc) =	sbr.rel .LBB2_1-.Ltmp0, $4  }
0xf: {  	s7 =	sadd.s32 s29, s12;
	s12 =	sadd.s32 s30, s12;
	s11 =	sadd.s32 s4, s5  }
0x10: {  	s9 =	sshll.u32 s26, $0x4;
	s4 =	sadd.s32 $0x19A00, s5;
	s6 =	sadd.s32 s6, s5  }
0x11: {  	s9 =	sadd.s32 s9, s5;
	s5 =	sadd.s32 $0x4A00, s6;
	s6 =	sadd.s32 $0x18A00, s11  }
0x12: {  	v0 =	vimm.f32 $1.000000000e+00;
	s9 =	sadd.s32 $0x1C200, s9;
	s11 =	smax.u32 s13, $0x1;
	s13 =	simm.s32 $0x5400  }
.LBB2_10:
0x13: {  	[tilespmem:$0x83F0] =	vst v1;
	s21 =	smov.u32 s10  }
.LBB2_11:
0x14: {  	[hbm4b:s21+s3] =	stream.linear.scatter [tilespmem:s18], [sflag:$0x2], $0x400, $0x38;
	[tilespmem:$0xB400] =	vst v63  }
0x15: {  	_ =	swait.ge [sflag:s14], $0x400  }
0x16: {  	[sflag:s14] =	ssyncset.done $0x0  }
0x17: {  	[sflag:s14] =	ssyncadd.s32 $0xFFFFFC00  }
.LBB2_12:
0x18: {  	s20 =	sadd.s32 $0x1, s20  }
0x19: {  	p2 =	sne.s32 s20, s11  }
.Ltmp1:
0x1a: {  	_ = 	snop;
	(pc) =	sbr.rel @!p2 .LBB2_13-.Ltmp1, $1  }
0x1b: {  	_ =	sdelay $0x3  }
.LBB2_1:
0x1c: {  	[tilespmem:s13], [sflag:$0x2] =	stream.linear.gather [hbm4b:s4+s3], $0x2800, $0x38;
	[tilespmem:$0xB400] =	vst v63  }
0x1d: {  	_ =	swait.ge [sflag:s14], $0x2800  }
0x1e: {  	[sflag:s14] =	ssyncset.done $0x0  }
0x1f: {  	[sflag:s14] =	ssyncadd.s32 $0xFFFFD800  }
0x20: {  	[tilespmem:s15], [sflag:$0x2] =	stream.linear.gather [hbm4b:s4+s3], $0x400, $0x38;
	[tilespmem:$0xB400] =	vst v63  }
0x21: {  	_ =	swait.ge [sflag:s14], $0x400  }
0x22: {  	[sflag:s14] =	ssyncset.done $0x0  }
0x23: {  	[sflag:s14] =	ssyncadd.s32 $0xFFFFFC00  }
0x24: {  	[tilespmem:s3], [sflag:$0x1] =	stream.linear.gather [hbm4b:s5+s3], $0x5000, $0x38;
	[tilespmem:$0xB400] =	vst v63  }
0x25: {  	_ =	swait.ge [sflag:s16], $0x5000  }
0x26: {  	[sflag:s16] =	ssyncset.done $0x0  }
0x27: {  	[sflag:s16] =	ssyncadd.s32 $0xFFFFB000  }
0x28: {  	[tilespmem:s17], [sflag:$0x1] =	stream.linear.gather [hbm4b:s6+s3], $0x400, $0x38;
	[tilespmem:$0xB400] =	vst v63  }
0x29: {  	_ =	swait.ge [sflag:s16], $0x400  }
0x2a: {  	[sflag:s16] =	ssyncset.done $0x0  }
0x2b: {  	s21 =	simm.s32 $0x0;
	[sflag:s16] =	ssyncadd.s32 $0xFFFFFC00  }
.LBB2_2:
0x2c: {  	s22 =	sshra.s32 s21, $0x2  }
0x2d: {  	v1 =	vld [tilespmem:s22+$0x0];
	_ =	sdelay $0x7  }
0x2e: {  	[tilespmem:v1+s13+$0x0] =	vst.idx.add.f32.msk $0xffff, v0  }
0x2f: {  	v1 =	vld [tilespmem:s22+$0x10];
	_ =	sdelay $0x7  }
0x30: {  	[tilespmem:v1+s13+$0x0] =	vst.idx.add.f32.msk $0xffff, v0  }
0x31: {  	v1 =	vld [tilespmem:s22+$0x20];
	_ =	sdelay $0x7  }
0x32: {  	[tilespmem:v1+s13+$0x0] =	vst.idx.add.f32.msk $0xffff, v0  }
0x33: {  	v1 =	vld [tilespmem:s22+$0x30];
	_ =	sdelay $0x2  }
0x34: {  	p2 =	sne.s32 s21, $0x13E00  }
.Ltmp2:
0x35: {  	_ = 	snop;
	(pc) =	sbr.rel @p2 .LBB2_2-.Ltmp2, $2  }
0x36: {  	_ =	sdelay $0x2  }
0x37: {  	s21 =	sadd.s32 $0x200, s21;
	[tilespmem:v1+s13+$0x0] =	vst.idx.add.f32.msk $0xffff, v0  }
0x38: {  	v1 =	vld [tilespmem:$0x5000];
	_ =	sdelay $0x7  }
0x39: {  	[tilespmem:v1+s15+$0x0] =	vst.idx.add.f32.msk $0xffff, v0  }
0x3a: {  	v1 =	vld [tilespmem:$0x5010];
	_ =	sdelay $0x7  }
0x3b: {  	[tilespmem:v1+s15+$0x0] =	vst.idx.add.f32.msk $0xffff, v0  }
0x3c: {  	v1 =	vld [tilespmem:$0x5020];
	_ =	sdelay $0x7  }
0x3d: {  	[tilespmem:v1+s15+$0x0] =	vst.idx.add.f32.msk $0xffff, v0  }
0x3e: {  	v1 =	vld [tilespmem:$0x5030];
	_ =	sdelay $0x7  }
0x3f: {  	[tilespmem:v1+s15+$0x0] =	vst.idx.add.f32.msk $0xffff, v0  }
0x40: {  	v1 =	vld [tilespmem:$0x5080];
	_ =	sdelay $0x7  }
0x41: {  	[tilespmem:v1+s15+$0x0] =	vst.idx.add.f32.msk $0xffff, v0  }
0x42: {  	v1 =	vld [tilespmem:$0x5090];
	_ =	sdelay $0x7  }
0x43: {  	[tilespmem:v1+s15+$0x0] =	vst.idx.add.f32.msk $0xffff, v0  }
0x44: {  	v1 =	vld [tilespmem:$0x50A0];
	_ =	sdelay $0x7  }
0x45: {  	[tilespmem:v1+s15+$0x0] =	vst.idx.add.f32.msk $0xffff, v0  }
0x46: {  	v1 =	vld [tilespmem:$0x50B0];
	_ =	sdelay $0x7  }
0x47: {  	[tilespmem:v1+s15+$0x0] =	vst.idx.add.f32.msk $0xffff, v0  }
0x48: {  	v1 =	vld [tilespmem:$0x5100];
	_ =	sdelay $0x7  }
0x49: {  	[tilespmem:v1+s15+$0x0] =	vst.idx.add.f32.msk $0xffff, v0  }
0x4a: {  	v1 =	vld [tilespmem:$0x5110];
	_ =	sdelay $0x7  }
0x4b: {  	[tilespmem:v1+s15+$0x0] =	vst.idx.add.f32.msk $0xffff, v0  }
0x4c: {  	v1 =	vld [tilespmem:$0x5120];
	_ =	sdelay $0x7  }
0x4d: {  	[tilespmem:v1+s15+$0x0] =	vst.idx.add.f32.msk $0xffff, v0  }
0x4e: {  	v1 =	vld [tilespmem:$0x5130];
	_ =	sdelay $0x7  }
0x4f: {  	[tilespmem:v1+s15+$0x0] =	vst.idx.add.f32.msk $0xffff, v0  }
0x50: {  	v1 =	vld [tilespmem:$0x5180];
	_ =	sdelay $0x7  }
0x51: {  	[tilespmem:v1+s15+$0x0] =	vst.idx.add.f32.msk $0xffff, v0  }
0x52: {  	v1 =	vld [tilespmem:$0x5190];
	_ =	sdelay $0x7  }
0x53: {  	[tilespmem:v1+s15+$0x0] =	vst.idx.add.f32.msk $0xffff, v0  }
0x54: {  	v1 =	vld [tilespmem:$0x51A0];
	_ =	sdelay $0x7  }
0x55: {  	[tilespmem:v1+s15+$0x0] =	vst.idx.add.f32.msk $0xffff, v0  }
0x56: {  	v1 =	vld [tilespmem:$0x51B0];
	_ =	sdelay $0x7  }
0x57: {  	[tilespmem:v1+s15+$0x0] =	vst.idx.add.f32.msk $0xffff, v0  }
0x58: {  	v1 =	vld [tilespmem:$0x5200];
	_ =	sdelay $0x7  }
0x59: {  	[tilespmem:v1+s15+$0x0] =	vst.idx.add.f32.msk $0xffff, v0  }
0x5a: {  	v1 =	vld [tilespmem:$0x5210];
	_ =	sdelay $0x7  }
0x5b: {  	[tilespmem:v1+s15+$0x0] =	vst.idx.add.f32.msk $0xffff, v0  }
0x5c: {  	v1 =	vld [tilespmem:$0x5220];
	_ =	sdelay $0x7  }
0x5d: {  	[tilespmem:v1+s15+$0x0] =	vst.idx.add.f32.msk $0xffff, v0  }
0x5e: {  	v1 =	vld [tilespmem:$0x5230];
	_ =	sdelay $0x7  }
0x5f: {  	[tilespmem:v1+s15+$0x0] =	vst.idx.add.f32.msk $0xffff, v0  }
0x60: {  	v1 =	vld [tilespmem:$0x5280];
	_ =	sdelay $0x7  }
0x61: {  	[tilespmem:v1+s15+$0x0] =	vst.idx.add.f32.msk $0xffff, v0  }
0x62: {  	v1 =	vld [tilespmem:$0x5290];
	_ =	sdelay $0x7  }
0x63: {  	[tilespmem:v1+s15+$0x0] =	vst.idx.add.f32.msk $0xffff, v0  }
0x64: {  	v1 =	vld [tilespmem:$0x52A0];
	_ =	sdelay $0x7  }
0x65: {  	[tilespmem:v1+s15+$0x0] =	vst.idx.add.f32.msk $0xffff, v0  }
0x66: {  	v1 =	vld [tilespmem:$0x52B0];
	_ =	sdelay $0x7  }
0x67: {  	[tilespmem:v1+s15+$0x0] =	vst.idx.add.f32.msk $0xffff, v0  }
0x68: {  	v1 =	vld [tilespmem:$0x5300];
	_ =	sdelay $0x7  }
0x69: {  	[tilespmem:v1+s15+$0x0] =	vst.idx.add.f32.msk $0xffff, v0  }
0x6a: {  	v1 =	vld [tilespmem:$0x5310];
	_ =	sdelay $0x7  }
0x6b: {  	[tilespmem:v1+s15+$0x0] =	vst.idx.add.f32.msk $0xffff, v0  }
0x6c: {  	v1 =	vld [tilespmem:$0x5320];
	_ =	sdelay $0x7  }
0x6d: {  	[tilespmem:v1+s15+$0x0] =	vst.idx.add.f32.msk $0xffff, v0  }
0x6e: {  	v1 =	vld [tilespmem:$0x5330];
	_ =	sdelay $0x7  }
0x6f: {  	[tilespmem:v1+s15+$0x0] =	vst.idx.add.f32.msk $0xffff, v0  }
0x70: {  	v1 =	vld [tilespmem:$0x5380];
	_ =	sdelay $0x7  }
0x71: {  	[tilespmem:v1+s15+$0x0] =	vst.idx.add.f32.msk $0xffff, v0  }
0x72: {  	v1 =	vld [tilespmem:$0x5390];
	_ =	sdelay $0x7  }
0x73: {  	[tilespmem:v1+s15+$0x0] =	vst.idx.add.f32.msk $0xffff, v0  }
0x74: {  	v1 =	vld [tilespmem:$0x53A0];
	_ =	sdelay $0x7  }
0x75: {  	[tilespmem:v1+s15+$0x0] =	vst.idx.add.f32.msk $0xffff, v0  }
0x76: {  	v1 =	vld [tilespmem:$0x53B0];
	_ =	sdelay $0x7  }
0x77: {  	[tilespmem:v1+s15+$0x0] =	vst.idx.add.f32.msk $0xffff, v0  }
0x78: {  	[spmem:s7] =	stream.linear.scatter [tilespmem:s13], [sflag:$0x2], $0x2800, $0x38;
	[tilespmem:$0xB400] =	vst v63  }
0x79: {  	_ =	swait.ge [sflag:s14], $0x2800  }
0x7a: {  	[sflag:s14] =	ssyncset.done $0x0  }
0x7b: {  	[sflag:s14] =	ssyncadd.s32 $0xFFFFD800  }
0x7c: {  	[spmem:s8] =	stream.linear.scatter [tilespmem:s15], [sflag:$0x2], $0x400, $0x38;
	[tilespmem:$0xB400] =	vst v63  }
.Ltmp3:
0x7d: {  	_ =	swait.ge [sflag:s14], $0x400;
	(pc) =	sbr.rel @p0 .LBB2_7-.Ltmp3, $3  }
0x7e: {  	[sflag:s14] =	ssyncset.done $0x0  }
0x7f: {  	[sflag:s14] =	ssyncadd.s32 $0xFFFFFC00  }
0x80: {  	[bflag:$0x0] =	sbarrier.arrive $0xFFFF;
	_ =	sdelay $0x1  }
0x81: {  	s21 =	simm.s32 $0x0  }
0x82: {  	[tilespmem:s18], [sflag:$0x2] =	stream.linear.gather [hbm4b:s4+s21], $0x400, $0x38;
	[tilespmem:$0xB400] =	vst v63  }
0x83: {  	_ =	swait.ge [sflag:s14], $0x400  }
0x84: {  	[sflag:s14] =	ssyncset.done $0x0  }
0x85: {  	s31 =	sadd.s32 $0x0, s12;
	[sflag:s14] =	ssyncadd.s32 $0xFFFFFC00  }
0x86: {  	[tilespmem:s19], [sflag:$0x2] =	stream.linear.gather [spmem:s31], $0x400, $0x38;
	[tilespmem:$0xB400] =	vst v63  }
0x87: {  	_ =	swait.ge [sflag:s14], $0x400  }
0x88: {  	[sflag:s14] =	ssyncset.done $0x0  }
0x89: {  	[sflag:s14] =	ssyncadd.s32 $0xFFFFFC00  }
0x8a: {  	v1 =	vld [tilespmem:$0x86B0]  }
0x8b: {  	v3 =	vld [tilespmem:$0x8010]  }
0x8c: {  	v4 =	vld [tilespmem:$0x8410]  }
0x8d: {  	v5 =	vld [tilespmem:$0x8020]  }
0x8e: {  	v6 =	vld [tilespmem:$0x8420]  }
0x8f: {  	v7 =	vld [tilespmem:$0x8030]  }
0x90: {  	v8 =	vld [tilespmem:$0x8430]  }
0x91: {  	v9 =	vld [tilespmem:$0x8040]  }
0x92: {  	v10 =	vld [tilespmem:$0x8440]  }
0x93: {  	v11 =	vld [tilespmem:$0x8050]  }
0x94: {  	v12 =	vld [tilespmem:$0x8450]  }
0x95: {  	v13 =	vld [tilespmem:$0x8060]  }
0x96: {  	v14 =	vld [tilespmem:$0x8460]  }
0x97: {  	v15 =	vld [tilespmem:$0x8070]  }
0x98: {  	v16 =	vld [tilespmem:$0x8470]  }
0x99: {  	v17 =	vld [tilespmem:$0x8080]  }
0x9a: {  	v18 =	vld [tilespmem:$0x8480]  }
0x9b: {  	v19 =	vld [tilespmem:$0x8090]  }
0x9c: {  	v20 =	vld [tilespmem:$0x8490]  }
0x9d: {  	v21 =	vld [tilespmem:$0x80A0]  }
0x9e: {  	v22 =	vld [tilespmem:$0x84A0]  }
0x9f: {  	v23 =	vld [tilespmem:$0x80B0]  }
0xa0: {  	v24 =	vld [tilespmem:$0x84B0]  }
0xa1: {  	v25 =	vld [tilespmem:$0x80C0]  }
0xa2: {  	v26 =	vld [tilespmem:$0x84C0]  }
0xa3: {  	v27 =	vld [tilespmem:$0x80D0]  }
0xa4: {  	v28 =	vld [tilespmem:$0x84D0]  }
0xa5: {  	v29 =	vld [tilespmem:$0x80E0]  }
0xa6: {  	v30 =	vld [tilespmem:$0x84E0]  }
0xa7: {  	v31 =	vld [tilespmem:$0x80F0]  }
0xa8: {  	v32 =	vld [tilespmem:$0x84F0]  }
0xa9: {  	v33 =	vld [tilespmem:$0x8100]  }
0xaa: {  	v34 =	vld [tilespmem:$0x8500]  }
0xab: {  	v35 =	vld [tilespmem:$0x8110]  }
0xac: {  	v36 =	vld [tilespmem:$0x8510]  }
0xad: {  	v37 =	vld [tilespmem:$0x8120]  }
0xae: {  	v38 =	vld [tilespmem:$0x8520]  }
0xaf: {  	v39 =	vld [tilespmem:$0x8130]  }
0xb0: {  	v40 =	vld [tilespmem:$0x8530]  }
0xb1: {  	v41 =	vld [tilespmem:$0x8140]  }
0xb2: {  	v42 =	vld [tilespmem:$0x8540]  }
0xb3: {  	v43 =	vld [tilespmem:$0x8150]  }
0xb4: {  	v44 =	vld [tilespmem:$0x8550]  }
0xb5: {  	v45 =	vld [tilespmem:$0x8160]  }
0xb6: {  	v46 =	vld [tilespmem:$0x8560]  }
0xb7: {  	v47 =	vld [tilespmem:$0x8170]  }
0xb8: {  	v48 =	vld [tilespmem:$0x8570]  }
0xb9: {  	v49 =	vld [tilespmem:$0x8180]  }
0xba: {  	v50 =	vld [tilespmem:$0x8580]  }
0xbb: {  	v51 =	vld [tilespmem:$0x8190]  }
0xbc: {  	v52 =	vld [tilespmem:$0x8590]  }
0xbd: {  	v53 =	vld [tilespmem:$0x81A0]  }
0xbe: {  	v54 =	vld [tilespmem:$0x85A0]  }
0xbf: {  	v55 =	vld [tilespmem:$0x81B0]  }
0xc0: {  	v56 =	vld [tilespmem:$0x85B0]  }
0xc1: {  	v57 =	vld [tilespmem:$0x81C0]  }
0xc2: {  	v58 =	vld [tilespmem:$0x85C0]  }
0xc3: {  	v59 =	vld [tilespmem:$0x81D0]  }
0xc4: {  	v60 =	vld [tilespmem:$0x85D0]  }
0xc5: {  	v2 =	vld [tilespmem:$0x8200]  }
0xc6: {  	v61 =	vld [tilespmem:$0x81E0]  }
0xc7: {  	v62 =	vld [tilespmem:$0x85E0]  }
0xc8: {  	v63 =	vld [tilespmem:$0x81F0]  }
0xc9: {  	[tilespmem:$0x1FFE0] =	vst v1;
	v1 =	vld [tilespmem:$0x8400]  }
0xca: {  	[tilespmem:$0x1FFA0] =	vst v2;
	v2 =	vld [tilespmem:$0x8600]  }
0xcb: {  	v3 =	vadd.f32 v4, v3;
	v4 =	vld [tilespmem:$0x8220]  }
0xcc: {  	v5 =	vadd.f32 v6, v5;
	v6 =	vld [tilespmem:$0x8620]  }
0xcd: {  	v14 =	vadd.f32 v14, v13;
	v13 =	vld [tilespmem:$0x8260]  }
0xce: {  	v18 =	vadd.f32 v18, v17;
	v17 =	vld [tilespmem:$0x8280]  }
0xcf: {  	v22 =	vadd.f32 v22, v21;
	v21 =	vld [tilespmem:$0x82A0];
	[tilespmem:$0x8010] =	vst v3  }
0xd0: {  	v26 =	vadd.f32 v26, v25;
	v25 =	vld [tilespmem:$0x82C0];
	[tilespmem:$0x8020] =	vst v5  }
0xd1: {  	v49 =	vadd.f32 v50, v49;
	v50 =	vld [tilespmem:$0x86D0];
	v3 =	vadd.f32 v8, v7;
	[tilespmem:$0x8060] =	vst v14  }
0xd2: {  	v38 =	vadd.f32 v38, v37;
	v37 =	vld [tilespmem:$0x8330];
	[tilespmem:$0x8080] =	vst v18  }
0xd3: {  	v42 =	vadd.f32 v42, v41;
	v41 =	vld [tilespmem:$0x8350];
	[tilespmem:$0x8030] =	vst v3;
	v3 =	vadd.f32 v12, v11  }
0xd4: {  	v46 =	vadd.f32 v46, v45;
	v45 =	vld [tilespmem:$0x8370];
	[tilespmem:$0x80A0] =	vst v22  }
0xd5: {  	v7 =	vld [tilespmem:$0x8230];
	[tilespmem:$0x8050] =	vst v3;
	v3 =	vadd.f32 v16, v15  }
0xd6: {  	v8 =	vld [tilespmem:$0x8630];
	[tilespmem:$0x80C0] =	vst v26  }
0xd7: {  	v5 =	vadd.f32 v10, v9;
	v9 =	vld [tilespmem:$0x8240];
	[tilespmem:$0x8070] =	vst v3;
	v3 =	vadd.f32 v20, v19  }
0xd8: {  	v10 =	vld [tilespmem:$0x8640];
	[tilespmem:$0x8120] =	vst v38  }
0xd9: {  	v14 =	vld [tilespmem:$0x8660];
	[tilespmem:$0x8090] =	vst v3;
	v3 =	vadd.f32 v24, v23  }
0xda: {  	v18 =	vld [tilespmem:$0x8680];
	[tilespmem:$0x8140] =	vst v42  }
0xdb: {  	v22 =	vld [tilespmem:$0x86A0];
	[tilespmem:$0x80B0] =	vst v3;
	v3 =	vadd.f32 v28, v27  }
0xdc: {  	v26 =	vld [tilespmem:$0x86C0];
	[tilespmem:$0x1FFB0] =	vst v2  }
0xdd: {  	v2 =	vld [tilespmem:$0x8210];
	[tilespmem:$0x80D0] =	vst v3;
	v3 =	vadd.f32 v32, v31  }
0xde: {  	v38 =	vld [tilespmem:$0x8730];
	[tilespmem:$0x1FFF0] =	vst v1  }
0xdf: {  	v1 =	vld [tilespmem:$0x85F0];
	[tilespmem:$0x80F0] =	vst v3;
	v3 =	vadd.f32 v36, v35  }
0xe0: {  	[tilespmem:$0x8180] =	vst v49;
	v42 =	vld [tilespmem:$0x8750]  }
0xe1: {  	v49 =	vld [tilespmem:$0x8780];
	[tilespmem:$0x8110] =	vst v3;
	v3 =	vadd.f32 v40, v39  }
0xe2: {  	v11 =	vld [tilespmem:$0x8250];
	[tilespmem:$0x1FFC0] =	vst v2  }
0xe3: {  	v2 =	vld [tilespmem:$0x8610];
	[tilespmem:$0x8130] =	vst v3;
	v3 =	vadd.f32 v44, v43  }
0xe4: {  	[tilespmem:$0x8160] =	vst v46;
	v12 =	vld [tilespmem:$0x8650];
	v1 =	vadd.f32 v1, v63  }
0xe5: {  	v15 =	vld [tilespmem:$0x8270];
	[tilespmem:$0x8150] =	vst v3;
	v3 =	vadd.f32 v48, v47  }
0xe6: {  	v16 =	vld [tilespmem:$0x8670];
	[tilespmem:$0x81F0] =	vst v1  }
0xe7: {  	v46 =	vld [tilespmem:$0x1FFF0];
	[tilespmem:$0x8170] =	vst v3;
	v3 =	vadd.f32 v52, v51  }
0xe8: {  	v19 =	vld [tilespmem:$0x8290];
	[tilespmem:$0x1FFD0] =	vst v2  }
0xe9: {  	v1 =	vld [tilespmem:$0x1FFC0];
	[tilespmem:$0x8190] =	vst v3;
	v3 =	vadd.f32 v56, v55  }
0xea: {  	v55 =	vadd.f32 v58, v57;
	v58 =	vadd.f32 v62, v61;
	v62 =	vld [tilespmem:$0x1FFD0]  }
0xeb: {  	v30 =	vadd.f32 v30, v29;
	v20 =	vld [tilespmem:$0x8690]  }
0xec: {  	v34 =	vadd.f32 v34, v33;
	v23 =	vld [tilespmem:$0x82B0]  }
0xed: {  	[tilespmem:$0x80E0] =	vst v30;
	v24 =	vld [tilespmem:$0x8000]  }
0xee: {  	[tilespmem:$0x8100] =	vst v34;
	v63 =	vld [tilespmem:$0x8320];
	v52 =	vadd.f32 v54, v53  }
0xef: {  	[tilespmem:$0x8040] =	vst v5;
	v2 =	vld [tilespmem:$0x1FFA0];
	v1 =	vadd.f32 v62, v1  }
0xf0: {  	v36 =	vld [tilespmem:$0x8720];
	[tilespmem:$0x81A0] =	vst v52  }
0xf1: {  	v39 =	vld [tilespmem:$0x8340];
	[tilespmem:$0x8210] =	vst v1;
	v1 =	vadd.f32 v8, v7  }
0xf2: {  	v40 =	vld [tilespmem:$0x8740];
	[tilespmem:$0x81B0] =	vst v3  }
0xf3: {  	v3 =	vadd.f32 v60, v59;
	v60 =	vld [tilespmem:$0x1FFB0];
	[tilespmem:$0x8230] =	vst v1;
	v1 =	vadd.f32 v12, v11  }
0xf4: {  	v48 =	vld [tilespmem:$0x82D0];
	[tilespmem:$0x81C0] =	vst v55  }
0xf5: {  	v61 =	vld [tilespmem:$0x8710];
	[tilespmem:$0x8250] =	vst v1;
	v1 =	vadd.f32 v16, v15  }
0xf6: {  	[tilespmem:$0x81D0] =	vst v3;
	v3 =	vld [tilespmem:$0x8310]  }
0xf7: {  	v43 =	vld [tilespmem:$0x8360];
	[tilespmem:$0x8270] =	vst v1;
	v1 =	vadd.f32 v20, v19  }
0xf8: {  	v44 =	vld [tilespmem:$0x8760];
	[tilespmem:$0x81E0] =	vst v58;
	v2 =	vadd.f32 v60, v2  }
0xf9: {  	v48 =	vadd.f32 v50, v48;
	[tilespmem:$0x8290] =	vst v1;
	v1 =	vld [tilespmem:$0x1FFE0]  }
0xfa: {  	v47 =	vld [tilespmem:$0x8380];
	[tilespmem:$0x8200] =	vst v2;
	v2 =	vadd.f32 v6, v4  }
0xfb: {  	v51 =	vld [tilespmem:$0x82E0];
	[tilespmem:$0x82D0] =	vst v48;
	v3 =	vadd.f32 v61, v3  }
0xfc: {  	v53 =	vld [tilespmem:$0x86E0];
	[tilespmem:$0x8220] =	vst v2;
	v2 =	vadd.f32 v10, v9  }
0xfd: {  	v54 =	vld [tilespmem:$0x82F0];
	[tilespmem:$0x8310] =	vst v3;
	v3 =	vadd.f32 v38, v37  }
0xfe: {  	v57 =	vld [tilespmem:$0x8300];
	[tilespmem:$0x8240] =	vst v2;
	v1 =	vadd.f32 v1, v23  }
0xff: {  	v59 =	vld [tilespmem:$0x8700];
	v2 =	vadd.f32 v14, v13;
	[tilespmem:$0x8330] =	vst v3  }
0x100: {  	v56 =	vld [tilespmem:$0x86F0];
	[tilespmem:$0x82B0] =	vst v1;
	v1 =	vadd.f32 v26, v25  }
0x101: {  	v52 =	vld [tilespmem:$0x8790];
	[tilespmem:$0x8260] =	vst v2;
	v2 =	vadd.f32 v18, v17  }
0x102: {  	v50 =	vld [tilespmem:$0x8390];
	[tilespmem:$0x82C0] =	vst v1;
	v1 =	vadd.f32 v53, v51  }
0x103: {  	v55 =	vld [tilespmem:$0x83B0];
	[tilespmem:$0x8280] =	vst v2;
	v2 =	vadd.f32 v22, v21  }
0x104: {  	v58 =	vld [tilespmem:$0x87C0];
	[tilespmem:$0x82E0] =	vst v1;
	v1 =	vadd.f32 v59, v57  }
0x105: {  	v60 =	vld [tilespmem:$0x83E0];
	v3 =	vadd.f32 v42, v41;
	[tilespmem:$0x82A0] =	vst v2  }
0x106: {  	v2 =	vld [tilespmem:$0x8770];
	[tilespmem:$0x8300] =	vst v1;
	v1 =	vadd.f32 v36, v63  }
0x107: {  	v15 =	vadd.f32 v46, v24;
	[tilespmem:$0x8350] =	vst v3;
	v3 =	vld [tilespmem:$0x87D0]  }
0x108: {  	v53 =	vld [tilespmem:$0x83A0];
	[tilespmem:$0x8320] =	vst v1;
	v1 =	vadd.f32 v40, v39  }
0x109: {  	[tilespmem:$0x8000] =	vst v15;
	v51 =	vadd.f32 v56, v54;
	v54 =	vld [tilespmem:$0x87A0]  }
0x10a: {  	v56 =	vld [tilespmem:$0x87B0];
	[tilespmem:$0x8340] =	vst v1;
	v1 =	vadd.f32 v44, v43  }
0x10b: {  	v2 =	vadd.f32 v2, v45;
	[tilespmem:$0x82F0] =	vst v51;
	v57 =	vld [tilespmem:$0x83C0]  }
0x10c: {  	v59 =	vld [tilespmem:$0x83D0];
	[tilespmem:$0x8360] =	vst v1;
	v1 =	vadd.f32 v49, v47  }
0x10d: {  	v61 =	vld [tilespmem:$0x87E0];
	[tilespmem:$0x8370] =	vst v2;
	v2 =	vadd.f32 v52, v50  }
0x10e: {  	v62 =	vld [tilespmem:$0x83F0];
	[tilespmem:$0x8380] =	vst v1;
	v1 =	vadd.f32 v54, v53  }
0x10f: {  	[tilespmem:$0x8390] =	vst v2;
	v63 =	vld [tilespmem:$0x87F0];
	v2 =	vadd.f32 v56, v55  }
0x110: {  	[tilespmem:$0x83A0] =	vst v1;
	v1 =	vadd.f32 v58, v57  }
0x111: {  	[tilespmem:$0x83B0] =	vst v2;
	v2 =	vadd.f32 v3, v59  }
0x112: {  	[tilespmem:$0x83C0] =	vst v1;
	v1 =	vadd.f32 v61, v60  }
0x113: {  	[tilespmem:$0x83D0] =	vst v2  }
0x114: {  	s21 =	simm.s32 $0xA000;
	[tilespmem:$0x83E0] =	vst v1;
	v1 =	vadd.f32 v63, v62  }
.LBB2_5:
0x115: {  	_ = 	snop  }
0x116: {  	s22 =	sshra.s32 s21, $0x2;
	p2 =	seq.s32 s21, $0x96000;
	s21 =	sadd.s32 $0xA000, s21;
	[tilespmem:$0x83F0] =	vst v1  }
0x117: {  	s22 =	sadd.s32 s22, s12  }
0x118: {  	[tilespmem:s19], [sflag:$0x2] =	stream.linear.gather [spmem:s22], $0x400, $0x38;
	[tilespmem:$0xB400] =	vst v63  }
0x119: {  	_ =	swait.ge [sflag:s14], $0x400  }
0x11a: {  	[sflag:s14] =	ssyncset.done $0x0  }
0x11b: {  	[sflag:s14] =	ssyncadd.s32 $0xFFFFFC00  }
0x11c: {  	v2 =	vld [tilespmem:$0x86B0]  }
0x11d: {  	v1 =	vld [tilespmem:$0x8400]  }
0x11e: {  	v3 =	vld [tilespmem:$0x8010]  }
0x11f: {  	v4 =	vld [tilespmem:$0x8410]  }
0x120: {  	v5 =	vld [tilespmem:$0x8020]  }
0x121: {  	v6 =	vld [tilespmem:$0x8420]  }
0x122: {  	v7 =	vld [tilespmem:$0x8030]  }
0x123: {  	v8 =	vld [tilespmem:$0x8430]  }
0x124: {  	v3 =	vadd.f32 v4, v3;
	v4 =	vld [tilespmem:$0x8040]  }
0x125: {  	v9 =	vld [tilespmem:$0x8440]  }
0x126: {  	[tilespmem:$0x8010] =	vst v3;
	v3 =	vadd.f32 v6, v5;
	v5 =	vld [tilespmem:$0x8050]  }
0x127: {  	v6 =	vld [tilespmem:$0x8450]  }
0x128: {  	[tilespmem:$0x8020] =	vst v3;
	v3 =	vadd.f32 v8, v7;
	v7 =	vld [tilespmem:$0x8060]  }
0x129: {  	v8 =	vld [tilespmem:$0x8460]  }
0x12a: {  	[tilespmem:$0x8030] =	vst v3;
	v3 =	vadd.f32 v9, v4;
	v4 =	vld [tilespmem:$0x8070]  }
0x12b: {  	v9 =	vld [tilespmem:$0x8470]  }
0x12c: {  	[tilespmem:$0x8040] =	vst v3;
	v3 =	vadd.f32 v6, v5;
	v5 =	vld [tilespmem:$0x8080]  }
0x12d: {  	v6 =	vld [tilespmem:$0x8480]  }
0x12e: {  	[tilespmem:$0x8050] =	vst v3;
	v3 =	vadd.f32 v8, v7;
	v7 =	vld [tilespmem:$0x8090]  }
0x12f: {  	v8 =	vld [tilespmem:$0x8490]  }
0x130: {  	[tilespmem:$0x8060] =	vst v3;
	v3 =	vadd.f32 v9, v4;
	v4 =	vld [tilespmem:$0x80A0]  }
0x131: {  	v9 =	vld [tilespmem:$0x84A0]  }
0x132: {  	[tilespmem:$0x8070] =	vst v3;
	v3 =	vadd.f32 v6, v5;
	v5 =	vld [tilespmem:$0x80B0]  }
0x133: {  	v6 =	vld [tilespmem:$0x84B0]  }
0x134: {  	[tilespmem:$0x8080] =	vst v3;
	v3 =	vadd.f32 v8, v7;
	v7 =	vld [tilespmem:$0x80C0]  }
0x135: {  	v8 =	vld [tilespmem:$0x84C0]  }
0x136: {  	[tilespmem:$0x8090] =	vst v3;
	v3 =	vadd.f32 v9, v4;
	v4 =	vld [tilespmem:$0x80D0]  }
0x137: {  	v9 =	vld [tilespmem:$0x84D0]  }
0x138: {  	[tilespmem:$0x80A0] =	vst v3;
	v3 =	vadd.f32 v6, v5;
	v5 =	vld [tilespmem:$0x80E0]  }
0x139: {  	v6 =	vld [tilespmem:$0x84E0]  }
0x13a: {  	[tilespmem:$0x80B0] =	vst v3;
	v3 =	vadd.f32 v8, v7;
	v7 =	vld [tilespmem:$0x80F0]  }
0x13b: {  	v8 =	vld [tilespmem:$0x84F0]  }
0x13c: {  	[tilespmem:$0x80C0] =	vst v3;
	v3 =	vadd.f32 v9, v4;
	v4 =	vld [tilespmem:$0x8100]  }
0x13d: {  	v9 =	vld [tilespmem:$0x8500]  }
0x13e: {  	[tilespmem:$0x80D0] =	vst v3;
	v3 =	vadd.f32 v6, v5;
	v5 =	vld [tilespmem:$0x8110]  }
0x13f: {  	v6 =	vld [tilespmem:$0x8510]  }
0x140: {  	[tilespmem:$0x80E0] =	vst v3;
	v3 =	vadd.f32 v8, v7;
	v7 =	vld [tilespmem:$0x8120]  }
0x141: {  	v8 =	vld [tilespmem:$0x8520]  }
0x142: {  	[tilespmem:$0x80F0] =	vst v3;
	v3 =	vadd.f32 v9, v4;
	v4 =	vld [tilespmem:$0x8130]  }
0x143: {  	v9 =	vld [tilespmem:$0x8530]  }
0x144: {  	[tilespmem:$0x8100] =	vst v3;
	v3 =	vadd.f32 v6, v5;
	v5 =	vld [tilespmem:$0x8140]  }
0x145: {  	v6 =	vld [tilespmem:$0x8540]  }
0x146: {  	[tilespmem:$0x8110] =	vst v3;
	v3 =	vadd.f32 v8, v7;
	v7 =	vld [tilespmem:$0x8150]  }
0x147: {  	v8 =	vld [tilespmem:$0x8550]  }
0x148: {  	[tilespmem:$0x8120] =	vst v3;
	v3 =	vadd.f32 v9, v4;
	v4 =	vld [tilespmem:$0x8160]  }
0x149: {  	v9 =	vld [tilespmem:$0x8560]  }
0x14a: {  	[tilespmem:$0x8130] =	vst v3;
	v3 =	vadd.f32 v6, v5;
	v5 =	vld [tilespmem:$0x8170]  }
0x14b: {  	v6 =	vld [tilespmem:$0x8570]  }
0x14c: {  	[tilespmem:$0x8140] =	vst v3;
	v3 =	vadd.f32 v8, v7;
	v7 =	vld [tilespmem:$0x8180]  }
0x14d: {  	v8 =	vld [tilespmem:$0x8580]  }
0x14e: {  	[tilespmem:$0x8150] =	vst v3;
	v3 =	vadd.f32 v9, v4;
	v4 =	vld [tilespmem:$0x8190]  }
0x14f: {  	v9 =	vld [tilespmem:$0x8590]  }
0x150: {  	[tilespmem:$0x8160] =	vst v3;
	v3 =	vadd.f32 v6, v5;
	v5 =	vld [tilespmem:$0x81A0]  }
0x151: {  	v6 =	vld [tilespmem:$0x85A0]  }
0x152: {  	[tilespmem:$0x8170] =	vst v3;
	v3 =	vadd.f32 v8, v7;
	v7 =	vld [tilespmem:$0x81B0]  }
0x153: {  	v8 =	vld [tilespmem:$0x85B0]  }
0x154: {  	[tilespmem:$0x8180] =	vst v3;
	v3 =	vadd.f32 v9, v4;
	v4 =	vld [tilespmem:$0x81C0]  }
0x155: {  	v9 =	vld [tilespmem:$0x85C0]  }
0x156: {  	[tilespmem:$0x8190] =	vst v3;
	v3 =	vadd.f32 v6, v5;
	v5 =	vld [tilespmem:$0x81D0]  }
0x157: {  	v6 =	vld [tilespmem:$0x85D0]  }
0x158: {  	[tilespmem:$0x81A0] =	vst v3;
	v3 =	vadd.f32 v8, v7;
	v7 =	vld [tilespmem:$0x81E0]  }
0x159: {  	v8 =	vld [tilespmem:$0x85E0]  }
0x15a: {  	[tilespmem:$0x81B0] =	vst v3;
	v3 =	vadd.f32 v9, v4;
	v4 =	vld [tilespmem:$0x81F0]  }
0x15b: {  	v9 =	vld [tilespmem:$0x85F0]  }
0x15c: {  	[tilespmem:$0x81C0] =	vst v3;
	v3 =	vadd.f32 v6, v5;
	v5 =	vld [tilespmem:$0x8200]  }
0x15d: {  	v6 =	vld [tilespmem:$0x8600]  }
0x15e: {  	[tilespmem:$0x81D0] =	vst v3;
	v3 =	vadd.f32 v8, v7;
	v7 =	vld [tilespmem:$0x8210]  }
0x15f: {  	v8 =	vld [tilespmem:$0x8610]  }
0x160: {  	[tilespmem:$0x81E0] =	vst v3;
	v3 =	vadd.f32 v9, v4;
	v4 =	vld [tilespmem:$0x8220]  }
0x161: {  	v9 =	vld [tilespmem:$0x8620]  }
0x162: {  	[tilespmem:$0x81F0] =	vst v3;
	v3 =	vadd.f32 v6, v5;
	v5 =	vld [tilespmem:$0x8230]  }
0x163: {  	v6 =	vld [tilespmem:$0x8630]  }
0x164: {  	[tilespmem:$0x8200] =	vst v3;
	v3 =	vadd.f32 v8, v7;
	v7 =	vld [tilespmem:$0x8240]  }
0x165: {  	v8 =	vld [tilespmem:$0x8640]  }
0x166: {  	[tilespmem:$0x8210] =	vst v3;
	v3 =	vadd.f32 v9, v4;
	v4 =	vld [tilespmem:$0x8250]  }
0x167: {  	v9 =	vld [tilespmem:$0x8650]  }
0x168: {  	[tilespmem:$0x8220] =	vst v3;
	v3 =	vadd.f32 v6, v5;
	v5 =	vld [tilespmem:$0x8260]  }
0x169: {  	v6 =	vld [tilespmem:$0x8660]  }
0x16a: {  	[tilespmem:$0x8230] =	vst v3;
	v3 =	vadd.f32 v8, v7;
	v7 =	vld [tilespmem:$0x8270]  }
0x16b: {  	v8 =	vld [tilespmem:$0x8670]  }
0x16c: {  	[tilespmem:$0x8240] =	vst v3;
	v3 =	vadd.f32 v9, v4;
	v4 =	vld [tilespmem:$0x8280]  }
0x16d: {  	v9 =	vld [tilespmem:$0x8680]  }
0x16e: {  	[tilespmem:$0x8250] =	vst v3;
	v3 =	vadd.f32 v6, v5;
	v5 =	vld [tilespmem:$0x8290]  }
0x16f: {  	v6 =	vld [tilespmem:$0x8690]  }
0x170: {  	[tilespmem:$0x8260] =	vst v3;
	v3 =	vadd.f32 v8, v7;
	v7 =	vld [tilespmem:$0x82A0]  }
0x171: {  	v8 =	vld [tilespmem:$0x86A0]  }
0x172: {  	[tilespmem:$0x8270] =	vst v3;
	v3 =	vadd.f32 v9, v4;
	v4 =	vld [tilespmem:$0x82B0]  }
0x173: {  	v9 =	vld [tilespmem:$0x8000]  }
0x174: {  	[tilespmem:$0x8280] =	vst v3;
	v3 =	vadd.f32 v6, v5;
	v5 =	vld [tilespmem:$0x82C0]  }
0x175: {  	v6 =	vld [tilespmem:$0x86C0]  }
0x176: {  	[tilespmem:$0x8290] =	vst v3;
	v3 =	vadd.f32 v8, v7;
	v7 =	vld [tilespmem:$0x82D0]  }
0x177: {  	v2 =	vadd.f32 v2, v4;
	v4 =	vld [tilespmem:$0x86D0]  }
0x178: {  	v1 =	vadd.f32 v1, v9;
	[tilespmem:$0x82A0] =	vst v3;
	v3 =	vld [tilespmem:$0x82E0]  }
0x179: {  	[tilespmem:$0x82B0] =	vst v2;
	v2 =	vld [tilespmem:$0x86E0]  }
0x17a: {  	[tilespmem:$0x8000] =	vst v1;
	v1 =	vadd.f32 v6, v5;
	v5 =	vld [tilespmem:$0x82F0]  }
0x17b: {  	v6 =	vld [tilespmem:$0x86F0]  }
0x17c: {  	[tilespmem:$0x82C0] =	vst v1;
	v1 =	vadd.f32 v4, v7;
	v4 =	vld [tilespmem:$0x8300]  }
0x17d: {  	v7 =	vld [tilespmem:$0x8700]  }
0x17e: {  	[tilespmem:$0x82D0] =	vst v1;
	v1 =	vadd.f32 v2, v3;
	v2 =	vld [tilespmem:$0x8310]  }
0x17f: {  	v3 =	vld [tilespmem:$0x8710]  }
0x180: {  	[tilespmem:$0x82E0] =	vst v1;
	v1 =	vadd.f32 v6, v5;
	v5 =	vld [tilespmem:$0x8320]  }
0x181: {  	v6 =	vld [tilespmem:$0x8720]  }
0x182: {  	[tilespmem:$0x82F0] =	vst v1;
	v1 =	vadd.f32 v7, v4;
	v4 =	vld [tilespmem:$0x8330]  }
0x183: {  	v7 =	vld [tilespmem:$0x8730]  }
0x184: {  	[tilespmem:$0x8300] =	vst v1;
	v1 =	vadd.f32 v3, v2;
	v2 =	vld [tilespmem:$0x8340]  }
0x185: {  	v3 =	vld [tilespmem:$0x8740]  }
0x186: {  	[tilespmem:$0x8310] =	vst v1;
	v1 =	vadd.f32 v6, v5;
	v5 =	vld [tilespmem:$0x8350]  }
0x187: {  	v6 =	vld [tilespmem:$0x8750]  }
0x188: {  	[tilespmem:$0x8320] =	vst v1;
	v1 =	vadd.f32 v7, v4;
	v4 =	vld [tilespmem:$0x8360]  }
0x189: {  	v7 =	vld [tilespmem:$0x8760]  }
0x18a: {  	[tilespmem:$0x8330] =	vst v1;
	v1 =	vadd.f32 v3, v2;
	v2 =	vld [tilespmem:$0x8370]  }
0x18b: {  	v3 =	vld [tilespmem:$0x8770]  }
0x18c: {  	[tilespmem:$0x8340] =	vst v1;
	v1 =	vadd.f32 v6, v5;
	v5 =	vld [tilespmem:$0x8380]  }
0x18d: {  	v6 =	vld [tilespmem:$0x8780]  }
0x18e: {  	[tilespmem:$0x8350] =	vst v1;
	v1 =	vadd.f32 v7, v4;
	v4 =	vld [tilespmem:$0x8390]  }
0x18f: {  	v7 =	vld [tilespmem:$0x8790]  }
0x190: {  	[tilespmem:$0x8360] =	vst v1;
	v1 =	vadd.f32 v3, v2;
	v2 =	vld [tilespmem:$0x83A0]  }
0x191: {  	v3 =	vld [tilespmem:$0x87A0]  }
0x192: {  	[tilespmem:$0x8370] =	vst v1;
	v1 =	vadd.f32 v6, v5;
	v5 =	vld [tilespmem:$0x83B0]  }
0x193: {  	v6 =	vld [tilespmem:$0x87B0]  }
0x194: {  	[tilespmem:$0x8380] =	vst v1;
	v1 =	vadd.f32 v7, v4;
	v4 =	vld [tilespmem:$0x83C0]  }
0x195: {  	v7 =	vld [tilespmem:$0x87C0]  }
0x196: {  	[tilespmem:$0x8390] =	vst v1;
	v1 =	vadd.f32 v3, v2;
	v2 =	vld [tilespmem:$0x83D0]  }
0x197: {  	v3 =	vld [tilespmem:$0x87D0]  }
0x198: {  	[tilespmem:$0x83A0] =	vst v1;
	v1 =	vadd.f32 v6, v5;
	v5 =	vld [tilespmem:$0x83E0]  }
0x199: {  	v6 =	vld [tilespmem:$0x87E0]  }
0x19a: {  	[tilespmem:$0x83B0] =	vst v1;
	v1 =	vadd.f32 v7, v4;
	v4 =	vld [tilespmem:$0x83F0]  }
0x19b: {  	v7 =	vld [tilespmem:$0x87F0]  }
.Ltmp4:
0x19c: {  	[tilespmem:$0x83C0] =	vst v1;
	v1 =	vadd.f32 v3, v2;
	(pc) =	sbr.rel @!p2 .LBB2_5-.Ltmp4, $3  }
0x19d: {  	_ = 	snop  }
0x19e: {  	[tilespmem:$0x83D0] =	vst v1;
	v1 =	vadd.f32 v6, v5;
	_ =	sdelay $0x1  }
0x19f: {  	[tilespmem:$0x83E0] =	vst v1;
	v1 =	vadd.f32 v7, v4  }
.Ltmp5:
0x1a0: {  	(pc) =	sbr.rel .LBB2_11-.Ltmp5, $2  }
0x1a1: {  	_ =	sdelay $0x2  }
0x1a2: {  	s21 =	smov.u32 s9;
	[tilespmem:$0x83F0] =	vst v1  }
.LBB2_7:
.Ltmp6:
0x1a3: {  	(pc) =	sbr.rel @p1 .LBB2_12-.Ltmp6, $1  }
0x1a4: {  	_ =	sdelay $0x3  }
0x1a5: {  	s21 =	simm.s32 $0x0  }
0x1a6: {  	[tilespmem:s18], [sflag:$0x2] =	stream.linear.gather [hbm4b:s4+s21], $0x400, $0x38;
	[tilespmem:$0xB400] =	vst v63  }
0x1a7: {  	_ =	swait.ge [sflag:s14], $0x400  }
0x1a8: {  	[sflag:s14] =	ssyncset.done $0x0  }
0x1a9: {  	s31 =	sadd.s32 $0x0, s2;
	[sflag:s14] =	ssyncadd.s32 $0xFFFFFC00  }
0x1aa: {  	[tilespmem:s19], [sflag:$0x2] =	stream.linear.gather [spmem:s31], $0x400, $0x38;
	[tilespmem:$0xB400] =	vst v63  }
0x1ab: {  	_ =	swait.ge [sflag:s14], $0x400  }
0x1ac: {  	[sflag:s14] =	ssyncset.done $0x0  }
0x1ad: {  	[sflag:s14] =	ssyncadd.s32 $0xFFFFFC00  }
0x1ae: {  	v1 =	vld [tilespmem:$0x86B0]  }
0x1af: {  	v3 =	vld [tilespmem:$0x8010]  }
0x1b0: {  	v4 =	vld [tilespmem:$0x8410]  }
0x1b1: {  	v5 =	vld [tilespmem:$0x8020]  }
0x1b2: {  	v6 =	vld [tilespmem:$0x8420]  }
0x1b3: {  	v7 =	vld [tilespmem:$0x8030]  }
0x1b4: {  	v8 =	vld [tilespmem:$0x8430]  }
0x1b5: {  	v9 =	vld [tilespmem:$0x8040]  }
0x1b6: {  	v10 =	vld [tilespmem:$0x8440]  }
0x1b7: {  	v11 =	vld [tilespmem:$0x8050]  }
0x1b8: {  	v12 =	vld [tilespmem:$0x8450]  }
0x1b9: {  	v13 =	vld [tilespmem:$0x8060]  }
0x1ba: {  	v14 =	vld [tilespmem:$0x8460]  }
0x1bb: {  	v15 =	vld [tilespmem:$0x8070]  }
0x1bc: {  	v16 =	vld [tilespmem:$0x8470]  }
0x1bd: {  	v17 =	vld [tilespmem:$0x8080]  }
0x1be: {  	v18 =	vld [tilespmem:$0x8480]  }
0x1bf: {  	v19 =	vld [tilespmem:$0x8090]  }
0x1c0: {  	v20 =	vld [tilespmem:$0x8490]  }
0x1c1: {  	v21 =	vld [tilespmem:$0x80A0]  }
0x1c2: {  	v22 =	vld [tilespmem:$0x84A0]  }
0x1c3: {  	v23 =	vld [tilespmem:$0x80B0]  }
0x1c4: {  	v24 =	vld [tilespmem:$0x84B0]  }
0x1c5: {  	v25 =	vld [tilespmem:$0x80C0]  }
0x1c6: {  	v26 =	vld [tilespmem:$0x84C0]  }
0x1c7: {  	v27 =	vld [tilespmem:$0x80D0]  }
0x1c8: {  	v28 =	vld [tilespmem:$0x84D0]  }
0x1c9: {  	v29 =	vld [tilespmem:$0x80E0]  }
0x1ca: {  	v30 =	vld [tilespmem:$0x84E0]  }
0x1cb: {  	v31 =	vld [tilespmem:$0x80F0]  }
0x1cc: {  	v32 =	vld [tilespmem:$0x84F0]  }
0x1cd: {  	v33 =	vld [tilespmem:$0x8100]  }
0x1ce: {  	v34 =	vld [tilespmem:$0x8500]  }
0x1cf: {  	v35 =	vld [tilespmem:$0x8110]  }
0x1d0: {  	v36 =	vld [tilespmem:$0x8510]  }
0x1d1: {  	v37 =	vld [tilespmem:$0x8120]  }
0x1d2: {  	v38 =	vld [tilespmem:$0x8520]  }
0x1d3: {  	v39 =	vld [tilespmem:$0x8130]  }
0x1d4: {  	v40 =	vld [tilespmem:$0x8530]  }
0x1d5: {  	v41 =	vld [tilespmem:$0x8140]  }
0x1d6: {  	v42 =	vld [tilespmem:$0x8540]  }
0x1d7: {  	v43 =	vld [tilespmem:$0x8150]  }
0x1d8: {  	v44 =	vld [tilespmem:$0x8550]  }
0x1d9: {  	v45 =	vld [tilespmem:$0x8160]  }
0x1da: {  	v46 =	vld [tilespmem:$0x8560]  }
0x1db: {  	v47 =	vld [tilespmem:$0x8170]  }
0x1dc: {  	v48 =	vld [tilespmem:$0x8570]  }
0x1dd: {  	v49 =	vld [tilespmem:$0x8180]  }
0x1de: {  	v50 =	vld [tilespmem:$0x8580]  }
0x1df: {  	v51 =	vld [tilespmem:$0x8190]  }
0x1e0: {  	v52 =	vld [tilespmem:$0x8590]  }
0x1e1: {  	v53 =	vld [tilespmem:$0x81A0]  }
0x1e2: {  	v54 =	vld [tilespmem:$0x85A0]  }
0x1e3: {  	v55 =	vld [tilespmem:$0x81B0]  }
0x1e4: {  	v56 =	vld [tilespmem:$0x85B0]  }
0x1e5: {  	v57 =	vld [tilespmem:$0x81C0]  }
0x1e6: {  	v58 =	vld [tilespmem:$0x85C0]  }
0x1e7: {  	v59 =	vld [tilespmem:$0x81D0]  }
0x1e8: {  	v60 =	vld [tilespmem:$0x85D0]  }
0x1e9: {  	v2 =	vld [tilespmem:$0x8200]  }
0x1ea: {  	v61 =	vld [tilespmem:$0x81E0]  }
0x1eb: {  	v62 =	vld [tilespmem:$0x85E0]  }
0x1ec: {  	v63 =	vld [tilespmem:$0x81F0]  }
0x1ed: {  	[tilespmem:$0x1FF80] =	vst v1;
	v1 =	vld [tilespmem:$0x8400]  }
0x1ee: {  	[tilespmem:$0x1FF40] =	vst v2;
	v2 =	vld [tilespmem:$0x8600]  }
0x1ef: {  	v3 =	vadd.f32 v4, v3;
	v4 =	vld [tilespmem:$0x8220]  }
0x1f0: {  	v5 =	vadd.f32 v6, v5;
	v6 =	vld [tilespmem:$0x8620]  }
0x1f1: {  	v14 =	vadd.f32 v14, v13;
	v13 =	vld [tilespmem:$0x8260]  }
0x1f2: {  	v18 =	vadd.f32 v18, v17;
	v17 =	vld [tilespmem:$0x8280]  }
0x1f3: {  	v22 =	vadd.f32 v22, v21;
	v21 =	vld [tilespmem:$0x82A0];
	[tilespmem:$0x8010] =	vst v3  }
0x1f4: {  	v26 =	vadd.f32 v26, v25;
	v25 =	vld [tilespmem:$0x82C0];
	[tilespmem:$0x8020] =	vst v5  }
0x1f5: {  	v49 =	vadd.f32 v50, v49;
	v50 =	vld [tilespmem:$0x86D0];
	v3 =	vadd.f32 v8, v7;
	[tilespmem:$0x8060] =	vst v14  }
0x1f6: {  	v38 =	vadd.f32 v38, v37;
	v37 =	vld [tilespmem:$0x8330];
	[tilespmem:$0x8080] =	vst v18  }
0x1f7: {  	v42 =	vadd.f32 v42, v41;
	v41 =	vld [tilespmem:$0x8350];
	[tilespmem:$0x8030] =	vst v3;
	v3 =	vadd.f32 v12, v11  }
0x1f8: {  	v46 =	vadd.f32 v46, v45;
	v45 =	vld [tilespmem:$0x8370];
	[tilespmem:$0x80A0] =	vst v22  }
0x1f9: {  	v7 =	vld [tilespmem:$0x8230];
	[tilespmem:$0x8050] =	vst v3;
	v3 =	vadd.f32 v16, v15  }
0x1fa: {  	v8 =	vld [tilespmem:$0x8630];
	[tilespmem:$0x80C0] =	vst v26  }
0x1fb: {  	v5 =	vadd.f32 v10, v9;
	v9 =	vld [tilespmem:$0x8240];
	[tilespmem:$0x8070] =	vst v3;
	v3 =	vadd.f32 v20, v19  }
0x1fc: {  	v10 =	vld [tilespmem:$0x8640];
	[tilespmem:$0x8120] =	vst v38  }
0x1fd: {  	v14 =	vld [tilespmem:$0x8660];
	[tilespmem:$0x8090] =	vst v3;
	v3 =	vadd.f32 v24, v23  }
0x1fe: {  	v18 =	vld [tilespmem:$0x8680];
	[tilespmem:$0x8140] =	vst v42  }
0x1ff: {  	v22 =	vld [tilespmem:$0x86A0];
	[tilespmem:$0x80B0] =	vst v3;
	v3 =	vadd.f32 v28, v27  }
0x200: {  	v26 =	vld [tilespmem:$0x86C0];
	[tilespmem:$0x1FF50] =	vst v2  }
0x201: {  	v2 =	vld [tilespmem:$0x8210];
	[tilespmem:$0x80D0] =	vst v3;
	v3 =	vadd.f32 v32, v31  }
0x202: {  	v38 =	vld [tilespmem:$0x8730];
	[tilespmem:$0x1FF90] =	vst v1  }
0x203: {  	v1 =	vld [tilespmem:$0x85F0];
	[tilespmem:$0x80F0] =	vst v3;
	v3 =	vadd.f32 v36, v35  }
0x204: {  	[tilespmem:$0x8180] =	vst v49;
	v42 =	vld [tilespmem:$0x8750]  }
0x205: {  	v49 =	vld [tilespmem:$0x8780];
	[tilespmem:$0x8110] =	vst v3;
	v3 =	vadd.f32 v40, v39  }
0x206: {  	v11 =	vld [tilespmem:$0x8250];
	[tilespmem:$0x1FF60] =	vst v2  }
0x207: {  	v2 =	vld [tilespmem:$0x8610];
	[tilespmem:$0x8130] =	vst v3;
	v3 =	vadd.f32 v44, v43  }
0x208: {  	[tilespmem:$0x8160] =	vst v46;
	v12 =	vld [tilespmem:$0x8650];
	v1 =	vadd.f32 v1, v63  }
0x209: {  	v15 =	vld [tilespmem:$0x8270];
	[tilespmem:$0x8150] =	vst v3;
	v3 =	vadd.f32 v48, v47  }
0x20a: {  	v16 =	vld [tilespmem:$0x8670];
	[tilespmem:$0x81F0] =	vst v1  }
0x20b: {  	v46 =	vld [tilespmem:$0x1FF90];
	[tilespmem:$0x8170] =	vst v3;
	v3 =	vadd.f32 v52, v51  }
0x20c: {  	v19 =	vld [tilespmem:$0x8290];
	[tilespmem:$0x1FF70] =	vst v2  }
0x20d: {  	v1 =	vld [tilespmem:$0x1FF60];
	[tilespmem:$0x8190] =	vst v3;
	v3 =	vadd.f32 v56, v55  }
0x20e: {  	v55 =	vadd.f32 v58, v57;
	v58 =	vadd.f32 v62, v61;
	v62 =	vld [tilespmem:$0x1FF70]  }
0x20f: {  	v20 =	vld [tilespmem:$0x8690]  }
0x210: {  	v30 =	vadd.f32 v30, v29;
	v23 =	vld [tilespmem:$0x82B0]  }
0x211: {  	v34 =	vadd.f32 v34, v33;
	v24 =	vld [tilespmem:$0x8000]  }
0x212: {  	[tilespmem:$0x80E0] =	vst v30;
	v63 =	vld [tilespmem:$0x8320]  }
0x213: {  	[tilespmem:$0x8100] =	vst v34;
	v2 =	vld [tilespmem:$0x1FF40];
	v1 =	vadd.f32 v62, v1  }
0x214: {  	[tilespmem:$0x8040] =	vst v5;
	v36 =	vld [tilespmem:$0x8720];
	v52 =	vadd.f32 v54, v53  }
0x215: {  	v39 =	vld [tilespmem:$0x8340];
	[tilespmem:$0x8210] =	vst v1;
	v1 =	vadd.f32 v8, v7  }
0x216: {  	v40 =	vld [tilespmem:$0x8740];
	[tilespmem:$0x81A0] =	vst v52  }
0x217: {  	v43 =	vld [tilespmem:$0x8360];
	[tilespmem:$0x8230] =	vst v1;
	v1 =	vadd.f32 v12, v11  }
0x218: {  	[tilespmem:$0x81B0] =	vst v3;
	v3 =	vadd.f32 v60, v59;
	v60 =	vld [tilespmem:$0x1FF50]  }
0x219: {  	v48 =	vld [tilespmem:$0x82D0];
	[tilespmem:$0x8250] =	vst v1;
	v1 =	vadd.f32 v16, v15  }
0x21a: {  	v61 =	vld [tilespmem:$0x8710];
	[tilespmem:$0x81D0] =	vst v3  }
0x21b: {  	v3 =	vld [tilespmem:$0x8310];
	[tilespmem:$0x8270] =	vst v1;
	v1 =	vadd.f32 v20, v19  }
0x21c: {  	v44 =	vld [tilespmem:$0x8760];
	[tilespmem:$0x81C0] =	vst v55  }
0x21d: {  	v2 =	vadd.f32 v60, v2;
	[tilespmem:$0x8290] =	vst v1;
	v1 =	vld [tilespmem:$0x1FF80]  }
0x21e: {  	v47 =	vld [tilespmem:$0x8380];
	v48 =	vadd.f32 v50, v48;
	[tilespmem:$0x81E0] =	vst v58  }
0x21f: {  	v51 =	vld [tilespmem:$0x82E0];
	[tilespmem:$0x8200] =	vst v2;
	v2 =	vadd.f32 v6, v4  }
0x220: {  	v53 =	vld [tilespmem:$0x86E0];
	[tilespmem:$0x82D0] =	vst v48;
	v3 =	vadd.f32 v61, v3  }
0x221: {  	v54 =	vld [tilespmem:$0x82F0];
	[tilespmem:$0x8220] =	vst v2;
	v2 =	vadd.f32 v10, v9  }
0x222: {  	v57 =	vld [tilespmem:$0x8300];
	[tilespmem:$0x8310] =	vst v3;
	v1 =	vadd.f32 v1, v23  }
0x223: {  	v59 =	vld [tilespmem:$0x8700];
	v15 =	vadd.f32 v46, v24;
	[tilespmem:$0x8240] =	vst v2  }
0x224: {  	v56 =	vld [tilespmem:$0x86F0];
	[tilespmem:$0x82B0] =	vst v1;
	v1 =	vadd.f32 v26, v25  }
0x225: {  	v52 =	vld [tilespmem:$0x8790];
	v2 =	vadd.f32 v14, v13;
	[tilespmem:$0x8000] =	vst v15  }
0x226: {  	v50 =	vld [tilespmem:$0x8390];
	[tilespmem:$0x82C0] =	vst v1;
	v1 =	vadd.f32 v53, v51  }
0x227: {  	v55 =	vld [tilespmem:$0x83B0];
	[tilespmem:$0x8260] =	vst v2;
	v2 =	vadd.f32 v18, v17  }
0x228: {  	v58 =	vld [tilespmem:$0x87C0];
	[tilespmem:$0x82E0] =	vst v1;
	v1 =	vadd.f32 v59, v57  }
0x229: {  	v62 =	vld [tilespmem:$0x83F0];
	[tilespmem:$0x8280] =	vst v2;
	v2 =	vadd.f32 v22, v21  }
0x22a: {  	v60 =	vld [tilespmem:$0x83E0];
	[tilespmem:$0x8300] =	vst v1;
	v1 =	vadd.f32 v36, v63  }
0x22b: {  	v3 =	vadd.f32 v38, v37;
	[tilespmem:$0x82A0] =	vst v2;
	v2 =	vld [tilespmem:$0x8770]  }
0x22c: {  	v53 =	vld [tilespmem:$0x83A0];
	[tilespmem:$0x8320] =	vst v1;
	v1 =	vadd.f32 v40, v39  }
0x22d: {  	[tilespmem:$0x8330] =	vst v3;
	v3 =	vadd.f32 v42, v41;
	v51 =	vadd.f32 v56, v54;
	v54 =	vld [tilespmem:$0x87A0]  }
0x22e: {  	v61 =	vld [tilespmem:$0x87E0];
	[tilespmem:$0x8340] =	vst v1;
	v1 =	vadd.f32 v44, v43  }
0x22f: {  	[tilespmem:$0x8350] =	vst v3;
	v57 =	vld [tilespmem:$0x83C0]  }
0x230: {  	v56 =	vld [tilespmem:$0x87B0];
	[tilespmem:$0x8360] =	vst v1;
	v1 =	vadd.f32 v49, v47  }
0x231: {  	v3 =	vld [tilespmem:$0x87D0];
	v2 =	vadd.f32 v2, v45;
	[tilespmem:$0x82F0] =	vst v51  }
0x232: {  	v59 =	vld [tilespmem:$0x83D0];
	[tilespmem:$0x8380] =	vst v1;
	v1 =	vadd.f32 v54, v53  }
0x233: {  	[tilespmem:$0x8370] =	vst v2;
	v2 =	vadd.f32 v52, v50;
	v63 =	vld [tilespmem:$0x87F0]  }
0x234: {  	[tilespmem:$0x83A0] =	vst v1;
	v1 =	vadd.f32 v58, v57  }
0x235: {  	[tilespmem:$0x8390] =	vst v2;
	v2 =	vadd.f32 v56, v55  }
0x236: {  	[tilespmem:$0x83C0] =	vst v1;
	v1 =	vadd.f32 v61, v60  }
0x237: {  	[tilespmem:$0x83B0] =	vst v2;
	v2 =	vadd.f32 v3, v59  }
0x238: {  	[tilespmem:$0x83E0] =	vst v1;
	v1 =	vadd.f32 v63, v62  }
0x239: {  	s21 =	simm.s32 $0x1000;
	[tilespmem:$0x83D0] =	vst v2  }
.LBB2_9:
0x23a: {  	s22 =	sshra.s32 s21, $0x2;
	p2 =	sne.s32 s21, $0xF000;
	s21 =	sadd.s32 $0x1000, s21;
	[tilespmem:$0x83F0] =	vst v1  }
0x23b: {  	s22 =	sadd.s32 s22, s2  }
0x23c: {  	[tilespmem:s19], [sflag:$0x2] =	stream.linear.gather [spmem:s22], $0x400, $0x38;
	[tilespmem:$0xB400] =	vst v63  }
0x23d: {  	_ =	swait.ge [sflag:s14], $0x400  }
0x23e: {  	[sflag:s14] =	ssyncset.done $0x0  }
0x23f: {  	[sflag:s14] =	ssyncadd.s32 $0xFFFFFC00  }
0x240: {  	v2 =	vld [tilespmem:$0x86B0]  }
0x241: {  	v1 =	vld [tilespmem:$0x8400]  }
0x242: {  	v3 =	vld [tilespmem:$0x8010]  }
0x243: {  	v4 =	vld [tilespmem:$0x8410]  }
0x244: {  	v5 =	vld [tilespmem:$0x8020]  }
0x245: {  	v6 =	vld [tilespmem:$0x8420]  }
0x246: {  	v7 =	vld [tilespmem:$0x8030]  }
0x247: {  	v8 =	vld [tilespmem:$0x8430]  }
0x248: {  	v3 =	vadd.f32 v4, v3;
	v4 =	vld [tilespmem:$0x8040]  }
0x249: {  	v9 =	vld [tilespmem:$0x8440]  }
0x24a: {  	[tilespmem:$0x8010] =	vst v3;
	v3 =	vadd.f32 v6, v5;
	v5 =	vld [tilespmem:$0x8050]  }
0x24b: {  	v6 =	vld [tilespmem:$0x8450]  }
0x24c: {  	[tilespmem:$0x8020] =	vst v3;
	v3 =	vadd.f32 v8, v7;
	v7 =	vld [tilespmem:$0x8060]  }
0x24d: {  	v8 =	vld [tilespmem:$0x8460]  }
0x24e: {  	[tilespmem:$0x8030] =	vst v3;
	v3 =	vadd.f32 v9, v4;
	v4 =	vld [tilespmem:$0x8070]  }
0x24f: {  	v9 =	vld [tilespmem:$0x8470]  }
0x250: {  	[tilespmem:$0x8040] =	vst v3;
	v3 =	vadd.f32 v6, v5;
	v5 =	vld [tilespmem:$0x8080]  }
0x251: {  	v6 =	vld [tilespmem:$0x8480]  }
0x252: {  	[tilespmem:$0x8050] =	vst v3;
	v3 =	vadd.f32 v8, v7;
	v7 =	vld [tilespmem:$0x8090]  }
0x253: {  	v8 =	vld [tilespmem:$0x8490]  }
0x254: {  	[tilespmem:$0x8060] =	vst v3;
	v3 =	vadd.f32 v9, v4;
	v4 =	vld [tilespmem:$0x80A0]  }
0x255: {  	v9 =	vld [tilespmem:$0x84A0]  }
0x256: {  	[tilespmem:$0x8070] =	vst v3;
	v3 =	vadd.f32 v6, v5;
	v5 =	vld [tilespmem:$0x80B0]  }
0x257: {  	v6 =	vld [tilespmem:$0x84B0]  }
0x258: {  	[tilespmem:$0x8080] =	vst v3;
	v3 =	vadd.f32 v8, v7;
	v7 =	vld [tilespmem:$0x80C0]  }
0x259: {  	v8 =	vld [tilespmem:$0x84C0]  }
0x25a: {  	[tilespmem:$0x8090] =	vst v3;
	v3 =	vadd.f32 v9, v4;
	v4 =	vld [tilespmem:$0x80D0]  }
0x25b: {  	v9 =	vld [tilespmem:$0x84D0]  }
0x25c: {  	[tilespmem:$0x80A0] =	vst v3;
	v3 =	vadd.f32 v6, v5;
	v5 =	vld [tilespmem:$0x80E0]  }
0x25d: {  	v6 =	vld [tilespmem:$0x84E0]  }
0x25e: {  	[tilespmem:$0x80B0] =	vst v3;
	v3 =	vadd.f32 v8, v7;
	v7 =	vld [tilespmem:$0x80F0]  }
0x25f: {  	v8 =	vld [tilespmem:$0x84F0]  }
0x260: {  	[tilespmem:$0x80C0] =	vst v3;
	v3 =	vadd.f32 v9, v4;
	v4 =	vld [tilespmem:$0x8100]  }
0x261: {  	v9 =	vld [tilespmem:$0x8500]  }
0x262: {  	[tilespmem:$0x80D0] =	vst v3;
	v3 =	vadd.f32 v6, v5;
	v5 =	vld [tilespmem:$0x8110]  }
0x263: {  	v6 =	vld [tilespmem:$0x8510]  }
0x264: {  	[tilespmem:$0x80E0] =	vst v3;
	v3 =	vadd.f32 v8, v7;
	v7 =	vld [tilespmem:$0x8120]  }
0x265: {  	v8 =	vld [tilespmem:$0x8520]  }
0x266: {  	[tilespmem:$0x80F0] =	vst v3;
	v3 =	vadd.f32 v9, v4;
	v4 =	vld [tilespmem:$0x8130]  }
0x267: {  	v9 =	vld [tilespmem:$0x8530]  }
0x268: {  	[tilespmem:$0x8100] =	vst v3;
	v3 =	vadd.f32 v6, v5;
	v5 =	vld [tilespmem:$0x8140]  }
0x269: {  	v6 =	vld [tilespmem:$0x8540]  }
0x26a: {  	[tilespmem:$0x8110] =	vst v3;
	v3 =	vadd.f32 v8, v7;
	v7 =	vld [tilespmem:$0x8150]  }
0x26b: {  	v8 =	vld [tilespmem:$0x8550]  }
0x26c: {  	[tilespmem:$0x8120] =	vst v3;
	v3 =	vadd.f32 v9, v4;
	v4 =	vld [tilespmem:$0x8160]  }
0x26d: {  	v9 =	vld [tilespmem:$0x8560]  }
0x26e: {  	[tilespmem:$0x8130] =	vst v3;
	v3 =	vadd.f32 v6, v5;
	v5 =	vld [tilespmem:$0x8170]  }
0x26f: {  	v6 =	vld [tilespmem:$0x8570]  }
0x270: {  	[tilespmem:$0x8140] =	vst v3;
	v3 =	vadd.f32 v8, v7;
	v7 =	vld [tilespmem:$0x8180]  }
0x271: {  	v8 =	vld [tilespmem:$0x8580]  }
0x272: {  	[tilespmem:$0x8150] =	vst v3;
	v3 =	vadd.f32 v9, v4;
	v4 =	vld [tilespmem:$0x8190]  }
0x273: {  	v9 =	vld [tilespmem:$0x8590]  }
0x274: {  	[tilespmem:$0x8160] =	vst v3;
	v3 =	vadd.f32 v6, v5;
	v5 =	vld [tilespmem:$0x81A0]  }
0x275: {  	v6 =	vld [tilespmem:$0x85A0]  }
0x276: {  	[tilespmem:$0x8170] =	vst v3;
	v3 =	vadd.f32 v8, v7;
	v7 =	vld [tilespmem:$0x81B0]  }
0x277: {  	v8 =	vld [tilespmem:$0x85B0]  }
0x278: {  	[tilespmem:$0x8180] =	vst v3;
	v3 =	vadd.f32 v9, v4;
	v4 =	vld [tilespmem:$0x81C0]  }
0x279: {  	v9 =	vld [tilespmem:$0x85C0]  }
0x27a: {  	[tilespmem:$0x8190] =	vst v3;
	v3 =	vadd.f32 v6, v5;
	v5 =	vld [tilespmem:$0x81D0]  }
0x27b: {  	v6 =	vld [tilespmem:$0x85D0]  }
0x27c: {  	[tilespmem:$0x81A0] =	vst v3;
	v3 =	vadd.f32 v8, v7;
	v7 =	vld [tilespmem:$0x81E0]  }
0x27d: {  	v8 =	vld [tilespmem:$0x85E0]  }
0x27e: {  	[tilespmem:$0x81B0] =	vst v3;
	v3 =	vadd.f32 v9, v4;
	v4 =	vld [tilespmem:$0x81F0]  }
0x27f: {  	v9 =	vld [tilespmem:$0x85F0]  }
0x280: {  	[tilespmem:$0x81C0] =	vst v3;
	v3 =	vadd.f32 v6, v5;
	v5 =	vld [tilespmem:$0x8200]  }
0x281: {  	v6 =	vld [tilespmem:$0x8600]  }
0x282: {  	[tilespmem:$0x81D0] =	vst v3;
	v3 =	vadd.f32 v8, v7;
	v7 =	vld [tilespmem:$0x8210]  }
0x283: {  	v8 =	vld [tilespmem:$0x8610]  }
0x284: {  	[tilespmem:$0x81E0] =	vst v3;
	v3 =	vadd.f32 v9, v4;
	v4 =	vld [tilespmem:$0x8220]  }
0x285: {  	v9 =	vld [tilespmem:$0x8620]  }
0x286: {  	[tilespmem:$0x81F0] =	vst v3;
	v3 =	vadd.f32 v6, v5;
	v5 =	vld [tilespmem:$0x8230]  }
0x287: {  	v6 =	vld [tilespmem:$0x8630]  }
0x288: {  	[tilespmem:$0x8200] =	vst v3;
	v3 =	vadd.f32 v8, v7;
	v7 =	vld [tilespmem:$0x8240]  }
0x289: {  	v8 =	vld [tilespmem:$0x8640]  }
0x28a: {  	[tilespmem:$0x8210] =	vst v3;
	v3 =	vadd.f32 v9, v4;
	v4 =	vld [tilespmem:$0x8250]  }
0x28b: {  	v9 =	vld [tilespmem:$0x8650]  }
0x28c: {  	[tilespmem:$0x8220] =	vst v3;
	v3 =	vadd.f32 v6, v5;
	v5 =	vld [tilespmem:$0x8260]  }
0x28d: {  	v6 =	vld [tilespmem:$0x8660]  }
0x28e: {  	[tilespmem:$0x8230] =	vst v3;
	v3 =	vadd.f32 v8, v7;
	v7 =	vld [tilespmem:$0x8270]  }
0x28f: {  	v8 =	vld [tilespmem:$0x8670]  }
0x290: {  	[tilespmem:$0x8240] =	vst v3;
	v3 =	vadd.f32 v9, v4;
	v4 =	vld [tilespmem:$0x8280]  }
0x291: {  	v9 =	vld [tilespmem:$0x8680]  }
0x292: {  	[tilespmem:$0x8250] =	vst v3;
	v3 =	vadd.f32 v6, v5;
	v5 =	vld [tilespmem:$0x8290]  }
0x293: {  	v6 =	vld [tilespmem:$0x8690]  }
0x294: {  	[tilespmem:$0x8260] =	vst v3;
	v3 =	vadd.f32 v8, v7;
	v7 =	vld [tilespmem:$0x82A0]  }
0x295: {  	v8 =	vld [tilespmem:$0x86A0]  }
0x296: {  	[tilespmem:$0x8270] =	vst v3;
	v3 =	vadd.f32 v9, v4;
	v4 =	vld [tilespmem:$0x82B0]  }
0x297: {  	v9 =	vld [tilespmem:$0x8000]  }
0x298: {  	[tilespmem:$0x8280] =	vst v3;
	v3 =	vadd.f32 v6, v5;
	v5 =	vld [tilespmem:$0x82C0]  }
0x299: {  	v6 =	vld [tilespmem:$0x86C0]  }
0x29a: {  	[tilespmem:$0x8290] =	vst v3;
	v3 =	vadd.f32 v8, v7;
	v7 =	vld [tilespmem:$0x82D0]  }
0x29b: {  	v2 =	vadd.f32 v2, v4;
	v4 =	vld [tilespmem:$0x86D0]  }
0x29c: {  	v1 =	vadd.f32 v1, v9;
	[tilespmem:$0x82A0] =	vst v3;
	v3 =	vld [tilespmem:$0x82E0]  }
0x29d: {  	[tilespmem:$0x82B0] =	vst v2;
	v2 =	vld [tilespmem:$0x86E0]  }
0x29e: {  	[tilespmem:$0x8000] =	vst v1;
	v1 =	vadd.f32 v6, v5;
	v5 =	vld [tilespmem:$0x82F0]  }
0x29f: {  	v6 =	vld [tilespmem:$0x86F0]  }
0x2a0: {  	[tilespmem:$0x82C0] =	vst v1;
	v1 =	vadd.f32 v4, v7;
	v4 =	vld [tilespmem:$0x8300]  }
0x2a1: {  	v7 =	vld [tilespmem:$0x8700]  }
0x2a2: {  	[tilespmem:$0x82D0] =	vst v1;
	v1 =	vadd.f32 v2, v3;
	v2 =	vld [tilespmem:$0x8310]  }
0x2a3: {  	v3 =	vld [tilespmem:$0x8710]  }
0x2a4: {  	[tilespmem:$0x82E0] =	vst v1;
	v1 =	vadd.f32 v6, v5;
	v5 =	vld [tilespmem:$0x8320]  }
0x2a5: {  	v6 =	vld [tilespmem:$0x8720]  }
0x2a6: {  	[tilespmem:$0x82F0] =	vst v1;
	v1 =	vadd.f32 v7, v4;
	v4 =	vld [tilespmem:$0x8330]  }
0x2a7: {  	v7 =	vld [tilespmem:$0x8730]  }
0x2a8: {  	[tilespmem:$0x8300] =	vst v1;
	v1 =	vadd.f32 v3, v2;
	v2 =	vld [tilespmem:$0x8340]  }
0x2a9: {  	v3 =	vld [tilespmem:$0x8740]  }
0x2aa: {  	[tilespmem:$0x8310] =	vst v1;
	v1 =	vadd.f32 v6, v5;
	v5 =	vld [tilespmem:$0x8350]  }
0x2ab: {  	v6 =	vld [tilespmem:$0x8750]  }
0x2ac: {  	[tilespmem:$0x8320] =	vst v1;
	v1 =	vadd.f32 v7, v4;
	v4 =	vld [tilespmem:$0x8360]  }
0x2ad: {  	v7 =	vld [tilespmem:$0x8760]  }
0x2ae: {  	[tilespmem:$0x8330] =	vst v1;
	v1 =	vadd.f32 v3, v2;
	v2 =	vld [tilespmem:$0x8370]  }
0x2af: {  	v3 =	vld [tilespmem:$0x8770]  }
0x2b0: {  	[tilespmem:$0x8340] =	vst v1;
	v1 =	vadd.f32 v6, v5;
	v5 =	vld [tilespmem:$0x8380]  }
0x2b1: {  	v6 =	vld [tilespmem:$0x8780]  }
0x2b2: {  	[tilespmem:$0x8350] =	vst v1;
	v1 =	vadd.f32 v7, v4;
	v4 =	vld [tilespmem:$0x8390]  }
0x2b3: {  	v7 =	vld [tilespmem:$0x8790]  }
0x2b4: {  	[tilespmem:$0x8360] =	vst v1;
	v1 =	vadd.f32 v3, v2;
	v2 =	vld [tilespmem:$0x83A0]  }
0x2b5: {  	v3 =	vld [tilespmem:$0x87A0]  }
0x2b6: {  	[tilespmem:$0x8370] =	vst v1;
	v1 =	vadd.f32 v6, v5;
	v5 =	vld [tilespmem:$0x83B0]  }
0x2b7: {  	v6 =	vld [tilespmem:$0x87B0]  }
0x2b8: {  	[tilespmem:$0x8380] =	vst v1;
	v1 =	vadd.f32 v7, v4;
	v4 =	vld [tilespmem:$0x83C0]  }
0x2b9: {  	v7 =	vld [tilespmem:$0x87C0]  }
0x2ba: {  	[tilespmem:$0x8390] =	vst v1;
	v1 =	vadd.f32 v3, v2;
	v2 =	vld [tilespmem:$0x83D0]  }
0x2bb: {  	v3 =	vld [tilespmem:$0x87D0]  }
0x2bc: {  	[tilespmem:$0x83A0] =	vst v1;
	v1 =	vadd.f32 v6, v5;
	v5 =	vld [tilespmem:$0x83E0]  }
0x2bd: {  	v6 =	vld [tilespmem:$0x87E0]  }
0x2be: {  	[tilespmem:$0x83B0] =	vst v1;
	v1 =	vadd.f32 v7, v4;
	v4 =	vld [tilespmem:$0x83F0]  }
0x2bf: {  	v7 =	vld [tilespmem:$0x87F0]  }
.Ltmp7:
0x2c0: {  	[tilespmem:$0x83C0] =	vst v1;
	v1 =	vadd.f32 v3, v2;
	(pc) =	sbr.rel @p2 .LBB2_9-.Ltmp7, $3  }
0x2c1: {  	_ = 	snop  }
0x2c2: {  	[tilespmem:$0x83D0] =	vst v1;
	v1 =	vadd.f32 v6, v5;
	_ =	sdelay $0x1  }
0x2c3: {  	[tilespmem:$0x83E0] =	vst v1;
	v1 =	vadd.f32 v7, v4  }
.Ltmp8:
0x2c4: {  	_ = 	snop;
	(pc) =	sbr.rel .LBB2_10-.Ltmp8, $1  }
0x2c5: {  	_ =	sdelay $0x3  }
.LBB2_13:
0x2c6: {  	_ =	sfence.sel $0x180000  }
0x2c7: {  	[bflag:$0x0] =	sbarrier.arrive $0xFFFF  }
0x2c8: {  	p0 =	sne.s32 s1, $0x0;
	_ =	strace $0x90000047  }
0x2c9: {  	s0 =	sadd.s32 @!p0 $0x100000, s0;
	[bflag:$0x2] =	sbarrier.arrive $0xFFFF  }
0x2ca: {  	[sflag:s0] =	ssyncadd.tile.s32 @!p0 $0x1;
	_ =	shalt  }
.Lfunc_end2:
_tile_overlayer_lowered:
.L_overlay_start_2:
0x2cb: {  	(tag) =	ssettag $0x2  }
0x2cc: {  	s0 =	rddreg [dreg:$0x0];
	s2 =	stileid.u32  }
0x2cd: {  	s1 =	rddreg [dreg:$0x1];
	p0 =	sne.s32 s2, $0x0  }
0x2ce: {  	s3 =	rddreg [dreg:$0x2];
	[bflag:$0x3] =	sbarrier.arrive $0xFFFF;
	s2 =	simm.s32 @!p0 $0x1C02  }
0x2cf: {  	[timem:s3], [sflag:s2] =	dma.local @!p0 [hbm:s0], s1  }
0x2d0: {  	s0 =	simm.s32 @!p0 $0x2  }
0x2d1: {  	_ =	swait.ge @!p0 [sflag:s0], s1  }
0x2d2: {  	s1 =	ssub.s32 @!p0 $0x0, s1;
	[sflag:s0] =	ssyncset.done @!p0 $0x0  }
0x2d3: {  	[sflag:s0] =	ssyncadd.s32 @!p0 s1  }
0x2d4: {  	[bflag:$0x3] =	sbarrier.arrive $0xFFFF  }
0x2d5: {  	_ =	shalt  }

// kernel: kernel.15.cloned.1.call-start
scs
__scs_entry_jumppad:
0x0: {  	(pc) =	sbr.rel $0x88, $3  }
0x1: {  	(tag) =	ssettag $0x0;
	lr =	simm.s32 $0x1  }
0x2: {  	[smem:$0x3F90] =	sst lr;
	_ =	strace $0xD0000000  }
0x3: {  	_ = 	snop  }
0x4: {  	_ = 	snop  }
0x5: {  	_ = 	snop  }
0x6: {  	_ = 	snop  }
0x7: {  	_ = 	snop  }
__scs_overlays_trampoline_lowered:
0x8: {  	[smem:$0x3F9F] =	sst s0  }
0x9: {  	[smem:$0x3FA0] =	sst s1  }
0xa: {  	[smem:$0x3FA1] =	sst s2  }
0xb: {  	[smem:$0x3FA2] =	sst s3  }
0xc: {  	[smem:$0x3FA3] =	sst s4  }
0xd: {  	[smem:$0x3FA4] =	sst s5  }
0xe: {  	[smem:$0x3FA5] =	sst s6  }
0xf: {  	[smem:$0x3FA6] =	sst s7  }
0x10: {  	[smem:$0x3FA7] =	sst s8  }
0x11: {  	[smem:$0x3FA8] =	sst s9;
	s0 =	simm.s32 @!p0 $0x0  }
0x12: {  	s1 =	sld [smem:$0x3F8E];
	s0 =	simm.s32 @p0 $0x1  }
0x13: {  	[smem:$0x3FA9] =	sst s0;
	s0 =	simm.s32 @!p1 $0x0  }
0x14: {  	s2 =	sld [smem:$0x3F8D];
	s0 =	simm.s32 @p1 $0x1  }
0x15: {  	[smem:$0x3FAA] =	sst s0;
	s0 =	simm.s32 @!p2 $0x0  }
0x16: {  	s3 =	sld [smem:$0x3FDB];
	s0 =	simm.s32 @p2 $0x1  }
0x17: {  	s4 =	simm.s32 $0x1BF5;
	[smem:$0x3FAC] =	sst s0  }
0x18: {  	s0 =	sld [smem:$0x3F8F];
	_ =	swait.ge [sflag:s4], $0x0  }
0x19: {  	s7 =	sld [smem:$0x3F90]  }
0x1a: {  	s8 =	sadd.s32 $0xFFFFE003, lr  }
0x1b: {  	s9 =	sadd.s32 $0xFFFFFEF7, lr;
	s5 =	simm.s32 $0xFFFFFFFF;
	p2 =	slt.u32 s8, $0xFFFFF086  }
0x1c: {  	p1 =	slt.u32 s9, $0xF7A;
	s5 =	simm.s32 @!p2 $0x0  }
0x1d: {  	s5 =	simm.s32 @p1 $0x1;
	p0 =	seq.s32 s7, s2  }
0x1e: {  	s7 =	smul.u32 @!p0 $0xF7A, s2;
	p2 =	seq.s32 @!p0 s5, $0x0  }
0x1f: {  	s9 =	smul.u32 $0xF7A, s1;
	s8 =	simm.s32 @!p0 $0x1BF5;
	p2 =	por !p2, p0  }
0x20: {  	[sflag:s8] =	ssyncset.s32 @!p0 $0xFFFFF086;
	s6 =	sadd.s32 @!p0 s3, s7;
	s7 =	simm.s32 @!p0 $0x108  }
0x21: {  	s3 =	sadd.s32 s3, s9;
	s6 =	sadd.s32 @!p0 $0x88, s6;
	s7 =	simm.s32 @p2 $0x1082  }
0x22: {  	[simem:s7], [sflag:s8] =	dma.local @!p0 [hbm:s6], $0xF7A  }
0x23: {  	s9 =	sor.u32 $0xD0000000, s2;
	s6 =	simm.s32 $0x108;
	_ =	swait.ge @!p0 [sflag:s8], $0x0  }
0x24: {  	s3 =	sadd.s32 $0x88, s3;
	s6 =	simm.s32 @!p1 $0x1082;
	[sflag:s4] =	ssyncset.s32 $0xFFFFF086  }
0x25: {  	[simem:s6], [sflag:s4] =	dma.local [hbm:s3], $0xF7A  }
0x26: {  	[smem:$0x3F90] =	sst s1;
	(tag) =	ssettag s2;
	_ =	strace s9  }
0x27: {  	s1 =	sld [smem:$0x3FA0]  }
0x28: {  	s2 =	sld [smem:$0x3FA1]  }
0x29: {  	s4 =	sld [smem:$0x3FA3]  }
0x2a: {  	p0 =	seq.s32 s5, $0x0;
	s5 =	sld [smem:$0x3FA4]  }
0x2b: {  	s6 =	sld [smem:$0x3FA5]  }
0x2c: {  	s7 =	sld [smem:$0x3FA6]  }
0x2d: {  	s3 =	simm.s32 $0x108;
	s8 =	sld [smem:$0x3FA7]  }
0x2e: {  	s3 =	simm.s32 @!p0 $0x1082;
	s9 =	sld [smem:$0x3FA8]  }
0x2f: {  	lr =	sadd.s32 s0, s3;
	s0 =	sld [smem:$0x3F9F]  }
0x30: {  	s3 =	sld [smem:$0x3FA2]  }
0x31: {  	[smem:$0x3FAB] =	sst s10  }
0x32: {  	s10 =	sld [smem:$0x3FA9];
	_ =	sdelay $0x3  }
0x33: {  	p0 =	seq.s32 s10, $0x1;
	s10 =	sld [smem:$0x3FAB];
	_ =	sdelay $0x3  }
0x34: {  	[smem:$0x3FAB] =	sst s10  }
0x35: {  	s10 =	sld [smem:$0x3FAA];
	_ =	sdelay $0x3  }
0x36: {  	p1 =	seq.s32 s10, $0x1;
	s10 =	sld [smem:$0x3FAB];
	_ =	sdelay $0x3  }
0x37: {  	[smem:$0x3FAB] =	sst s10  }
0x38: {  	s10 =	sld [smem:$0x3FAC]  }
0x39: {  	_ = 	snop;
	(pc) =	sbr.ind lr, $3  }
0x3a: {  	_ = 	snop  }
0x3b: {  	_ = 	snop  }
0x3c: {  	p2 =	seq.s32 s10, $0x1;
	s10 =	sld [smem:$0x3FAB]  }
0x3d: {  	_ =	shalt  }
0x3e: {  	_ =	shalt  }
0x3f: {  	_ =	shalt  }
0x40: {  	_ =	shalt  }
0x41: {  	_ =	shalt  }
0x42: {  	_ =	shalt  }
0x43: {  	_ =	shalt  }
0x44: {  	_ =	shalt  }
0x45: {  	_ =	shalt  }
0x46: {  	_ =	shalt  }
0x47: {  	_ =	shalt  }
0x48: {  	_ =	shalt  }
0x49: {  	_ =	shalt  }
0x4a: {  	_ =	shalt  }
0x4b: {  	_ =	shalt  }
0x4c: {  	_ =	shalt  }
0x4d: {  	_ =	shalt  }
0x4e: {  	_ =	shalt  }
0x4f: {  	_ =	shalt  }
0x50: {  	_ =	shalt  }
0x51: {  	_ =	shalt  }
0x52: {  	_ =	shalt  }
0x53: {  	_ =	shalt  }
0x54: {  	_ =	shalt  }
0x55: {  	_ =	shalt  }
0x56: {  	_ =	shalt  }
0x57: {  	_ =	shalt  }
0x58: {  	_ =	shalt  }
0x59: {  	_ =	shalt  }
0x5a: {  	_ =	shalt  }
0x5b: {  	_ =	shalt  }
0x5c: {  	_ =	shalt  }
0x5d: {  	_ =	shalt  }
0x5e: {  	_ =	shalt  }
0x5f: {  	_ =	shalt  }
0x60: {  	_ =	shalt  }
0x61: {  	_ =	shalt  }
0x62: {  	_ =	shalt  }
0x63: {  	_ =	shalt  }
0x64: {  	_ =	shalt  }
0x65: {  	_ =	shalt  }
0x66: {  	_ =	shalt  }
0x67: {  	_ =	shalt  }
0x68: {  	_ =	shalt  }
0x69: {  	_ =	shalt  }
0x6a: {  	_ =	shalt  }
0x6b: {  	_ =	shalt  }
0x6c: {  	_ =	shalt  }
0x6d: {  	_ =	shalt  }
0x6e: {  	_ =	shalt  }
0x6f: {  	_ =	shalt  }
0x70: {  	_ =	shalt  }
0x71: {  	_ =	shalt  }
0x72: {  	_ =	shalt  }
0x73: {  	_ =	shalt  }
0x74: {  	_ =	shalt  }
0x75: {  	_ =	shalt  }
0x76: {  	_ =	shalt  }
0x77: {  	_ =	shalt  }
0x78: {  	_ =	shalt  }
0x79: {  	_ =	shalt  }
0x7a: {  	_ =	shalt  }
0x7b: {  	_ =	shalt  }
0x7c: {  	_ =	shalt  }
0x7d: {  	_ =	shalt  }
0x7e: {  	_ =	shalt  }
0x7f: {  	_ =	shalt  }
0x80: {  	_ =	shalt  }
0x81: {  	_ =	shalt  }
0x82: {  	_ =	shalt  }
0x83: {  	_ =	shalt  }
0x84: {  	_ =	shalt  }
0x85: {  	_ =	shalt  }
0x86: {  	_ =	shalt  }
0x87: {  	_ =	shalt  }
.Lfunc_end0:
.L_simem_size_0:
called_computation.1_lowered:
.L_overlay_start_0:
0x88: {  	s2 =	sld [smem:$0x3FD9]  }
0x89: {  	s3 =	sld [smem:$0x3FFE];
	_ =	sdelay $0x1  }
0x8a: {  	s1 =	srdreg.scid  }
0x8b: {  	s0 =	sand.u32 $0x1, s1  }
0x8c: {  	s16 =	sshll.u32 s0, $0xA;
	s2 =	sadd.s32 s3, s2  }
0x8d: {  	s2 =	sadd.s32 s2, s16  }
0x8e: {  	[smem:$0x3FB7] =	sst s2  }
0x8f: {  	_ = 	snop  }
0x90: {  	(tm) =	ssettm $0x1  }
0x91: {  	s17 =	sld [smem:$0x3FFB];
	_ =	sdelay $0x3  }
0x92: {  	_ =	strace s17  }
0x93: {  	s2 =	sld [smem:$0x3FFC];
	_ =	sdelay $0x3  }
0x94: {  	_ =	strace s2  }
0x95: {  	s2 =	sld [smem:$0x3FFD];
	_ =	sdelay $0x3  }
0x96: {  	_ =	strace s2  }
0x97: {  	_ =	strace $0x8FFFFFFF  }
0x98: {  	s18 =	sld [smem:$0x3FDB];
	_ =	sdelay $0x1  }
0x99: {  	s19 =	simm.s32 $_scs_section_size  }
0x9a: {  	s4 =	simm.s32 $_size__tile_overlayer_lowered;
	s5 =	simm.s32 $_tile_overlayer_lowered  }
0x9b: {  	s22 =	simm.s32 $0x1BFF;
	s21 =	sshll.u32 s5, $0x1;
	s2 =	sadd.s32 s19, s18  }
0x9c: {  	s6 =	simm.s32 $0x0;
	s20 =	sshll.u32 s4, $0x1;
	s4 =	sadd.s32 s21, s2  }
0x9d: {  	[timem:s6], [sflag:s22] =	dma.local [hbm:s4], s20  }
0x9e: {  	_ =	swait.ge [sflag:s22], s20  }
0x9f: {  	s3 =	ssub.s32 $0x0, s20;
	[sflag:s22] =	ssyncset.done $0x0  }
0xa0: {  	[sflag:s22] =	ssyncadd.s32 s3;
	_ =	sdelay $0x1  }
0xa1: {  	s23 =	simm.s32 $0x1B8B  }
0xa2: {  	_ =	swait.ge [sflag:s23], $0x1  }
0xa3: {  	[sflag:s23] =	ssyncset.done $0x0  }
0xa4: {  	s25 =	simm.s32 $0x1B8E;
	s24 =	sld [smem:$0x3FFE];
	[sflag:s23] =	ssyncadd.s32 $0xFFFFFFFF  }
0xa5: {  	s26 =	simm.s32 $execute0_lowered;
	[smem:$0x3FD2] =	sst s25  }
0xa6: {  	s4 =	sshll.u32 s26, $0x1;
	_ =	strace $0x80000049;
	[dreg:$0x1] =	wrdreg $0xFFFFFFFF  }
0xa7: {  	s28 =	simm.s32 $_size_execute0_lowered;
	s2 =	sadd.s32 s2, s4;
	[dreg:$0x0] =	wrdreg $0x0  }
0xa8: {  	s4 =	sshll.u32 s28, $0x1;
	[dreg:$0x2] =	wrdreg s2  }
0xa9: {  	[dreg:$0x3] =	wrdreg s4  }
0xaa: {  	[dreg:$0x4] =	wrdreg $0xC0  }
0xab: {  	_ =	task [dreg:s6], $0x5FFFF  }
0xac: {  	[dreg:$0x1] =	wrdreg $0xFFFFFFFF  }
0xad: {  	[dreg:$0x0] =	wrdreg $0x60  }
0xae: {  	[dreg:$0x2] =	wrdreg s24  }
0xaf: {  	[dreg:$0x3] =	wrdreg $0xA0000  }
0xb0: {  	[dreg:$0x4] =	wrdreg $0x9  }
0xb1: {  	_ =	task.clear_ibuf [dreg:s6], $0x5FFFF;
	_ =	strace $0x90000049  }
0xb2: {  	s29 =	simm.s32 $0x9;
	_ =	strace $0x8000004B  }
0xb3: {  	_ =	swait.ge [sflag:s29], $0x1  }
0xb4: {  	[sflag:s29] =	ssyncadd.s32 $0xFFFFFFFF  }
0xb5: {  	_ =	strace $0x9000004B  }
0xb6: {  	_ =	sfence  }
0xb7: {  	s30 =	sld [smem:$0x0];
	_ =	sdelay $0x2  }
0xb8: {  	s31 =	sshll.u32 s1, $0xD;
	s1 =	sshrl.u32 s1, $0x2  }
0xb9: {  	s3 =	sand.u32 $0x4000, s31;
	s1 =	sadd.s32 s1, s30  }
0xba: {  	s0 =	sor.u32 s3, s0;
	s1 =	sshll.u32 s1, $0x11  }
0xbb: {  	s0 =	sor.u32 s1, s0  }
0xbc: {  	s0 =	sadd.s32 $0x8F2B, s0  }
0xbd: {  	[sflag:s0] =	ssyncadd.remote.s32 $0x1  }
0xbe: {  	_ =	sfence.sel $0xFFFF  }
0xbf: {  	[dreg:$0x0] =	wrdreg $0xFFFFFFFF;
	(pc) =	sbr.abs _section_cstart, $3  }
0xc0: {  	[dreg:$0x1] =	wrdreg $0xFFFFFFFF  }
0xc1: {  	_ =	task.clear_ibuf [dreg:s6], $0x2FFFF;
	_ =	strace $0x9FFFFFFF  }
0xc2: {  	(tm) =	ssettm $0x7FFFFFFF  }
0xc3: {  	_ =	shalt  }
tec
execute0_lowered:
.L_overlay_start_1:
0x0: {  	(tag) =	ssettag $0x1  }
0x1: {  	s0 =	rddreg [dreg:$0x0]  }
0x2: {  	s1 =	rddreg [dreg:$0x1]  }
0x3: {  	s3 =	simm.s32 $0x0;
	s2 =	srdreg.scid;
	s11 =	stileid.u32  }
0x4: {  	s13 =	simm.s32 $0x5;
	s14 =	simm.s32 $0x1;
	s15 =	simm.s32 $0x1000  }
0x5: {  	s16 =	simm.s32 $0x40;
	s17 =	simm.s32 $0x2000;
	s18 =	simm.s32 $0x80  }
0x6: {  	s19 =	simm.s32 $0x4000;
	s20 =	simm.s32 $0x100;
	s21 =	simm.s32 $0x6000  }
0x7: {  	s28 =	simm.s32 $0x1E00;
	s29 =	simm.s32 $0x1E80;
	s30 =	simm.s32 $0x1F00  }
0x8: {  	s31 =	simm.s32 $0x1F80;
	[smem:$0x7FF] =	sst s3;
	s2 =	sand.u32 $0x1, s2  }
0x9: {  	s7 =	smul.u32 $0x2800, s11;
	s4 =	sadd.s32 $0x30C00, s0;
	s5 =	sadd.s32 $0x1CC00, s0  }
0xa: {  	s6 =	sadd.s32 $0x4A00, s0;
	s9 =	sadd.s32 $0x19A00, s0;
	s10 =	smul.u32 $0x50000, s11  }
0xb: {  	s26 =	sshll.u32 s11, $0x6;
	_ =	strace $0x8000004A;
	s8 =	smul.u32 $0x28000, s2  }
0xc: {  	[dreg:$0x3] =	wrdreg s9;
	s22 =	ssub.s32 $0x2, s2;
	s2 =	sshll.u32 s2, $0x4  }
0xd: {  	s23 =	sshrl.u32 s22, $0x1;
	s2 =	sor.u32 s11, s2;
	s25 =	sshrl.u32 s10, $0x2  }
0xe: {  	s7 =	sadd.s32 s7, s8;
	s24 =	ssub.s32 s22, s23;
	s12 =	sadd.s32 s25, s1  }
0xf: {  	s8 =	sor.u32 $0x1C05, s26;
	s9 =	smul.u32 $0x5000, s2;
	s22 =	simm.s32 $0x180  }
0x10: {  	s23 =	simm.s32 $0x8000;
	s25 =	simm.s32 $0x3;
	s0 =	sadd.s32 s7, s0  }
0x11: {  	s26 =	simm.s32 $0x4;
	s11 =	smax.u32 s24, $0x1;
	s0 =	sadd.s32 $0x58C00, s0  }
0x12: {  	s12 =	sshrl.u32 s12, $0x3;
	s24 =	simm.s32 $0x2;
	[dreg:$0x4] =	wrdreg s0  }
.LBB2_1:
0x13: {  	s0 =	rddreg [dreg:$0x3]  }
0x14: {  	[spmem:s12], [sflag:s8] =	dma.local [hbm:s0], $0x2800  }
0x15: {  	_ =	swait.ge [sflag:s13], $0x2800  }
0x16: {  	[sflag:s13] =	ssyncset.done $0x0  }
0x17: {  	[sflag:s13] =	ssyncadd.s32 $0xFFFFD800  }
0x18: {  	s0 =	simm.s32 $0x0;
	[bflag:$0x0] =	sbarrier.arrive $0xFFFF  }
.LBB2_2:
0x19: {  	s2 =	sshll.u32 s0, $0xC  }
0x1a: {  	s2 =	sadd.s32 s9, s2  }
0x1b: {  	s2 =	sshrl.u32 s2, $0x3  }
0x1c: {  	s10 =	simm.s32 $0x0;
	s7 =	sadd.s32 s5, s2  }
0x1d: {  	[tilespmem:s10], [sflag:$0x1] =	stream.linear.gather [hbm4b:s7+s10], $0x1000, $0x38;
	[tilespmem:$0x1E000] =	vst v63  }
0x1e: {  	_ =	swait.ge [sflag:s14], $0x1000  }
0x1f: {  	[sflag:s14] =	ssyncset.done $0x0  }
0x20: {  	s2 =	sadd.s32 s6, s2;
	[sflag:s14] =	ssyncadd.s32 $0xFFFFF000  }
0x21: {  	[tilespmem:s15], [sflag:$0x1] =	stream.linear.gather [hbm4b:s2+s10], $0x1000, $0x38;
	[tilespmem:$0x1E000] =	vst v63  }
0x22: {  	_ =	swait.ge [sflag:s14], $0x1000  }
0x23: {  	[sflag:s14] =	ssyncset.done $0x0  }
0x24: {  	[sflag:s14] =	ssyncadd.s32 $0xFFFFF000  }
0x25: {  	[tilespmem:s17], [sflag:$0x1] =	stream.indirect.gather [hbm4b:s4+s16], $0x80, s10, s16, $0xb8;
	[tilespmem:$0x1E000] =	vst v63  }
0x26: {  	_ = 	snop  }
0x27: {  	[tilespmem:s19], [sflag:$0x2] =	stream.indirect.gather [hbm4b:s4+s16], $0x80, s18, s16, $0xb8;
	[tilespmem:$0x1E000] =	vst v63  }
0x28: {  	_ = 	snop  }
0x29: {  	[tilespmem:s21], [sflag:$0x3] =	stream.indirect.gather [hbm4b:s4+s16], $0x80, s20, s16, $0xb8;
	[tilespmem:$0x1E000] =	vst v63  }
0x2a: {  	_ = 	snop  }
0x2b: {  	[tilespmem:s23], [sflag:$0x4] =	stream.indirect.gather [hbm4b:s4+s16], $0x80, s22, s16, $0xb8;
	[tilespmem:$0x1E000] =	vst v63  }
0x2c: {  	_ =	swait.ge [sflag:s14], $0x2000  }
0x2d: {  	[sflag:s14] =	ssyncset.done $0x0  }
0x2e: {  	s10 =	simm.s32 $0x1000;
	[sflag:s14] =	ssyncadd.s32 $0xFFFFE000  }
0x2f: {  	[spmem:s1] =	stream.indirect.scatter.add.f32 [tilespmem:s17], [sflag:$0x5], $0x80, s10, s16, $0xb8;
	[tilespmem:$0x1E000] =	vst v63  }
0x30: {  	_ =	swait.ge [sflag:s13], $0x2000  }
0x31: {  	[sflag:s13] =	ssyncset.done $0x0  }
0x32: {  	s7 =	simm.s32 $0x200;
	[sflag:s13] =	ssyncadd.s32 $0xFFFFE000  }
0x33: {  	[tilespmem:s17], [sflag:$0x1] =	stream.indirect.gather [hbm4b:s4+s16], $0x80, s7, s16, $0xb8;
	[tilespmem:$0x1E000] =	vst v63  }
0x34: {  	_ =	swait.ge [sflag:s24], $0x2000  }
0x35: {  	[sflag:s24] =	ssyncset.done $0x0  }
0x36: {  	s10 =	simm.s32 $0x1080;
	[sflag:s24] =	ssyncadd.s32 $0xFFFFE000  }
0x37: {  	[spmem:s1] =	stream.indirect.scatter.add.f32 [tilespmem:s19], [sflag:$0x5], $0x80, s10, s16, $0xb8;
	[tilespmem:$0x1E000] =	vst v63  }
0x38: {  	_ =	swait.ge [sflag:s13], $0x2000  }
0x39: {  	[sflag:s13] =	ssyncset.done $0x0  }
0x3a: {  	s7 =	simm.s32 $0x280;
	[sflag:s13] =	ssyncadd.s32 $0xFFFFE000  }
0x3b: {  	[tilespmem:s19], [sflag:$0x2] =	stream.indirect.gather [hbm4b:s4+s16], $0x80, s7, s16, $0xb8;
	[tilespmem:$0x1E000] =	vst v63  }
0x3c: {  	_ =	swait.ge [sflag:s25], $0x2000  }
0x3d: {  	[sflag:s25] =	ssyncset.done $0x0  }
0x3e: {  	s10 =	simm.s32 $0x1100;
	[sflag:s25] =	ssyncadd.s32 $0xFFFFE000  }
0x3f: {  	[spmem:s1] =	stream.indirect.scatter.add.f32 [tilespmem:s21], [sflag:$0x5], $0x80, s10, s16, $0xb8;
	[tilespmem:$0x1E000] =	vst v63  }
0x40: {  	_ =	swait.ge [sflag:s13], $0x2000  }
0x41: {  	[sflag:s13] =	ssyncset.done $0x0  }
0x42: {  	s7 =	simm.s32 $0x300;
	[sflag:s13] =	ssyncadd.s32 $0xFFFFE000  }
0x43: {  	[tilespmem:s21], [sflag:$0x3] =	stream.indirect.gather [hbm4b:s4+s16], $0x80, s7, s16, $0xb8;
	[tilespmem:$0x1E000] =	vst v63  }
0x44: {  	_ =	swait.ge [sflag:s26], $0x2000  }
0x45: {  	[sflag:s26] =	ssyncset.done $0x0  }
0x46: {  	s10 =	simm.s32 $0x1180;
	[sflag:s26] =	ssyncadd.s32 $0xFFFFE000  }
0x47: {  	[spmem:s1] =	stream.indirect.scatter.add.f32 [tilespmem:s23], [sflag:$0x5], $0x80, s10, s16, $0xb8;
	[tilespmem:$0x1E000] =	vst v63  }
0x48: {  	_ =	swait.ge [sflag:s13], $0x2000  }
0x49: {  	[sflag:s13] =	ssyncset.done $0x0  }
0x4a: {  	s2 =	simm.s32 $0x800;
	s7 =	simm.s32 $0x380;
	[sflag:s13] =	ssyncadd.s32 $0xFFFFE000  }
.LBB2_3:
0x4b: {  	[tilespmem:s23], [sflag:$0x4] =	stream.indirect.gather [hbm4b:s4+s16], $0x80, s7, s16, $0xb8;
	[tilespmem:$0x1E000] =	vst v63  }
0x4c: {  	s7 =	smov.u32 s2  }
0x4d: {  	p0 =	sne.s32 s2, $0x3000;
	s2 =	sadd.s32 $0x800, s2;
	_ =	swait.ge [sflag:s14], $0x2000  }
0x4e: {  	s7 =	sshra.s32 s7, $0x2;
	[sflag:s14] =	ssyncset.done $0x0  }
0x4f: {  	s10 =	sadd.s32 $0x1000, s7;
	[sflag:s14] =	ssyncadd.s32 $0xFFFFE000  }
0x50: {  	[spmem:s1] =	stream.indirect.scatter.add.f32 [tilespmem:s17], [sflag:$0x5], $0x80, s10, s16, $0xb8;
	[tilespmem:$0x1E000] =	vst v63  }
0x51: {  	_ =	swait.ge [sflag:s13], $0x2000  }
0x52: {  	[sflag:s13] =	ssyncset.done $0x0  }
0x53: {  	s10 =	sadd.s32 $0x200, s7;
	[sflag:s13] =	ssyncadd.s32 $0xFFFFE000  }
0x54: {  	[tilespmem:s17], [sflag:$0x1] =	stream.indirect.gather [hbm4b:s4+s16], $0x80, s10, s16, $0xb8;
	[tilespmem:$0x1E000] =	vst v63  }
0x55: {  	_ =	swait.ge [sflag:s24], $0x2000  }
0x56: {  	[sflag:s24] =	ssyncset.done $0x0  }
0x57: {  	s10 =	sadd.s32 $0x1080, s7;
	[sflag:s24] =	ssyncadd.s32 $0xFFFFE000  }
0x58: {  	[spmem:s1] =	stream.indirect.scatter.add.f32 [tilespmem:s19], [sflag:$0x5], $0x80, s10, s16, $0xb8;
	[tilespmem:$0x1E000] =	vst v63  }
0x59: {  	_ =	swait.ge [sflag:s13], $0x2000  }
0x5a: {  	[sflag:s13] =	ssyncset.done $0x0  }
0x5b: {  	s10 =	sadd.s32 $0x280, s7;
	[sflag:s13] =	ssyncadd.s32 $0xFFFFE000  }
0x5c: {  	[tilespmem:s19], [sflag:$0x2] =	stream.indirect.gather [hbm4b:s4+s16], $0x80, s10, s16, $0xb8;
	[tilespmem:$0x1E000] =	vst v63  }
0x5d: {  	_ =	swait.ge [sflag:s25], $0x2000  }
0x5e: {  	[sflag:s25] =	ssyncset.done $0x0  }
0x5f: {  	s10 =	sadd.s32 $0x1100, s7;
	[sflag:s25] =	ssyncadd.s32 $0xFFFFE000  }
0x60: {  	[spmem:s1] =	stream.indirect.scatter.add.f32 [tilespmem:s21], [sflag:$0x5], $0x80, s10, s16, $0xb8;
	[tilespmem:$0x1E000] =	vst v63  }
0x61: {  	_ =	swait.ge [sflag:s13], $0x2000  }
0x62: {  	[sflag:s13] =	ssyncset.done $0x0  }
0x63: {  	s10 =	sadd.s32 $0x300, s7;
	[sflag:s13] =	ssyncadd.s32 $0xFFFFE000  }
0x64: {  	[tilespmem:s21], [sflag:$0x3] =	stream.indirect.gather [hbm4b:s4+s16], $0x80, s10, s16, $0xb8;
	[tilespmem:$0x1E000] =	vst v63  }
0x65: {  	_ =	swait.ge [sflag:s26], $0x2000  }
0x66: {  	[sflag:s26] =	ssyncset.done $0x0  }
.Ltmp0:
0x67: {  	s10 =	sadd.s32 $0x1180, s7;
	[sflag:s26] =	ssyncadd.s32 $0xFFFFE000;
	(pc) =	sbr.rel @p0 .LBB2_3-.Ltmp0, $4  }
0x68: {  	[spmem:s1] =	stream.indirect.scatter.add.f32 [tilespmem:s23], [sflag:$0x5], $0x80, s10, s16, $0xb8;
	[tilespmem:$0x1E000] =	vst v63  }
0x69: {  	_ =	swait.ge [sflag:s13], $0x2000  }
0x6a: {  	[sflag:s13] =	ssyncset.done $0x0  }
0x6b: {  	s7 =	sadd.s32 $0x380, s7;
	[sflag:s13] =	ssyncadd.s32 $0xFFFFE000  }
0x6c: {  	[tilespmem:s23], [sflag:$0x4] =	stream.indirect.gather [hbm4b:s4+s16], $0x80, s7, s16, $0xb8;
	[tilespmem:$0x1E000] =	vst v63  }
0x6d: {  	_ =	swait.ge [sflag:s14], $0x2000  }
0x6e: {  	[sflag:s14] =	ssyncset.done $0x0  }
0x6f: {  	[sflag:s14] =	ssyncadd.s32 $0xFFFFE000  }
0x70: {  	[spmem:s1] =	stream.indirect.scatter.add.f32 [tilespmem:s17], [sflag:$0x5], $0x80, s28, s16, $0xb8;
	[tilespmem:$0x1E000] =	vst v63  }
0x71: {  	_ =	swait.ge [sflag:s13], $0x2000  }
0x72: {  	[sflag:s13] =	ssyncset.done $0x0  }
0x73: {  	[sflag:s13] =	ssyncadd.s32 $0xFFFFE000  }
0x74: {  	_ =	swait.ge [sflag:s24], $0x2000  }
0x75: {  	[sflag:s24] =	ssyncset.done $0x0  }
0x76: {  	[sflag:s24] =	ssyncadd.s32 $0xFFFFE000  }
0x77: {  	[spmem:s1] =	stream.indirect.scatter.add.f32 [tilespmem:s19], [sflag:$0x5], $0x80, s29, s16, $0xb8;
	[tilespmem:$0x1E000] =	vst v63  }
0x78: {  	_ =	swait.ge [sflag:s13], $0x2000  }
0x79: {  	[sflag:s13] =	ssyncset.done $0x0  }
0x7a: {  	[sflag:s13] =	ssyncadd.s32 $0xFFFFE000  }
0x7b: {  	_ =	swait.ge [sflag:s25], $0x2000  }
0x7c: {  	[sflag:s25] =	ssyncset.done $0x0  }
0x7d: {  	[sflag:s25] =	ssyncadd.s32 $0xFFFFE000  }
0x7e: {  	[spmem:s1] =	stream.indirect.scatter.add.f32 [tilespmem:s21], [sflag:$0x5], $0x80, s30, s16, $0xb8;
	[tilespmem:$0x1E000] =	vst v63  }
0x7f: {  	_ =	swait.ge [sflag:s13], $0x2000  }
0x80: {  	[sflag:s13] =	ssyncset.done $0x0  }
0x81: {  	[sflag:s13] =	ssyncadd.s32 $0xFFFFE000  }
0x82: {  	s0 =	sadd.s32 $0x1, s0;
	_ =	swait.ge [sflag:s26], $0x2000  }
0x83: {  	p0 =	sne.s32 s0, $0x5;
	[sflag:s26] =	ssyncset.done $0x0  }
.Ltmp1:
0x84: {  	[sflag:s26] =	ssyncadd.s32 $0xFFFFE000;
	(pc) =	sbr.rel @p0 .LBB2_2-.Ltmp1, $4  }
0x85: {  	[spmem:s1] =	stream.indirect.scatter.add.f32 [tilespmem:s23], [sflag:$0x5], $0x80, s31, s16, $0xb8;
	[tilespmem:$0x1E000] =	vst v63  }
0x86: {  	_ =	swait.ge [sflag:s13], $0x2000  }
0x87: {  	[sflag:s13] =	ssyncset.done $0x0  }
0x88: {  	[sflag:s13] =	ssyncadd.s32 $0xFFFFE000  }
0x89: {  	s3 =	sadd.s32 $0x1, s3  }
0x8a: {  	[bflag:$0x0] =	sbarrier.arrive $0xFFFF;
	p0 =	sne.s32 s3, s11  }
.Ltmp2:
0x8b: {  	s0 =	rddreg [dreg:$0x4];
	(pc) =	sbr.rel @p0 .LBB2_1-.Ltmp2, $4  }
0x8c: {  	[hbm:s0], [sflag:s8] =	dma.local [spmem:s12], $0x2800  }
0x8d: {  	_ =	swait.ge [sflag:s13], $0x2800  }
0x8e: {  	[sflag:s13] =	ssyncset.done $0x0  }
0x8f: {  	[sflag:s13] =	ssyncadd.s32 $0xFFFFD800  }
0x90: {  	_ =	sfence.sel $0x180000  }
0x91: {  	[bflag:$0x0] =	sbarrier.arrive $0xFFFF  }
0x92: {  	_ =	strace $0x9000004A  }
0x93: {  	s0 =	stileid.u32;
	[bflag:$0x2] =	sbarrier.arrive $0xFFFF  }
0x94: {  	p0 =	sne.s32 s0, $0x0;
	s0 =	rddreg [dreg:$0x2]  }
0x95: {  	s0 =	sadd.s32 @!p0 $0x100000, s0  }
0x96: {  	[sflag:s0] =	ssyncadd.tile.s32 @!p0 $0x1;
	_ =	shalt  }
.Lfunc_end2:
_tile_overlayer_lowered:
.L_overlay_start_2:
0x97: {  	(tag) =	ssettag $0x2  }
0x98: {  	s0 =	rddreg [dreg:$0x0];
	s2 =	stileid.u32  }
0x99: {  	s1 =	rddreg [dreg:$0x1];
	p0 =	sne.s32 s2, $0x0  }
0x9a: {  	s3 =	rddreg [dreg:$0x2];
	[bflag:$0x3] =	sbarrier.arrive $0xFFFF;
	s2 =	simm.s32 @!p0 $0x1C05  }
0x9b: {  	[timem:s3], [sflag:s2] =	dma.local @!p0 [hbm:s0], s1  }
0x9c: {  	s0 =	simm.s32 @!p0 $0x5  }
0x9d: {  	_ =	swait.ge @!p0 [sflag:s0], s1  }
0x9e: {  	s1 =	ssub.s32 @!p0 $0x0, s1;
	[sflag:s0] =	ssyncset.done @!p0 $0x0  }
0x9f: {  	[sflag:s0] =	ssyncadd.s32 @!p0 s1  }
0xa0: {  	[bflag:$0x3] =	sbarrier.arrive $0xFFFF  }
0xa1: {  	_ =	shalt  }

// kernel: kernel.18.cloned.1.call-start
scs
__scs_entry_jumppad:
0x0: {  	(pc) =	sbr.rel $0x88, $3  }
0x1: {  	(tag) =	ssettag $0x0;
	lr =	simm.s32 $0x1  }
0x2: {  	[smem:$0x3F90] =	sst lr;
	_ =	strace $0xD0000000  }
0x3: {  	_ = 	snop  }
0x4: {  	_ = 	snop  }
0x5: {  	_ = 	snop  }
0x6: {  	_ = 	snop  }
0x7: {  	_ = 	snop  }
__scs_overlays_trampoline_lowered:
0x8: {  	[smem:$0x3F9F] =	sst s0  }
0x9: {  	[smem:$0x3FA0] =	sst s1  }
0xa: {  	[smem:$0x3FA1] =	sst s2  }
0xb: {  	[smem:$0x3FA2] =	sst s3  }
0xc: {  	[smem:$0x3FA3] =	sst s4  }
0xd: {  	[smem:$0x3FA4] =	sst s5  }
0xe: {  	[smem:$0x3FA5] =	sst s6  }
0xf: {  	[smem:$0x3FA6] =	sst s7  }
0x10: {  	[smem:$0x3FA7] =	sst s8  }
0x11: {  	[smem:$0x3FA8] =	sst s9;
	s0 =	simm.s32 @!p0 $0x0  }
0x12: {  	s1 =	sld [smem:$0x3F8E];
	s0 =	simm.s32 @p0 $0x1  }
0x13: {  	[smem:$0x3FA9] =	sst s0;
	s0 =	simm.s32 @!p1 $0x0  }
0x14: {  	s2 =	sld [smem:$0x3F8D];
	s0 =	simm.s32 @p1 $0x1  }
0x15: {  	[smem:$0x3FAA] =	sst s0;
	s0 =	simm.s32 @!p2 $0x0  }
0x16: {  	s3 =	sld [smem:$0x3FDB];
	s0 =	simm.s32 @p2 $0x1  }
0x17: {  	s4 =	simm.s32 $0x1BF5;
	[smem:$0x3FAC] =	sst s0  }
0x18: {  	s0 =	sld [smem:$0x3F8F];
	_ =	swait.ge [sflag:s4], $0x0  }
0x19: {  	s7 =	sld [smem:$0x3F90]  }
0x1a: {  	s8 =	sadd.s32 $0xFFFFE003, lr  }
0x1b: {  	s9 =	sadd.s32 $0xFFFFFEF7, lr;
	s5 =	simm.s32 $0xFFFFFFFF;
	p2 =	slt.u32 s8, $0xFFFFF086  }
0x1c: {  	p1 =	slt.u32 s9, $0xF7A;
	s5 =	simm.s32 @!p2 $0x0  }
0x1d: {  	s5 =	simm.s32 @p1 $0x1;
	p0 =	seq.s32 s7, s2  }
0x1e: {  	s7 =	smul.u32 @!p0 $0xF7A, s2;
	p2 =	seq.s32 @!p0 s5, $0x0  }
0x1f: {  	s9 =	smul.u32 $0xF7A, s1;
	s8 =	simm.s32 @!p0 $0x1BF5;
	p2 =	por !p2, p0  }
0x20: {  	[sflag:s8] =	ssyncset.s32 @!p0 $0xFFFFF086;
	s6 =	sadd.s32 @!p0 s3, s7;
	s7 =	simm.s32 @!p0 $0x108  }
0x21: {  	s3 =	sadd.s32 s3, s9;
	s6 =	sadd.s32 @!p0 $0x88, s6;
	s7 =	simm.s32 @p2 $0x1082  }
0x22: {  	[simem:s7], [sflag:s8] =	dma.local @!p0 [hbm:s6], $0xF7A  }
0x23: {  	s9 =	sor.u32 $0xD0000000, s2;
	s6 =	simm.s32 $0x108;
	_ =	swait.ge @!p0 [sflag:s8], $0x0  }
0x24: {  	s3 =	sadd.s32 $0x88, s3;
	s6 =	simm.s32 @!p1 $0x1082;
	[sflag:s4] =	ssyncset.s32 $0xFFFFF086  }
0x25: {  	[simem:s6], [sflag:s4] =	dma.local [hbm:s3], $0xF7A  }
0x26: {  	[smem:$0x3F90] =	sst s1;
	(tag) =	ssettag s2;
	_ =	strace s9  }
0x27: {  	s1 =	sld [smem:$0x3FA0]  }
0x28: {  	s2 =	sld [smem:$0x3FA1]  }
0x29: {  	s4 =	sld [smem:$0x3FA3]  }
0x2a: {  	p0 =	seq.s32 s5, $0x0;
	s5 =	sld [smem:$0x3FA4]  }
0x2b: {  	s6 =	sld [smem:$0x3FA5]  }
0x2c: {  	s7 =	sld [smem:$0x3FA6]  }
0x2d: {  	s3 =	simm.s32 $0x108;
	s8 =	sld [smem:$0x3FA7]  }
0x2e: {  	s3 =	simm.s32 @!p0 $0x1082;
	s9 =	sld [smem:$0x3FA8]  }
0x2f: {  	lr =	sadd.s32 s0, s3;
	s0 =	sld [smem:$0x3F9F]  }
0x30: {  	s3 =	sld [smem:$0x3FA2]  }
0x31: {  	[smem:$0x3FAB] =	sst s10  }
0x32: {  	s10 =	sld [smem:$0x3FA9];
	_ =	sdelay $0x3  }
0x33: {  	p0 =	seq.s32 s10, $0x1;
	s10 =	sld [smem:$0x3FAB];
	_ =	sdelay $0x3  }
0x34: {  	[smem:$0x3FAB] =	sst s10  }
0x35: {  	s10 =	sld [smem:$0x3FAA];
	_ =	sdelay $0x3  }
0x36: {  	p1 =	seq.s32 s10, $0x1;
	s10 =	sld [smem:$0x3FAB];
	_ =	sdelay $0x3  }
0x37: {  	[smem:$0x3FAB] =	sst s10  }
0x38: {  	s10 =	sld [smem:$0x3FAC]  }
0x39: {  	_ = 	snop;
	(pc) =	sbr.ind lr, $3  }
0x3a: {  	_ = 	snop  }
0x3b: {  	_ = 	snop  }
0x3c: {  	p2 =	seq.s32 s10, $0x1;
	s10 =	sld [smem:$0x3FAB]  }
0x3d: {  	_ =	shalt  }
0x3e: {  	_ =	shalt  }
0x3f: {  	_ =	shalt  }
0x40: {  	_ =	shalt  }
0x41: {  	_ =	shalt  }
0x42: {  	_ =	shalt  }
0x43: {  	_ =	shalt  }
0x44: {  	_ =	shalt  }
0x45: {  	_ =	shalt  }
0x46: {  	_ =	shalt  }
0x47: {  	_ =	shalt  }
0x48: {  	_ =	shalt  }
0x49: {  	_ =	shalt  }
0x4a: {  	_ =	shalt  }
0x4b: {  	_ =	shalt  }
0x4c: {  	_ =	shalt  }
0x4d: {  	_ =	shalt  }
0x4e: {  	_ =	shalt  }
0x4f: {  	_ =	shalt  }
0x50: {  	_ =	shalt  }
0x51: {  	_ =	shalt  }
0x52: {  	_ =	shalt  }
0x53: {  	_ =	shalt  }
0x54: {  	_ =	shalt  }
0x55: {  	_ =	shalt  }
0x56: {  	_ =	shalt  }
0x57: {  	_ =	shalt  }
0x58: {  	_ =	shalt  }
0x59: {  	_ =	shalt  }
0x5a: {  	_ =	shalt  }
0x5b: {  	_ =	shalt  }
0x5c: {  	_ =	shalt  }
0x5d: {  	_ =	shalt  }
0x5e: {  	_ =	shalt  }
0x5f: {  	_ =	shalt  }
0x60: {  	_ =	shalt  }
0x61: {  	_ =	shalt  }
0x62: {  	_ =	shalt  }
0x63: {  	_ =	shalt  }
0x64: {  	_ =	shalt  }
0x65: {  	_ =	shalt  }
0x66: {  	_ =	shalt  }
0x67: {  	_ =	shalt  }
0x68: {  	_ =	shalt  }
0x69: {  	_ =	shalt  }
0x6a: {  	_ =	shalt  }
0x6b: {  	_ =	shalt  }
0x6c: {  	_ =	shalt  }
0x6d: {  	_ =	shalt  }
0x6e: {  	_ =	shalt  }
0x6f: {  	_ =	shalt  }
0x70: {  	_ =	shalt  }
0x71: {  	_ =	shalt  }
0x72: {  	_ =	shalt  }
0x73: {  	_ =	shalt  }
0x74: {  	_ =	shalt  }
0x75: {  	_ =	shalt  }
0x76: {  	_ =	shalt  }
0x77: {  	_ =	shalt  }
0x78: {  	_ =	shalt  }
0x79: {  	_ =	shalt  }
0x7a: {  	_ =	shalt  }
0x7b: {  	_ =	shalt  }
0x7c: {  	_ =	shalt  }
0x7d: {  	_ =	shalt  }
0x7e: {  	_ =	shalt  }
0x7f: {  	_ =	shalt  }
0x80: {  	_ =	shalt  }
0x81: {  	_ =	shalt  }
0x82: {  	_ =	shalt  }
0x83: {  	_ =	shalt  }
0x84: {  	_ =	shalt  }
0x85: {  	_ =	shalt  }
0x86: {  	_ =	shalt  }
0x87: {  	_ =	shalt  }
.Lfunc_end0:
.L_simem_size_0:
called_computation.2_lowered:
.L_overlay_start_0:
0x88: {  	s2 =	sld [smem:$0x3FD9]  }
0x89: {  	s3 =	sld [smem:$0x3FFE];
	_ =	sdelay $0x1  }
0x8a: {  	s1 =	srdreg.scid  }
0x8b: {  	s0 =	sand.u32 $0x1, s1  }
0x8c: {  	s16 =	sshll.u32 s0, $0xA;
	s2 =	sadd.s32 s3, s2  }
0x8d: {  	s2 =	sadd.s32 s2, s16  }
0x8e: {  	[smem:$0x3FB7] =	sst s2  }
0x8f: {  	_ = 	snop  }
0x90: {  	(tm) =	ssettm $0x1  }
0x91: {  	s17 =	sld [smem:$0x3FFB];
	_ =	sdelay $0x3  }
0x92: {  	_ =	strace s17  }
0x93: {  	s2 =	sld [smem:$0x3FFC];
	_ =	sdelay $0x3  }
0x94: {  	_ =	strace s2  }
0x95: {  	s2 =	sld [smem:$0x3FFD];
	_ =	sdelay $0x3  }
0x96: {  	_ =	strace s2  }
0x97: {  	_ =	strace $0x8FFFFFFF  }
0x98: {  	s18 =	sld [smem:$0x3FDB];
	_ =	sdelay $0x1  }
0x99: {  	s19 =	simm.s32 $_scs_section_size  }
0x9a: {  	s4 =	simm.s32 $_size__tile_overlayer_lowered;
	s5 =	simm.s32 $_tile_overlayer_lowered  }
0x9b: {  	s22 =	simm.s32 $0x1BFF;
	s21 =	sshll.u32 s5, $0x1;
	s2 =	sadd.s32 s19, s18  }
0x9c: {  	s6 =	simm.s32 $0x0;
	s20 =	sshll.u32 s4, $0x1;
	s4 =	sadd.s32 s21, s2  }
0x9d: {  	[timem:s6], [sflag:s22] =	dma.local [hbm:s4], s20  }
0x9e: {  	_ =	swait.ge [sflag:s22], s20  }
0x9f: {  	s3 =	ssub.s32 $0x0, s20;
	[sflag:s22] =	ssyncset.done $0x0  }
0xa0: {  	[sflag:s22] =	ssyncadd.s32 s3;
	_ =	sdelay $0x1  }
0xa1: {  	s23 =	simm.s32 $0x1B8B  }
0xa2: {  	_ =	swait.ge [sflag:s23], $0x1  }
0xa3: {  	[sflag:s23] =	ssyncset.done $0x0  }
0xa4: {  	s25 =	simm.s32 $0x1B8E;
	s24 =	sld [smem:$0x3FFE];
	[sflag:s23] =	ssyncadd.s32 $0xFFFFFFFF  }
0xa5: {  	s26 =	simm.s32 $execute0_lowered;
	[smem:$0x3FD2] =	sst s25  }
0xa6: {  	s4 =	sshll.u32 s26, $0x1;
	_ =	strace $0x8000004C;
	[dreg:$0x1] =	wrdreg $0xFFFFFFFF  }
0xa7: {  	s28 =	simm.s32 $_size_execute0_lowered;
	s2 =	sadd.s32 s2, s4;
	[dreg:$0x0] =	wrdreg $0x0  }
0xa8: {  	s4 =	sshll.u32 s28, $0x1;
	[dreg:$0x2] =	wrdreg s2  }
0xa9: {  	[dreg:$0x3] =	wrdreg s4  }
0xaa: {  	[dreg:$0x4] =	wrdreg $0xC0  }
0xab: {  	_ =	task [dreg:s6], $0x5FFFF  }
0xac: {  	[dreg:$0x1] =	wrdreg $0xFFFFFFFF  }
0xad: {  	[dreg:$0x0] =	wrdreg $0x60  }
0xae: {  	[dreg:$0x2] =	wrdreg s24  }
0xaf: {  	[dreg:$0x3] =	wrdreg $0xA0000  }
0xb0: {  	[dreg:$0x4] =	wrdreg $0x9  }
0xb1: {  	_ =	task.clear_ibuf [dreg:s6], $0x5FFFF;
	_ =	strace $0x9000004C  }
0xb2: {  	s29 =	simm.s32 $0x9;
	_ =	strace $0x8000004E  }
0xb3: {  	_ =	swait.ge [sflag:s29], $0x1  }
0xb4: {  	[sflag:s29] =	ssyncadd.s32 $0xFFFFFFFF  }
0xb5: {  	_ =	strace $0x9000004E  }
0xb6: {  	_ =	sfence  }
0xb7: {  	s30 =	sld [smem:$0x0];
	_ =	sdelay $0x2  }
0xb8: {  	s31 =	sshll.u32 s1, $0xD;
	s1 =	sshrl.u32 s1, $0x2  }
0xb9: {  	s3 =	sand.u32 $0x4000, s31;
	s1 =	sadd.s32 s1, s30  }
0xba: {  	s0 =	sor.u32 s3, s0;
	s1 =	sshll.u32 s1, $0x11  }
0xbb: {  	s0 =	sor.u32 s1, s0  }
0xbc: {  	s0 =	sadd.s32 $0x8F2B, s0  }
0xbd: {  	[sflag:s0] =	ssyncadd.remote.s32 $0x1  }
0xbe: {  	_ =	sfence.sel $0xFFFF  }
0xbf: {  	[dreg:$0x0] =	wrdreg $0xFFFFFFFF;
	(pc) =	sbr.abs _section_cstart, $3  }
0xc0: {  	[dreg:$0x1] =	wrdreg $0xFFFFFFFF  }
0xc1: {  	_ =	task.clear_ibuf [dreg:s6], $0x2FFFF;
	_ =	strace $0x9FFFFFFF  }
0xc2: {  	(tm) =	ssettm $0x7FFFFFFF  }
0xc3: {  	_ =	shalt  }
tec
execute0_lowered:
.L_overlay_start_1:
0x0: {  	(tag) =	ssettag $0x1  }
0x1: {  	s0 =	rddreg [dreg:$0x0]  }
0x2: {  	s1 =	rddreg [dreg:$0x1]  }
0x3: {  	s3 =	simm.s32 $0x0;
	s2 =	srdreg.scid;
	s11 =	stileid.u32  }
0x4: {  	s13 =	simm.s32 $0x5;
	s14 =	simm.s32 $0x1;
	s15 =	simm.s32 $0x1000  }
0x5: {  	s16 =	simm.s32 $0x40;
	s17 =	simm.s32 $0x2000;
	s18 =	simm.s32 $0x80  }
0x6: {  	s19 =	simm.s32 $0x4000;
	s20 =	simm.s32 $0x100;
	s21 =	simm.s32 $0x6000  }
0x7: {  	s28 =	simm.s32 $0x1E00;
	s29 =	simm.s32 $0x1E80;
	s30 =	simm.s32 $0x1F00  }
0x8: {  	s31 =	simm.s32 $0x1F80;
	[smem:$0x7FF] =	sst s3;
	s2 =	sand.u32 $0x1, s2  }
0x9: {  	s7 =	smul.u32 $0x2800, s11;
	s4 =	sadd.s32 $0x30C00, s0;
	s5 =	sadd.s32 $0x1CC00, s0  }
0xa: {  	s6 =	sadd.s32 $0x4A00, s0;
	s9 =	sadd.s32 $0x19A00, s0;
	s10 =	smul.u32 $0x50000, s11  }
0xb: {  	s26 =	sshll.u32 s11, $0x6;
	_ =	strace $0x8000004D;
	s8 =	smul.u32 $0x28000, s2  }
0xc: {  	[dreg:$0x3] =	wrdreg s9;
	s22 =	ssub.s32 $0x2, s2;
	s2 =	sshll.u32 s2, $0x4  }
0xd: {  	s23 =	sshrl.u32 s22, $0x1;
	s2 =	sor.u32 s11, s2;
	s25 =	sshrl.u32 s10, $0x2  }
0xe: {  	s7 =	sadd.s32 s7, s8;
	s24 =	ssub.s32 s22, s23;
	s12 =	sadd.s32 s25, s1  }
0xf: {  	s8 =	sor.u32 $0x1C05, s26;
	s9 =	smul.u32 $0x5000, s2;
	s22 =	simm.s32 $0x180  }
0x10: {  	s23 =	simm.s32 $0x8000;
	s25 =	simm.s32 $0x3;
	s0 =	sadd.s32 s7, s0  }
0x11: {  	s26 =	simm.s32 $0x4;
	s11 =	smax.u32 s24, $0x1;
	s0 =	sadd.s32 $0x58C00, s0  }
0x12: {  	s12 =	sshrl.u32 s12, $0x3;
	s24 =	simm.s32 $0x2;
	[dreg:$0x4] =	wrdreg s0  }
.LBB2_1:
0x13: {  	s0 =	rddreg [dreg:$0x3]  }
0x14: {  	[spmem:s12], [sflag:s8] =	dma.local [hbm:s0], $0x2800  }
0x15: {  	_ =	swait.ge [sflag:s13], $0x2800  }
0x16: {  	[sflag:s13] =	ssyncset.done $0x0  }
0x17: {  	[sflag:s13] =	ssyncadd.s32 $0xFFFFD800  }
0x18: {  	s0 =	simm.s32 $0x0;
	[bflag:$0x0] =	sbarrier.arrive $0xFFFF  }
.LBB2_2:
0x19: {  	s2 =	sshll.u32 s0, $0xC  }
0x1a: {  	s2 =	sadd.s32 s9, s2  }
0x1b: {  	s2 =	sshrl.u32 s2, $0x3  }
0x1c: {  	s10 =	simm.s32 $0x0;
	s7 =	sadd.s32 s5, s2  }
0x1d: {  	[tilespmem:s10], [sflag:$0x1] =	stream.linear.gather [hbm4b:s7+s10], $0x1000, $0x38;
	[tilespmem:$0x1E000] =	vst v63  }
0x1e: {  	_ =	swait.ge [sflag:s14], $0x1000  }
0x1f: {  	[sflag:s14] =	ssyncset.done $0x0  }
0x20: {  	s2 =	sadd.s32 s6, s2;
	[sflag:s14] =	ssyncadd.s32 $0xFFFFF000  }
0x21: {  	[tilespmem:s15], [sflag:$0x1] =	stream.linear.gather [hbm4b:s2+s10], $0x1000, $0x38;
	[tilespmem:$0x1E000] =	vst v63  }
0x22: {  	_ =	swait.ge [sflag:s14], $0x1000  }
0x23: {  	[sflag:s14] =	ssyncset.done $0x0  }
0x24: {  	[sflag:s14] =	ssyncadd.s32 $0xFFFFF000  }
0x25: {  	[tilespmem:s17], [sflag:$0x1] =	stream.indirect.gather [hbm4b:s4+s16], $0x80, s10, s16, $0xb8;
	[tilespmem:$0x1E000] =	vst v63  }
0x26: {  	_ = 	snop  }
0x27: {  	[tilespmem:s19], [sflag:$0x2] =	stream.indirect.gather [hbm4b:s4+s16], $0x80, s18, s16, $0xb8;
	[tilespmem:$0x1E000] =	vst v63  }
0x28: {  	_ = 	snop  }
0x29: {  	[tilespmem:s21], [sflag:$0x3] =	stream.indirect.gather [hbm4b:s4+s16], $0x80, s20, s16, $0xb8;
	[tilespmem:$0x1E000] =	vst v63  }
0x2a: {  	_ = 	snop  }
0x2b: {  	[tilespmem:s23], [sflag:$0x4] =	stream.indirect.gather [hbm4b:s4+s16], $0x80, s22, s16, $0xb8;
	[tilespmem:$0x1E000] =	vst v63  }
0x2c: {  	_ =	swait.ge [sflag:s14], $0x2000  }
0x2d: {  	[sflag:s14] =	ssyncset.done $0x0  }
0x2e: {  	s10 =	simm.s32 $0x1000;
	[sflag:s14] =	ssyncadd.s32 $0xFFFFE000  }
0x2f: {  	[spmem:s1] =	stream.indirect.scatter.add.f32 [tilespmem:s17], [sflag:$0x5], $0x80, s10, s16, $0xb8;
	[tilespmem:$0x1E000] =	vst v63  }
0x30: {  	_ =	swait.ge [sflag:s13], $0x2000  }
0x31: {  	[sflag:s13] =	ssyncset.done $0x0  }
0x32: {  	s7 =	simm.s32 $0x200;
	[sflag:s13] =	ssyncadd.s32 $0xFFFFE000  }
0x33: {  	[tilespmem:s17], [sflag:$0x1] =	stream.indirect.gather [hbm4b:s4+s16], $0x80, s7, s16, $0xb8;
	[tilespmem:$0x1E000] =	vst v63  }
0x34: {  	_ =	swait.ge [sflag:s24], $0x2000  }
0x35: {  	[sflag:s24] =	ssyncset.done $0x0  }
0x36: {  	s10 =	simm.s32 $0x1080;
	[sflag:s24] =	ssyncadd.s32 $0xFFFFE000  }
0x37: {  	[spmem:s1] =	stream.indirect.scatter.add.f32 [tilespmem:s19], [sflag:$0x5], $0x80, s10, s16, $0xb8;
	[tilespmem:$0x1E000] =	vst v63  }
0x38: {  	_ =	swait.ge [sflag:s13], $0x2000  }
0x39: {  	[sflag:s13] =	ssyncset.done $0x0  }
0x3a: {  	s7 =	simm.s32 $0x280;
	[sflag:s13] =	ssyncadd.s32 $0xFFFFE000  }
0x3b: {  	[tilespmem:s19], [sflag:$0x2] =	stream.indirect.gather [hbm4b:s4+s16], $0x80, s7, s16, $0xb8;
	[tilespmem:$0x1E000] =	vst v63  }
0x3c: {  	_ =	swait.ge [sflag:s25], $0x2000  }
0x3d: {  	[sflag:s25] =	ssyncset.done $0x0  }
0x3e: {  	s10 =	simm.s32 $0x1100;
	[sflag:s25] =	ssyncadd.s32 $0xFFFFE000  }
0x3f: {  	[spmem:s1] =	stream.indirect.scatter.add.f32 [tilespmem:s21], [sflag:$0x5], $0x80, s10, s16, $0xb8;
	[tilespmem:$0x1E000] =	vst v63  }
0x40: {  	_ =	swait.ge [sflag:s13], $0x2000  }
0x41: {  	[sflag:s13] =	ssyncset.done $0x0  }
0x42: {  	s7 =	simm.s32 $0x300;
	[sflag:s13] =	ssyncadd.s32 $0xFFFFE000  }
0x43: {  	[tilespmem:s21], [sflag:$0x3] =	stream.indirect.gather [hbm4b:s4+s16], $0x80, s7, s16, $0xb8;
	[tilespmem:$0x1E000] =	vst v63  }
0x44: {  	_ =	swait.ge [sflag:s26], $0x2000  }
0x45: {  	[sflag:s26] =	ssyncset.done $0x0  }
0x46: {  	s10 =	simm.s32 $0x1180;
	[sflag:s26] =	ssyncadd.s32 $0xFFFFE000  }
0x47: {  	[spmem:s1] =	stream.indirect.scatter.add.f32 [tilespmem:s23], [sflag:$0x5], $0x80, s10, s16, $0xb8;
	[tilespmem:$0x1E000] =	vst v63  }
0x48: {  	_ =	swait.ge [sflag:s13], $0x2000  }
0x49: {  	[sflag:s13] =	ssyncset.done $0x0  }
0x4a: {  	s2 =	simm.s32 $0x800;
	s7 =	simm.s32 $0x380;
	[sflag:s13] =	ssyncadd.s32 $0xFFFFE000  }
.LBB2_3:
0x4b: {  	[tilespmem:s23], [sflag:$0x4] =	stream.indirect.gather [hbm4b:s4+s16], $0x80, s7, s16, $0xb8;
	[tilespmem:$0x1E000] =	vst v63  }
0x4c: {  	s7 =	smov.u32 s2  }
0x4d: {  	p0 =	sne.s32 s2, $0x3000;
	s2 =	sadd.s32 $0x800, s2;
	_ =	swait.ge [sflag:s14], $0x2000  }
0x4e: {  	s7 =	sshra.s32 s7, $0x2;
	[sflag:s14] =	ssyncset.done $0x0  }
0x4f: {  	s10 =	sadd.s32 $0x1000, s7;
	[sflag:s14] =	ssyncadd.s32 $0xFFFFE000  }
0x50: {  	[spmem:s1] =	stream.indirect.scatter.add.f32 [tilespmem:s17], [sflag:$0x5], $0x80, s10, s16, $0xb8;
	[tilespmem:$0x1E000] =	vst v63  }
0x51: {  	_ =	swait.ge [sflag:s13], $0x2000  }
0x52: {  	[sflag:s13] =	ssyncset.done $0x0  }
0x53: {  	s10 =	sadd.s32 $0x200, s7;
	[sflag:s13] =	ssyncadd.s32 $0xFFFFE000  }
0x54: {  	[tilespmem:s17], [sflag:$0x1] =	stream.indirect.gather [hbm4b:s4+s16], $0x80, s10, s16, $0xb8;
	[tilespmem:$0x1E000] =	vst v63  }
0x55: {  	_ =	swait.ge [sflag:s24], $0x2000  }
0x56: {  	[sflag:s24] =	ssyncset.done $0x0  }
0x57: {  	s10 =	sadd.s32 $0x1080, s7;
	[sflag:s24] =	ssyncadd.s32 $0xFFFFE000  }
0x58: {  	[spmem:s1] =	stream.indirect.scatter.add.f32 [tilespmem:s19], [sflag:$0x5], $0x80, s10, s16, $0xb8;
	[tilespmem:$0x1E000] =	vst v63  }
0x59: {  	_ =	swait.ge [sflag:s13], $0x2000  }
0x5a: {  	[sflag:s13] =	ssyncset.done $0x0  }
0x5b: {  	s10 =	sadd.s32 $0x280, s7;
	[sflag:s13] =	ssyncadd.s32 $0xFFFFE000  }
0x5c: {  	[tilespmem:s19], [sflag:$0x2] =	stream.indirect.gather [hbm4b:s4+s16], $0x80, s10, s16, $0xb8;
	[tilespmem:$0x1E000] =	vst v63  }
0x5d: {  	_ =	swait.ge [sflag:s25], $0x2000  }
0x5e: {  	[sflag:s25] =	ssyncset.done $0x0  }
0x5f: {  	s10 =	sadd.s32 $0x1100, s7;
	[sflag:s25] =	ssyncadd.s32 $0xFFFFE000  }
0x60: {  	[spmem:s1] =	stream.indirect.scatter.add.f32 [tilespmem:s21], [sflag:$0x5], $0x80, s10, s16, $0xb8;
	[tilespmem:$0x1E000] =	vst v63  }
0x61: {  	_ =	swait.ge [sflag:s13], $0x2000  }
0x62: {  	[sflag:s13] =	ssyncset.done $0x0  }
0x63: {  	s10 =	sadd.s32 $0x300, s7;
	[sflag:s13] =	ssyncadd.s32 $0xFFFFE000  }
0x64: {  	[tilespmem:s21], [sflag:$0x3] =	stream.indirect.gather [hbm4b:s4+s16], $0x80, s10, s16, $0xb8;
	[tilespmem:$0x1E000] =	vst v63  }
0x65: {  	_ =	swait.ge [sflag:s26], $0x2000  }
0x66: {  	[sflag:s26] =	ssyncset.done $0x0  }
.Ltmp0:
0x67: {  	s10 =	sadd.s32 $0x1180, s7;
	[sflag:s26] =	ssyncadd.s32 $0xFFFFE000;
	(pc) =	sbr.rel @p0 .LBB2_3-.Ltmp0, $4  }
0x68: {  	[spmem:s1] =	stream.indirect.scatter.add.f32 [tilespmem:s23], [sflag:$0x5], $0x80, s10, s16, $0xb8;
	[tilespmem:$0x1E000] =	vst v63  }
0x69: {  	_ =	swait.ge [sflag:s13], $0x2000  }
0x6a: {  	[sflag:s13] =	ssyncset.done $0x0  }
0x6b: {  	s7 =	sadd.s32 $0x380, s7;
	[sflag:s13] =	ssyncadd.s32 $0xFFFFE000  }
0x6c: {  	[tilespmem:s23], [sflag:$0x4] =	stream.indirect.gather [hbm4b:s4+s16], $0x80, s7, s16, $0xb8;
	[tilespmem:$0x1E000] =	vst v63  }
0x6d: {  	_ =	swait.ge [sflag:s14], $0x2000  }
0x6e: {  	[sflag:s14] =	ssyncset.done $0x0  }
0x6f: {  	[sflag:s14] =	ssyncadd.s32 $0xFFFFE000  }
0x70: {  	[spmem:s1] =	stream.indirect.scatter.add.f32 [tilespmem:s17], [sflag:$0x5], $0x80, s28, s16, $0xb8;
	[tilespmem:$0x1E000] =	vst v63  }
0x71: {  	_ =	swait.ge [sflag:s13], $0x2000  }
0x72: {  	[sflag:s13] =	ssyncset.done $0x0  }
0x73: {  	[sflag:s13] =	ssyncadd.s32 $0xFFFFE000  }
0x74: {  	_ =	swait.ge [sflag:s24], $0x2000  }
0x75: {  	[sflag:s24] =	ssyncset.done $0x0  }
0x76: {  	[sflag:s24] =	ssyncadd.s32 $0xFFFFE000  }
0x77: {  	[spmem:s1] =	stream.indirect.scatter.add.f32 [tilespmem:s19], [sflag:$0x5], $0x80, s29, s16, $0xb8;
	[tilespmem:$0x1E000] =	vst v63  }
0x78: {  	_ =	swait.ge [sflag:s13], $0x2000  }
0x79: {  	[sflag:s13] =	ssyncset.done $0x0  }
0x7a: {  	[sflag:s13] =	ssyncadd.s32 $0xFFFFE000  }
0x7b: {  	_ =	swait.ge [sflag:s25], $0x2000  }
0x7c: {  	[sflag:s25] =	ssyncset.done $0x0  }
0x7d: {  	[sflag:s25] =	ssyncadd.s32 $0xFFFFE000  }
0x7e: {  	[spmem:s1] =	stream.indirect.scatter.add.f32 [tilespmem:s21], [sflag:$0x5], $0x80, s30, s16, $0xb8;
	[tilespmem:$0x1E000] =	vst v63  }
0x7f: {  	_ =	swait.ge [sflag:s13], $0x2000  }
0x80: {  	[sflag:s13] =	ssyncset.done $0x0  }
0x81: {  	[sflag:s13] =	ssyncadd.s32 $0xFFFFE000  }
0x82: {  	s0 =	sadd.s32 $0x1, s0;
	_ =	swait.ge [sflag:s26], $0x2000  }
0x83: {  	p0 =	sne.s32 s0, $0x5;
	[sflag:s26] =	ssyncset.done $0x0  }
.Ltmp1:
0x84: {  	[sflag:s26] =	ssyncadd.s32 $0xFFFFE000;
	(pc) =	sbr.rel @p0 .LBB2_2-.Ltmp1, $4  }
0x85: {  	[spmem:s1] =	stream.indirect.scatter.add.f32 [tilespmem:s23], [sflag:$0x5], $0x80, s31, s16, $0xb8;
	[tilespmem:$0x1E000] =	vst v63  }
0x86: {  	_ =	swait.ge [sflag:s13], $0x2000  }
0x87: {  	[sflag:s13] =	ssyncset.done $0x0  }
0x88: {  	[sflag:s13] =	ssyncadd.s32 $0xFFFFE000  }
0x89: {  	s3 =	sadd.s32 $0x1, s3  }
0x8a: {  	[bflag:$0x0] =	sbarrier.arrive $0xFFFF;
	p0 =	sne.s32 s3, s11  }
.Ltmp2:
0x8b: {  	s0 =	rddreg [dreg:$0x4];
	(pc) =	sbr.rel @p0 .LBB2_1-.Ltmp2, $4  }
0x8c: {  	[hbm:s0], [sflag:s8] =	dma.local [spmem:s12], $0x2800  }
0x8d: {  	_ =	swait.ge [sflag:s13], $0x2800  }
0x8e: {  	[sflag:s13] =	ssyncset.done $0x0  }
0x8f: {  	[sflag:s13] =	ssyncadd.s32 $0xFFFFD800  }
0x90: {  	_ =	sfence.sel $0x180000  }
0x91: {  	[bflag:$0x0] =	sbarrier.arrive $0xFFFF  }
0x92: {  	_ =	strace $0x9000004D  }
0x93: {  	s0 =	stileid.u32;
	[bflag:$0x2] =	sbarrier.arrive $0xFFFF  }
0x94: {  	p0 =	sne.s32 s0, $0x0;
	s0 =	rddreg [dreg:$0x2]  }
0x95: {  	s0 =	sadd.s32 @!p0 $0x100000, s0  }
0x96: {  	[sflag:s0] =	ssyncadd.tile.s32 @!p0 $0x1;
	_ =	shalt  }
.Lfunc_end2:
_tile_overlayer_lowered:
.L_overlay_start_2:
0x97: {  	(tag) =	ssettag $0x2  }
0x98: {  	s0 =	rddreg [dreg:$0x0];
	s2 =	stileid.u32  }
0x99: {  	s1 =	rddreg [dreg:$0x1];
	p0 =	sne.s32 s2, $0x0  }
0x9a: {  	s3 =	rddreg [dreg:$0x2];
	[bflag:$0x3] =	sbarrier.arrive $0xFFFF;
	s2 =	simm.s32 @!p0 $0x1C05  }
0x9b: {  	[timem:s3], [sflag:s2] =	dma.local @!p0 [hbm:s0], s1  }
0x9c: {  	s0 =	simm.s32 @!p0 $0x5  }
0x9d: {  	_ =	swait.ge @!p0 [sflag:s0], s1  }
0x9e: {  	s1 =	ssub.s32 @!p0 $0x0, s1;
	[sflag:s0] =	ssyncset.done @!p0 $0x0  }
0x9f: {  	[sflag:s0] =	ssyncadd.s32 @!p0 s1  }
0xa0: {  	[bflag:$0x3] =	sbarrier.arrive $0xFFFF  }
0xa1: {  	_ =	shalt  }

// kernel: kernel.21.cloned.1.call-start
scs
__scs_entry_jumppad:
0x0: {  	(pc) =	sbr.rel $0x88, $3  }
0x1: {  	(tag) =	ssettag $0x0;
	lr =	simm.s32 $0x1  }
0x2: {  	[smem:$0x3F90] =	sst lr;
	_ =	strace $0xD0000000  }
0x3: {  	_ = 	snop  }
0x4: {  	_ = 	snop  }
0x5: {  	_ = 	snop  }
0x6: {  	_ = 	snop  }
0x7: {  	_ = 	snop  }
__scs_overlays_trampoline_lowered:
0x8: {  	[smem:$0x3F9F] =	sst s0  }
0x9: {  	[smem:$0x3FA0] =	sst s1  }
0xa: {  	[smem:$0x3FA1] =	sst s2  }
0xb: {  	[smem:$0x3FA2] =	sst s3  }
0xc: {  	[smem:$0x3FA3] =	sst s4  }
0xd: {  	[smem:$0x3FA4] =	sst s5  }
0xe: {  	[smem:$0x3FA5] =	sst s6  }
0xf: {  	[smem:$0x3FA6] =	sst s7  }
0x10: {  	[smem:$0x3FA7] =	sst s8  }
0x11: {  	[smem:$0x3FA8] =	sst s9;
	s0 =	simm.s32 @!p0 $0x0  }
0x12: {  	s1 =	sld [smem:$0x3F8E];
	s0 =	simm.s32 @p0 $0x1  }
0x13: {  	[smem:$0x3FA9] =	sst s0;
	s0 =	simm.s32 @!p1 $0x0  }
0x14: {  	s2 =	sld [smem:$0x3F8D];
	s0 =	simm.s32 @p1 $0x1  }
0x15: {  	[smem:$0x3FAA] =	sst s0;
	s0 =	simm.s32 @!p2 $0x0  }
0x16: {  	s3 =	sld [smem:$0x3FDB];
	s0 =	simm.s32 @p2 $0x1  }
0x17: {  	s4 =	simm.s32 $0x1BF5;
	[smem:$0x3FAC] =	sst s0  }
0x18: {  	s0 =	sld [smem:$0x3F8F];
	_ =	swait.ge [sflag:s4], $0x0  }
0x19: {  	s7 =	sld [smem:$0x3F90]  }
0x1a: {  	s8 =	sadd.s32 $0xFFFFE003, lr  }
0x1b: {  	s9 =	sadd.s32 $0xFFFFFEF7, lr;
	s5 =	simm.s32 $0xFFFFFFFF;
	p2 =	slt.u32 s8, $0xFFFFF086  }
0x1c: {  	p1 =	slt.u32 s9, $0xF7A;
	s5 =	simm.s32 @!p2 $0x0  }
0x1d: {  	s5 =	simm.s32 @p1 $0x1;
	p0 =	seq.s32 s7, s2  }
0x1e: {  	s7 =	smul.u32 @!p0 $0xF7A, s2;
	p2 =	seq.s32 @!p0 s5, $0x0  }
0x1f: {  	s9 =	smul.u32 $0xF7A, s1;
	s8 =	simm.s32 @!p0 $0x1BF5;
	p2 =	por !p2, p0  }
0x20: {  	[sflag:s8] =	ssyncset.s32 @!p0 $0xFFFFF086;
	s6 =	sadd.s32 @!p0 s3, s7;
	s7 =	simm.s32 @!p0 $0x108  }
0x21: {  	s3 =	sadd.s32 s3, s9;
	s6 =	sadd.s32 @!p0 $0x88, s6;
	s7 =	simm.s32 @p2 $0x1082  }
0x22: {  	[simem:s7], [sflag:s8] =	dma.local @!p0 [hbm:s6], $0xF7A  }
0x23: {  	s9 =	sor.u32 $0xD0000000, s2;
	s6 =	simm.s32 $0x108;
	_ =	swait.ge @!p0 [sflag:s8], $0x0  }
0x24: {  	s3 =	sadd.s32 $0x88, s3;
	s6 =	simm.s32 @!p1 $0x1082;
	[sflag:s4] =	ssyncset.s32 $0xFFFFF086  }
0x25: {  	[simem:s6], [sflag:s4] =	dma.local [hbm:s3], $0xF7A  }
0x26: {  	[smem:$0x3F90] =	sst s1;
	(tag) =	ssettag s2;
	_ =	strace s9  }
0x27: {  	s1 =	sld [smem:$0x3FA0]  }
0x28: {  	s2 =	sld [smem:$0x3FA1]  }
0x29: {  	s4 =	sld [smem:$0x3FA3]  }
0x2a: {  	p0 =	seq.s32 s5, $0x0;
	s5 =	sld [smem:$0x3FA4]  }
0x2b: {  	s6 =	sld [smem:$0x3FA5]  }
0x2c: {  	s7 =	sld [smem:$0x3FA6]  }
0x2d: {  	s3 =	simm.s32 $0x108;
	s8 =	sld [smem:$0x3FA7]  }
0x2e: {  	s3 =	simm.s32 @!p0 $0x1082;
	s9 =	sld [smem:$0x3FA8]  }
0x2f: {  	lr =	sadd.s32 s0, s3;
	s0 =	sld [smem:$0x3F9F]  }
0x30: {  	s3 =	sld [smem:$0x3FA2]  }
0x31: {  	[smem:$0x3FAB] =	sst s10  }
0x32: {  	s10 =	sld [smem:$0x3FA9];
	_ =	sdelay $0x3  }
0x33: {  	p0 =	seq.s32 s10, $0x1;
	s10 =	sld [smem:$0x3FAB];
	_ =	sdelay $0x3  }
0x34: {  	[smem:$0x3FAB] =	sst s10  }
0x35: {  	s10 =	sld [smem:$0x3FAA];
	_ =	sdelay $0x3  }
0x36: {  	p1 =	seq.s32 s10, $0x1;
	s10 =	sld [smem:$0x3FAB];
	_ =	sdelay $0x3  }
0x37: {  	[smem:$0x3FAB] =	sst s10  }
0x38: {  	s10 =	sld [smem:$0x3FAC]  }
0x39: {  	_ = 	snop;
	(pc) =	sbr.ind lr, $3  }
0x3a: {  	_ = 	snop  }
0x3b: {  	_ = 	snop  }
0x3c: {  	p2 =	seq.s32 s10, $0x1;
	s10 =	sld [smem:$0x3FAB]  }
0x3d: {  	_ =	shalt  }
0x3e: {  	_ =	shalt  }
0x3f: {  	_ =	shalt  }
0x40: {  	_ =	shalt  }
0x41: {  	_ =	shalt  }
0x42: {  	_ =	shalt  }
0x43: {  	_ =	shalt  }
0x44: {  	_ =	shalt  }
0x45: {  	_ =	shalt  }
0x46: {  	_ =	shalt  }
0x47: {  	_ =	shalt  }
0x48: {  	_ =	shalt  }
0x49: {  	_ =	shalt  }
0x4a: {  	_ =	shalt  }
0x4b: {  	_ =	shalt  }
0x4c: {  	_ =	shalt  }
0x4d: {  	_ =	shalt  }
0x4e: {  	_ =	shalt  }
0x4f: {  	_ =	shalt  }
0x50: {  	_ =	shalt  }
0x51: {  	_ =	shalt  }
0x52: {  	_ =	shalt  }
0x53: {  	_ =	shalt  }
0x54: {  	_ =	shalt  }
0x55: {  	_ =	shalt  }
0x56: {  	_ =	shalt  }
0x57: {  	_ =	shalt  }
0x58: {  	_ =	shalt  }
0x59: {  	_ =	shalt  }
0x5a: {  	_ =	shalt  }
0x5b: {  	_ =	shalt  }
0x5c: {  	_ =	shalt  }
0x5d: {  	_ =	shalt  }
0x5e: {  	_ =	shalt  }
0x5f: {  	_ =	shalt  }
0x60: {  	_ =	shalt  }
0x61: {  	_ =	shalt  }
0x62: {  	_ =	shalt  }
0x63: {  	_ =	shalt  }
0x64: {  	_ =	shalt  }
0x65: {  	_ =	shalt  }
0x66: {  	_ =	shalt  }
0x67: {  	_ =	shalt  }
0x68: {  	_ =	shalt  }
0x69: {  	_ =	shalt  }
0x6a: {  	_ =	shalt  }
0x6b: {  	_ =	shalt  }
0x6c: {  	_ =	shalt  }
0x6d: {  	_ =	shalt  }
0x6e: {  	_ =	shalt  }
0x6f: {  	_ =	shalt  }
0x70: {  	_ =	shalt  }
0x71: {  	_ =	shalt  }
0x72: {  	_ =	shalt  }
0x73: {  	_ =	shalt  }
0x74: {  	_ =	shalt  }
0x75: {  	_ =	shalt  }
0x76: {  	_ =	shalt  }
0x77: {  	_ =	shalt  }
0x78: {  	_ =	shalt  }
0x79: {  	_ =	shalt  }
0x7a: {  	_ =	shalt  }
0x7b: {  	_ =	shalt  }
0x7c: {  	_ =	shalt  }
0x7d: {  	_ =	shalt  }
0x7e: {  	_ =	shalt  }
0x7f: {  	_ =	shalt  }
0x80: {  	_ =	shalt  }
0x81: {  	_ =	shalt  }
0x82: {  	_ =	shalt  }
0x83: {  	_ =	shalt  }
0x84: {  	_ =	shalt  }
0x85: {  	_ =	shalt  }
0x86: {  	_ =	shalt  }
0x87: {  	_ =	shalt  }
.Lfunc_end0:
.L_simem_size_0:
called_computation.3_lowered:
.L_overlay_start_0:
0x88: {  	s2 =	sld [smem:$0x3FD9]  }
0x89: {  	s3 =	sld [smem:$0x3FFE];
	_ =	sdelay $0x1  }
0x8a: {  	s1 =	srdreg.scid  }
0x8b: {  	s0 =	sand.u32 $0x1, s1  }
0x8c: {  	s16 =	sshll.u32 s0, $0xA;
	s2 =	sadd.s32 s3, s2  }
0x8d: {  	s2 =	sadd.s32 s2, s16  }
0x8e: {  	[smem:$0x3FB7] =	sst s2  }
0x8f: {  	_ = 	snop  }
0x90: {  	(tm) =	ssettm $0x1  }
0x91: {  	s17 =	sld [smem:$0x3FFB];
	_ =	sdelay $0x3  }
0x92: {  	_ =	strace s17  }
0x93: {  	s2 =	sld [smem:$0x3FFC];
	_ =	sdelay $0x3  }
0x94: {  	_ =	strace s2  }
0x95: {  	s2 =	sld [smem:$0x3FFD];
	_ =	sdelay $0x3  }
0x96: {  	_ =	strace s2  }
0x97: {  	_ =	strace $0x8FFFFFFF  }
0x98: {  	s18 =	sld [smem:$0x3FDB];
	_ =	sdelay $0x1  }
0x99: {  	s19 =	simm.s32 $_scs_section_size  }
0x9a: {  	s4 =	simm.s32 $_size__tile_overlayer_lowered;
	s5 =	simm.s32 $_tile_overlayer_lowered  }
0x9b: {  	s22 =	simm.s32 $0x1BFF;
	s21 =	sshll.u32 s5, $0x1;
	s2 =	sadd.s32 s19, s18  }
0x9c: {  	s6 =	simm.s32 $0x0;
	s20 =	sshll.u32 s4, $0x1;
	s4 =	sadd.s32 s21, s2  }
0x9d: {  	[timem:s6], [sflag:s22] =	dma.local [hbm:s4], s20  }
0x9e: {  	_ =	swait.ge [sflag:s22], s20  }
0x9f: {  	s3 =	ssub.s32 $0x0, s20;
	[sflag:s22] =	ssyncset.done $0x0  }
0xa0: {  	[sflag:s22] =	ssyncadd.s32 s3;
	_ =	sdelay $0x1  }
0xa1: {  	s23 =	simm.s32 $0x1B8B  }
0xa2: {  	_ =	swait.ge [sflag:s23], $0x1  }
0xa3: {  	[sflag:s23] =	ssyncset.done $0x0  }
0xa4: {  	s25 =	simm.s32 $0x1B8E;
	s24 =	sld [smem:$0x3FFE];
	[sflag:s23] =	ssyncadd.s32 $0xFFFFFFFF  }
0xa5: {  	s26 =	simm.s32 $execute0_lowered;
	[smem:$0x3FD2] =	sst s25  }
0xa6: {  	s4 =	sshll.u32 s26, $0x1;
	_ =	strace $0x8000004F;
	[dreg:$0x1] =	wrdreg $0xFFFFFFFF  }
0xa7: {  	s28 =	simm.s32 $_size_execute0_lowered;
	s2 =	sadd.s32 s2, s4;
	[dreg:$0x0] =	wrdreg $0x0  }
0xa8: {  	s4 =	sshll.u32 s28, $0x1;
	[dreg:$0x2] =	wrdreg s2  }
0xa9: {  	[dreg:$0x3] =	wrdreg s4  }
0xaa: {  	[dreg:$0x4] =	wrdreg $0xC0  }
0xab: {  	_ =	task [dreg:s6], $0x5FFFF  }
0xac: {  	[dreg:$0x1] =	wrdreg $0xFFFFFFFF  }
0xad: {  	[dreg:$0x0] =	wrdreg $0x60  }
0xae: {  	[dreg:$0x2] =	wrdreg s24  }
0xaf: {  	[dreg:$0x3] =	wrdreg $0xA0000  }
0xb0: {  	[dreg:$0x4] =	wrdreg $0x9  }
0xb1: {  	_ =	task.clear_ibuf [dreg:s6], $0x5FFFF;
	_ =	strace $0x9000004F  }
0xb2: {  	s29 =	simm.s32 $0x9;
	_ =	strace $0x80000051  }
0xb3: {  	_ =	swait.ge [sflag:s29], $0x1  }
0xb4: {  	[sflag:s29] =	ssyncadd.s32 $0xFFFFFFFF  }
0xb5: {  	_ =	strace $0x90000051  }
0xb6: {  	_ =	sfence  }
0xb7: {  	s30 =	sld [smem:$0x0];
	_ =	sdelay $0x2  }
0xb8: {  	s31 =	sshll.u32 s1, $0xD;
	s1 =	sshrl.u32 s1, $0x2  }
0xb9: {  	s3 =	sand.u32 $0x4000, s31;
	s1 =	sadd.s32 s1, s30  }
0xba: {  	s0 =	sor.u32 s3, s0;
	s1 =	sshll.u32 s1, $0x11  }
0xbb: {  	s0 =	sor.u32 s1, s0  }
0xbc: {  	s0 =	sadd.s32 $0x8F2B, s0  }
0xbd: {  	[sflag:s0] =	ssyncadd.remote.s32 $0x1  }
0xbe: {  	_ =	sfence.sel $0xFFFF  }
0xbf: {  	[dreg:$0x0] =	wrdreg $0xFFFFFFFF;
	(pc) =	sbr.abs _section_cstart, $3  }
0xc0: {  	[dreg:$0x1] =	wrdreg $0xFFFFFFFF  }
0xc1: {  	_ =	task.clear_ibuf [dreg:s6], $0x2FFFF;
	_ =	strace $0x9FFFFFFF  }
0xc2: {  	(tm) =	ssettm $0x7FFFFFFF  }
0xc3: {  	_ =	shalt  }
tec
execute0_lowered:
.L_overlay_start_1:
0x0: {  	(tag) =	ssettag $0x1  }
0x1: {  	s0 =	rddreg [dreg:$0x0]  }
0x2: {  	s1 =	rddreg [dreg:$0x1]  }
0x3: {  	s3 =	simm.s32 $0x0;
	s2 =	srdreg.scid;
	s11 =	stileid.u32  }
0x4: {  	s13 =	simm.s32 $0x5;
	s14 =	simm.s32 $0x1;
	s15 =	simm.s32 $0x1000  }
0x5: {  	s16 =	simm.s32 $0x40;
	s17 =	simm.s32 $0x2000;
	s18 =	simm.s32 $0x80  }
0x6: {  	s19 =	simm.s32 $0x4000;
	s20 =	simm.s32 $0x100;
	s21 =	simm.s32 $0x6000  }
0x7: {  	s28 =	simm.s32 $0x1E00;
	s29 =	simm.s32 $0x1E80;
	s30 =	simm.s32 $0x1F00  }
0x8: {  	s31 =	simm.s32 $0x1F80;
	[smem:$0x7FF] =	sst s3;
	s2 =	sand.u32 $0x1, s2  }
0x9: {  	s7 =	smul.u32 $0x2800, s11;
	s4 =	sadd.s32 $0x30C00, s0;
	s5 =	sadd.s32 $0x1CC00, s0  }
0xa: {  	s6 =	sadd.s32 $0x4A00, s0;
	s9 =	sadd.s32 $0x19A00, s0;
	s10 =	smul.u32 $0x50000, s11  }
0xb: {  	s26 =	sshll.u32 s11, $0x6;
	_ =	strace $0x80000050;
	s8 =	smul.u32 $0x28000, s2  }
0xc: {  	[dreg:$0x3] =	wrdreg s9;
	s22 =	ssub.s32 $0x2, s2;
	s2 =	sshll.u32 s2, $0x4  }
0xd: {  	s23 =	sshrl.u32 s22, $0x1;
	s2 =	sor.u32 s11, s2;
	s25 =	sshrl.u32 s10, $0x2  }
0xe: {  	s7 =	sadd.s32 s7, s8;
	s24 =	ssub.s32 s22, s23;
	s12 =	sadd.s32 s25, s1  }
0xf: {  	s8 =	sor.u32 $0x1C05, s26;
	s9 =	smul.u32 $0x5000, s2;
	s22 =	simm.s32 $0x180  }
0x10: {  	s23 =	simm.s32 $0x8000;
	s25 =	simm.s32 $0x3;
	s0 =	sadd.s32 s7, s0  }
0x11: {  	s26 =	simm.s32 $0x4;
	s11 =	smax.u32 s24, $0x1;
	s0 =	sadd.s32 $0x58C00, s0  }
0x12: {  	s12 =	sshrl.u32 s12, $0x3;
	s24 =	simm.s32 $0x2;
	[dreg:$0x4] =	wrdreg s0  }
.LBB2_1:
0x13: {  	s0 =	rddreg [dreg:$0x3]  }
0x14: {  	[spmem:s12], [sflag:s8] =	dma.local [hbm:s0], $0x2800  }
0x15: {  	_ =	swait.ge [sflag:s13], $0x2800  }
0x16: {  	[sflag:s13] =	ssyncset.done $0x0  }
0x17: {  	[sflag:s13] =	ssyncadd.s32 $0xFFFFD800  }
0x18: {  	s0 =	simm.s32 $0x0;
	[bflag:$0x0] =	sbarrier.arrive $0xFFFF  }
.LBB2_2:
0x19: {  	s2 =	sshll.u32 s0, $0xC  }
0x1a: {  	s2 =	sadd.s32 s9, s2  }
0x1b: {  	s2 =	sshrl.u32 s2, $0x3  }
0x1c: {  	s10 =	simm.s32 $0x0;
	s7 =	sadd.s32 s5, s2  }
0x1d: {  	[tilespmem:s10], [sflag:$0x1] =	stream.linear.gather [hbm4b:s7+s10], $0x1000, $0x38;
	[tilespmem:$0x1E000] =	vst v63  }
0x1e: {  	_ =	swait.ge [sflag:s14], $0x1000  }
0x1f: {  	[sflag:s14] =	ssyncset.done $0x0  }
0x20: {  	s2 =	sadd.s32 s6, s2;
	[sflag:s14] =	ssyncadd.s32 $0xFFFFF000  }
0x21: {  	[tilespmem:s15], [sflag:$0x1] =	stream.linear.gather [hbm4b:s2+s10], $0x1000, $0x38;
	[tilespmem:$0x1E000] =	vst v63  }
0x22: {  	_ =	swait.ge [sflag:s14], $0x1000  }
0x23: {  	[sflag:s14] =	ssyncset.done $0x0  }
0x24: {  	[sflag:s14] =	ssyncadd.s32 $0xFFFFF000  }
0x25: {  	[tilespmem:s17], [sflag:$0x1] =	stream.indirect.gather [hbm4b:s4+s16], $0x80, s10, s16, $0xb8;
	[tilespmem:$0x1E000] =	vst v63  }
0x26: {  	_ = 	snop  }
0x27: {  	[tilespmem:s19], [sflag:$0x2] =	stream.indirect.gather [hbm4b:s4+s16], $0x80, s18, s16, $0xb8;
	[tilespmem:$0x1E000] =	vst v63  }
0x28: {  	_ = 	snop  }
0x29: {  	[tilespmem:s21], [sflag:$0x3] =	stream.indirect.gather [hbm4b:s4+s16], $0x80, s20, s16, $0xb8;
	[tilespmem:$0x1E000] =	vst v63  }
0x2a: {  	_ = 	snop  }
0x2b: {  	[tilespmem:s23], [sflag:$0x4] =	stream.indirect.gather [hbm4b:s4+s16], $0x80, s22, s16, $0xb8;
	[tilespmem:$0x1E000] =	vst v63  }
0x2c: {  	_ =	swait.ge [sflag:s14], $0x2000  }
0x2d: {  	[sflag:s14] =	ssyncset.done $0x0  }
0x2e: {  	s10 =	simm.s32 $0x1000;
	[sflag:s14] =	ssyncadd.s32 $0xFFFFE000  }
0x2f: {  	[spmem:s1] =	stream.indirect.scatter.add.f32 [tilespmem:s17], [sflag:$0x5], $0x80, s10, s16, $0xb8;
	[tilespmem:$0x1E000] =	vst v63  }
0x30: {  	_ =	swait.ge [sflag:s13], $0x2000  }
0x31: {  	[sflag:s13] =	ssyncset.done $0x0  }
0x32: {  	s7 =	simm.s32 $0x200;
	[sflag:s13] =	ssyncadd.s32 $0xFFFFE000  }
0x33: {  	[tilespmem:s17], [sflag:$0x1] =	stream.indirect.gather [hbm4b:s4+s16], $0x80, s7, s16, $0xb8;
	[tilespmem:$0x1E000] =	vst v63  }
0x34: {  	_ =	swait.ge [sflag:s24], $0x2000  }
0x35: {  	[sflag:s24] =	ssyncset.done $0x0  }
0x36: {  	s10 =	simm.s32 $0x1080;
	[sflag:s24] =	ssyncadd.s32 $0xFFFFE000  }
0x37: {  	[spmem:s1] =	stream.indirect.scatter.add.f32 [tilespmem:s19], [sflag:$0x5], $0x80, s10, s16, $0xb8;
	[tilespmem:$0x1E000] =	vst v63  }
0x38: {  	_ =	swait.ge [sflag:s13], $0x2000  }
0x39: {  	[sflag:s13] =	ssyncset.done $0x0  }
0x3a: {  	s7 =	simm.s32 $0x280;
	[sflag:s13] =	ssyncadd.s32 $0xFFFFE000  }
0x3b: {  	[tilespmem:s19], [sflag:$0x2] =	stream.indirect.gather [hbm4b:s4+s16], $0x80, s7, s16, $0xb8;
	[tilespmem:$0x1E000] =	vst v63  }
0x3c: {  	_ =	swait.ge [sflag:s25], $0x2000  }
0x3d: {  	[sflag:s25] =	ssyncset.done $0x0  }
0x3e: {  	s10 =	simm.s32 $0x1100;
	[sflag:s25] =	ssyncadd.s32 $0xFFFFE000  }
0x3f: {  	[spmem:s1] =	stream.indirect.scatter.add.f32 [tilespmem:s21], [sflag:$0x5], $0x80, s10, s16, $0xb8;
	[tilespmem:$0x1E000] =	vst v63  }
0x40: {  	_ =	swait.ge [sflag:s13], $0x2000  }
0x41: {  	[sflag:s13] =	ssyncset.done $0x0  }
0x42: {  	s7 =	simm.s32 $0x300;
	[sflag:s13] =	ssyncadd.s32 $0xFFFFE000  }
0x43: {  	[tilespmem:s21], [sflag:$0x3] =	stream.indirect.gather [hbm4b:s4+s16], $0x80, s7, s16, $0xb8;
	[tilespmem:$0x1E000] =	vst v63  }
0x44: {  	_ =	swait.ge [sflag:s26], $0x2000  }
0x45: {  	[sflag:s26] =	ssyncset.done $0x0  }
0x46: {  	s10 =	simm.s32 $0x1180;
	[sflag:s26] =	ssyncadd.s32 $0xFFFFE000  }
0x47: {  	[spmem:s1] =	stream.indirect.scatter.add.f32 [tilespmem:s23], [sflag:$0x5], $0x80, s10, s16, $0xb8;
	[tilespmem:$0x1E000] =	vst v63  }
0x48: {  	_ =	swait.ge [sflag:s13], $0x2000  }
0x49: {  	[sflag:s13] =	ssyncset.done $0x0  }
0x4a: {  	s2 =	simm.s32 $0x800;
	s7 =	simm.s32 $0x380;
	[sflag:s13] =	ssyncadd.s32 $0xFFFFE000  }
.LBB2_3:
0x4b: {  	[tilespmem:s23], [sflag:$0x4] =	stream.indirect.gather [hbm4b:s4+s16], $0x80, s7, s16, $0xb8;
	[tilespmem:$0x1E000] =	vst v63  }
0x4c: {  	s7 =	smov.u32 s2  }
0x4d: {  	p0 =	sne.s32 s2, $0x3000;
	s2 =	sadd.s32 $0x800, s2;
	_ =	swait.ge [sflag:s14], $0x2000  }
0x4e: {  	s7 =	sshra.s32 s7, $0x2;
	[sflag:s14] =	ssyncset.done $0x0  }
0x4f: {  	s10 =	sadd.s32 $0x1000, s7;
	[sflag:s14] =	ssyncadd.s32 $0xFFFFE000  }
0x50: {  	[spmem:s1] =	stream.indirect.scatter.add.f32 [tilespmem:s17], [sflag:$0x5], $0x80, s10, s16, $0xb8;
	[tilespmem:$0x1E000] =	vst v63  }
0x51: {  	_ =	swait.ge [sflag:s13], $0x2000  }
0x52: {  	[sflag:s13] =	ssyncset.done $0x0  }
0x53: {  	s10 =	sadd.s32 $0x200, s7;
	[sflag:s13] =	ssyncadd.s32 $0xFFFFE000  }
0x54: {  	[tilespmem:s17], [sflag:$0x1] =	stream.indirect.gather [hbm4b:s4+s16], $0x80, s10, s16, $0xb8;
	[tilespmem:$0x1E000] =	vst v63  }
0x55: {  	_ =	swait.ge [sflag:s24], $0x2000  }
0x56: {  	[sflag:s24] =	ssyncset.done $0x0  }
0x57: {  	s10 =	sadd.s32 $0x1080, s7;
	[sflag:s24] =	ssyncadd.s32 $0xFFFFE000  }
0x58: {  	[spmem:s1] =	stream.indirect.scatter.add.f32 [tilespmem:s19], [sflag:$0x5], $0x80, s10, s16, $0xb8;
	[tilespmem:$0x1E000] =	vst v63  }
0x59: {  	_ =	swait.ge [sflag:s13], $0x2000  }
0x5a: {  	[sflag:s13] =	ssyncset.done $0x0  }
0x5b: {  	s10 =	sadd.s32 $0x280, s7;
	[sflag:s13] =	ssyncadd.s32 $0xFFFFE000  }
0x5c: {  	[tilespmem:s19], [sflag:$0x2] =	stream.indirect.gather [hbm4b:s4+s16], $0x80, s10, s16, $0xb8;
	[tilespmem:$0x1E000] =	vst v63  }
0x5d: {  	_ =	swait.ge [sflag:s25], $0x2000  }
0x5e: {  	[sflag:s25] =	ssyncset.done $0x0  }
0x5f: {  	s10 =	sadd.s32 $0x1100, s7;
	[sflag:s25] =	ssyncadd.s32 $0xFFFFE000  }
0x60: {  	[spmem:s1] =	stream.indirect.scatter.add.f32 [tilespmem:s21], [sflag:$0x5], $0x80, s10, s16, $0xb8;
	[tilespmem:$0x1E000] =	vst v63  }
0x61: {  	_ =	swait.ge [sflag:s13], $0x2000  }
0x62: {  	[sflag:s13] =	ssyncset.done $0x0  }
0x63: {  	s10 =	sadd.s32 $0x300, s7;
	[sflag:s13] =	ssyncadd.s32 $0xFFFFE000  }
0x64: {  	[tilespmem:s21], [sflag:$0x3] =	stream.indirect.gather [hbm4b:s4+s16], $0x80, s10, s16, $0xb8;
	[tilespmem:$0x1E000] =	vst v63  }
0x65: {  	_ =	swait.ge [sflag:s26], $0x2000  }
0x66: {  	[sflag:s26] =	ssyncset.done $0x0  }
.Ltmp0:
0x67: {  	s10 =	sadd.s32 $0x1180, s7;
	[sflag:s26] =	ssyncadd.s32 $0xFFFFE000;
	(pc) =	sbr.rel @p0 .LBB2_3-.Ltmp0, $4  }
0x68: {  	[spmem:s1] =	stream.indirect.scatter.add.f32 [tilespmem:s23], [sflag:$0x5], $0x80, s10, s16, $0xb8;
	[tilespmem:$0x1E000] =	vst v63  }
0x69: {  	_ =	swait.ge [sflag:s13], $0x2000  }
0x6a: {  	[sflag:s13] =	ssyncset.done $0x0  }
0x6b: {  	s7 =	sadd.s32 $0x380, s7;
	[sflag:s13] =	ssyncadd.s32 $0xFFFFE000  }
0x6c: {  	[tilespmem:s23], [sflag:$0x4] =	stream.indirect.gather [hbm4b:s4+s16], $0x80, s7, s16, $0xb8;
	[tilespmem:$0x1E000] =	vst v63  }
0x6d: {  	_ =	swait.ge [sflag:s14], $0x2000  }
0x6e: {  	[sflag:s14] =	ssyncset.done $0x0  }
0x6f: {  	[sflag:s14] =	ssyncadd.s32 $0xFFFFE000  }
0x70: {  	[spmem:s1] =	stream.indirect.scatter.add.f32 [tilespmem:s17], [sflag:$0x5], $0x80, s28, s16, $0xb8;
	[tilespmem:$0x1E000] =	vst v63  }
0x71: {  	_ =	swait.ge [sflag:s13], $0x2000  }
0x72: {  	[sflag:s13] =	ssyncset.done $0x0  }
0x73: {  	[sflag:s13] =	ssyncadd.s32 $0xFFFFE000  }
0x74: {  	_ =	swait.ge [sflag:s24], $0x2000  }
0x75: {  	[sflag:s24] =	ssyncset.done $0x0  }
0x76: {  	[sflag:s24] =	ssyncadd.s32 $0xFFFFE000  }
0x77: {  	[spmem:s1] =	stream.indirect.scatter.add.f32 [tilespmem:s19], [sflag:$0x5], $0x80, s29, s16, $0xb8;
	[tilespmem:$0x1E000] =	vst v63  }
0x78: {  	_ =	swait.ge [sflag:s13], $0x2000  }
0x79: {  	[sflag:s13] =	ssyncset.done $0x0  }
0x7a: {  	[sflag:s13] =	ssyncadd.s32 $0xFFFFE000  }
0x7b: {  	_ =	swait.ge [sflag:s25], $0x2000  }
0x7c: {  	[sflag:s25] =	ssyncset.done $0x0  }
0x7d: {  	[sflag:s25] =	ssyncadd.s32 $0xFFFFE000  }
0x7e: {  	[spmem:s1] =	stream.indirect.scatter.add.f32 [tilespmem:s21], [sflag:$0x5], $0x80, s30, s16, $0xb8;
	[tilespmem:$0x1E000] =	vst v63  }
0x7f: {  	_ =	swait.ge [sflag:s13], $0x2000  }
0x80: {  	[sflag:s13] =	ssyncset.done $0x0  }
0x81: {  	[sflag:s13] =	ssyncadd.s32 $0xFFFFE000  }
0x82: {  	s0 =	sadd.s32 $0x1, s0;
	_ =	swait.ge [sflag:s26], $0x2000  }
0x83: {  	p0 =	sne.s32 s0, $0x5;
	[sflag:s26] =	ssyncset.done $0x0  }
.Ltmp1:
0x84: {  	[sflag:s26] =	ssyncadd.s32 $0xFFFFE000;
	(pc) =	sbr.rel @p0 .LBB2_2-.Ltmp1, $4  }
0x85: {  	[spmem:s1] =	stream.indirect.scatter.add.f32 [tilespmem:s23], [sflag:$0x5], $0x80, s31, s16, $0xb8;
	[tilespmem:$0x1E000] =	vst v63  }
0x86: {  	_ =	swait.ge [sflag:s13], $0x2000  }
0x87: {  	[sflag:s13] =	ssyncset.done $0x0  }
0x88: {  	[sflag:s13] =	ssyncadd.s32 $0xFFFFE000  }
0x89: {  	s3 =	sadd.s32 $0x1, s3  }
0x8a: {  	[bflag:$0x0] =	sbarrier.arrive $0xFFFF;
	p0 =	sne.s32 s3, s11  }
.Ltmp2:
0x8b: {  	s0 =	rddreg [dreg:$0x4];
	(pc) =	sbr.rel @p0 .LBB2_1-.Ltmp2, $4  }
0x8c: {  	[hbm:s0], [sflag:s8] =	dma.local [spmem:s12], $0x2800  }
0x8d: {  	_ =	swait.ge [sflag:s13], $0x2800  }
0x8e: {  	[sflag:s13] =	ssyncset.done $0x0  }
0x8f: {  	[sflag:s13] =	ssyncadd.s32 $0xFFFFD800  }
0x90: {  	_ =	sfence.sel $0x180000  }
0x91: {  	[bflag:$0x0] =	sbarrier.arrive $0xFFFF  }
0x92: {  	_ =	strace $0x90000050  }
0x93: {  	s0 =	stileid.u32;
	[bflag:$0x2] =	sbarrier.arrive $0xFFFF  }
0x94: {  	p0 =	sne.s32 s0, $0x0;
	s0 =	rddreg [dreg:$0x2]  }
0x95: {  	s0 =	sadd.s32 @!p0 $0x100000, s0  }
0x96: {  	[sflag:s0] =	ssyncadd.tile.s32 @!p0 $0x1;
	_ =	shalt  }
.Lfunc_end2:
_tile_overlayer_lowered:
.L_overlay_start_2:
0x97: {  	(tag) =	ssettag $0x2  }
0x98: {  	s0 =	rddreg [dreg:$0x0];
	s2 =	stileid.u32  }
0x99: {  	s1 =	rddreg [dreg:$0x1];
	p0 =	sne.s32 s2, $0x0  }
0x9a: {  	s3 =	rddreg [dreg:$0x2];
	[bflag:$0x3] =	sbarrier.arrive $0xFFFF;
	s2 =	simm.s32 @!p0 $0x1C05  }
0x9b: {  	[timem:s3], [sflag:s2] =	dma.local @!p0 [hbm:s0], s1  }
0x9c: {  	s0 =	simm.s32 @!p0 $0x5  }
0x9d: {  	_ =	swait.ge @!p0 [sflag:s0], s1  }
0x9e: {  	s1 =	ssub.s32 @!p0 $0x0, s1;
	[sflag:s0] =	ssyncset.done @!p0 $0x0  }
0x9f: {  	[sflag:s0] =	ssyncadd.s32 @!p0 s1  }
0xa0: {  	[bflag:$0x3] =	sbarrier.arrive $0xFFFF  }
0xa1: {  	_ =	shalt  }

// kernel: kernel.24.cloned.1.call-start
scs
__scs_entry_jumppad:
0x0: {  	(pc) =	sbr.rel $0x88, $3  }
0x1: {  	(tag) =	ssettag $0x0;
	lr =	simm.s32 $0x1  }
0x2: {  	[smem:$0x3F90] =	sst lr;
	_ =	strace $0xD0000000  }
0x3: {  	_ = 	snop  }
0x4: {  	_ = 	snop  }
0x5: {  	_ = 	snop  }
0x6: {  	_ = 	snop  }
0x7: {  	_ = 	snop  }
__scs_overlays_trampoline_lowered:
0x8: {  	[smem:$0x3F9F] =	sst s0  }
0x9: {  	[smem:$0x3FA0] =	sst s1  }
0xa: {  	[smem:$0x3FA1] =	sst s2  }
0xb: {  	[smem:$0x3FA2] =	sst s3  }
0xc: {  	[smem:$0x3FA3] =	sst s4  }
0xd: {  	[smem:$0x3FA4] =	sst s5  }
0xe: {  	[smem:$0x3FA5] =	sst s6  }
0xf: {  	[smem:$0x3FA6] =	sst s7  }
0x10: {  	[smem:$0x3FA7] =	sst s8  }
0x11: {  	[smem:$0x3FA8] =	sst s9;
	s0 =	simm.s32 @!p0 $0x0  }
0x12: {  	s1 =	sld [smem:$0x3F8E];
	s0 =	simm.s32 @p0 $0x1  }
0x13: {  	[smem:$0x3FA9] =	sst s0;
	s0 =	simm.s32 @!p1 $0x0  }
0x14: {  	s2 =	sld [smem:$0x3F8D];
	s0 =	simm.s32 @p1 $0x1  }
0x15: {  	[smem:$0x3FAA] =	sst s0;
	s0 =	simm.s32 @!p2 $0x0  }
0x16: {  	s3 =	sld [smem:$0x3FDB];
	s0 =	simm.s32 @p2 $0x1  }
0x17: {  	s4 =	simm.s32 $0x1BF5;
	[smem:$0x3FAC] =	sst s0  }
0x18: {  	s0 =	sld [smem:$0x3F8F];
	_ =	swait.ge [sflag:s4], $0x0  }
0x19: {  	s7 =	sld [smem:$0x3F90]  }
0x1a: {  	s8 =	sadd.s32 $0xFFFFE003, lr  }
0x1b: {  	s9 =	sadd.s32 $0xFFFFFEF7, lr;
	s5 =	simm.s32 $0xFFFFFFFF;
	p2 =	slt.u32 s8, $0xFFFFF086  }
0x1c: {  	p1 =	slt.u32 s9, $0xF7A;
	s5 =	simm.s32 @!p2 $0x0  }
0x1d: {  	s5 =	simm.s32 @p1 $0x1;
	p0 =	seq.s32 s7, s2  }
0x1e: {  	s7 =	smul.u32 @!p0 $0xF7A, s2;
	p2 =	seq.s32 @!p0 s5, $0x0  }
0x1f: {  	s9 =	smul.u32 $0xF7A, s1;
	s8 =	simm.s32 @!p0 $0x1BF5;
	p2 =	por !p2, p0  }
0x20: {  	[sflag:s8] =	ssyncset.s32 @!p0 $0xFFFFF086;
	s6 =	sadd.s32 @!p0 s3, s7;
	s7 =	simm.s32 @!p0 $0x108  }
0x21: {  	s3 =	sadd.s32 s3, s9;
	s6 =	sadd.s32 @!p0 $0x88, s6;
	s7 =	simm.s32 @p2 $0x1082  }
0x22: {  	[simem:s7], [sflag:s8] =	dma.local @!p0 [hbm:s6], $0xF7A  }
0x23: {  	s9 =	sor.u32 $0xD0000000, s2;
	s6 =	simm.s32 $0x108;
	_ =	swait.ge @!p0 [sflag:s8], $0x0  }
0x24: {  	s3 =	sadd.s32 $0x88, s3;
	s6 =	simm.s32 @!p1 $0x1082;
	[sflag:s4] =	ssyncset.s32 $0xFFFFF086  }
0x25: {  	[simem:s6], [sflag:s4] =	dma.local [hbm:s3], $0xF7A  }
0x26: {  	[smem:$0x3F90] =	sst s1;
	(tag) =	ssettag s2;
	_ =	strace s9  }
0x27: {  	s1 =	sld [smem:$0x3FA0]  }
0x28: {  	s2 =	sld [smem:$0x3FA1]  }
0x29: {  	s4 =	sld [smem:$0x3FA3]  }
0x2a: {  	p0 =	seq.s32 s5, $0x0;
	s5 =	sld [smem:$0x3FA4]  }
0x2b: {  	s6 =	sld [smem:$0x3FA5]  }
0x2c: {  	s7 =	sld [smem:$0x3FA6]  }
0x2d: {  	s3 =	simm.s32 $0x108;
	s8 =	sld [smem:$0x3FA7]  }
0x2e: {  	s3 =	simm.s32 @!p0 $0x1082;
	s9 =	sld [smem:$0x3FA8]  }
0x2f: {  	lr =	sadd.s32 s0, s3;
	s0 =	sld [smem:$0x3F9F]  }
0x30: {  	s3 =	sld [smem:$0x3FA2]  }
0x31: {  	[smem:$0x3FAB] =	sst s10  }
0x32: {  	s10 =	sld [smem:$0x3FA9];
	_ =	sdelay $0x3  }
0x33: {  	p0 =	seq.s32 s10, $0x1;
	s10 =	sld [smem:$0x3FAB];
	_ =	sdelay $0x3  }
0x34: {  	[smem:$0x3FAB] =	sst s10  }
0x35: {  	s10 =	sld [smem:$0x3FAA];
	_ =	sdelay $0x3  }
0x36: {  	p1 =	seq.s32 s10, $0x1;
	s10 =	sld [smem:$0x3FAB];
	_ =	sdelay $0x3  }
0x37: {  	[smem:$0x3FAB] =	sst s10  }
0x38: {  	s10 =	sld [smem:$0x3FAC]  }
0x39: {  	_ = 	snop;
	(pc) =	sbr.ind lr, $3  }
0x3a: {  	_ = 	snop  }
0x3b: {  	_ = 	snop  }
0x3c: {  	p2 =	seq.s32 s10, $0x1;
	s10 =	sld [smem:$0x3FAB]  }
0x3d: {  	_ =	shalt  }
0x3e: {  	_ =	shalt  }
0x3f: {  	_ =	shalt  }
0x40: {  	_ =	shalt  }
0x41: {  	_ =	shalt  }
0x42: {  	_ =	shalt  }
0x43: {  	_ =	shalt  }
0x44: {  	_ =	shalt  }
0x45: {  	_ =	shalt  }
0x46: {  	_ =	shalt  }
0x47: {  	_ =	shalt  }
0x48: {  	_ =	shalt  }
0x49: {  	_ =	shalt  }
0x4a: {  	_ =	shalt  }
0x4b: {  	_ =	shalt  }
0x4c: {  	_ =	shalt  }
0x4d: {  	_ =	shalt  }
0x4e: {  	_ =	shalt  }
0x4f: {  	_ =	shalt  }
0x50: {  	_ =	shalt  }
0x51: {  	_ =	shalt  }
0x52: {  	_ =	shalt  }
0x53: {  	_ =	shalt  }
0x54: {  	_ =	shalt  }
0x55: {  	_ =	shalt  }
0x56: {  	_ =	shalt  }
0x57: {  	_ =	shalt  }
0x58: {  	_ =	shalt  }
0x59: {  	_ =	shalt  }
0x5a: {  	_ =	shalt  }
0x5b: {  	_ =	shalt  }
0x5c: {  	_ =	shalt  }
0x5d: {  	_ =	shalt  }
0x5e: {  	_ =	shalt  }
0x5f: {  	_ =	shalt  }
0x60: {  	_ =	shalt  }
0x61: {  	_ =	shalt  }
0x62: {  	_ =	shalt  }
0x63: {  	_ =	shalt  }
0x64: {  	_ =	shalt  }
0x65: {  	_ =	shalt  }
0x66: {  	_ =	shalt  }
0x67: {  	_ =	shalt  }
0x68: {  	_ =	shalt  }
0x69: {  	_ =	shalt  }
0x6a: {  	_ =	shalt  }
0x6b: {  	_ =	shalt  }
0x6c: {  	_ =	shalt  }
0x6d: {  	_ =	shalt  }
0x6e: {  	_ =	shalt  }
0x6f: {  	_ =	shalt  }
0x70: {  	_ =	shalt  }
0x71: {  	_ =	shalt  }
0x72: {  	_ =	shalt  }
0x73: {  	_ =	shalt  }
0x74: {  	_ =	shalt  }
0x75: {  	_ =	shalt  }
0x76: {  	_ =	shalt  }
0x77: {  	_ =	shalt  }
0x78: {  	_ =	shalt  }
0x79: {  	_ =	shalt  }
0x7a: {  	_ =	shalt  }
0x7b: {  	_ =	shalt  }
0x7c: {  	_ =	shalt  }
0x7d: {  	_ =	shalt  }
0x7e: {  	_ =	shalt  }
0x7f: {  	_ =	shalt  }
0x80: {  	_ =	shalt  }
0x81: {  	_ =	shalt  }
0x82: {  	_ =	shalt  }
0x83: {  	_ =	shalt  }
0x84: {  	_ =	shalt  }
0x85: {  	_ =	shalt  }
0x86: {  	_ =	shalt  }
0x87: {  	_ =	shalt  }
.Lfunc_end0:
.L_simem_size_0:
called_computation.4_lowered:
.L_overlay_start_0:
0x88: {  	s2 =	sld [smem:$0x3FD9]  }
0x89: {  	s3 =	sld [smem:$0x3FFE];
	_ =	sdelay $0x1  }
0x8a: {  	s1 =	srdreg.scid  }
0x8b: {  	s0 =	sand.u32 $0x1, s1  }
0x8c: {  	s16 =	sshll.u32 s0, $0xA;
	s2 =	sadd.s32 s3, s2  }
0x8d: {  	s2 =	sadd.s32 s2, s16  }
0x8e: {  	[smem:$0x3FB7] =	sst s2  }
0x8f: {  	_ = 	snop  }
0x90: {  	(tm) =	ssettm $0x1  }
0x91: {  	s17 =	sld [smem:$0x3FFB];
	_ =	sdelay $0x3  }
0x92: {  	_ =	strace s17  }
0x93: {  	s2 =	sld [smem:$0x3FFC];
	_ =	sdelay $0x3  }
0x94: {  	_ =	strace s2  }
0x95: {  	s2 =	sld [smem:$0x3FFD];
	_ =	sdelay $0x3  }
0x96: {  	_ =	strace s2  }
0x97: {  	_ =	strace $0x8FFFFFFF  }
0x98: {  	s18 =	sld [smem:$0x3FDB];
	_ =	sdelay $0x1  }
0x99: {  	s19 =	simm.s32 $_scs_section_size  }
0x9a: {  	s4 =	simm.s32 $_size__tile_overlayer_lowered;
	s5 =	simm.s32 $_tile_overlayer_lowered  }
0x9b: {  	s22 =	simm.s32 $0x1BFF;
	s21 =	sshll.u32 s5, $0x1;
	s2 =	sadd.s32 s19, s18  }
0x9c: {  	s6 =	simm.s32 $0x0;
	s20 =	sshll.u32 s4, $0x1;
	s4 =	sadd.s32 s21, s2  }
0x9d: {  	[timem:s6], [sflag:s22] =	dma.local [hbm:s4], s20  }
0x9e: {  	_ =	swait.ge [sflag:s22], s20  }
0x9f: {  	s3 =	ssub.s32 $0x0, s20;
	[sflag:s22] =	ssyncset.done $0x0  }
0xa0: {  	[sflag:s22] =	ssyncadd.s32 s3;
	_ =	sdelay $0x1  }
0xa1: {  	s23 =	simm.s32 $0x1B8B  }
0xa2: {  	_ =	swait.ge [sflag:s23], $0x1  }
0xa3: {  	[sflag:s23] =	ssyncset.done $0x0  }
0xa4: {  	s25 =	simm.s32 $0x1B8E;
	s24 =	sld [smem:$0x3FFE];
	[sflag:s23] =	ssyncadd.s32 $0xFFFFFFFF  }
0xa5: {  	s26 =	simm.s32 $execute0_lowered;
	[smem:$0x3FD2] =	sst s25  }
0xa6: {  	s4 =	sshll.u32 s26, $0x1;
	_ =	strace $0x80000052;
	[dreg:$0x1] =	wrdreg $0xFFFFFFFF  }
0xa7: {  	s28 =	simm.s32 $_size_execute0_lowered;
	s2 =	sadd.s32 s2, s4;
	[dreg:$0x0] =	wrdreg $0x0  }
0xa8: {  	s4 =	sshll.u32 s28, $0x1;
	[dreg:$0x2] =	wrdreg s2  }
0xa9: {  	[dreg:$0x3] =	wrdreg s4  }
0xaa: {  	[dreg:$0x4] =	wrdreg $0xC0  }
0xab: {  	_ =	task [dreg:s6], $0x5FFFF  }
0xac: {  	[dreg:$0x1] =	wrdreg $0xFFFFFFFF  }
0xad: {  	[dreg:$0x0] =	wrdreg $0x60  }
0xae: {  	[dreg:$0x2] =	wrdreg s24  }
0xaf: {  	[dreg:$0x3] =	wrdreg $0x88000  }
0xb0: {  	[dreg:$0x4] =	wrdreg $0x9  }
0xb1: {  	_ =	task.clear_ibuf [dreg:s6], $0x5FFFF;
	_ =	strace $0x90000052  }
0xb2: {  	s29 =	simm.s32 $0x9;
	_ =	strace $0x80000054  }
0xb3: {  	_ =	swait.ge [sflag:s29], $0x1  }
0xb4: {  	[sflag:s29] =	ssyncadd.s32 $0xFFFFFFFF  }
0xb5: {  	_ =	strace $0x90000054  }
0xb6: {  	_ =	sfence  }
0xb7: {  	s30 =	sld [smem:$0x0];
	_ =	sdelay $0x2  }
0xb8: {  	s31 =	sshll.u32 s1, $0xD;
	s1 =	sshrl.u32 s1, $0x2  }
0xb9: {  	s3 =	sand.u32 $0x4000, s31;
	s1 =	sadd.s32 s1, s30  }
0xba: {  	s0 =	sor.u32 s3, s0;
	s1 =	sshll.u32 s1, $0x11  }
0xbb: {  	s0 =	sor.u32 s1, s0  }
0xbc: {  	s0 =	sadd.s32 $0x8F2B, s0  }
0xbd: {  	[sflag:s0] =	ssyncadd.remote.s32 $0x1  }
0xbe: {  	_ =	sfence.sel $0xFFFF  }
0xbf: {  	[dreg:$0x0] =	wrdreg $0xFFFFFFFF;
	(pc) =	sbr.abs _section_cstart, $3  }
0xc0: {  	[dreg:$0x1] =	wrdreg $0xFFFFFFFF  }
0xc1: {  	_ =	task.clear_ibuf [dreg:s6], $0x2FFFF;
	_ =	strace $0x9FFFFFFF  }
0xc2: {  	(tm) =	ssettm $0x7FFFFFFF  }
0xc3: {  	_ =	shalt  }
tec
execute0_lowered:
.L_overlay_start_1:
0x0: {  	(tag) =	ssettag $0x1  }
0x1: {  	s0 =	rddreg [dreg:$0x0]  }
0x2: {  	s2 =	rddreg [dreg:$0x1];
	s15 =	simm.s32 $0x0  }
0x3: {  	s1 =	srdreg.scid;
	s9 =	stileid.u32;
	s12 =	simm.s32 $0x1  }
0x4: {  	s25 =	simm.s32 $0x400;
	s14 =	simm.s32 $0x800;
	s26 =	simm.s32 $0x80  }
0x5: {  	s11 =	simm.s32 $0x2800;
	s30 =	simm.s32 $0x100;
	s31 =	simm.s32 $0x180  }
0x6: {  	s29 =	simm.s32 $0x200;
	s28 =	simm.s32 $0x480;
	s13 =	simm.s32 $0x3  }
0x7: {  	s24 =	simm.s32 $0x500;
	s10 =	simm.s32 $0x4;
	p0 =	por $0x0, $0x0  }
0x8: {  	[smem:$0x7FF] =	sst s15;
	s1 =	sand.u32 $0x1, s1;
	s4 =	sshll.u32 s9, $0x7  }
0x9: {  	s5 =	smul.u32 $0x2800, s9;
	s6 =	sadd.s32 $0x1C200, s0;
	s7 =	sadd.s32 $0x19A00, s0  }
0xa: {  	s8 =	smul.u32 $0x50000, s9;
	s21 =	sshll.u32 s9, $0x6;
	s9 =	simm.s32 $0x4800  }
0xb: {  	_ =	strace $0x80000053;
	s3 =	sshll.u32 s1, $0xB;
	s16 =	smul.u32 $0x28000, s1  }
0xc: {  	[dreg:$0x3] =	wrdreg s7;
	s1 =	ssub.s32 $0x2, s1;
	s7 =	simm.s32 $0x40  }
0xd: {  	[dreg:$0x7] =	wrdreg s26;
	s26 =	simm.s32 $0x280;
	s3 =	sor.u32 s4, s3  }
0xe: {  	s17 =	sshrl.u32 s1, $0x1;
	s18 =	sshrl.u32 s8, $0x2;
	s8 =	simm.s32 $0x6800  }
0xf: {  	s3 =	sadd.s32 s3, s0;
	s4 =	sadd.s32 s5, s16;
	s1 =	ssub.s32 s1, s17  }
0x10: {  	s19 =	sadd.s32 s18, s2;
	s16 =	simm.s32 $0x2;
	s18 =	simm.s32 $0x700  }
0x11: {  	s17 =	simm.s32 $0x780;
	s0 =	sadd.s32 s4, s0;
	s23 =	smax.u32 s1, $0x1  }
0x12: {  	s20 =	sadd.s32 $0xA8C00, s3;
	s22 =	sadd.s32 $0x18A00, s3;
	p1 =	sne.s32 s23, $0x1  }
.Ltmp0:
0x13: {  	s3 =	sor.u32 $0x1C05, s21;
	s1 =	rddreg [dreg:$0x3];
	(pc) =	sbr.rel @!p1 .LBB2_3-.Ltmp0, $4  }
0x14: {  	s5 =	sshrl.u32 s19, $0x3;
	s4 =	simm.s32 $0x5;
	[dreg:$0x4] =	wrdreg s20  }
0x15: {  	s21 =	simm.s32 $0x380;
	s19 =	simm.s32 $0x680;
	[dreg:$0x5] =	wrdreg s22  }
0x16: {  	s0 =	sadd.s32 $0x44200, s0;
	s22 =	simm.s32 $0x300;
	s20 =	simm.s32 $0x600  }
0x17: {  	[dreg:$0x6] =	wrdreg s0;
	s0 =	sadd.s32 $0xFFFFFFFF, s23;
	s23 =	simm.s32 $0x580  }
0x18: {  	[spmem:s5], [sflag:s3] =	dma.local [hbm:s1], $0x2800  }
0x19: {  	_ =	swait.ge [sflag:s4], $0x2800  }
0x1a: {  	[sflag:s4] =	ssyncset.done $0x0  }
0x1b: {  	[sflag:s4] =	ssyncadd.s32 $0xFFFFD800  }
0x1c: {  	[bflag:$0x0] =	sbarrier.arrive $0xFFFF  }
0x1d: {  	s1 =	rddreg [dreg:$0x4]  }
0x1e: {  	[tilespmem:s15], [sflag:$0x1] =	stream.linear.gather [hbm4b:s1+s15], $0x400, $0x38;
	[tilespmem:$0x1C800] =	vst v63  }
0x1f: {  	_ =	swait.ge [sflag:s12], $0x400  }
0x20: {  	[sflag:s12] =	ssyncset.done $0x0  }
0x21: {  	s1 =	rddreg [dreg:$0x5];
	[sflag:s12] =	ssyncadd.s32 $0xFFFFFC00  }
0x22: {  	[tilespmem:s25], [sflag:$0x1] =	stream.linear.gather [hbm4b:s1+s15], $0x400, $0x38;
	[tilespmem:$0x1C800] =	vst v63  }
0x23: {  	_ =	swait.ge [sflag:s12], $0x400  }
0x24: {  	[sflag:s12] =	ssyncset.done $0x0  }
0x25: {  	[sflag:s12] =	ssyncadd.s32 $0xFFFFFC00  }
0x26: {  	[tilespmem:s14], [sflag:$0x1] =	stream.indirect.gather [hbm4b:s6+s7], $0x80, s15, s7, $0xb8;
	[tilespmem:$0x1C800] =	vst v63  }
0x27: {  	s1 =	rddreg [dreg:$0x7]  }
0x28: {  	[tilespmem:s11], [sflag:$0x2] =	stream.indirect.gather [hbm4b:s6+s7], $0x80, s1, s7, $0xb8;
	[tilespmem:$0x1C800] =	vst v63  }
0x29: {  	_ = 	snop  }
0x2a: {  	[tilespmem:s9], [sflag:$0x3] =	stream.indirect.gather [hbm4b:s6+s7], $0x80, s30, s7, $0xb8;
	[tilespmem:$0x1C800] =	vst v63  }
0x2b: {  	_ = 	snop  }
0x2c: {  	[tilespmem:s8], [sflag:$0x4] =	stream.indirect.gather [hbm4b:s6+s7], $0x80, s31, s7, $0xb8;
	[tilespmem:$0x1C800] =	vst v63  }
0x2d: {  	_ =	swait.ge [sflag:s12], $0x2000  }
0x2e: {  	[sflag:s12] =	ssyncset.done $0x0  }
0x2f: {  	[sflag:s12] =	ssyncadd.s32 $0xFFFFE000  }
0x30: {  	[spmem:s2] =	stream.indirect.scatter.add.f32 [tilespmem:s14], [sflag:$0x5], $0x80, s25, s7, $0xb8;
	[tilespmem:$0x1C800] =	vst v63  }
0x31: {  	_ =	swait.ge [sflag:s4], $0x2000  }
0x32: {  	[sflag:s4] =	ssyncset.done $0x0  }
0x33: {  	[sflag:s4] =	ssyncadd.s32 $0xFFFFE000  }
0x34: {  	[tilespmem:s14], [sflag:$0x1] =	stream.indirect.gather [hbm4b:s6+s7], $0x80, s29, s7, $0xb8;
	[tilespmem:$0x1C800] =	vst v63  }
0x35: {  	_ =	swait.ge [sflag:s16], $0x2000  }
0x36: {  	[sflag:s16] =	ssyncset.done $0x0  }
0x37: {  	[sflag:s16] =	ssyncadd.s32 $0xFFFFE000  }
0x38: {  	[spmem:s2] =	stream.indirect.scatter.add.f32 [tilespmem:s11], [sflag:$0x5], $0x80, s28, s7, $0xb8;
	[tilespmem:$0x1C800] =	vst v63  }
0x39: {  	_ =	swait.ge [sflag:s4], $0x2000  }
0x3a: {  	[sflag:s4] =	ssyncset.done $0x0  }
0x3b: {  	[sflag:s4] =	ssyncadd.s32 $0xFFFFE000  }
0x3c: {  	[tilespmem:s11], [sflag:$0x2] =	stream.indirect.gather [hbm4b:s6+s7], $0x80, s26, s7, $0xb8;
	[tilespmem:$0x1C800] =	vst v63  }
0x3d: {  	_ =	swait.ge [sflag:s13], $0x2000  }
0x3e: {  	[sflag:s13] =	ssyncset.done $0x0  }
0x3f: {  	[sflag:s13] =	ssyncadd.s32 $0xFFFFE000  }
0x40: {  	[spmem:s2] =	stream.indirect.scatter.add.f32 [tilespmem:s9], [sflag:$0x5], $0x80, s24, s7, $0xb8;
	[tilespmem:$0x1C800] =	vst v63  }
0x41: {  	_ =	swait.ge [sflag:s4], $0x2000  }
0x42: {  	[sflag:s4] =	ssyncset.done $0x0  }
0x43: {  	[sflag:s4] =	ssyncadd.s32 $0xFFFFE000  }
0x44: {  	[tilespmem:s9], [sflag:$0x3] =	stream.indirect.gather [hbm4b:s6+s7], $0x80, s22, s7, $0xb8;
	[tilespmem:$0x1C800] =	vst v63  }
0x45: {  	_ =	swait.ge [sflag:s10], $0x2000  }
0x46: {  	[sflag:s10] =	ssyncset.done $0x0  }
0x47: {  	[sflag:s10] =	ssyncadd.s32 $0xFFFFE000  }
0x48: {  	[spmem:s2] =	stream.indirect.scatter.add.f32 [tilespmem:s8], [sflag:$0x5], $0x80, s23, s7, $0xb8;
	[tilespmem:$0x1C800] =	vst v63  }
0x49: {  	_ =	swait.ge [sflag:s4], $0x2000  }
0x4a: {  	[sflag:s4] =	ssyncset.done $0x0  }
0x4b: {  	[sflag:s4] =	ssyncadd.s32 $0xFFFFE000  }
0x4c: {  	[tilespmem:s8], [sflag:$0x4] =	stream.indirect.gather [hbm4b:s6+s7], $0x80, s21, s7, $0xb8;
	[tilespmem:$0x1C800] =	vst v63  }
0x4d: {  	_ =	swait.ge [sflag:s12], $0x2000  }
0x4e: {  	[sflag:s12] =	ssyncset.done $0x0  }
0x4f: {  	[sflag:s12] =	ssyncadd.s32 $0xFFFFE000  }
0x50: {  	[spmem:s2] =	stream.indirect.scatter.add.f32 [tilespmem:s14], [sflag:$0x5], $0x80, s20, s7, $0xb8;
	[tilespmem:$0x1C800] =	vst v63  }
0x51: {  	_ =	swait.ge [sflag:s4], $0x2000  }
0x52: {  	[sflag:s4] =	ssyncset.done $0x0  }
0x53: {  	[sflag:s4] =	ssyncadd.s32 $0xFFFFE000  }
0x54: {  	_ =	swait.ge [sflag:s16], $0x2000  }
0x55: {  	[sflag:s16] =	ssyncset.done $0x0  }
0x56: {  	[sflag:s16] =	ssyncadd.s32 $0xFFFFE000  }
0x57: {  	[spmem:s2] =	stream.indirect.scatter.add.f32 [tilespmem:s11], [sflag:$0x5], $0x80, s19, s7, $0xb8;
	[tilespmem:$0x1C800] =	vst v63  }
0x58: {  	_ =	swait.ge [sflag:s4], $0x2000  }
0x59: {  	[sflag:s4] =	ssyncset.done $0x0  }
0x5a: {  	[sflag:s4] =	ssyncadd.s32 $0xFFFFE000  }
0x5b: {  	_ =	swait.ge [sflag:s13], $0x2000  }
0x5c: {  	[sflag:s13] =	ssyncset.done $0x0  }
0x5d: {  	[sflag:s13] =	ssyncadd.s32 $0xFFFFE000  }
0x5e: {  	[spmem:s2] =	stream.indirect.scatter.add.f32 [tilespmem:s9], [sflag:$0x5], $0x80, s18, s7, $0xb8;
	[tilespmem:$0x1C800] =	vst v63  }
0x5f: {  	_ =	swait.ge [sflag:s4], $0x2000  }
0x60: {  	[sflag:s4] =	ssyncset.done $0x0  }
0x61: {  	[sflag:s4] =	ssyncadd.s32 $0xFFFFE000  }
0x62: {  	_ =	swait.ge [sflag:s10], $0x2000  }
0x63: {  	[sflag:s10] =	ssyncset.done $0x0  }
0x64: {  	[sflag:s10] =	ssyncadd.s32 $0xFFFFE000  }
0x65: {  	[spmem:s2] =	stream.indirect.scatter.add.f32 [tilespmem:s8], [sflag:$0x5], $0x80, s17, s7, $0xb8;
	[tilespmem:$0x1C800] =	vst v63  }
0x66: {  	_ =	swait.ge [sflag:s4], $0x2000  }
0x67: {  	[sflag:s4] =	ssyncset.done $0x0  }
0x68: {  	p1 =	sne.s32 s0, $0x1;
	[sflag:s4] =	ssyncadd.s32 $0xFFFFE000  }
.Ltmp1:
0x69: {  	[bflag:$0x0] =	sbarrier.arrive $0xFFFF;
	(pc) =	sbr.rel @!p1 .LBB2_3-.Ltmp1, $4  }
0x6a: {  	s1 =	rddreg [dreg:$0x6]  }
0x6b: {  	[hbm:s1], [sflag:s3] =	dma.local [spmem:s5], $0x2800  }
0x6c: {  	s0 =	sadd.s32 $0xFFFFFFFF, s0;
	_ =	swait.ge [sflag:s4], $0x2800  }
0x6d: {  	p0 =	por $0x1, $0x1;
	s1 =	rddreg [dreg:$0x3];
	[sflag:s4] =	ssyncset.done $0x0  }
.LBB2_2:
0x6e: {  	[sflag:s4] =	ssyncadd.s32 $0xFFFFD800  }
0x6f: {  	[spmem:s5], [sflag:s3] =	dma.local [hbm:s1], $0x2800  }
0x70: {  	_ =	swait.ge [sflag:s4], $0x2800  }
0x71: {  	[sflag:s4] =	ssyncset.done $0x0  }
0x72: {  	[sflag:s4] =	ssyncadd.s32 $0xFFFFD800  }
0x73: {  	[bflag:$0x0] =	sbarrier.arrive $0xFFFF  }
0x74: {  	s1 =	rddreg [dreg:$0x4]  }
0x75: {  	[tilespmem:s15], [sflag:$0x1] =	stream.linear.gather [hbm4b:s1+s15], $0x400, $0x38;
	[tilespmem:$0x1C800] =	vst v63  }
0x76: {  	_ =	swait.ge [sflag:s12], $0x400  }
0x77: {  	[sflag:s12] =	ssyncset.done $0x0  }
0x78: {  	s1 =	rddreg [dreg:$0x5];
	[sflag:s12] =	ssyncadd.s32 $0xFFFFFC00  }
0x79: {  	[tilespmem:s25], [sflag:$0x1] =	stream.linear.gather [hbm4b:s1+s15], $0x400, $0x38;
	[tilespmem:$0x1C800] =	vst v63  }
0x7a: {  	_ =	swait.ge [sflag:s12], $0x400  }
0x7b: {  	[sflag:s12] =	ssyncset.done $0x0  }
0x7c: {  	[sflag:s12] =	ssyncadd.s32 $0xFFFFFC00  }
0x7d: {  	[tilespmem:s14], [sflag:$0x1] =	stream.indirect.gather [hbm4b:s6+s7], $0x80, s15, s7, $0xb8;
	[tilespmem:$0x1C800] =	vst v63  }
0x7e: {  	s1 =	rddreg [dreg:$0x7]  }
0x7f: {  	[tilespmem:s11], [sflag:$0x2] =	stream.indirect.gather [hbm4b:s6+s7], $0x80, s1, s7, $0xb8;
	[tilespmem:$0x1C800] =	vst v63  }
0x80: {  	_ = 	snop  }
0x81: {  	[tilespmem:s9], [sflag:$0x3] =	stream.indirect.gather [hbm4b:s6+s7], $0x80, s30, s7, $0xb8;
	[tilespmem:$0x1C800] =	vst v63  }
0x82: {  	_ = 	snop  }
0x83: {  	[tilespmem:s8], [sflag:$0x4] =	stream.indirect.gather [hbm4b:s6+s7], $0x80, s31, s7, $0xb8;
	[tilespmem:$0x1C800] =	vst v63  }
0x84: {  	_ =	swait.ge [sflag:s12], $0x2000  }
0x85: {  	[sflag:s12] =	ssyncset.done $0x0  }
0x86: {  	[sflag:s12] =	ssyncadd.s32 $0xFFFFE000  }
0x87: {  	[spmem:s2] =	stream.indirect.scatter.add.f32 [tilespmem:s14], [sflag:$0x5], $0x80, s25, s7, $0xb8;
	[tilespmem:$0x1C800] =	vst v63  }
0x88: {  	_ =	swait.ge [sflag:s4], $0x2000  }
0x89: {  	[sflag:s4] =	ssyncset.done $0x0  }
0x8a: {  	[sflag:s4] =	ssyncadd.s32 $0xFFFFE000  }
0x8b: {  	[tilespmem:s14], [sflag:$0x1] =	stream.indirect.gather [hbm4b:s6+s7], $0x80, s29, s7, $0xb8;
	[tilespmem:$0x1C800] =	vst v63  }
0x8c: {  	_ =	swait.ge [sflag:s16], $0x2000  }
0x8d: {  	[sflag:s16] =	ssyncset.done $0x0  }
0x8e: {  	[sflag:s16] =	ssyncadd.s32 $0xFFFFE000  }
0x8f: {  	[spmem:s2] =	stream.indirect.scatter.add.f32 [tilespmem:s11], [sflag:$0x5], $0x80, s28, s7, $0xb8;
	[tilespmem:$0x1C800] =	vst v63  }
0x90: {  	_ =	swait.ge [sflag:s4], $0x2000  }
0x91: {  	[sflag:s4] =	ssyncset.done $0x0  }
0x92: {  	[sflag:s4] =	ssyncadd.s32 $0xFFFFE000  }
0x93: {  	[tilespmem:s11], [sflag:$0x2] =	stream.indirect.gather [hbm4b:s6+s7], $0x80, s26, s7, $0xb8;
	[tilespmem:$0x1C800] =	vst v63  }
0x94: {  	_ =	swait.ge [sflag:s13], $0x2000  }
0x95: {  	[sflag:s13] =	ssyncset.done $0x0  }
0x96: {  	[sflag:s13] =	ssyncadd.s32 $0xFFFFE000  }
0x97: {  	[spmem:s2] =	stream.indirect.scatter.add.f32 [tilespmem:s9], [sflag:$0x5], $0x80, s24, s7, $0xb8;
	[tilespmem:$0x1C800] =	vst v63  }
0x98: {  	_ =	swait.ge [sflag:s4], $0x2000  }
0x99: {  	[sflag:s4] =	ssyncset.done $0x0  }
0x9a: {  	[sflag:s4] =	ssyncadd.s32 $0xFFFFE000  }
0x9b: {  	[tilespmem:s9], [sflag:$0x3] =	stream.indirect.gather [hbm4b:s6+s7], $0x80, s22, s7, $0xb8;
	[tilespmem:$0x1C800] =	vst v63  }
0x9c: {  	_ =	swait.ge [sflag:s10], $0x2000  }
0x9d: {  	[sflag:s10] =	ssyncset.done $0x0  }
0x9e: {  	[sflag:s10] =	ssyncadd.s32 $0xFFFFE000  }
0x9f: {  	[spmem:s2] =	stream.indirect.scatter.add.f32 [tilespmem:s8], [sflag:$0x5], $0x80, s23, s7, $0xb8;
	[tilespmem:$0x1C800] =	vst v63  }
0xa0: {  	_ =	swait.ge [sflag:s4], $0x2000  }
0xa1: {  	[sflag:s4] =	ssyncset.done $0x0  }
0xa2: {  	[sflag:s4] =	ssyncadd.s32 $0xFFFFE000  }
0xa3: {  	[tilespmem:s8], [sflag:$0x4] =	stream.indirect.gather [hbm4b:s6+s7], $0x80, s21, s7, $0xb8;
	[tilespmem:$0x1C800] =	vst v63  }
0xa4: {  	_ =	swait.ge [sflag:s12], $0x2000  }
0xa5: {  	[sflag:s12] =	ssyncset.done $0x0  }
0xa6: {  	[sflag:s12] =	ssyncadd.s32 $0xFFFFE000  }
0xa7: {  	[spmem:s2] =	stream.indirect.scatter.add.f32 [tilespmem:s14], [sflag:$0x5], $0x80, s20, s7, $0xb8;
	[tilespmem:$0x1C800] =	vst v63  }
0xa8: {  	_ =	swait.ge [sflag:s4], $0x2000  }
0xa9: {  	[sflag:s4] =	ssyncset.done $0x0  }
0xaa: {  	[sflag:s4] =	ssyncadd.s32 $0xFFFFE000  }
0xab: {  	_ =	swait.ge [sflag:s16], $0x2000  }
0xac: {  	[sflag:s16] =	ssyncset.done $0x0  }
0xad: {  	[sflag:s16] =	ssyncadd.s32 $0xFFFFE000  }
0xae: {  	[spmem:s2] =	stream.indirect.scatter.add.f32 [tilespmem:s11], [sflag:$0x5], $0x80, s19, s7, $0xb8;
	[tilespmem:$0x1C800] =	vst v63  }
0xaf: {  	_ =	swait.ge [sflag:s4], $0x2000  }
0xb0: {  	[sflag:s4] =	ssyncset.done $0x0  }
0xb1: {  	[sflag:s4] =	ssyncadd.s32 $0xFFFFE000  }
0xb2: {  	_ =	swait.ge [sflag:s13], $0x2000  }
0xb3: {  	[sflag:s13] =	ssyncset.done $0x0  }
0xb4: {  	[sflag:s13] =	ssyncadd.s32 $0xFFFFE000  }
0xb5: {  	[spmem:s2] =	stream.indirect.scatter.add.f32 [tilespmem:s9], [sflag:$0x5], $0x80, s18, s7, $0xb8;
	[tilespmem:$0x1C800] =	vst v63  }
0xb6: {  	_ =	swait.ge [sflag:s4], $0x2000  }
0xb7: {  	[sflag:s4] =	ssyncset.done $0x0  }
0xb8: {  	[sflag:s4] =	ssyncadd.s32 $0xFFFFE000  }
0xb9: {  	_ =	swait.ge [sflag:s10], $0x2000  }
0xba: {  	[sflag:s10] =	ssyncset.done $0x0  }
0xbb: {  	[sflag:s10] =	ssyncadd.s32 $0xFFFFE000  }
0xbc: {  	[spmem:s2] =	stream.indirect.scatter.add.f32 [tilespmem:s8], [sflag:$0x5], $0x80, s17, s7, $0xb8;
	[tilespmem:$0x1C800] =	vst v63  }
0xbd: {  	_ =	swait.ge [sflag:s4], $0x2000  }
0xbe: {  	[sflag:s4] =	ssyncset.done $0x0  }
0xbf: {  	p1 =	sne.s32 s0, $0x1;
	[sflag:s4] =	ssyncadd.s32 $0xFFFFE000  }
.Ltmp2:
0xc0: {  	[bflag:$0x0] =	sbarrier.arrive $0xFFFF;
	(pc) =	sbr.rel @p1 .LBB2_2-.Ltmp2, $4  }
0xc1: {  	s1 =	rddreg [dreg:$0x6]  }
0xc2: {  	[hbm:s1], [sflag:s3] =	dma.local [spmem:s5], $0x2800  }
0xc3: {  	_ =	swait.ge [sflag:s4], $0x2800  }
0xc4: {  	s0 =	sadd.s32 $0xFFFFFFFF, s0;
	s1 =	rddreg [dreg:$0x3];
	[sflag:s4] =	ssyncset.done $0x0  }
.LBB2_3:
0xc5: {  	[sflag:s4] =	ssyncadd.s32 @p0 $0xFFFFD800  }
0xc6: {  	[spmem:s5], [sflag:s3] =	dma.local [hbm:s1], $0x2800  }
0xc7: {  	_ =	swait.ge [sflag:s4], $0x2800  }
0xc8: {  	[sflag:s4] =	ssyncset.done $0x0  }
0xc9: {  	[sflag:s4] =	ssyncadd.s32 $0xFFFFD800  }
0xca: {  	[bflag:$0x0] =	sbarrier.arrive $0xFFFF  }
0xcb: {  	s0 =	rddreg [dreg:$0x4]  }
0xcc: {  	[tilespmem:s15], [sflag:$0x1] =	stream.linear.gather [hbm4b:s0+s15], $0x400, $0x38;
	[tilespmem:$0x1C800] =	vst v63  }
0xcd: {  	_ =	swait.ge [sflag:s12], $0x400  }
0xce: {  	[sflag:s12] =	ssyncset.done $0x0  }
0xcf: {  	s1 =	rddreg [dreg:$0x5];
	[sflag:s12] =	ssyncadd.s32 $0xFFFFFC00  }
0xd0: {  	[tilespmem:s25], [sflag:$0x1] =	stream.linear.gather [hbm4b:s1+s15], $0x400, $0x38;
	[tilespmem:$0x1C800] =	vst v63  }
0xd1: {  	_ =	swait.ge [sflag:s12], $0x400  }
0xd2: {  	[sflag:s12] =	ssyncset.done $0x0  }
0xd3: {  	[sflag:s12] =	ssyncadd.s32 $0xFFFFFC00  }
0xd4: {  	[tilespmem:s14], [sflag:$0x1] =	stream.indirect.gather [hbm4b:s6+s7], $0x80, s15, s7, $0xb8;
	[tilespmem:$0x1C800] =	vst v63  }
0xd5: {  	s1 =	rddreg [dreg:$0x7]  }
0xd6: {  	[tilespmem:s11], [sflag:$0x2] =	stream.indirect.gather [hbm4b:s6+s7], $0x80, s1, s7, $0xb8;
	[tilespmem:$0x1C800] =	vst v63  }
0xd7: {  	_ = 	snop  }
0xd8: {  	[tilespmem:s9], [sflag:$0x3] =	stream.indirect.gather [hbm4b:s6+s7], $0x80, s30, s7, $0xb8;
	[tilespmem:$0x1C800] =	vst v63  }
0xd9: {  	_ = 	snop  }
0xda: {  	[tilespmem:s8], [sflag:$0x4] =	stream.indirect.gather [hbm4b:s6+s7], $0x80, s31, s7, $0xb8;
	[tilespmem:$0x1C800] =	vst v63  }
0xdb: {  	_ =	swait.ge [sflag:s12], $0x2000  }
0xdc: {  	[sflag:s12] =	ssyncset.done $0x0  }
0xdd: {  	[sflag:s12] =	ssyncadd.s32 $0xFFFFE000  }
0xde: {  	[spmem:s2] =	stream.indirect.scatter.add.f32 [tilespmem:s14], [sflag:$0x5], $0x80, s25, s7, $0xb8;
	[tilespmem:$0x1C800] =	vst v63  }
0xdf: {  	_ =	swait.ge [sflag:s4], $0x2000  }
0xe0: {  	[sflag:s4] =	ssyncset.done $0x0  }
0xe1: {  	[sflag:s4] =	ssyncadd.s32 $0xFFFFE000  }
0xe2: {  	[tilespmem:s14], [sflag:$0x1] =	stream.indirect.gather [hbm4b:s6+s7], $0x80, s29, s7, $0xb8;
	[tilespmem:$0x1C800] =	vst v63  }
0xe3: {  	_ =	swait.ge [sflag:s16], $0x2000  }
0xe4: {  	[sflag:s16] =	ssyncset.done $0x0  }
0xe5: {  	[sflag:s16] =	ssyncadd.s32 $0xFFFFE000  }
0xe6: {  	[spmem:s2] =	stream.indirect.scatter.add.f32 [tilespmem:s11], [sflag:$0x5], $0x80, s28, s7, $0xb8;
	[tilespmem:$0x1C800] =	vst v63  }
0xe7: {  	_ =	swait.ge [sflag:s4], $0x2000  }
0xe8: {  	[sflag:s4] =	ssyncset.done $0x0  }
0xe9: {  	[sflag:s4] =	ssyncadd.s32 $0xFFFFE000  }
0xea: {  	[tilespmem:s11], [sflag:$0x2] =	stream.indirect.gather [hbm4b:s6+s7], $0x80, s26, s7, $0xb8;
	[tilespmem:$0x1C800] =	vst v63  }
0xeb: {  	_ =	swait.ge [sflag:s13], $0x2000  }
0xec: {  	[sflag:s13] =	ssyncset.done $0x0  }
0xed: {  	[sflag:s13] =	ssyncadd.s32 $0xFFFFE000  }
0xee: {  	[spmem:s2] =	stream.indirect.scatter.add.f32 [tilespmem:s9], [sflag:$0x5], $0x80, s24, s7, $0xb8;
	[tilespmem:$0x1C800] =	vst v63  }
0xef: {  	_ =	swait.ge [sflag:s4], $0x2000  }
0xf0: {  	[sflag:s4] =	ssyncset.done $0x0  }
0xf1: {  	[sflag:s4] =	ssyncadd.s32 $0xFFFFE000  }
0xf2: {  	[tilespmem:s9], [sflag:$0x3] =	stream.indirect.gather [hbm4b:s6+s7], $0x80, s22, s7, $0xb8;
	[tilespmem:$0x1C800] =	vst v63  }
0xf3: {  	_ =	swait.ge [sflag:s10], $0x2000  }
0xf4: {  	[sflag:s10] =	ssyncset.done $0x0  }
0xf5: {  	[sflag:s10] =	ssyncadd.s32 $0xFFFFE000  }
0xf6: {  	[spmem:s2] =	stream.indirect.scatter.add.f32 [tilespmem:s8], [sflag:$0x5], $0x80, s23, s7, $0xb8;
	[tilespmem:$0x1C800] =	vst v63  }
0xf7: {  	_ =	swait.ge [sflag:s4], $0x2000  }
0xf8: {  	[sflag:s4] =	ssyncset.done $0x0  }
0xf9: {  	[sflag:s4] =	ssyncadd.s32 $0xFFFFE000  }
0xfa: {  	[tilespmem:s8], [sflag:$0x4] =	stream.indirect.gather [hbm4b:s6+s7], $0x80, s21, s7, $0xb8;
	[tilespmem:$0x1C800] =	vst v63  }
0xfb: {  	_ =	swait.ge [sflag:s12], $0x2000  }
0xfc: {  	[sflag:s12] =	ssyncset.done $0x0  }
0xfd: {  	[sflag:s12] =	ssyncadd.s32 $0xFFFFE000  }
0xfe: {  	[spmem:s2] =	stream.indirect.scatter.add.f32 [tilespmem:s14], [sflag:$0x5], $0x80, s20, s7, $0xb8;
	[tilespmem:$0x1C800] =	vst v63  }
0xff: {  	_ =	swait.ge [sflag:s4], $0x2000  }
0x100: {  	[sflag:s4] =	ssyncset.done $0x0  }
0x101: {  	[sflag:s4] =	ssyncadd.s32 $0xFFFFE000  }
0x102: {  	_ =	swait.ge [sflag:s16], $0x2000  }
0x103: {  	[sflag:s16] =	ssyncset.done $0x0  }
0x104: {  	[sflag:s16] =	ssyncadd.s32 $0xFFFFE000  }
0x105: {  	[spmem:s2] =	stream.indirect.scatter.add.f32 [tilespmem:s11], [sflag:$0x5], $0x80, s19, s7, $0xb8;
	[tilespmem:$0x1C800] =	vst v63  }
0x106: {  	_ =	swait.ge [sflag:s4], $0x2000  }
0x107: {  	[sflag:s4] =	ssyncset.done $0x0  }
0x108: {  	[sflag:s4] =	ssyncadd.s32 $0xFFFFE000  }
0x109: {  	_ =	swait.ge [sflag:s13], $0x2000  }
0x10a: {  	[sflag:s13] =	ssyncset.done $0x0  }
0x10b: {  	[sflag:s13] =	ssyncadd.s32 $0xFFFFE000  }
0x10c: {  	[spmem:s2] =	stream.indirect.scatter.add.f32 [tilespmem:s9], [sflag:$0x5], $0x80, s18, s7, $0xb8;
	[tilespmem:$0x1C800] =	vst v63  }
0x10d: {  	_ =	swait.ge [sflag:s4], $0x2000  }
0x10e: {  	[sflag:s4] =	ssyncset.done $0x0  }
0x10f: {  	[sflag:s4] =	ssyncadd.s32 $0xFFFFE000  }
0x110: {  	_ =	swait.ge [sflag:s10], $0x2000  }
0x111: {  	[sflag:s10] =	ssyncset.done $0x0  }
0x112: {  	[sflag:s10] =	ssyncadd.s32 $0xFFFFE000  }
0x113: {  	[spmem:s2] =	stream.indirect.scatter.add.f32 [tilespmem:s8], [sflag:$0x5], $0x80, s17, s7, $0xb8;
	[tilespmem:$0x1C800] =	vst v63  }
0x114: {  	_ =	swait.ge [sflag:s4], $0x2000  }
0x115: {  	[sflag:s4] =	ssyncset.done $0x0  }
0x116: {  	[sflag:s4] =	ssyncadd.s32 $0xFFFFE000  }
0x117: {  	[bflag:$0x0] =	sbarrier.arrive $0xFFFF  }
0x118: {  	s30 =	rddreg [dreg:$0x6]  }
0x119: {  	[hbm:s30], [sflag:s3] =	dma.local [spmem:s5], $0x2800  }
0x11a: {  	_ =	swait.ge [sflag:s4], $0x2800  }
0x11b: {  	[sflag:s4] =	ssyncset.done $0x0  }
0x11c: {  	[sflag:s4] =	ssyncadd.s32 $0xFFFFD800  }
0x11d: {  	_ =	sfence.sel $0x180000  }
0x11e: {  	[bflag:$0x0] =	sbarrier.arrive $0xFFFF  }
0x11f: {  	_ =	strace $0x90000053  }
0x120: {  	s31 =	stileid.u32;
	[bflag:$0x2] =	sbarrier.arrive $0xFFFF  }
0x121: {  	p0 =	sne.s32 s31, $0x0;
	s0 =	rddreg [dreg:$0x2]  }
0x122: {  	s0 =	sadd.s32 @!p0 $0x100000, s0  }
0x123: {  	[sflag:s0] =	ssyncadd.tile.s32 @!p0 $0x1;
	_ =	shalt  }
.Lfunc_end2:
_tile_overlayer_lowered:
.L_overlay_start_2:
0x124: {  	(tag) =	ssettag $0x2  }
0x125: {  	s0 =	rddreg [dreg:$0x0];
	s2 =	stileid.u32  }
0x126: {  	s1 =	rddreg [dreg:$0x1];
	p0 =	sne.s32 s2, $0x0  }
0x127: {  	s3 =	rddreg [dreg:$0x2];
	[bflag:$0x3] =	sbarrier.arrive $0xFFFF;
	s2 =	simm.s32 @!p0 $0x1C05  }
0x128: {  	[timem:s3], [sflag:s2] =	dma.local @!p0 [hbm:s0], s1  }
0x129: {  	s0 =	simm.s32 @!p0 $0x5  }
0x12a: {  	_ =	swait.ge @!p0 [sflag:s0], s1  }
0x12b: {  	s1 =	ssub.s32 @!p0 $0x0, s1;
	[sflag:s0] =	ssyncset.done @!p0 $0x0  }
0x12c: {  	[sflag:s0] =	ssyncadd.s32 @!p0 s1  }
0x12d: {  	[bflag:$0x3] =	sbarrier.arrive $0xFFFF  }
0x12e: {  	_ =	shalt  }

</sc_bundles>
